<compile_context>
chip_gen: v7x
topology: tpu7x:2x2x1
jax: 0.10.2.dev20260603
libtpu: 0.0.44.dev20260713+nightly
codegen_flags: <defaults>
</compile_context>

<pallas_src>
import jax
import jax.numpy as jnp
import numpy as np
from jax import lax
from jax.experimental import pallas as pl
from jax.experimental.pallas import tpu as pltpu
from jax.experimental.pallas import tpu_sc as plsc

N, C, H, W = 4, 96, 384, 384
HW = H * W
L = 16
NUM_WORKERS = 32
WORKERS_PER_IMG = NUM_WORKERS // N
PIX_PER_W = HW // WORKERS_PER_IMG
SUB = 128
NSUB = 8
BLK = SUB * NSUB
NBLK = PIX_PER_W // BLK


def _warp_body(table, flow, out, fxv, fyv, i0, i1, i2, i3, wv0, wv1, wv2, wv3,
               a0, a1, a2, a3, b0, b1, b2, b3, ov, semA, semB):
    wid = lax.axis_index("s") * 2 + lax.axis_index("c")
    img = wid // WORKERS_PER_IMG
    base_px = (wid % WORKERS_PER_IMG) * PIX_PER_W
    flow_x_off = img * (2 * HW)
    flow_y_off = flow_x_off + HW
    row_base = img * HW

    bufs = ((a0, a1, a2, a3), (b0, b1, b2, b3))
    sems = (semA, semB)

    def fire(s, parity):
        sem = sems[parity]
        bs = bufs[parity]
        return (pltpu.async_copy(table.at[i0.at[s]], bs[0], sem),
                pltpu.async_copy(table.at[i1.at[s]], bs[1], sem),
                pltpu.async_copy(table.at[i2.at[s]], bs[2], sem),
                pltpu.async_copy(table.at[i3.at[s]], bs[3], sem))

    def block_body(b, carry):
        p0 = base_px + b * BLK
        pltpu.sync_copy(flow.at[pl.ds(flow_x_off + p0, BLK)], fxv)
        pltpu.sync_copy(flow.at[pl.ds(flow_y_off + p0, BLK)], fyv)

        def idx_body(r, _):
            for jj in range(SUB // L):
                sl = pl.ds(r * SUB + jj * L, L)
                csl = pl.ds(jj * L, L)
                x = fxv[sl]
                y = fyv[sl]
                ix = ((x + 1.0) * float(W) - 1.0) * 0.5
                iy = ((y + 1.0) * float(H) - 1.0) * 0.5
                x0 = (ix + 1.0).astype(jnp.int32) - 1
                y0 = (iy + 1.0).astype(jnp.int32) - 1
                wx1 = ix - x0.astype(jnp.float32)
                wx0 = 1.0 - wx1
                wy1 = iy - y0.astype(jnp.float32)
                wy0 = 1.0 - wy1
                vx0 = x0 >= 0
                vx1 = x0 <= W - 2
                vy0 = y0 >= 0
                vy1 = y0 <= H - 2
                x0c = jnp.maximum(x0, 0)
                x1c = jnp.minimum(x0 + 1, W - 1)
                r0 = jnp.maximum(y0, 0) * W + row_base
                r1 = (jnp.minimum(y0 + 1, H - 1)) * W + row_base
                i0[r, csl] = r0 + x0c
                i1[r, csl] = r0 + x1c
                i2[r, csl] = r1 + x0c
                i3[r, csl] = r1 + x1c
                zero = jnp.zeros((L,), jnp.float32)
                wv0[sl] = jnp.where(vy0 & vx0, wy0 * wx0, zero)
                wv1[sl] = jnp.where(vy0 & vx1, wy0 * wx1, zero)
                wv2[sl] = jnp.where(vy1 & vx0, wy1 * wx0, zero)
                wv3[sl] = jnp.where(vy1 & vx1, wy1 * wx1, zero)
            return _

        lax.fori_loop(0, NSUB, idx_body, 0)

        descs = fire(0, 0)
        for s in range(NSUB):
            par = s % 2
            if s + 1 < NSUB:
                descs_next = fire(s + 1, 1 - par)
            for d in descs:
                d.wait()
            c0, c1, c2, c3 = bufs[par]

            def px_body(p, _, c0=c0, c1=c1, c2=c2, c3=c3, s=s):
                pv = jnp.full((L,), s * SUB + p, jnp.int32)
                wa = plsc.load_gather(wv0, [pv])
                wb = plsc.load_gather(wv1, [pv])
                wc = plsc.load_gather(wv2, [pv])
                wd = plsc.load_gather(wv3, [pv])
                ilv = plsc.PackFormat.INTERLEAVED
                for g in range(C // (2 * L)):
                    gsl = pl.ds(g * 2 * L, 2 * L)
                    t0l, t0h = plsc.unpack(c0[p, gsl], format=ilv)
                    t1l, t1h = plsc.unpack(c1[p, gsl], format=ilv)
                    t2l, t2h = plsc.unpack(c2[p, gsl], format=ilv)
                    t3l, t3h = plsc.unpack(c3[p, gsl], format=ilv)
                    accl = t0l * wa + t1l * wb + t2l * wc + t3l * wd
                    acch = t0h * wa + t1h * wb + t2h * wc + t3h * wd
                    ov[p, pl.ds(g * 2 * L, L)] = accl
                    ov[p, pl.ds(g * 2 * L + L, L)] = acch
                return _

            lax.fori_loop(0, SUB, px_body, 0)
            pltpu.sync_copy(ov, out.at[pl.ds(img * HW + p0 + s * SUB, SUB)])
            if s + 1 < NSUB:
                descs = descs_next
        return carry

    lax.fori_loop(0, NBLK, block_body, 0)


@jax.jit
def _warp_call(table, flow):
    mesh = plsc.VectorSubcoreMesh(core_axis_name="c", subcore_axis_name="s")
    return pl.kernel(
        _warp_body,
        out_type=jax.ShapeDtypeStruct((N * HW, C), jnp.float32),
        mesh=mesh,
        compiler_params=pltpu.CompilerParams(
            needs_layout_passes=False, use_tc_tiling_on_sc=False),
        scratch_types=[
            pltpu.VMEM((BLK,), jnp.float32),
            pltpu.VMEM((BLK,), jnp.float32),
            pltpu.VMEM((NSUB, SUB), jnp.int32),
            pltpu.VMEM((NSUB, SUB), jnp.int32),
            pltpu.VMEM((NSUB, SUB), jnp.int32),
            pltpu.VMEM((NSUB, SUB), jnp.int32),
            pltpu.VMEM((BLK,), jnp.float32),
            pltpu.VMEM((BLK,), jnp.float32),
            pltpu.VMEM((BLK,), jnp.float32),
            pltpu.VMEM((BLK,), jnp.float32),
            pltpu.VMEM((SUB, C), jnp.bfloat16),
            pltpu.VMEM((SUB, C), jnp.bfloat16),
            pltpu.VMEM((SUB, C), jnp.bfloat16),
            pltpu.VMEM((SUB, C), jnp.bfloat16),
            pltpu.VMEM((SUB, C), jnp.bfloat16),
            pltpu.VMEM((SUB, C), jnp.bfloat16),
            pltpu.VMEM((SUB, C), jnp.bfloat16),
            pltpu.VMEM((SUB, C), jnp.bfloat16),
            pltpu.VMEM((SUB, C), jnp.float32),
            pltpu.SemaphoreType.DMA,
            pltpu.SemaphoreType.DMA,
        ],
    )(table, flow)


_PERM = np.arange(C).reshape(C // 32, 2, L).transpose(0, 2, 1).reshape(C)


def kernel(frame_t, flow_field):
    table = jnp.transpose(frame_t, (0, 2, 3, 1))[..., _PERM].astype(
        jnp.bfloat16).reshape(N * HW, C)
    flow = flow_field.reshape(N * 2 * HW)
    out = _warp_call(table, flow)
    return jnp.transpose(out.reshape(N, H, W, C), (0, 3, 1, 2))

# --- scband reference (transcript-rebuilt; emitter-appended) ---
"""Pipeline reference for scband-warp-76905684402183 (READ-ONLY COPY).

The authoritative reference and input builder live on the scoring server;
editing this copy changes nothing except your own understanding.
"""

import jax, jax.numpy as jnp
import numpy as np


def setup_inputs(seed: int = 0) -> dict:
    key = jax.random.key(seed)
    k1, k2 = jax.random.split(key)
    frame_t = jax.random.normal(k1, (4, 96, 384, 384), dtype=jnp.float32)
    # flow field normalized to [-1, 1] as required by grid_sample semantics
    flow_field = jax.random.uniform(k2, (4, 2, 384, 384), dtype=jnp.float32, minval=-1.0, maxval=1.0)
    return {"frame_t": frame_t, "flow_field": flow_field}


def _grid_sample_bilinear_zeros(img, grid):
    # Faithful to torch F.grid_sample(mode='bilinear', padding_mode='zeros', align_corners=False)
    # img: [N, C, H, W]; grid: [N, Ho, Wo, 2] with (x, y) in [-1, 1]
    N, C, H, W = img.shape
    x = grid[..., 0]
    y = grid[..., 1]
    # unnormalize with align_corners=False convention
    ix = ((x + 1.0) * W - 1.0) / 2.0
    iy = ((y + 1.0) * H - 1.0) / 2.0
    ix0 = jnp.floor(ix)
    iy0 = jnp.floor(iy)
    ix1 = ix0 + 1.0
    iy1 = iy0 + 1.0
    wx1 = ix - ix0
    wx0 = 1.0 - wx1
    wy1 = iy - iy0
    wy0 = 1.0 - wy1
    b = jnp.arange(N)[:, None, None]

    def tap(iyf, ixf, w):
        valid = (ixf >= 0) & (ixf <= W - 1) & (iyf >= 0) & (iyf <= H - 1)
        ixc = jnp.clip(ixf, 0, W - 1).astype(jnp.int32)
        iyc = jnp.clip(iyf, 0, H - 1).astype(jnp.int32)
        v = img[b, :, iyc, ixc]  # gather -> [N, Ho, Wo, C]
        return v * (w * valid.astype(img.dtype))[..., None]

    out = (tap(iy0, ix0, wy0 * wx0)
           + tap(iy0, ix1, wy0 * wx1)
           + tap(iy1, ix0, wy1 * wx0)
           + tap(iy1, ix1, wy1 * wx1))
    return jnp.transpose(out, (0, 3, 1, 2))  # [N, C, Ho, Wo]


def reference(frame_t, flow_field):
    # flow_field: [N, 2, OH, OW] -> grid [N, OH, OW, 2], matching flow_field.permute([0,2,3,1])
    grid = jnp.transpose(flow_field, (0, 2, 3, 1))
    return _grid_sample_bilinear_zeros(frame_t, grid)

if __name__ == "__main__":
    import jax
    _d = setup_inputs()
    print(jax.jit(kernel)(*tuple(_d.values())))

</pallas_src>

<mosaic_0001>
#map = affine_map<(d0, d1) -> (0, 0)>
#map1 = affine_map<(d0, d1) -> (0)>
module attributes {stable_mosaic.version = 14 : i64} {
  func.func @_warp_body(%arg0: i32, %arg1: i32, %arg2: memref<589824x96xbf16, #tpu.memory_space<hbm>>, %arg3: memref<1179648xf32, #tpu.memory_space<hbm>>, %arg4: memref<589824x96xf32, #tpu.memory_space<hbm>>, %arg5: memref<1024xf32, #tpu.memory_space<vmem>>, %arg6: memref<1024xf32, #tpu.memory_space<vmem>>, %arg7: memref<8x128xi32, #tpu.memory_space<vmem>>, %arg8: memref<8x128xi32, #tpu.memory_space<vmem>>, %arg9: memref<8x128xi32, #tpu.memory_space<vmem>>, %arg10: memref<8x128xi32, #tpu.memory_space<vmem>>, %arg11: memref<1024xf32, #tpu.memory_space<vmem>>, %arg12: memref<1024xf32, #tpu.memory_space<vmem>>, %arg13: memref<1024xf32, #tpu.memory_space<vmem>>, %arg14: memref<1024xf32, #tpu.memory_space<vmem>>, %arg15: memref<128x96xbf16, #tpu.memory_space<vmem>>, %arg16: memref<128x96xbf16, #tpu.memory_space<vmem>>, %arg17: memref<128x96xbf16, #tpu.memory_space<vmem>>, %arg18: memref<128x96xbf16, #tpu.memory_space<vmem>>, %arg19: memref<128x96xbf16, #tpu.memory_space<vmem>>, %arg20: memref<128x96xbf16, #tpu.memory_space<vmem>>, %arg21: memref<128x96xbf16, #tpu.memory_space<vmem>>, %arg22: memref<128x96xbf16, #tpu.memory_space<vmem>>, %arg23: memref<128x96xf32, #tpu.memory_space<vmem>>, %arg24: memref<!tpu.dma_semaphore, #tpu.memory_space<semaphore_mem>>, %arg25: memref<!tpu.dma_semaphore, #tpu.memory_space<semaphore_mem>>) attributes {dimension_semantics = [#tpu.dimension_semantics<core_parallel>, #tpu.dimension_semantics<subcore_parallel>], iteration_bounds = array<i64: 2, 16>, scalar_prefetch = 0 : i64, scratch_operands = 21 : i64, tpu.core_type = #tpu.core_type<sc_vector_subcore>, window_params = [{transform_indices = #map}, {transform_indices = #map1}, {transform_indices = #map}]} {
    %mul3A = arith.constant 2 : i32
    %mul3A_0 = arith.muli %arg1, %mul3A : i32
    %add3A = arith.addi %mul3A_0, %arg0 : i32
    %jit3A = arith.constant 8 : i32
    %div3A = arith.divsi %add3A, %jit3A : i32
    %sign3A = arith.constant 0 : i32
    %sign3A_1 = arith.cmpi sgt, %add3A, %sign3A : i32
    %sign3A_2 = arith.extui %sign3A_1 : i1 to i32
    %sign3A_3 = arith.constant 0 : i32
    %sign3A_4 = arith.cmpi slt, %add3A, %sign3A_3 : i32
    %sign3A_5 = arith.extui %sign3A_4 : i1 to i32
    %sign3A_6 = arith.subi %sign3A_2, %sign3A_5 : i32
    %sign3A_7 = arith.constant 0 : i32
    %sign3A_8 = arith.cmpi sgt, %jit3A, %sign3A_7 : i32
    %sign3A_9 = arith.extui %sign3A_8 : i1 to i32
    %sign3A_10 = arith.constant 0 : i32
    %sign3A_11 = arith.cmpi slt, %jit3A, %sign3A_10 : i32
    %sign3A_12 = arith.extui %sign3A_11 : i1 to i32
    %sign3A_13 = arith.subi %sign3A_9, %sign3A_12 : i32
    %ne3A = arith.cmpi ne, %sign3A_6, %sign3A_13 : i32
    %rem3A = arith.remsi %add3A, %jit3A : i32
    %ne3A_14 = arith.constant 0 : i32
    %ne3A_15 = arith.cmpi ne, %rem3A, %ne3A_14 : i32
    %and3A = arith.andi %ne3A, %ne3A_15 : i1
    %sub3A = arith.constant 1 : i32
    %sub3A_16 = arith.subi %div3A, %sub3A : i32
    %select_n3A = arith.select %and3A, %sub3A_16, %div3A : i32
    %jit3A_17 = arith.constant 8 : i32
    %eq3A = arith.constant 0 : i32
    %eq3A_18 = arith.cmpi eq, %jit3A_17, %eq3A : i32
    %jit3A_19 = arith.constant 1 : i32
    %select_n3A_20 = arith.select %eq3A_18, %jit3A_19, %jit3A_17 : i32
    %rem3A_21 = arith.remsi %add3A, %select_n3A_20 : i32
    %ne3A_22 = arith.constant 0 : i32
    %ne3A_23 = arith.cmpi ne, %rem3A_21, %ne3A_22 : i32
    %lt3A = arith.constant 0 : i32
    %lt3A_24 = arith.cmpi slt, %rem3A_21, %lt3A : i32
    %lt3A_25 = arith.constant 0 : i32
    %lt3A_26 = arith.cmpi slt, %select_n3A_20, %lt3A_25 : i32
    %ne3A_27 = arith.xori %lt3A_24, %lt3A_26 : i1
    %and3A_28 = arith.andi %ne3A_27, %ne3A_23 : i1
    %add3A_29 = arith.addi %rem3A_21, %select_n3A_20 : i32
    %select_n3A_30 = arith.select %and3A_28, %add3A_29, %rem3A_21 : i32
    %mul3A_31 = arith.constant 18432 : i32
    %mul3A_32 = arith.muli %select_n3A_30, %mul3A_31 : i32
    %mul3A_33 = arith.constant 294912 : i32
    %mul3A_34 = arith.muli %select_n3A, %mul3A_33 : i32
    %add3A_35 = arith.constant 147456 : i32
    %add3A_36 = arith.addi %mul3A_34, %add3A_35 : i32
    %mul3A_37 = arith.constant 147456 : i32
    %mul3A_38 = arith.muli %select_n3A, %mul3A_37 : i32
    %scan3A = arith.constant 0 : i32
    %scan3A_39 = arith.constant 0 : i32
    %scan3A_40 = arith.constant 18 : i32
    %scan3A_41 = arith.addi %scan3A_39, %scan3A_40 : i32
    %scan3A_42 = arith.constant 1 : i32
    scf.for %scan3A_44 = %scan3A_39 to %scan3A_41 step %scan3A_42  : i32 {
      %mul3A_45 = arith.constant 1024 : i32
      %mul3A_46 = arith.muli %scan3A_44, %mul3A_45 : i32
      %add3A_47 = arith.addi %mul3A_32, %mul3A_46 : i32
      %add3A_48 = arith.addi %mul3A_34, %add3A_47 : i32
      "tpu.region"() ({
        %run_scoped3A = tpu.sem_alloc : memref<!tpu.dma_semaphore, #tpu.memory_space<semaphore_mem>>
        %dma_start3A_590 = tpu.memref_slice %arg3[%add3A_48] : memref<1179648xf32, #tpu.memory_space<hbm>> -> memref<1024xf32, #tpu.memory_space<hbm>>
        %dma_start3A_591 = tpu.memref_slice %arg3[%add3A_48] : memref<1179648xf32, #tpu.memory_space<hbm>> -> memref<1024xf32, #tpu.memory_space<hbm>>
        tpu.enqueue_dma source(%dma_start3A_591 : memref<1024xf32, #tpu.memory_space<hbm>>) target(%arg5 : memref<1024xf32, #tpu.memory_space<vmem>>) target_semaphore(%run_scoped3A : memref<!tpu.dma_semaphore, #tpu.memory_space<semaphore_mem>>)
        %dma_wait3A_592 = tpu.memref_slice %arg3[%add3A_48] : memref<1179648xf32, #tpu.memory_space<hbm>> -> memref<1024xf32, #tpu.memory_space<hbm>>
        %dma_wait3A_593 = tpu.memref_slice %arg3[%add3A_48] : memref<1179648xf32, #tpu.memory_space<hbm>> -> memref<1024xf32, #tpu.memory_space<hbm>>
        tpu.wait_dma2 semaphore(%run_scoped3A : memref<!tpu.dma_semaphore, #tpu.memory_space<semaphore_mem>>) src(%dma_wait3A_593 : memref<1024xf32, #tpu.memory_space<hbm>>) dst(%arg5 : memref<1024xf32, #tpu.memory_space<vmem>>)
        tpu.yield
      }) : () -> ()
      %add3A_49 = arith.addi %add3A_36, %add3A_47 : i32
      "tpu.region"() ({
        %run_scoped3A = tpu.sem_alloc : memref<!tpu.dma_semaphore, #tpu.memory_space<semaphore_mem>>
        %dma_start3A_590 = tpu.memref_slice %arg3[%add3A_49] : memref<1179648xf32, #tpu.memory_space<hbm>> -> memref<1024xf32, #tpu.memory_space<hbm>>
        %dma_start3A_591 = tpu.memref_slice %arg3[%add3A_49] : memref<1179648xf32, #tpu.memory_space<hbm>> -> memref<1024xf32, #tpu.memory_space<hbm>>
        tpu.enqueue_dma source(%dma_start3A_591 : memref<1024xf32, #tpu.memory_space<hbm>>) target(%arg6 : memref<1024xf32, #tpu.memory_space<vmem>>) target_semaphore(%run_scoped3A : memref<!tpu.dma_semaphore, #tpu.memory_space<semaphore_mem>>)
        %dma_wait3A_592 = tpu.memref_slice %arg3[%add3A_49] : memref<1179648xf32, #tpu.memory_space<hbm>> -> memref<1024xf32, #tpu.memory_space<hbm>>
        %dma_wait3A_593 = tpu.memref_slice %arg3[%add3A_49] : memref<1179648xf32, #tpu.memory_space<hbm>> -> memref<1024xf32, #tpu.memory_space<hbm>>
        tpu.wait_dma2 semaphore(%run_scoped3A : memref<!tpu.dma_semaphore, #tpu.memory_space<semaphore_mem>>) src(%dma_wait3A_593 : memref<1024xf32, #tpu.memory_space<hbm>>) dst(%arg6 : memref<1024xf32, #tpu.memory_space<vmem>>)
        tpu.yield
      }) : () -> ()
      %scan3A_50 = arith.constant 0 : i32
      %scan3A_51 = arith.constant 0 : i32
      %scan3A_52 = arith.constant 8 : i32
      %scan3A_53 = arith.addi %scan3A_51, %scan3A_52 : i32
      %scan3A_54 = arith.constant 1 : i32
      scf.for %scan3A_590 = %scan3A_51 to %scan3A_53 step %scan3A_54  : i32 {
        %mul3A_591 = arith.constant 128 : i32
        %mul3A_592 = arith.muli %scan3A_590, %mul3A_591 : i32
        %add3A_593 = arith.constant 0 : i32
        %add3A_594 = arith.addi %mul3A_592, %add3A_593 : i32
        %get3A = arith.index_cast %add3A_594 : i32 to index
        %get3A_595 = tpu.vector_load %arg5[%get3A] {strides = array<i32>} : memref<1024xf32, #tpu.memory_space<vmem>>, vector<16xf32>,
        %get3A_596 = arith.index_cast %add3A_594 : i32 to index
        %get3A_597 = tpu.vector_load %arg6[%get3A_596] {strides = array<i32>} : memref<1024xf32, #tpu.memory_space<vmem>>, vector<16xf32>,
        %add3A_598 = arith.constant 1.000000e+00 : f32
        %add3A_599 = vector.broadcast %add3A_598 : f32 to vector<16xf32>
        %add3A_600 = arith.addf %get3A_595, %add3A_599 : vector<16xf32>
        %mul3A_601 = arith.constant 3.840000e+02 : f32
        %mul3A_602 = vector.broadcast %mul3A_601 : f32 to vector<16xf32>
        %mul3A_603 = arith.mulf %add3A_600, %mul3A_602 : vector<16xf32>
        %sub3A_604 = arith.constant 1.000000e+00 : f32
        %sub3A_605 = vector.broadcast %sub3A_604 : f32 to vector<16xf32>
        %sub3A_606 = arith.subf %mul3A_603, %sub3A_605 : vector<16xf32>
        %mul3A_607 = arith.constant 5.000000e-01 : f32
        %mul3A_608 = vector.broadcast %mul3A_607 : f32 to vector<16xf32>
        %mul3A_609 = arith.mulf %sub3A_606, %mul3A_608 : vector<16xf32>
        %add3A_610 = arith.constant 1.000000e+00 : f32
        %add3A_611 = vector.broadcast %add3A_610 : f32 to vector<16xf32>
        %add3A_612 = arith.addf %get3A_597, %add3A_611 : vector<16xf32>
        %mul3A_613 = arith.constant 3.840000e+02 : f32
        %mul3A_614 = vector.broadcast %mul3A_613 : f32 to vector<16xf32>
        %mul3A_615 = arith.mulf %add3A_612, %mul3A_614 : vector<16xf32>
        %sub3A_616 = arith.constant 1.000000e+00 : f32
        %sub3A_617 = vector.broadcast %sub3A_616 : f32 to vector<16xf32>
        %sub3A_618 = arith.subf %mul3A_615, %sub3A_617 : vector<16xf32>
        %mul3A_619 = arith.constant 5.000000e-01 : f32
        %mul3A_620 = vector.broadcast %mul3A_619 : f32 to vector<16xf32>
        %mul3A_621 = arith.mulf %sub3A_618, %mul3A_620 : vector<16xf32>
        %add3A_622 = arith.constant 1.000000e+00 : f32
        %add3A_623 = vector.broadcast %add3A_622 : f32 to vector<16xf32>
        %add3A_624 = arith.addf %mul3A_609, %add3A_623 : vector<16xf32>
        %convert_element_type3A = arith.fptosi %add3A_624 : vector<16xf32> to vector<16xi32>
        %sub3A_625 = arith.constant 1 : i32
        %sub3A_626 = vector.broadcast %sub3A_625 : i32 to vector<16xi32>
        %sub3A_627 = arith.subi %convert_element_type3A, %sub3A_626 : vector<16xi32>
        %add3A_628 = arith.constant 1.000000e+00 : f32
        %add3A_629 = vector.broadcast %add3A_628 : f32 to vector<16xf32>
        %add3A_630 = arith.addf %mul3A_621, %add3A_629 : vector<16xf32>
        %convert_element_type3A_631 = arith.fptosi %add3A_630 : vector<16xf32> to vector<16xi32>
        %sub3A_632 = arith.constant 1 : i32
        %sub3A_633 = vector.broadcast %sub3A_632 : i32 to vector<16xi32>
        %sub3A_634 = arith.subi %convert_element_type3A_631, %sub3A_633 : vector<16xi32>
        %convert_element_type3A_635 = arith.sitofp %sub3A_627 : vector<16xi32> to vector<16xf32>
        %sub3A_636 = arith.subf %mul3A_609, %convert_element_type3A_635 : vector<16xf32>
        %sub3A_637 = arith.constant 1.000000e+00 : f32
        %sub3A_638 = vector.broadcast %sub3A_637 : f32 to vector<16xf32>
        %sub3A_639 = arith.subf %sub3A_638, %sub3A_636 : vector<16xf32>
        %convert_element_type3A_640 = arith.sitofp %sub3A_634 : vector<16xi32> to vector<16xf32>
        %sub3A_641 = arith.subf %mul3A_621, %convert_element_type3A_640 : vector<16xf32>
        %sub3A_642 = arith.constant 1.000000e+00 : f32
        %sub3A_643 = vector.broadcast %sub3A_642 : f32 to vector<16xf32>
        %sub3A_644 = arith.subf %sub3A_643, %sub3A_641 : vector<16xf32>
        %ge3A = arith.constant 0 : i32
        %ge3A_645 = vector.broadcast %ge3A : i32 to vector<16xi32>
        %ge3A_646 = arith.cmpi sge, %sub3A_627, %ge3A_645 : vector<16xi32>
        %le3A = arith.constant 382 : i32
        %le3A_647 = vector.broadcast %le3A : i32 to vector<16xi32>
        %le3A_648 = arith.cmpi sle, %sub3A_627, %le3A_647 : vector<16xi32>
        %ge3A_649 = arith.constant 0 : i32
        %ge3A_650 = vector.broadcast %ge3A_649 : i32 to vector<16xi32>
        %ge3A_651 = arith.cmpi sge, %sub3A_634, %ge3A_650 : vector<16xi32>
        %le3A_652 = arith.constant 382 : i32
        %le3A_653 = vector.broadcast %le3A_652 : i32 to vector<16xi32>
        %le3A_654 = arith.cmpi sle, %sub3A_634, %le3A_653 : vector<16xi32>
        %max3A = arith.constant 0 : i32
        %max3A_655 = vector.broadcast %max3A : i32 to vector<16xi32>
        %max3A_656 = arith.maxsi %sub3A_627, %max3A_655 : vector<16xi32>
        %add3A_657 = arith.constant 1 : i32
        %add3A_658 = vector.broadcast %add3A_657 : i32 to vector<16xi32>
        %add3A_659 = arith.addi %sub3A_627, %add3A_658 : vector<16xi32>
        %min3A = arith.constant 383 : i32
        %min3A_660 = vector.broadcast %min3A : i32 to vector<16xi32>
        %min3A_661 = arith.minsi %add3A_659, %min3A_660 : vector<16xi32>
        %max3A_662 = arith.constant 0 : i32
        %max3A_663 = vector.broadcast %max3A_662 : i32 to vector<16xi32>
        %max3A_664 = arith.maxsi %sub3A_634, %max3A_663 : vector<16xi32>
        %mul3A_665 = arith.constant 384 : i32
        %mul3A_666 = vector.broadcast %mul3A_665 : i32 to vector<16xi32>
        %mul3A_667 = arith.muli %max3A_664, %mul3A_666 : vector<16xi32>
        %add3A_668 = vector.broadcast %mul3A_38 : i32 to vector<16xi32>
        %add3A_669 = arith.addi %mul3A_667, %add3A_668 : vector<16xi32>
        %add3A_670 = arith.constant 1 : i32
        %add3A_671 = vector.broadcast %add3A_670 : i32 to vector<16xi32>
        %add3A_672 = arith.addi %sub3A_634, %add3A_671 : vector<16xi32>
        %min3A_673 = arith.constant 383 : i32
        %min3A_674 = vector.broadcast %min3A_673 : i32 to vector<16xi32>
        %min3A_675 = arith.minsi %add3A_672, %min3A_674 : vector<16xi32>
        %mul3A_676 = arith.constant 384 : i32
        %mul3A_677 = vector.broadcast %mul3A_676 : i32 to vector<16xi32>
        %mul3A_678 = arith.muli %min3A_675, %mul3A_677 : vector<16xi32>
        %add3A_679 = vector.broadcast %mul3A_38 : i32 to vector<16xi32>
        %add3A_680 = arith.addi %mul3A_678, %add3A_679 : vector<16xi32>
        %add3A_681 = arith.addi %add3A_669, %max3A_656 : vector<16xi32>
        %swap3A = arith.index_cast %scan3A_590 : i32 to index
        %swap3A_682 = arith.constant 0 : index
        %swap3A_683 = tpu.vector_load %arg7[%swap3A, %swap3A_682] {strides = array<i32>} : memref<8x128xi32, #tpu.memory_space<vmem>>, vector<16xi32>,
        tpu.vector_store %arg7[%swap3A, %swap3A_682], %add3A_681 {strides = array<i32>} : memref<8x128xi32, #tpu.memory_space<vmem>>, vector<16xi32>,
        %add3A_684 = arith.addi %add3A_669, %min3A_661 : vector<16xi32>
        %swap3A_685 = arith.index_cast %scan3A_590 : i32 to index
        %swap3A_686 = arith.constant 0 : index
        %swap3A_687 = tpu.vector_load %arg8[%swap3A_685, %swap3A_686] {strides = array<i32>} : memref<8x128xi32, #tpu.memory_space<vmem>>, vector<16xi32>,
        tpu.vector_store %arg8[%swap3A_685, %swap3A_686], %add3A_684 {strides = array<i32>} : memref<8x128xi32, #tpu.memory_space<vmem>>, vector<16xi32>,
        %add3A_688 = arith.addi %add3A_680, %max3A_656 : vector<16xi32>
        %swap3A_689 = arith.index_cast %scan3A_590 : i32 to index
        %swap3A_690 = arith.constant 0 : index
        %swap3A_691 = tpu.vector_load %arg9[%swap3A_689, %swap3A_690] {strides = array<i32>} : memref<8x128xi32, #tpu.memory_space<vmem>>, vector<16xi32>,
        tpu.vector_store %arg9[%swap3A_689, %swap3A_690], %add3A_688 {strides = array<i32>} : memref<8x128xi32, #tpu.memory_space<vmem>>, vector<16xi32>,
        %add3A_692 = arith.addi %add3A_680, %min3A_661 : vector<16xi32>
        %swap3A_693 = arith.index_cast %scan3A_590 : i32 to index
        %swap3A_694 = arith.constant 0 : index
        %swap3A_695 = tpu.vector_load %arg10[%swap3A_693, %swap3A_694] {strides = array<i32>} : memref<8x128xi32, #tpu.memory_space<vmem>>, vector<16xi32>,
        tpu.vector_store %arg10[%swap3A_693, %swap3A_694], %add3A_692 {strides = array<i32>} : memref<8x128xi32, #tpu.memory_space<vmem>>, vector<16xi32>,
        %broadcast_in_dim3A = arith.constant 0.000000e+00 : f32
        %broadcast_in_dim3A_696 = vector.broadcast %broadcast_in_dim3A : f32 to vector<16xf32>
        %and3A_697 = arith.andi %ge3A_651, %ge3A_646 : vector<16xi1>
        %mul3A_698 = arith.mulf %sub3A_644, %sub3A_639 : vector<16xf32>
        %select_n3A_699 = arith.select %and3A_697, %mul3A_698, %broadcast_in_dim3A_696 : vector<16xi1>, vector<16xf32>
        %swap3A_700 = arith.index_cast %add3A_594 : i32 to index
        %swap3A_701 = tpu.vector_load %arg11[%swap3A_700] {strides = array<i32>} : memref<1024xf32, #tpu.memory_space<vmem>>, vector<16xf32>,
        tpu.vector_store %arg11[%swap3A_700], %select_n3A_699 {strides = array<i32>} : memref<1024xf32, #tpu.memory_space<vmem>>, vector<16xf32>,
        %and3A_702 = arith.andi %ge3A_651, %le3A_648 : vector<16xi1>
        %mul3A_703 = arith.mulf %sub3A_644, %sub3A_636 : vector<16xf32>
        %select_n3A_704 = arith.select %and3A_702, %mul3A_703, %broadcast_in_dim3A_696 : vector<16xi1>, vector<16xf32>
        %swap3A_705 = arith.index_cast %add3A_594 : i32 to index
        %swap3A_706 = tpu.vector_load %arg12[%swap3A_705] {strides = array<i32>} : memref<1024xf32, #tpu.memory_space<vmem>>, vector<16xf32>,
        tpu.vector_store %arg12[%swap3A_705], %select_n3A_704 {strides = array<i32>} : memref<1024xf32, #tpu.memory_space<vmem>>, vector<16xf32>,
        %and3A_707 = arith.andi %le3A_654, %ge3A_646 : vector<16xi1>
        %mul3A_708 = arith.mulf %sub3A_641, %sub3A_639 : vector<16xf32>
        %select_n3A_709 = arith.select %and3A_707, %mul3A_708, %broadcast_in_dim3A_696 : vector<16xi1>, vector<16xf32>
        %swap3A_710 = arith.index_cast %add3A_594 : i32 to index
        %swap3A_711 = tpu.vector_load %arg13[%swap3A_710] {strides = array<i32>} : memref<1024xf32, #tpu.memory_space<vmem>>, vector<16xf32>,
        tpu.vector_store %arg13[%swap3A_710], %select_n3A_709 {strides = array<i32>} : memref<1024xf32, #tpu.memory_space<vmem>>, vector<16xf32>,
        %and3A_712 = arith.andi %le3A_654, %le3A_648 : vector<16xi1>
        %mul3A_713 = arith.mulf %sub3A_641, %sub3A_636 : vector<16xf32>
        %select_n3A_714 = arith.select %and3A_712, %mul3A_713, %broadcast_in_dim3A_696 : vector<16xi1>, vector<16xf32>
        %swap3A_715 = arith.index_cast %add3A_594 : i32 to index
        %swap3A_716 = tpu.vector_load %arg14[%swap3A_715] {strides = array<i32>} : memref<1024xf32, #tpu.memory_space<vmem>>, vector<16xf32>,
        tpu.vector_store %arg14[%swap3A_715], %select_n3A_714 {strides = array<i32>} : memref<1024xf32, #tpu.memory_space<vmem>>, vector<16xf32>,
        %mul3A_717 = arith.constant 128 : i32
        %mul3A_718 = arith.muli %scan3A_590, %mul3A_717 : i32
        %add3A_719 = arith.constant 16 : i32
        %add3A_720 = arith.addi %mul3A_718, %add3A_719 : i32
        %get3A_721 = arith.index_cast %add3A_720 : i32 to index
        %get3A_722 = tpu.vector_load %arg5[%get3A_721] {strides = array<i32>} : memref<1024xf32, #tpu.memory_space<vmem>>, vector<16xf32>,
        %get3A_723 = arith.index_cast %add3A_720 : i32 to index
        %get3A_724 = tpu.vector_load %arg6[%get3A_723] {strides = array<i32>} : memref<1024xf32, #tpu.memory_space<vmem>>, vector<16xf32>,
        %add3A_725 = arith.constant 1.000000e+00 : f32
        %add3A_726 = vector.broadcast %add3A_725 : f32 to vector<16xf32>
        %add3A_727 = arith.addf %get3A_722, %add3A_726 : vector<16xf32>
        %mul3A_728 = arith.constant 3.840000e+02 : f32
        %mul3A_729 = vector.broadcast %mul3A_728 : f32 to vector<16xf32>
        %mul3A_730 = arith.mulf %add3A_727, %mul3A_729 : vector<16xf32>
        %sub3A_731 = arith.constant 1.000000e+00 : f32
        %sub3A_732 = vector.broadcast %sub3A_731 : f32 to vector<16xf32>
        %sub3A_733 = arith.subf %mul3A_730, %sub3A_732 : vector<16xf32>
        %mul3A_734 = arith.constant 5.000000e-01 : f32
        %mul3A_735 = vector.broadcast %mul3A_734 : f32 to vector<16xf32>
        %mul3A_736 = arith.mulf %sub3A_733, %mul3A_735 : vector<16xf32>
        %add3A_737 = arith.constant 1.000000e+00 : f32
        %add3A_738 = vector.broadcast %add3A_737 : f32 to vector<16xf32>
        %add3A_739 = arith.addf %get3A_724, %add3A_738 : vector<16xf32>
        %mul3A_740 = arith.constant 3.840000e+02 : f32
        %mul3A_741 = vector.broadcast %mul3A_740 : f32 to vector<16xf32>
        %mul3A_742 = arith.mulf %add3A_739, %mul3A_741 : vector<16xf32>
        %sub3A_743 = arith.constant 1.000000e+00 : f32
        %sub3A_744 = vector.broadcast %sub3A_743 : f32 to vector<16xf32>
        %sub3A_745 = arith.subf %mul3A_742, %sub3A_744 : vector<16xf32>
        %mul3A_746 = arith.constant 5.000000e-01 : f32
        %mul3A_747 = vector.broadcast %mul3A_746 : f32 to vector<16xf32>
        %mul3A_748 = arith.mulf %sub3A_745, %mul3A_747 : vector<16xf32>
        %add3A_749 = arith.constant 1.000000e+00 : f32
        %add3A_750 = vector.broadcast %add3A_749 : f32 to vector<16xf32>
        %add3A_751 = arith.addf %mul3A_736, %add3A_750 : vector<16xf32>
        %convert_element_type3A_752 = arith.fptosi %add3A_751 : vector<16xf32> to vector<16xi32>
        %sub3A_753 = arith.constant 1 : i32
        %sub3A_754 = vector.broadcast %sub3A_753 : i32 to vector<16xi32>
        %sub3A_755 = arith.subi %convert_element_type3A_752, %sub3A_754 : vector<16xi32>
        %add3A_756 = arith.constant 1.000000e+00 : f32
        %add3A_757 = vector.broadcast %add3A_756 : f32 to vector<16xf32>
        %add3A_758 = arith.addf %mul3A_748, %add3A_757 : vector<16xf32>
        %convert_element_type3A_759 = arith.fptosi %add3A_758 : vector<16xf32> to vector<16xi32>
        %sub3A_760 = arith.constant 1 : i32
        %sub3A_761 = vector.broadcast %sub3A_760 : i32 to vector<16xi32>
        %sub3A_762 = arith.subi %convert_element_type3A_759, %sub3A_761 : vector<16xi32>
        %convert_element_type3A_763 = arith.sitofp %sub3A_755 : vector<16xi32> to vector<16xf32>
        %sub3A_764 = arith.subf %mul3A_736, %convert_element_type3A_763 : vector<16xf32>
        %sub3A_765 = arith.constant 1.000000e+00 : f32
        %sub3A_766 = vector.broadcast %sub3A_765 : f32 to vector<16xf32>
        %sub3A_767 = arith.subf %sub3A_766, %sub3A_764 : vector<16xf32>
        %convert_element_type3A_768 = arith.sitofp %sub3A_762 : vector<16xi32> to vector<16xf32>
        %sub3A_769 = arith.subf %mul3A_748, %convert_element_type3A_768 : vector<16xf32>
        %sub3A_770 = arith.constant 1.000000e+00 : f32
        %sub3A_771 = vector.broadcast %sub3A_770 : f32 to vector<16xf32>
        %sub3A_772 = arith.subf %sub3A_771, %sub3A_769 : vector<16xf32>
        %ge3A_773 = arith.constant 0 : i32
        %ge3A_774 = vector.broadcast %ge3A_773 : i32 to vector<16xi32>
        %ge3A_775 = arith.cmpi sge, %sub3A_755, %ge3A_774 : vector<16xi32>
        %le3A_776 = arith.constant 382 : i32
        %le3A_777 = vector.broadcast %le3A_776 : i32 to vector<16xi32>
        %le3A_778 = arith.cmpi sle, %sub3A_755, %le3A_777 : vector<16xi32>
        %ge3A_779 = arith.constant 0 : i32
        %ge3A_780 = vector.broadcast %ge3A_779 : i32 to vector<16xi32>
        %ge3A_781 = arith.cmpi sge, %sub3A_762, %ge3A_780 : vector<16xi32>
        %le3A_782 = arith.constant 382 : i32
        %le3A_783 = vector.broadcast %le3A_782 : i32 to vector<16xi32>
        %le3A_784 = arith.cmpi sle, %sub3A_762, %le3A_783 : vector<16xi32>
        %max3A_785 = arith.constant 0 : i32
        %max3A_786 = vector.broadcast %max3A_785 : i32 to vector<16xi32>
        %max3A_787 = arith.maxsi %sub3A_755, %max3A_786 : vector<16xi32>
        %add3A_788 = arith.constant 1 : i32
        %add3A_789 = vector.broadcast %add3A_788 : i32 to vector<16xi32>
        %add3A_790 = arith.addi %sub3A_755, %add3A_789 : vector<16xi32>
        %min3A_791 = arith.constant 383 : i32
        %min3A_792 = vector.broadcast %min3A_791 : i32 to vector<16xi32>
        %min3A_793 = arith.minsi %add3A_790, %min3A_792 : vector<16xi32>
        %max3A_794 = arith.constant 0 : i32
        %max3A_795 = vector.broadcast %max3A_794 : i32 to vector<16xi32>
        %max3A_796 = arith.maxsi %sub3A_762, %max3A_795 : vector<16xi32>
        %mul3A_797 = arith.constant 384 : i32
        %mul3A_798 = vector.broadcast %mul3A_797 : i32 to vector<16xi32>
        %mul3A_799 = arith.muli %max3A_796, %mul3A_798 : vector<16xi32>
        %add3A_800 = vector.broadcast %mul3A_38 : i32 to vector<16xi32>
        %add3A_801 = arith.addi %mul3A_799, %add3A_800 : vector<16xi32>
        %add3A_802 = arith.constant 1 : i32
        %add3A_803 = vector.broadcast %add3A_802 : i32 to vector<16xi32>
        %add3A_804 = arith.addi %sub3A_762, %add3A_803 : vector<16xi32>
        %min3A_805 = arith.constant 383 : i32
        %min3A_806 = vector.broadcast %min3A_805 : i32 to vector<16xi32>
        %min3A_807 = arith.minsi %add3A_804, %min3A_806 : vector<16xi32>
        %mul3A_808 = arith.constant 384 : i32
        %mul3A_809 = vector.broadcast %mul3A_808 : i32 to vector<16xi32>
        %mul3A_810 = arith.muli %min3A_807, %mul3A_809 : vector<16xi32>
        %add3A_811 = vector.broadcast %mul3A_38 : i32 to vector<16xi32>
        %add3A_812 = arith.addi %mul3A_810, %add3A_811 : vector<16xi32>
        %add3A_813 = arith.addi %add3A_801, %max3A_787 : vector<16xi32>
        %swap3A_814 = arith.index_cast %scan3A_590 : i32 to index
        %swap3A_815 = arith.constant 16 : index
        %swap3A_816 = tpu.vector_load %arg7[%swap3A_814, %swap3A_815] {strides = array<i32>} : memref<8x128xi32, #tpu.memory_space<vmem>>, vector<16xi32>,
        tpu.vector_store %arg7[%swap3A_814, %swap3A_815], %add3A_813 {strides = array<i32>} : memref<8x128xi32, #tpu.memory_space<vmem>>, vector<16xi32>,
        %add3A_817 = arith.addi %add3A_801, %min3A_793 : vector<16xi32>
        %swap3A_818 = arith.index_cast %scan3A_590 : i32 to index
        %swap3A_819 = arith.constant 16 : index
        %swap3A_820 = tpu.vector_load %arg8[%swap3A_818, %swap3A_819] {strides = array<i32>} : memref<8x128xi32, #tpu.memory_space<vmem>>, vector<16xi32>,
        tpu.vector_store %arg8[%swap3A_818, %swap3A_819], %add3A_817 {strides = array<i32>} : memref<8x128xi32, #tpu.memory_space<vmem>>, vector<16xi32>,
        %add3A_821 = arith.addi %add3A_812, %max3A_787 : vector<16xi32>
        %swap3A_822 = arith.index_cast %scan3A_590 : i32 to index
        %swap3A_823 = arith.constant 16 : index
        %swap3A_824 = tpu.vector_load %arg9[%swap3A_822, %swap3A_823] {strides = array<i32>} : memref<8x128xi32, #tpu.memory_space<vmem>>, vector<16xi32>,
        tpu.vector_store %arg9[%swap3A_822, %swap3A_823], %add3A_821 {strides = array<i32>} : memref<8x128xi32, #tpu.memory_space<vmem>>, vector<16xi32>,
        %add3A_825 = arith.addi %add3A_812, %min3A_793 : vector<16xi32>
        %swap3A_826 = arith.index_cast %scan3A_590 : i32 to index
        %swap3A_827 = arith.constant 16 : index
        %swap3A_828 = tpu.vector_load %arg10[%swap3A_826, %swap3A_827] {strides = array<i32>} : memref<8x128xi32, #tpu.memory_space<vmem>>, vector<16xi32>,
        tpu.vector_store %arg10[%swap3A_826, %swap3A_827], %add3A_825 {strides = array<i32>} : memref<8x128xi32, #tpu.memory_space<vmem>>, vector<16xi32>,
        %broadcast_in_dim3A_829 = arith.constant 0.000000e+00 : f32
        %broadcast_in_dim3A_830 = vector.broadcast %broadcast_in_dim3A_829 : f32 to vector<16xf32>
        %and3A_831 = arith.andi %ge3A_781, %ge3A_775 : vector<16xi1>
        %mul3A_832 = arith.mulf %sub3A_772, %sub3A_767 : vector<16xf32>
        %select_n3A_833 = arith.select %and3A_831, %mul3A_832, %broadcast_in_dim3A_830 : vector<16xi1>, vector<16xf32>
        %swap3A_834 = arith.index_cast %add3A_720 : i32 to index
        %swap3A_835 = tpu.vector_load %arg11[%swap3A_834] {strides = array<i32>} : memref<1024xf32, #tpu.memory_space<vmem>>, vector<16xf32>,
        tpu.vector_store %arg11[%swap3A_834], %select_n3A_833 {strides = array<i32>} : memref<1024xf32, #tpu.memory_space<vmem>>, vector<16xf32>,
        %and3A_836 = arith.andi %ge3A_781, %le3A_778 : vector<16xi1>
        %mul3A_837 = arith.mulf %sub3A_772, %sub3A_764 : vector<16xf32>
        %select_n3A_838 = arith.select %and3A_836, %mul3A_837, %broadcast_in_dim3A_830 : vector<16xi1>, vector<16xf32>
        %swap3A_839 = arith.index_cast %add3A_720 : i32 to index
        %swap3A_840 = tpu.vector_load %arg12[%swap3A_839] {strides = array<i32>} : memref<1024xf32, #tpu.memory_space<vmem>>, vector<16xf32>,
        tpu.vector_store %arg12[%swap3A_839], %select_n3A_838 {strides = array<i32>} : memref<1024xf32, #tpu.memory_space<vmem>>, vector<16xf32>,
        %and3A_841 = arith.andi %le3A_784, %ge3A_775 : vector<16xi1>
        %mul3A_842 = arith.mulf %sub3A_769, %sub3A_767 : vector<16xf32>
        %select_n3A_843 = arith.select %and3A_841, %mul3A_842, %broadcast_in_dim3A_830 : vector<16xi1>, vector<16xf32>
        %swap3A_844 = arith.index_cast %add3A_720 : i32 to index
        %swap3A_845 = tpu.vector_load %arg13[%swap3A_844] {strides = array<i32>} : memref<1024xf32, #tpu.memory_space<vmem>>, vector<16xf32>,
        tpu.vector_store %arg13[%swap3A_844], %select_n3A_843 {strides = array<i32>} : memref<1024xf32, #tpu.memory_space<vmem>>, vector<16xf32>,
        %and3A_846 = arith.andi %le3A_784, %le3A_778 : vector<16xi1>
        %mul3A_847 = arith.mulf %sub3A_769, %sub3A_764 : vector<16xf32>
        %select_n3A_848 = arith.select %and3A_846, %mul3A_847, %broadcast_in_dim3A_830 : vector<16xi1>, vector<16xf32>
        %swap3A_849 = arith.index_cast %add3A_720 : i32 to index
        %swap3A_850 = tpu.vector_load %arg14[%swap3A_849] {strides = array<i32>} : memref<1024xf32, #tpu.memory_space<vmem>>, vector<16xf32>,
        tpu.vector_store %arg14[%swap3A_849], %select_n3A_848 {strides = array<i32>} : memref<1024xf32, #tpu.memory_space<vmem>>, vector<16xf32>,
        %mul3A_851 = arith.constant 128 : i32
        %mul3A_852 = arith.muli %scan3A_590, %mul3A_851 : i32
        %add3A_853 = arith.constant 32 : i32
        %add3A_854 = arith.addi %mul3A_852, %add3A_853 : i32
        %get3A_855 = arith.index_cast %add3A_854 : i32 to index
        %get3A_856 = tpu.vector_load %arg5[%get3A_855] {strides = array<i32>} : memref<1024xf32, #tpu.memory_space<vmem>>, vector<16xf32>,
        %get3A_857 = arith.index_cast %add3A_854 : i32 to index
        %get3A_858 = tpu.vector_load %arg6[%get3A_857] {strides = array<i32>} : memref<1024xf32, #tpu.memory_space<vmem>>, vector<16xf32>,
        %add3A_859 = arith.constant 1.000000e+00 : f32
        %add3A_860 = vector.broadcast %add3A_859 : f32 to vector<16xf32>
        %add3A_861 = arith.addf %get3A_856, %add3A_860 : vector<16xf32>
        %mul3A_862 = arith.constant 3.840000e+02 : f32
        %mul3A_863 = vector.broadcast %mul3A_862 : f32 to vector<16xf32>
        %mul3A_864 = arith.mulf %add3A_861, %mul3A_863 : vector<16xf32>
        %sub3A_865 = arith.constant 1.000000e+00 : f32
        %sub3A_866 = vector.broadcast %sub3A_865 : f32 to vector<16xf32>
        %sub3A_867 = arith.subf %mul3A_864, %sub3A_866 : vector<16xf32>
        %mul3A_868 = arith.constant 5.000000e-01 : f32
        %mul3A_869 = vector.broadcast %mul3A_868 : f32 to vector<16xf32>
        %mul3A_870 = arith.mulf %sub3A_867, %mul3A_869 : vector<16xf32>
        %add3A_871 = arith.constant 1.000000e+00 : f32
        %add3A_872 = vector.broadcast %add3A_871 : f32 to vector<16xf32>
        %add3A_873 = arith.addf %get3A_858, %add3A_872 : vector<16xf32>
        %mul3A_874 = arith.constant 3.840000e+02 : f32
        %mul3A_875 = vector.broadcast %mul3A_874 : f32 to vector<16xf32>
        %mul3A_876 = arith.mulf %add3A_873, %mul3A_875 : vector<16xf32>
        %sub3A_877 = arith.constant 1.000000e+00 : f32
        %sub3A_878 = vector.broadcast %sub3A_877 : f32 to vector<16xf32>
        %sub3A_879 = arith.subf %mul3A_876, %sub3A_878 : vector<16xf32>
        %mul3A_880 = arith.constant 5.000000e-01 : f32
        %mul3A_881 = vector.broadcast %mul3A_880 : f32 to vector<16xf32>
        %mul3A_882 = arith.mulf %sub3A_879, %mul3A_881 : vector<16xf32>
        %add3A_883 = arith.constant 1.000000e+00 : f32
        %add3A_884 = vector.broadcast %add3A_883 : f32 to vector<16xf32>
        %add3A_885 = arith.addf %mul3A_870, %add3A_884 : vector<16xf32>
        %convert_element_type3A_886 = arith.fptosi %add3A_885 : vector<16xf32> to vector<16xi32>
        %sub3A_887 = arith.constant 1 : i32
        %sub3A_888 = vector.broadcast %sub3A_887 : i32 to vector<16xi32>
        %sub3A_889 = arith.subi %convert_element_type3A_886, %sub3A_888 : vector<16xi32>
        %add3A_890 = arith.constant 1.000000e+00 : f32
        %add3A_891 = vector.broadcast %add3A_890 : f32 to vector<16xf32>
        %add3A_892 = arith.addf %mul3A_882, %add3A_891 : vector<16xf32>
        %convert_element_type3A_893 = arith.fptosi %add3A_892 : vector<16xf32> to vector<16xi32>
        %sub3A_894 = arith.constant 1 : i32
        %sub3A_895 = vector.broadcast %sub3A_894 : i32 to vector<16xi32>
        %sub3A_896 = arith.subi %convert_element_type3A_893, %sub3A_895 : vector<16xi32>
        %convert_element_type3A_897 = arith.sitofp %sub3A_889 : vector<16xi32> to vector<16xf32>
        %sub3A_898 = arith.subf %mul3A_870, %convert_element_type3A_897 : vector<16xf32>
        %sub3A_899 = arith.constant 1.000000e+00 : f32
        %sub3A_900 = vector.broadcast %sub3A_899 : f32 to vector<16xf32>
        %sub3A_901 = arith.subf %sub3A_900, %sub3A_898 : vector<16xf32>
        %convert_element_type3A_902 = arith.sitofp %sub3A_896 : vector<16xi32> to vector<16xf32>
        %sub3A_903 = arith.subf %mul3A_882, %convert_element_type3A_902 : vector<16xf32>
        %sub3A_904 = arith.constant 1.000000e+00 : f32
        %sub3A_905 = vector.broadcast %sub3A_904 : f32 to vector<16xf32>
        %sub3A_906 = arith.subf %sub3A_905, %sub3A_903 : vector<16xf32>
        %ge3A_907 = arith.constant 0 : i32
        %ge3A_908 = vector.broadcast %ge3A_907 : i32 to vector<16xi32>
        %ge3A_909 = arith.cmpi sge, %sub3A_889, %ge3A_908 : vector<16xi32>
        %le3A_910 = arith.constant 382 : i32
        %le3A_911 = vector.broadcast %le3A_910 : i32 to vector<16xi32>
        %le3A_912 = arith.cmpi sle, %sub3A_889, %le3A_911 : vector<16xi32>
        %ge3A_913 = arith.constant 0 : i32
        %ge3A_914 = vector.broadcast %ge3A_913 : i32 to vector<16xi32>
        %ge3A_915 = arith.cmpi sge, %sub3A_896, %ge3A_914 : vector<16xi32>
        %le3A_916 = arith.constant 382 : i32
        %le3A_917 = vector.broadcast %le3A_916 : i32 to vector<16xi32>
        %le3A_918 = arith.cmpi sle, %sub3A_896, %le3A_917 : vector<16xi32>
        %max3A_919 = arith.constant 0 : i32
        %max3A_920 = vector.broadcast %max3A_919 : i32 to vector<16xi32>
        %max3A_921 = arith.maxsi %sub3A_889, %max3A_920 : vector<16xi32>
        %add3A_922 = arith.constant 1 : i32
        %add3A_923 = vector.broadcast %add3A_922 : i32 to vector<16xi32>
        %add3A_924 = arith.addi %sub3A_889, %add3A_923 : vector<16xi32>
        %min3A_925 = arith.constant 383 : i32
        %min3A_926 = vector.broadcast %min3A_925 : i32 to vector<16xi32>
        %min3A_927 = arith.minsi %add3A_924, %min3A_926 : vector<16xi32>
        %max3A_928 = arith.constant 0 : i32
        %max3A_929 = vector.broadcast %max3A_928 : i32 to vector<16xi32>
        %max3A_930 = arith.maxsi %sub3A_896, %max3A_929 : vector<16xi32>
        %mul3A_931 = arith.constant 384 : i32
        %mul3A_932 = vector.broadcast %mul3A_931 : i32 to vector<16xi32>
        %mul3A_933 = arith.muli %max3A_930, %mul3A_932 : vector<16xi32>
        %add3A_934 = vector.broadcast %mul3A_38 : i32 to vector<16xi32>
        %add3A_935 = arith.addi %mul3A_933, %add3A_934 : vector<16xi32>
        %add3A_936 = arith.constant 1 : i32
        %add3A_937 = vector.broadcast %add3A_936 : i32 to vector<16xi32>
        %add3A_938 = arith.addi %sub3A_896, %add3A_937 : vector<16xi32>
        %min3A_939 = arith.constant 383 : i32
        %min3A_940 = vector.broadcast %min3A_939 : i32 to vector<16xi32>
        %min3A_941 = arith.minsi %add3A_938, %min3A_940 : vector<16xi32>
        %mul3A_942 = arith.constant 384 : i32
        %mul3A_943 = vector.broadcast %mul3A_942 : i32 to vector<16xi32>
        %mul3A_944 = arith.muli %min3A_941, %mul3A_943 : vector<16xi32>
        %add3A_945 = vector.broadcast %mul3A_38 : i32 to vector<16xi32>
        %add3A_946 = arith.addi %mul3A_944, %add3A_945 : vector<16xi32>
        %add3A_947 = arith.addi %add3A_935, %max3A_921 : vector<16xi32>
        %swap3A_948 = arith.index_cast %scan3A_590 : i32 to index
        %swap3A_949 = arith.constant 32 : index
        %swap3A_950 = tpu.vector_load %arg7[%swap3A_948, %swap3A_949] {strides = array<i32>} : memref<8x128xi32, #tpu.memory_space<vmem>>, vector<16xi32>,
        tpu.vector_store %arg7[%swap3A_948, %swap3A_949], %add3A_947 {strides = array<i32>} : memref<8x128xi32, #tpu.memory_space<vmem>>, vector<16xi32>,
        %add3A_951 = arith.addi %add3A_935, %min3A_927 : vector<16xi32>
        %swap3A_952 = arith.index_cast %scan3A_590 : i32 to index
        %swap3A_953 = arith.constant 32 : index
        %swap3A_954 = tpu.vector_load %arg8[%swap3A_952, %swap3A_953] {strides = array<i32>} : memref<8x128xi32, #tpu.memory_space<vmem>>, vector<16xi32>,
        tpu.vector_store %arg8[%swap3A_952, %swap3A_953], %add3A_951 {strides = array<i32>} : memref<8x128xi32, #tpu.memory_space<vmem>>, vector<16xi32>,
        %add3A_955 = arith.addi %add3A_946, %max3A_921 : vector<16xi32>
        %swap3A_956 = arith.index_cast %scan3A_590 : i32 to index
        %swap3A_957 = arith.constant 32 : index
        %swap3A_958 = tpu.vector_load %arg9[%swap3A_956, %swap3A_957] {strides = array<i32>} : memref<8x128xi32, #tpu.memory_space<vmem>>, vector<16xi32>,
        tpu.vector_store %arg9[%swap3A_956, %swap3A_957], %add3A_955 {strides = array<i32>} : memref<8x128xi32, #tpu.memory_space<vmem>>, vector<16xi32>,
        %add3A_959 = arith.addi %add3A_946, %min3A_927 : vector<16xi32>
        %swap3A_960 = arith.index_cast %scan3A_590 : i32 to index
        %swap3A_961 = arith.constant 32 : index
        %swap3A_962 = tpu.vector_load %arg10[%swap3A_960, %swap3A_961] {strides = array<i32>} : memref<8x128xi32, #tpu.memory_space<vmem>>, vector<16xi32>,
        tpu.vector_store %arg10[%swap3A_960, %swap3A_961], %add3A_959 {strides = array<i32>} : memref<8x128xi32, #tpu.memory_space<vmem>>, vector<16xi32>,
        %broadcast_in_dim3A_963 = arith.constant 0.000000e+00 : f32
        %broadcast_in_dim3A_964 = vector.broadcast %broadcast_in_dim3A_963 : f32 to vector<16xf32>
        %and3A_965 = arith.andi %ge3A_915, %ge3A_909 : vector<16xi1>
        %mul3A_966 = arith.mulf %sub3A_906, %sub3A_901 : vector<16xf32>
        %select_n3A_967 = arith.select %and3A_965, %mul3A_966, %broadcast_in_dim3A_964 : vector<16xi1>, vector<16xf32>
        %swap3A_968 = arith.index_cast %add3A_854 : i32 to index
        %swap3A_969 = tpu.vector_load %arg11[%swap3A_968] {strides = array<i32>} : memref<1024xf32, #tpu.memory_space<vmem>>, vector<16xf32>,
        tpu.vector_store %arg11[%swap3A_968], %select_n3A_967 {strides = array<i32>} : memref<1024xf32, #tpu.memory_space<vmem>>, vector<16xf32>,
        %and3A_970 = arith.andi %ge3A_915, %le3A_912 : vector<16xi1>
        %mul3A_971 = arith.mulf %sub3A_906, %sub3A_898 : vector<16xf32>
        %select_n3A_972 = arith.select %and3A_970, %mul3A_971, %broadcast_in_dim3A_964 : vector<16xi1>, vector<16xf32>
        %swap3A_973 = arith.index_cast %add3A_854 : i32 to index
        %swap3A_974 = tpu.vector_load %arg12[%swap3A_973] {strides = array<i32>} : memref<1024xf32, #tpu.memory_space<vmem>>, vector<16xf32>,
        tpu.vector_store %arg12[%swap3A_973], %select_n3A_972 {strides = array<i32>} : memref<1024xf32, #tpu.memory_space<vmem>>, vector<16xf32>,
        %and3A_975 = arith.andi %le3A_918, %ge3A_909 : vector<16xi1>
        %mul3A_976 = arith.mulf %sub3A_903, %sub3A_901 : vector<16xf32>
        %select_n3A_977 = arith.select %and3A_975, %mul3A_976, %broadcast_in_dim3A_964 : vector<16xi1>, vector<16xf32>
        %swap3A_978 = arith.index_cast %add3A_854 : i32 to index
        %swap3A_979 = tpu.vector_load %arg13[%swap3A_978] {strides = array<i32>} : memref<1024xf32, #tpu.memory_space<vmem>>, vector<16xf32>,
        tpu.vector_store %arg13[%swap3A_978], %select_n3A_977 {strides = array<i32>} : memref<1024xf32, #tpu.memory_space<vmem>>, vector<16xf32>,
        %and3A_980 = arith.andi %le3A_918, %le3A_912 : vector<16xi1>
        %mul3A_981 = arith.mulf %sub3A_903, %sub3A_898 : vector<16xf32>
        %select_n3A_982 = arith.select %and3A_980, %mul3A_981, %broadcast_in_dim3A_964 : vector<16xi1>, vector<16xf32>
        %swap3A_983 = arith.index_cast %add3A_854 : i32 to index
        %swap3A_984 = tpu.vector_load %arg14[%swap3A_983] {strides = array<i32>} : memref<1024xf32, #tpu.memory_space<vmem>>, vector<16xf32>,
        tpu.vector_store %arg14[%swap3A_983], %select_n3A_982 {strides = array<i32>} : memref<1024xf32, #tpu.memory_space<vmem>>, vector<16xf32>,
        %mul3A_985 = arith.constant 128 : i32
        %mul3A_986 = arith.muli %scan3A_590, %mul3A_985 : i32
        %add3A_987 = arith.constant 48 : i32
        %add3A_988 = arith.addi %mul3A_986, %add3A_987 : i32
        %get3A_989 = arith.index_cast %add3A_988 : i32 to index
        %get3A_990 = tpu.vector_load %arg5[%get3A_989] {strides = array<i32>} : memref<1024xf32, #tpu.memory_space<vmem>>, vector<16xf32>,
        %get3A_991 = arith.index_cast %add3A_988 : i32 to index
        %get3A_992 = tpu.vector_load %arg6[%get3A_991] {strides = array<i32>} : memref<1024xf32, #tpu.memory_space<vmem>>, vector<16xf32>,
        %add3A_993 = arith.constant 1.000000e+00 : f32
        %add3A_994 = vector.broadcast %add3A_993 : f32 to vector<16xf32>
        %add3A_995 = arith.addf %get3A_990, %add3A_994 : vector<16xf32>
        %mul3A_996 = arith.constant 3.840000e+02 : f32
        %mul3A_997 = vector.broadcast %mul3A_996 : f32 to vector<16xf32>
        %mul3A_998 = arith.mulf %add3A_995, %mul3A_997 : vector<16xf32>
        %sub3A_999 = arith.constant 1.000000e+00 : f32
        %sub3A_1000 = vector.broadcast %sub3A_999 : f32 to vector<16xf32>
        %sub3A_1001 = arith.subf %mul3A_998, %sub3A_1000 : vector<16xf32>
        %mul3A_1002 = arith.constant 5.000000e-01 : f32
        %mul3A_1003 = vector.broadcast %mul3A_1002 : f32 to vector<16xf32>
        %mul3A_1004 = arith.mulf %sub3A_1001, %mul3A_1003 : vector<16xf32>
        %add3A_1005 = arith.constant 1.000000e+00 : f32
        %add3A_1006 = vector.broadcast %add3A_1005 : f32 to vector<16xf32>
        %add3A_1007 = arith.addf %get3A_992, %add3A_1006 : vector<16xf32>
        %mul3A_1008 = arith.constant 3.840000e+02 : f32
        %mul3A_1009 = vector.broadcast %mul3A_1008 : f32 to vector<16xf32>
        %mul3A_1010 = arith.mulf %add3A_1007, %mul3A_1009 : vector<16xf32>
        %sub3A_1011 = arith.constant 1.000000e+00 : f32
        %sub3A_1012 = vector.broadcast %sub3A_1011 : f32 to vector<16xf32>
        %sub3A_1013 = arith.subf %mul3A_1010, %sub3A_1012 : vector<16xf32>
        %mul3A_1014 = arith.constant 5.000000e-01 : f32
        %mul3A_1015 = vector.broadcast %mul3A_1014 : f32 to vector<16xf32>
        %mul3A_1016 = arith.mulf %sub3A_1013, %mul3A_1015 : vector<16xf32>
        %add3A_1017 = arith.constant 1.000000e+00 : f32
        %add3A_1018 = vector.broadcast %add3A_1017 : f32 to vector<16xf32>
        %add3A_1019 = arith.addf %mul3A_1004, %add3A_1018 : vector<16xf32>
        %convert_element_type3A_1020 = arith.fptosi %add3A_1019 : vector<16xf32> to vector<16xi32>
        %sub3A_1021 = arith.constant 1 : i32
        %sub3A_1022 = vector.broadcast %sub3A_1021 : i32 to vector<16xi32>
        %sub3A_1023 = arith.subi %convert_element_type3A_1020, %sub3A_1022 : vector<16xi32>
        %add3A_1024 = arith.constant 1.000000e+00 : f32
        %add3A_1025 = vector.broadcast %add3A_1024 : f32 to vector<16xf32>
        %add3A_1026 = arith.addf %mul3A_1016, %add3A_1025 : vector<16xf32>
        %convert_element_type3A_1027 = arith.fptosi %add3A_1026 : vector<16xf32> to vector<16xi32>
        %sub3A_1028 = arith.constant 1 : i32
        %sub3A_1029 = vector.broadcast %sub3A_1028 : i32 to vector<16xi32>
        %sub3A_1030 = arith.subi %convert_element_type3A_1027, %sub3A_1029 : vector<16xi32>
        %convert_element_type3A_1031 = arith.sitofp %sub3A_1023 : vector<16xi32> to vector<16xf32>
        %sub3A_1032 = arith.subf %mul3A_1004, %convert_element_type3A_1031 : vector<16xf32>
        %sub3A_1033 = arith.constant 1.000000e+00 : f32
        %sub3A_1034 = vector.broadcast %sub3A_1033 : f32 to vector<16xf32>
        %sub3A_1035 = arith.subf %sub3A_1034, %sub3A_1032 : vector<16xf32>
        %convert_element_type3A_1036 = arith.sitofp %sub3A_1030 : vector<16xi32> to vector<16xf32>
        %sub3A_1037 = arith.subf %mul3A_1016, %convert_element_type3A_1036 : vector<16xf32>
        %sub3A_1038 = arith.constant 1.000000e+00 : f32
        %sub3A_1039 = vector.broadcast %sub3A_1038 : f32 to vector<16xf32>
        %sub3A_1040 = arith.subf %sub3A_1039, %sub3A_1037 : vector<16xf32>
        %ge3A_1041 = arith.constant 0 : i32
        %ge3A_1042 = vector.broadcast %ge3A_1041 : i32 to vector<16xi32>
        %ge3A_1043 = arith.cmpi sge, %sub3A_1023, %ge3A_1042 : vector<16xi32>
        %le3A_1044 = arith.constant 382 : i32
        %le3A_1045 = vector.broadcast %le3A_1044 : i32 to vector<16xi32>
        %le3A_1046 = arith.cmpi sle, %sub3A_1023, %le3A_1045 : vector<16xi32>
        %ge3A_1047 = arith.constant 0 : i32
        %ge3A_1048 = vector.broadcast %ge3A_1047 : i32 to vector<16xi32>
        %ge3A_1049 = arith.cmpi sge, %sub3A_1030, %ge3A_1048 : vector<16xi32>
        %le3A_1050 = arith.constant 382 : i32
        %le3A_1051 = vector.broadcast %le3A_1050 : i32 to vector<16xi32>
        %le3A_1052 = arith.cmpi sle, %sub3A_1030, %le3A_1051 : vector<16xi32>
        %max3A_1053 = arith.constant 0 : i32
        %max3A_1054 = vector.broadcast %max3A_1053 : i32 to vector<16xi32>
        %max3A_1055 = arith.maxsi %sub3A_1023, %max3A_1054 : vector<16xi32>
        %add3A_1056 = arith.constant 1 : i32
        %add3A_1057 = vector.broadcast %add3A_1056 : i32 to vector<16xi32>
        %add3A_1058 = arith.addi %sub3A_1023, %add3A_1057 : vector<16xi32>
        %min3A_1059 = arith.constant 383 : i32
        %min3A_1060 = vector.broadcast %min3A_1059 : i32 to vector<16xi32>
        %min3A_1061 = arith.minsi %add3A_1058, %min3A_1060 : vector<16xi32>
        %max3A_1062 = arith.constant 0 : i32
        %max3A_1063 = vector.broadcast %max3A_1062 : i32 to vector<16xi32>
        %max3A_1064 = arith.maxsi %sub3A_1030, %max3A_1063 : vector<16xi32>
        %mul3A_1065 = arith.constant 384 : i32
        %mul3A_1066 = vector.broadcast %mul3A_1065 : i32 to vector<16xi32>
        %mul3A_1067 = arith.muli %max3A_1064, %mul3A_1066 : vector<16xi32>
        %add3A_1068 = vector.broadcast %mul3A_38 : i32 to vector<16xi32>
        %add3A_1069 = arith.addi %mul3A_1067, %add3A_1068 : vector<16xi32>
        %add3A_1070 = arith.constant 1 : i32
        %add3A_1071 = vector.broadcast %add3A_1070 : i32 to vector<16xi32>
        %add3A_1072 = arith.addi %sub3A_1030, %add3A_1071 : vector<16xi32>
        %min3A_1073 = arith.constant 383 : i32
        %min3A_1074 = vector.broadcast %min3A_1073 : i32 to vector<16xi32>
        %min3A_1075 = arith.minsi %add3A_1072, %min3A_1074 : vector<16xi32>
        %mul3A_1076 = arith.constant 384 : i32
        %mul3A_1077 = vector.broadcast %mul3A_1076 : i32 to vector<16xi32>
        %mul3A_1078 = arith.muli %min3A_1075, %mul3A_1077 : vector<16xi32>
        %add3A_1079 = vector.broadcast %mul3A_38 : i32 to vector<16xi32>
        %add3A_1080 = arith.addi %mul3A_1078, %add3A_1079 : vector<16xi32>
        %add3A_1081 = arith.addi %add3A_1069, %max3A_1055 : vector<16xi32>
        %swap3A_1082 = arith.index_cast %scan3A_590 : i32 to index
        %swap3A_1083 = arith.constant 48 : index
        %swap3A_1084 = tpu.vector_load %arg7[%swap3A_1082, %swap3A_1083] {strides = array<i32>} : memref<8x128xi32, #tpu.memory_space<vmem>>, vector<16xi32>,
        tpu.vector_store %arg7[%swap3A_1082, %swap3A_1083], %add3A_1081 {strides = array<i32>} : memref<8x128xi32, #tpu.memory_space<vmem>>, vector<16xi32>,
        %add3A_1085 = arith.addi %add3A_1069, %min3A_1061 : vector<16xi32>
        %swap3A_1086 = arith.index_cast %scan3A_590 : i32 to index
        %swap3A_1087 = arith.constant 48 : index
        %swap3A_1088 = tpu.vector_load %arg8[%swap3A_1086, %swap3A_1087] {strides = array<i32>} : memref<8x128xi32, #tpu.memory_space<vmem>>, vector<16xi32>,
        tpu.vector_store %arg8[%swap3A_1086, %swap3A_1087], %add3A_1085 {strides = array<i32>} : memref<8x128xi32, #tpu.memory_space<vmem>>, vector<16xi32>,
        %add3A_1089 = arith.addi %add3A_1080, %max3A_1055 : vector<16xi32>
        %swap3A_1090 = arith.index_cast %scan3A_590 : i32 to index
        %swap3A_1091 = arith.constant 48 : index
        %swap3A_1092 = tpu.vector_load %arg9[%swap3A_1090, %swap3A_1091] {strides = array<i32>} : memref<8x128xi32, #tpu.memory_space<vmem>>, vector<16xi32>,
        tpu.vector_store %arg9[%swap3A_1090, %swap3A_1091], %add3A_1089 {strides = array<i32>} : memref<8x128xi32, #tpu.memory_space<vmem>>, vector<16xi32>,
        %add3A_1093 = arith.addi %add3A_1080, %min3A_1061 : vector<16xi32>
        %swap3A_1094 = arith.index_cast %scan3A_590 : i32 to index
        %swap3A_1095 = arith.constant 48 : index
        %swap3A_1096 = tpu.vector_load %arg10[%swap3A_1094, %swap3A_1095] {strides = array<i32>} : memref<8x128xi32, #tpu.memory_space<vmem>>, vector<16xi32>,
        tpu.vector_store %arg10[%swap3A_1094, %swap3A_1095], %add3A_1093 {strides = array<i32>} : memref<8x128xi32, #tpu.memory_space<vmem>>, vector<16xi32>,
        %broadcast_in_dim3A_1097 = arith.constant 0.000000e+00 : f32
        %broadcast_in_dim3A_1098 = vector.broadcast %broadcast_in_dim3A_1097 : f32 to vector<16xf32>
        %and3A_1099 = arith.andi %ge3A_1049, %ge3A_1043 : vector<16xi1>
        %mul3A_1100 = arith.mulf %sub3A_1040, %sub3A_1035 : vector<16xf32>
        %select_n3A_1101 = arith.select %and3A_1099, %mul3A_1100, %broadcast_in_dim3A_1098 : vector<16xi1>, vector<16xf32>
        %swap3A_1102 = arith.index_cast %add3A_988 : i32 to index
        %swap3A_1103 = tpu.vector_load %arg11[%swap3A_1102] {strides = array<i32>} : memref<1024xf32, #tpu.memory_space<vmem>>, vector<16xf32>,
        tpu.vector_store %arg11[%swap3A_1102], %select_n3A_1101 {strides = array<i32>} : memref<1024xf32, #tpu.memory_space<vmem>>, vector<16xf32>,
        %and3A_1104 = arith.andi %ge3A_1049, %le3A_1046 : vector<16xi1>
        %mul3A_1105 = arith.mulf %sub3A_1040, %sub3A_1032 : vector<16xf32>
        %select_n3A_1106 = arith.select %and3A_1104, %mul3A_1105, %broadcast_in_dim3A_1098 : vector<16xi1>, vector<16xf32>
        %swap3A_1107 = arith.index_cast %add3A_988 : i32 to index
        %swap3A_1108 = tpu.vector_load %arg12[%swap3A_1107] {strides = array<i32>} : memref<1024xf32, #tpu.memory_space<vmem>>, vector<16xf32>,
        tpu.vector_store %arg12[%swap3A_1107], %select_n3A_1106 {strides = array<i32>} : memref<1024xf32, #tpu.memory_space<vmem>>, vector<16xf32>,
        %and3A_1109 = arith.andi %le3A_1052, %ge3A_1043 : vector<16xi1>
        %mul3A_1110 = arith.mulf %sub3A_1037, %sub3A_1035 : vector<16xf32>
        %select_n3A_1111 = arith.select %and3A_1109, %mul3A_1110, %broadcast_in_dim3A_1098 : vector<16xi1>, vector<16xf32>
        %swap3A_1112 = arith.index_cast %add3A_988 : i32 to index
        %swap3A_1113 = tpu.vector_load %arg13[%swap3A_1112] {strides = array<i32>} : memref<1024xf32, #tpu.memory_space<vmem>>, vector<16xf32>,
        tpu.vector_store %arg13[%swap3A_1112], %select_n3A_1111 {strides = array<i32>} : memref<1024xf32, #tpu.memory_space<vmem>>, vector<16xf32>,
        %and3A_1114 = arith.andi %le3A_1052, %le3A_1046 : vector<16xi1>
        %mul3A_1115 = arith.mulf %sub3A_1037, %sub3A_1032 : vector<16xf32>
        %select_n3A_1116 = arith.select %and3A_1114, %mul3A_1115, %broadcast_in_dim3A_1098 : vector<16xi1>, vector<16xf32>
        %swap3A_1117 = arith.index_cast %add3A_988 : i32 to index
        %swap3A_1118 = tpu.vector_load %arg14[%swap3A_1117] {strides = array<i32>} : memref<1024xf32, #tpu.memory_space<vmem>>, vector<16xf32>,
        tpu.vector_store %arg14[%swap3A_1117], %select_n3A_1116 {strides = array<i32>} : memref<1024xf32, #tpu.memory_space<vmem>>, vector<16xf32>,
        %mul3A_1119 = arith.constant 128 : i32
        %mul3A_1120 = arith.muli %scan3A_590, %mul3A_1119 : i32
        %add3A_1121 = arith.constant 64 : i32
        %add3A_1122 = arith.addi %mul3A_1120, %add3A_1121 : i32
        %get3A_1123 = arith.index_cast %add3A_1122 : i32 to index
        %get3A_1124 = tpu.vector_load %arg5[%get3A_1123] {strides = array<i32>} : memref<1024xf32, #tpu.memory_space<vmem>>, vector<16xf32>,
        %get3A_1125 = arith.index_cast %add3A_1122 : i32 to index
        %get3A_1126 = tpu.vector_load %arg6[%get3A_1125] {strides = array<i32>} : memref<1024xf32, #tpu.memory_space<vmem>>, vector<16xf32>,
        %add3A_1127 = arith.constant 1.000000e+00 : f32
        %add3A_1128 = vector.broadcast %add3A_1127 : f32 to vector<16xf32>
        %add3A_1129 = arith.addf %get3A_1124, %add3A_1128 : vector<16xf32>
        %mul3A_1130 = arith.constant 3.840000e+02 : f32
        %mul3A_1131 = vector.broadcast %mul3A_1130 : f32 to vector<16xf32>
        %mul3A_1132 = arith.mulf %add3A_1129, %mul3A_1131 : vector<16xf32>
        %sub3A_1133 = arith.constant 1.000000e+00 : f32
        %sub3A_1134 = vector.broadcast %sub3A_1133 : f32 to vector<16xf32>
        %sub3A_1135 = arith.subf %mul3A_1132, %sub3A_1134 : vector<16xf32>
        %mul3A_1136 = arith.constant 5.000000e-01 : f32
        %mul3A_1137 = vector.broadcast %mul3A_1136 : f32 to vector<16xf32>
        %mul3A_1138 = arith.mulf %sub3A_1135, %mul3A_1137 : vector<16xf32>
        %add3A_1139 = arith.constant 1.000000e+00 : f32
        %add3A_1140 = vector.broadcast %add3A_1139 : f32 to vector<16xf32>
        %add3A_1141 = arith.addf %get3A_1126, %add3A_1140 : vector<16xf32>
        %mul3A_1142 = arith.constant 3.840000e+02 : f32
        %mul3A_1143 = vector.broadcast %mul3A_1142 : f32 to vector<16xf32>
        %mul3A_1144 = arith.mulf %add3A_1141, %mul3A_1143 : vector<16xf32>
        %sub3A_1145 = arith.constant 1.000000e+00 : f32
        %sub3A_1146 = vector.broadcast %sub3A_1145 : f32 to vector<16xf32>
        %sub3A_1147 = arith.subf %mul3A_1144, %sub3A_1146 : vector<16xf32>
        %mul3A_1148 = arith.constant 5.000000e-01 : f32
        %mul3A_1149 = vector.broadcast %mul3A_1148 : f32 to vector<16xf32>
        %mul3A_1150 = arith.mulf %sub3A_1147, %mul3A_1149 : vector<16xf32>
        %add3A_1151 = arith.constant 1.000000e+00 : f32
        %add3A_1152 = vector.broadcast %add3A_1151 : f32 to vector<16xf32>
        %add3A_1153 = arith.addf %mul3A_1138, %add3A_1152 : vector<16xf32>
        %convert_element_type3A_1154 = arith.fptosi %add3A_1153 : vector<16xf32> to vector<16xi32>
        %sub3A_1155 = arith.constant 1 : i32
        %sub3A_1156 = vector.broadcast %sub3A_1155 : i32 to vector<16xi32>
        %sub3A_1157 = arith.subi %convert_element_type3A_1154, %sub3A_1156 : vector<16xi32>
        %add3A_1158 = arith.constant 1.000000e+00 : f32
        %add3A_1159 = vector.broadcast %add3A_1158 : f32 to vector<16xf32>
        %add3A_1160 = arith.addf %mul3A_1150, %add3A_1159 : vector<16xf32>
        %convert_element_type3A_1161 = arith.fptosi %add3A_1160 : vector<16xf32> to vector<16xi32>
        %sub3A_1162 = arith.constant 1 : i32
        %sub3A_1163 = vector.broadcast %sub3A_1162 : i32 to vector<16xi32>
        %sub3A_1164 = arith.subi %convert_element_type3A_1161, %sub3A_1163 : vector<16xi32>
        %convert_element_type3A_1165 = arith.sitofp %sub3A_1157 : vector<16xi32> to vector<16xf32>
        %sub3A_1166 = arith.subf %mul3A_1138, %convert_element_type3A_1165 : vector<16xf32>
        %sub3A_1167 = arith.constant 1.000000e+00 : f32
        %sub3A_1168 = vector.broadcast %sub3A_1167 : f32 to vector<16xf32>
        %sub3A_1169 = arith.subf %sub3A_1168, %sub3A_1166 : vector<16xf32>
        %convert_element_type3A_1170 = arith.sitofp %sub3A_1164 : vector<16xi32> to vector<16xf32>
        %sub3A_1171 = arith.subf %mul3A_1150, %convert_element_type3A_1170 : vector<16xf32>
        %sub3A_1172 = arith.constant 1.000000e+00 : f32
        %sub3A_1173 = vector.broadcast %sub3A_1172 : f32 to vector<16xf32>
        %sub3A_1174 = arith.subf %sub3A_1173, %sub3A_1171 : vector<16xf32>
        %ge3A_1175 = arith.constant 0 : i32
        %ge3A_1176 = vector.broadcast %ge3A_1175 : i32 to vector<16xi32>
        %ge3A_1177 = arith.cmpi sge, %sub3A_1157, %ge3A_1176 : vector<16xi32>
        %le3A_1178 = arith.constant 382 : i32
        %le3A_1179 = vector.broadcast %le3A_1178 : i32 to vector<16xi32>
        %le3A_1180 = arith.cmpi sle, %sub3A_1157, %le3A_1179 : vector<16xi32>
        %ge3A_1181 = arith.constant 0 : i32
        %ge3A_1182 = vector.broadcast %ge3A_1181 : i32 to vector<16xi32>
        %ge3A_1183 = arith.cmpi sge, %sub3A_1164, %ge3A_1182 : vector<16xi32>
        %le3A_1184 = arith.constant 382 : i32
        %le3A_1185 = vector.broadcast %le3A_1184 : i32 to vector<16xi32>
        %le3A_1186 = arith.cmpi sle, %sub3A_1164, %le3A_1185 : vector<16xi32>
        %max3A_1187 = arith.constant 0 : i32
        %max3A_1188 = vector.broadcast %max3A_1187 : i32 to vector<16xi32>
        %max3A_1189 = arith.maxsi %sub3A_1157, %max3A_1188 : vector<16xi32>
        %add3A_1190 = arith.constant 1 : i32
        %add3A_1191 = vector.broadcast %add3A_1190 : i32 to vector<16xi32>
        %add3A_1192 = arith.addi %sub3A_1157, %add3A_1191 : vector<16xi32>
        %min3A_1193 = arith.constant 383 : i32
        %min3A_1194 = vector.broadcast %min3A_1193 : i32 to vector<16xi32>
        %min3A_1195 = arith.minsi %add3A_1192, %min3A_1194 : vector<16xi32>
        %max3A_1196 = arith.constant 0 : i32
        %max3A_1197 = vector.broadcast %max3A_1196 : i32 to vector<16xi32>
        %max3A_1198 = arith.maxsi %sub3A_1164, %max3A_1197 : vector<16xi32>
        %mul3A_1199 = arith.constant 384 : i32
        %mul3A_1200 = vector.broadcast %mul3A_1199 : i32 to vector<16xi32>
        %mul3A_1201 = arith.muli %max3A_1198, %mul3A_1200 : vector<16xi32>
        %add3A_1202 = vector.broadcast %mul3A_38 : i32 to vector<16xi32>
        %add3A_1203 = arith.addi %mul3A_1201, %add3A_1202 : vector<16xi32>
        %add3A_1204 = arith.constant 1 : i32
        %add3A_1205 = vector.broadcast %add3A_1204 : i32 to vector<16xi32>
        %add3A_1206 = arith.addi %sub3A_1164, %add3A_1205 : vector<16xi32>
        %min3A_1207 = arith.constant 383 : i32
        %min3A_1208 = vector.broadcast %min3A_1207 : i32 to vector<16xi32>
        %min3A_1209 = arith.minsi %add3A_1206, %min3A_1208 : vector<16xi32>
        %mul3A_1210 = arith.constant 384 : i32
        %mul3A_1211 = vector.broadcast %mul3A_1210 : i32 to vector<16xi32>
        %mul3A_1212 = arith.muli %min3A_1209, %mul3A_1211 : vector<16xi32>
        %add3A_1213 = vector.broadcast %mul3A_38 : i32 to vector<16xi32>
        %add3A_1214 = arith.addi %mul3A_1212, %add3A_1213 : vector<16xi32>
        %add3A_1215 = arith.addi %add3A_1203, %max3A_1189 : vector<16xi32>
        %swap3A_1216 = arith.index_cast %scan3A_590 : i32 to index
        %swap3A_1217 = arith.constant 64 : index
        %swap3A_1218 = tpu.vector_load %arg7[%swap3A_1216, %swap3A_1217] {strides = array<i32>} : memref<8x128xi32, #tpu.memory_space<vmem>>, vector<16xi32>,
        tpu.vector_store %arg7[%swap3A_1216, %swap3A_1217], %add3A_1215 {strides = array<i32>} : memref<8x128xi32, #tpu.memory_space<vmem>>, vector<16xi32>,
        %add3A_1219 = arith.addi %add3A_1203, %min3A_1195 : vector<16xi32>
        %swap3A_1220 = arith.index_cast %scan3A_590 : i32 to index
        %swap3A_1221 = arith.constant 64 : index
        %swap3A_1222 = tpu.vector_load %arg8[%swap3A_1220, %swap3A_1221] {strides = array<i32>} : memref<8x128xi32, #tpu.memory_space<vmem>>, vector<16xi32>,
        tpu.vector_store %arg8[%swap3A_1220, %swap3A_1221], %add3A_1219 {strides = array<i32>} : memref<8x128xi32, #tpu.memory_space<vmem>>, vector<16xi32>,
        %add3A_1223 = arith.addi %add3A_1214, %max3A_1189 : vector<16xi32>
        %swap3A_1224 = arith.index_cast %scan3A_590 : i32 to index
        %swap3A_1225 = arith.constant 64 : index
        %swap3A_1226 = tpu.vector_load %arg9[%swap3A_1224, %swap3A_1225] {strides = array<i32>} : memref<8x128xi32, #tpu.memory_space<vmem>>, vector<16xi32>,
        tpu.vector_store %arg9[%swap3A_1224, %swap3A_1225], %add3A_1223 {strides = array<i32>} : memref<8x128xi32, #tpu.memory_space<vmem>>, vector<16xi32>,
        %add3A_1227 = arith.addi %add3A_1214, %min3A_1195 : vector<16xi32>
        %swap3A_1228 = arith.index_cast %scan3A_590 : i32 to index
        %swap3A_1229 = arith.constant 64 : index
        %swap3A_1230 = tpu.vector_load %arg10[%swap3A_1228, %swap3A_1229] {strides = array<i32>} : memref<8x128xi32, #tpu.memory_space<vmem>>, vector<16xi32>,
        tpu.vector_store %arg10[%swap3A_1228, %swap3A_1229], %add3A_1227 {strides = array<i32>} : memref<8x128xi32, #tpu.memory_space<vmem>>, vector<16xi32>,
        %broadcast_in_dim3A_1231 = arith.constant 0.000000e+00 : f32
        %broadcast_in_dim3A_1232 = vector.broadcast %broadcast_in_dim3A_1231 : f32 to vector<16xf32>
        %and3A_1233 = arith.andi %ge3A_1183, %ge3A_1177 : vector<16xi1>
        %mul3A_1234 = arith.mulf %sub3A_1174, %sub3A_1169 : vector<16xf32>
        %select_n3A_1235 = arith.select %and3A_1233, %mul3A_1234, %broadcast_in_dim3A_1232 : vector<16xi1>, vector<16xf32>
        %swap3A_1236 = arith.index_cast %add3A_1122 : i32 to index
        %swap3A_1237 = tpu.vector_load %arg11[%swap3A_1236] {strides = array<i32>} : memref<1024xf32, #tpu.memory_space<vmem>>, vector<16xf32>,
        tpu.vector_store %arg11[%swap3A_1236], %select_n3A_1235 {strides = array<i32>} : memref<1024xf32, #tpu.memory_space<vmem>>, vector<16xf32>,
        %and3A_1238 = arith.andi %ge3A_1183, %le3A_1180 : vector<16xi1>
        %mul3A_1239 = arith.mulf %sub3A_1174, %sub3A_1166 : vector<16xf32>
        %select_n3A_1240 = arith.select %and3A_1238, %mul3A_1239, %broadcast_in_dim3A_1232 : vector<16xi1>, vector<16xf32>
        %swap3A_1241 = arith.index_cast %add3A_1122 : i32 to index
        %swap3A_1242 = tpu.vector_load %arg12[%swap3A_1241] {strides = array<i32>} : memref<1024xf32, #tpu.memory_space<vmem>>, vector<16xf32>,
        tpu.vector_store %arg12[%swap3A_1241], %select_n3A_1240 {strides = array<i32>} : memref<1024xf32, #tpu.memory_space<vmem>>, vector<16xf32>,
        %and3A_1243 = arith.andi %le3A_1186, %ge3A_1177 : vector<16xi1>
        %mul3A_1244 = arith.mulf %sub3A_1171, %sub3A_1169 : vector<16xf32>
        %select_n3A_1245 = arith.select %and3A_1243, %mul3A_1244, %broadcast_in_dim3A_1232 : vector<16xi1>, vector<16xf32>
        %swap3A_1246 = arith.index_cast %add3A_1122 : i32 to index
        %swap3A_1247 = tpu.vector_load %arg13[%swap3A_1246] {strides = array<i32>} : memref<1024xf32, #tpu.memory_space<vmem>>, vector<16xf32>,
        tpu.vector_store %arg13[%swap3A_1246], %select_n3A_1245 {strides = array<i32>} : memref<1024xf32, #tpu.memory_space<vmem>>, vector<16xf32>,
        %and3A_1248 = arith.andi %le3A_1186, %le3A_1180 : vector<16xi1>
        %mul3A_1249 = arith.mulf %sub3A_1171, %sub3A_1166 : vector<16xf32>
        %select_n3A_1250 = arith.select %and3A_1248, %mul3A_1249, %broadcast_in_dim3A_1232 : vector<16xi1>, vector<16xf32>
        %swap3A_1251 = arith.index_cast %add3A_1122 : i32 to index
        %swap3A_1252 = tpu.vector_load %arg14[%swap3A_1251] {strides = array<i32>} : memref<1024xf32, #tpu.memory_space<vmem>>, vector<16xf32>,
        tpu.vector_store %arg14[%swap3A_1251], %select_n3A_1250 {strides = array<i32>} : memref<1024xf32, #tpu.memory_space<vmem>>, vector<16xf32>,
        %mul3A_1253 = arith.constant 128 : i32
        %mul3A_1254 = arith.muli %scan3A_590, %mul3A_1253 : i32
        %add3A_1255 = arith.constant 80 : i32
        %add3A_1256 = arith.addi %mul3A_1254, %add3A_1255 : i32
        %get3A_1257 = arith.index_cast %add3A_1256 : i32 to index
        %get3A_1258 = tpu.vector_load %arg5[%get3A_1257] {strides = array<i32>} : memref<1024xf32, #tpu.memory_space<vmem>>, vector<16xf32>,
        %get3A_1259 = arith.index_cast %add3A_1256 : i32 to index
        %get3A_1260 = tpu.vector_load %arg6[%get3A_1259] {strides = array<i32>} : memref<1024xf32, #tpu.memory_space<vmem>>, vector<16xf32>,
        %add3A_1261 = arith.constant 1.000000e+00 : f32
        %add3A_1262 = vector.broadcast %add3A_1261 : f32 to vector<16xf32>
        %add3A_1263 = arith.addf %get3A_1258, %add3A_1262 : vector<16xf32>
        %mul3A_1264 = arith.constant 3.840000e+02 : f32
        %mul3A_1265 = vector.broadcast %mul3A_1264 : f32 to vector<16xf32>
        %mul3A_1266 = arith.mulf %add3A_1263, %mul3A_1265 : vector<16xf32>
        %sub3A_1267 = arith.constant 1.000000e+00 : f32
        %sub3A_1268 = vector.broadcast %sub3A_1267 : f32 to vector<16xf32>
        %sub3A_1269 = arith.subf %mul3A_1266, %sub3A_1268 : vector<16xf32>
        %mul3A_1270 = arith.constant 5.000000e-01 : f32
        %mul3A_1271 = vector.broadcast %mul3A_1270 : f32 to vector<16xf32>
        %mul3A_1272 = arith.mulf %sub3A_1269, %mul3A_1271 : vector<16xf32>
        %add3A_1273 = arith.constant 1.000000e+00 : f32
        %add3A_1274 = vector.broadcast %add3A_1273 : f32 to vector<16xf32>
        %add3A_1275 = arith.addf %get3A_1260, %add3A_1274 : vector<16xf32>
        %mul3A_1276 = arith.constant 3.840000e+02 : f32
        %mul3A_1277 = vector.broadcast %mul3A_1276 : f32 to vector<16xf32>
        %mul3A_1278 = arith.mulf %add3A_1275, %mul3A_1277 : vector<16xf32>
        %sub3A_1279 = arith.constant 1.000000e+00 : f32
        %sub3A_1280 = vector.broadcast %sub3A_1279 : f32 to vector<16xf32>
        %sub3A_1281 = arith.subf %mul3A_1278, %sub3A_1280 : vector<16xf32>
        %mul3A_1282 = arith.constant 5.000000e-01 : f32
        %mul3A_1283 = vector.broadcast %mul3A_1282 : f32 to vector<16xf32>
        %mul3A_1284 = arith.mulf %sub3A_1281, %mul3A_1283 : vector<16xf32>
        %add3A_1285 = arith.constant 1.000000e+00 : f32
        %add3A_1286 = vector.broadcast %add3A_1285 : f32 to vector<16xf32>
        %add3A_1287 = arith.addf %mul3A_1272, %add3A_1286 : vector<16xf32>
        %convert_element_type3A_1288 = arith.fptosi %add3A_1287 : vector<16xf32> to vector<16xi32>
        %sub3A_1289 = arith.constant 1 : i32
        %sub3A_1290 = vector.broadcast %sub3A_1289 : i32 to vector<16xi32>
        %sub3A_1291 = arith.subi %convert_element_type3A_1288, %sub3A_1290 : vector<16xi32>
        %add3A_1292 = arith.constant 1.000000e+00 : f32
        %add3A_1293 = vector.broadcast %add3A_1292 : f32 to vector<16xf32>
        %add3A_1294 = arith.addf %mul3A_1284, %add3A_1293 : vector<16xf32>
        %convert_element_type3A_1295 = arith.fptosi %add3A_1294 : vector<16xf32> to vector<16xi32>
        %sub3A_1296 = arith.constant 1 : i32
        %sub3A_1297 = vector.broadcast %sub3A_1296 : i32 to vector<16xi32>
        %sub3A_1298 = arith.subi %convert_element_type3A_1295, %sub3A_1297 : vector<16xi32>
        %convert_element_type3A_1299 = arith.sitofp %sub3A_1291 : vector<16xi32> to vector<16xf32>
        %sub3A_1300 = arith.subf %mul3A_1272, %convert_element_type3A_1299 : vector<16xf32>
        %sub3A_1301 = arith.constant 1.000000e+00 : f32
        %sub3A_1302 = vector.broadcast %sub3A_1301 : f32 to vector<16xf32>
        %sub3A_1303 = arith.subf %sub3A_1302, %sub3A_1300 : vector<16xf32>
        %convert_element_type3A_1304 = arith.sitofp %sub3A_1298 : vector<16xi32> to vector<16xf32>
        %sub3A_1305 = arith.subf %mul3A_1284, %convert_element_type3A_1304 : vector<16xf32>
        %sub3A_1306 = arith.constant 1.000000e+00 : f32
        %sub3A_1307 = vector.broadcast %sub3A_1306 : f32 to vector<16xf32>
        %sub3A_1308 = arith.subf %sub3A_1307, %sub3A_1305 : vector<16xf32>
        %ge3A_1309 = arith.constant 0 : i32
        %ge3A_1310 = vector.broadcast %ge3A_1309 : i32 to vector<16xi32>
        %ge3A_1311 = arith.cmpi sge, %sub3A_1291, %ge3A_1310 : vector<16xi32>
        %le3A_1312 = arith.constant 382 : i32
        %le3A_1313 = vector.broadcast %le3A_1312 : i32 to vector<16xi32>
        %le3A_1314 = arith.cmpi sle, %sub3A_1291, %le3A_1313 : vector<16xi32>
        %ge3A_1315 = arith.constant 0 : i32
        %ge3A_1316 = vector.broadcast %ge3A_1315 : i32 to vector<16xi32>
        %ge3A_1317 = arith.cmpi sge, %sub3A_1298, %ge3A_1316 : vector<16xi32>
        %le3A_1318 = arith.constant 382 : i32
        %le3A_1319 = vector.broadcast %le3A_1318 : i32 to vector<16xi32>
        %le3A_1320 = arith.cmpi sle, %sub3A_1298, %le3A_1319 : vector<16xi32>
        %max3A_1321 = arith.constant 0 : i32
        %max3A_1322 = vector.broadcast %max3A_1321 : i32 to vector<16xi32>
        %max3A_1323 = arith.maxsi %sub3A_1291, %max3A_1322 : vector<16xi32>
        %add3A_1324 = arith.constant 1 : i32
        %add3A_1325 = vector.broadcast %add3A_1324 : i32 to vector<16xi32>
        %add3A_1326 = arith.addi %sub3A_1291, %add3A_1325 : vector<16xi32>
        %min3A_1327 = arith.constant 383 : i32
        %min3A_1328 = vector.broadcast %min3A_1327 : i32 to vector<16xi32>
        %min3A_1329 = arith.minsi %add3A_1326, %min3A_1328 : vector<16xi32>
        %max3A_1330 = arith.constant 0 : i32
        %max3A_1331 = vector.broadcast %max3A_1330 : i32 to vector<16xi32>
        %max3A_1332 = arith.maxsi %sub3A_1298, %max3A_1331 : vector<16xi32>
        %mul3A_1333 = arith.constant 384 : i32
        %mul3A_1334 = vector.broadcast %mul3A_1333 : i32 to vector<16xi32>
        %mul3A_1335 = arith.muli %max3A_1332, %mul3A_1334 : vector<16xi32>
        %add3A_1336 = vector.broadcast %mul3A_38 : i32 to vector<16xi32>
        %add3A_1337 = arith.addi %mul3A_1335, %add3A_1336 : vector<16xi32>
        %add3A_1338 = arith.constant 1 : i32
        %add3A_1339 = vector.broadcast %add3A_1338 : i32 to vector<16xi32>
        %add3A_1340 = arith.addi %sub3A_1298, %add3A_1339 : vector<16xi32>
        %min3A_1341 = arith.constant 383 : i32
        %min3A_1342 = vector.broadcast %min3A_1341 : i32 to vector<16xi32>
        %min3A_1343 = arith.minsi %add3A_1340, %min3A_1342 : vector<16xi32>
        %mul3A_1344 = arith.constant 384 : i32
        %mul3A_1345 = vector.broadcast %mul3A_1344 : i32 to vector<16xi32>
        %mul3A_1346 = arith.muli %min3A_1343, %mul3A_1345 : vector<16xi32>
        %add3A_1347 = vector.broadcast %mul3A_38 : i32 to vector<16xi32>
        %add3A_1348 = arith.addi %mul3A_1346, %add3A_1347 : vector<16xi32>
        %add3A_1349 = arith.addi %add3A_1337, %max3A_1323 : vector<16xi32>
        %swap3A_1350 = arith.index_cast %scan3A_590 : i32 to index
        %swap3A_1351 = arith.constant 80 : index
        %swap3A_1352 = tpu.vector_load %arg7[%swap3A_1350, %swap3A_1351] {strides = array<i32>} : memref<8x128xi32, #tpu.memory_space<vmem>>, vector<16xi32>,
        tpu.vector_store %arg7[%swap3A_1350, %swap3A_1351], %add3A_1349 {strides = array<i32>} : memref<8x128xi32, #tpu.memory_space<vmem>>, vector<16xi32>,
        %add3A_1353 = arith.addi %add3A_1337, %min3A_1329 : vector<16xi32>
        %swap3A_1354 = arith.index_cast %scan3A_590 : i32 to index
        %swap3A_1355 = arith.constant 80 : index
        %swap3A_1356 = tpu.vector_load %arg8[%swap3A_1354, %swap3A_1355] {strides = array<i32>} : memref<8x128xi32, #tpu.memory_space<vmem>>, vector<16xi32>,
        tpu.vector_store %arg8[%swap3A_1354, %swap3A_1355], %add3A_1353 {strides = array<i32>} : memref<8x128xi32, #tpu.memory_space<vmem>>, vector<16xi32>,
        %add3A_1357 = arith.addi %add3A_1348, %max3A_1323 : vector<16xi32>
        %swap3A_1358 = arith.index_cast %scan3A_590 : i32 to index
        %swap3A_1359 = arith.constant 80 : index
        %swap3A_1360 = tpu.vector_load %arg9[%swap3A_1358, %swap3A_1359] {strides = array<i32>} : memref<8x128xi32, #tpu.memory_space<vmem>>, vector<16xi32>,
        tpu.vector_store %arg9[%swap3A_1358, %swap3A_1359], %add3A_1357 {strides = array<i32>} : memref<8x128xi32, #tpu.memory_space<vmem>>, vector<16xi32>,
        %add3A_1361 = arith.addi %add3A_1348, %min3A_1329 : vector<16xi32>
        %swap3A_1362 = arith.index_cast %scan3A_590 : i32 to index
        %swap3A_1363 = arith.constant 80 : index
        %swap3A_1364 = tpu.vector_load %arg10[%swap3A_1362, %swap3A_1363] {strides = array<i32>} : memref<8x128xi32, #tpu.memory_space<vmem>>, vector<16xi32>,
        tpu.vector_store %arg10[%swap3A_1362, %swap3A_1363], %add3A_1361 {strides = array<i32>} : memref<8x128xi32, #tpu.memory_space<vmem>>, vector<16xi32>,
        %broadcast_in_dim3A_1365 = arith.constant 0.000000e+00 : f32
        %broadcast_in_dim3A_1366 = vector.broadcast %broadcast_in_dim3A_1365 : f32 to vector<16xf32>
        %and3A_1367 = arith.andi %ge3A_1317, %ge3A_1311 : vector<16xi1>
        %mul3A_1368 = arith.mulf %sub3A_1308, %sub3A_1303 : vector<16xf32>
        %select_n3A_1369 = arith.select %and3A_1367, %mul3A_1368, %broadcast_in_dim3A_1366 : vector<16xi1>, vector<16xf32>
        %swap3A_1370 = arith.index_cast %add3A_1256 : i32 to index
        %swap3A_1371 = tpu.vector_load %arg11[%swap3A_1370] {strides = array<i32>} : memref<1024xf32, #tpu.memory_space<vmem>>, vector<16xf32>,
        tpu.vector_store %arg11[%swap3A_1370], %select_n3A_1369 {strides = array<i32>} : memref<1024xf32, #tpu.memory_space<vmem>>, vector<16xf32>,
        %and3A_1372 = arith.andi %ge3A_1317, %le3A_1314 : vector<16xi1>
        %mul3A_1373 = arith.mulf %sub3A_1308, %sub3A_1300 : vector<16xf32>
        %select_n3A_1374 = arith.select %and3A_1372, %mul3A_1373, %broadcast_in_dim3A_1366 : vector<16xi1>, vector<16xf32>
        %swap3A_1375 = arith.index_cast %add3A_1256 : i32 to index
        %swap3A_1376 = tpu.vector_load %arg12[%swap3A_1375] {strides = array<i32>} : memref<1024xf32, #tpu.memory_space<vmem>>, vector<16xf32>,
        tpu.vector_store %arg12[%swap3A_1375], %select_n3A_1374 {strides = array<i32>} : memref<1024xf32, #tpu.memory_space<vmem>>, vector<16xf32>,
        %and3A_1377 = arith.andi %le3A_1320, %ge3A_1311 : vector<16xi1>
        %mul3A_1378 = arith.mulf %sub3A_1305, %sub3A_1303 : vector<16xf32>
        %select_n3A_1379 = arith.select %and3A_1377, %mul3A_1378, %broadcast_in_dim3A_1366 : vector<16xi1>, vector<16xf32>
        %swap3A_1380 = arith.index_cast %add3A_1256 : i32 to index
        %swap3A_1381 = tpu.vector_load %arg13[%swap3A_1380] {strides = array<i32>} : memref<1024xf32, #tpu.memory_space<vmem>>, vector<16xf32>,
        tpu.vector_store %arg13[%swap3A_1380], %select_n3A_1379 {strides = array<i32>} : memref<1024xf32, #tpu.memory_space<vmem>>, vector<16xf32>,
        %and3A_1382 = arith.andi %le3A_1320, %le3A_1314 : vector<16xi1>
        %mul3A_1383 = arith.mulf %sub3A_1305, %sub3A_1300 : vector<16xf32>
        %select_n3A_1384 = arith.select %and3A_1382, %mul3A_1383, %broadcast_in_dim3A_1366 : vector<16xi1>, vector<16xf32>
        %swap3A_1385 = arith.index_cast %add3A_1256 : i32 to index
        %swap3A_1386 = tpu.vector_load %arg14[%swap3A_1385] {strides = array<i32>} : memref<1024xf32, #tpu.memory_space<vmem>>, vector<16xf32>,
        tpu.vector_store %arg14[%swap3A_1385], %select_n3A_1384 {strides = array<i32>} : memref<1024xf32, #tpu.memory_space<vmem>>, vector<16xf32>,
        %mul3A_1387 = arith.constant 128 : i32
        %mul3A_1388 = arith.muli %scan3A_590, %mul3A_1387 : i32
        %add3A_1389 = arith.constant 96 : i32
        %add3A_1390 = arith.addi %mul3A_1388, %add3A_1389 : i32
        %get3A_1391 = arith.index_cast %add3A_1390 : i32 to index
        %get3A_1392 = tpu.vector_load %arg5[%get3A_1391] {strides = array<i32>} : memref<1024xf32, #tpu.memory_space<vmem>>, vector<16xf32>,
        %get3A_1393 = arith.index_cast %add3A_1390 : i32 to index
        %get3A_1394 = tpu.vector_load %arg6[%get3A_1393] {strides = array<i32>} : memref<1024xf32, #tpu.memory_space<vmem>>, vector<16xf32>,
        %add3A_1395 = arith.constant 1.000000e+00 : f32
        %add3A_1396 = vector.broadcast %add3A_1395 : f32 to vector<16xf32>
        %add3A_1397 = arith.addf %get3A_1392, %add3A_1396 : vector<16xf32>
        %mul3A_1398 = arith.constant 3.840000e+02 : f32
        %mul3A_1399 = vector.broadcast %mul3A_1398 : f32 to vector<16xf32>
        %mul3A_1400 = arith.mulf %add3A_1397, %mul3A_1399 : vector<16xf32>
        %sub3A_1401 = arith.constant 1.000000e+00 : f32
        %sub3A_1402 = vector.broadcast %sub3A_1401 : f32 to vector<16xf32>
        %sub3A_1403 = arith.subf %mul3A_1400, %sub3A_1402 : vector<16xf32>
        %mul3A_1404 = arith.constant 5.000000e-01 : f32
        %mul3A_1405 = vector.broadcast %mul3A_1404 : f32 to vector<16xf32>
        %mul3A_1406 = arith.mulf %sub3A_1403, %mul3A_1405 : vector<16xf32>
        %add3A_1407 = arith.constant 1.000000e+00 : f32
        %add3A_1408 = vector.broadcast %add3A_1407 : f32 to vector<16xf32>
        %add3A_1409 = arith.addf %get3A_1394, %add3A_1408 : vector<16xf32>
        %mul3A_1410 = arith.constant 3.840000e+02 : f32
        %mul3A_1411 = vector.broadcast %mul3A_1410 : f32 to vector<16xf32>
        %mul3A_1412 = arith.mulf %add3A_1409, %mul3A_1411 : vector<16xf32>
        %sub3A_1413 = arith.constant 1.000000e+00 : f32
        %sub3A_1414 = vector.broadcast %sub3A_1413 : f32 to vector<16xf32>
        %sub3A_1415 = arith.subf %mul3A_1412, %sub3A_1414 : vector<16xf32>
        %mul3A_1416 = arith.constant 5.000000e-01 : f32
        %mul3A_1417 = vector.broadcast %mul3A_1416 : f32 to vector<16xf32>
        %mul3A_1418 = arith.mulf %sub3A_1415, %mul3A_1417 : vector<16xf32>
        %add3A_1419 = arith.constant 1.000000e+00 : f32
        %add3A_1420 = vector.broadcast %add3A_1419 : f32 to vector<16xf32>
        %add3A_1421 = arith.addf %mul3A_1406, %add3A_1420 : vector<16xf32>
        %convert_element_type3A_1422 = arith.fptosi %add3A_1421 : vector<16xf32> to vector<16xi32>
        %sub3A_1423 = arith.constant 1 : i32
        %sub3A_1424 = vector.broadcast %sub3A_1423 : i32 to vector<16xi32>
        %sub3A_1425 = arith.subi %convert_element_type3A_1422, %sub3A_1424 : vector<16xi32>
        %add3A_1426 = arith.constant 1.000000e+00 : f32
        %add3A_1427 = vector.broadcast %add3A_1426 : f32 to vector<16xf32>
        %add3A_1428 = arith.addf %mul3A_1418, %add3A_1427 : vector<16xf32>
        %convert_element_type3A_1429 = arith.fptosi %add3A_1428 : vector<16xf32> to vector<16xi32>
        %sub3A_1430 = arith.constant 1 : i32
        %sub3A_1431 = vector.broadcast %sub3A_1430 : i32 to vector<16xi32>
        %sub3A_1432 = arith.subi %convert_element_type3A_1429, %sub3A_1431 : vector<16xi32>
        %convert_element_type3A_1433 = arith.sitofp %sub3A_1425 : vector<16xi32> to vector<16xf32>
        %sub3A_1434 = arith.subf %mul3A_1406, %convert_element_type3A_1433 : vector<16xf32>
        %sub3A_1435 = arith.constant 1.000000e+00 : f32
        %sub3A_1436 = vector.broadcast %sub3A_1435 : f32 to vector<16xf32>
        %sub3A_1437 = arith.subf %sub3A_1436, %sub3A_1434 : vector<16xf32>
        %convert_element_type3A_1438 = arith.sitofp %sub3A_1432 : vector<16xi32> to vector<16xf32>
        %sub3A_1439 = arith.subf %mul3A_1418, %convert_element_type3A_1438 : vector<16xf32>
        %sub3A_1440 = arith.constant 1.000000e+00 : f32
        %sub3A_1441 = vector.broadcast %sub3A_1440 : f32 to vector<16xf32>
        %sub3A_1442 = arith.subf %sub3A_1441, %sub3A_1439 : vector<16xf32>
        %ge3A_1443 = arith.constant 0 : i32
        %ge3A_1444 = vector.broadcast %ge3A_1443 : i32 to vector<16xi32>
        %ge3A_1445 = arith.cmpi sge, %sub3A_1425, %ge3A_1444 : vector<16xi32>
        %le3A_1446 = arith.constant 382 : i32
        %le3A_1447 = vector.broadcast %le3A_1446 : i32 to vector<16xi32>
        %le3A_1448 = arith.cmpi sle, %sub3A_1425, %le3A_1447 : vector<16xi32>
        %ge3A_1449 = arith.constant 0 : i32
        %ge3A_1450 = vector.broadcast %ge3A_1449 : i32 to vector<16xi32>
        %ge3A_1451 = arith.cmpi sge, %sub3A_1432, %ge3A_1450 : vector<16xi32>
        %le3A_1452 = arith.constant 382 : i32
        %le3A_1453 = vector.broadcast %le3A_1452 : i32 to vector<16xi32>
        %le3A_1454 = arith.cmpi sle, %sub3A_1432, %le3A_1453 : vector<16xi32>
        %max3A_1455 = arith.constant 0 : i32
        %max3A_1456 = vector.broadcast %max3A_1455 : i32 to vector<16xi32>
        %max3A_1457 = arith.maxsi %sub3A_1425, %max3A_1456 : vector<16xi32>
        %add3A_1458 = arith.constant 1 : i32
        %add3A_1459 = vector.broadcast %add3A_1458 : i32 to vector<16xi32>
        %add3A_1460 = arith.addi %sub3A_1425, %add3A_1459 : vector<16xi32>
        %min3A_1461 = arith.constant 383 : i32
        %min3A_1462 = vector.broadcast %min3A_1461 : i32 to vector<16xi32>
        %min3A_1463 = arith.minsi %add3A_1460, %min3A_1462 : vector<16xi32>
        %max3A_1464 = arith.constant 0 : i32
        %max3A_1465 = vector.broadcast %max3A_1464 : i32 to vector<16xi32>
        %max3A_1466 = arith.maxsi %sub3A_1432, %max3A_1465 : vector<16xi32>
        %mul3A_1467 = arith.constant 384 : i32
        %mul3A_1468 = vector.broadcast %mul3A_1467 : i32 to vector<16xi32>
        %mul3A_1469 = arith.muli %max3A_1466, %mul3A_1468 : vector<16xi32>
        %add3A_1470 = vector.broadcast %mul3A_38 : i32 to vector<16xi32>
        %add3A_1471 = arith.addi %mul3A_1469, %add3A_1470 : vector<16xi32>
        %add3A_1472 = arith.constant 1 : i32
        %add3A_1473 = vector.broadcast %add3A_1472 : i32 to vector<16xi32>
        %add3A_1474 = arith.addi %sub3A_1432, %add3A_1473 : vector<16xi32>
        %min3A_1475 = arith.constant 383 : i32
        %min3A_1476 = vector.broadcast %min3A_1475 : i32 to vector<16xi32>
        %min3A_1477 = arith.minsi %add3A_1474, %min3A_1476 : vector<16xi32>
        %mul3A_1478 = arith.constant 384 : i32
        %mul3A_1479 = vector.broadcast %mul3A_1478 : i32 to vector<16xi32>
        %mul3A_1480 = arith.muli %min3A_1477, %mul3A_1479 : vector<16xi32>
        %add3A_1481 = vector.broadcast %mul3A_38 : i32 to vector<16xi32>
        %add3A_1482 = arith.addi %mul3A_1480, %add3A_1481 : vector<16xi32>
        %add3A_1483 = arith.addi %add3A_1471, %max3A_1457 : vector<16xi32>
        %swap3A_1484 = arith.index_cast %scan3A_590 : i32 to index
        %swap3A_1485 = arith.constant 96 : index
        %swap3A_1486 = tpu.vector_load %arg7[%swap3A_1484, %swap3A_1485] {strides = array<i32>} : memref<8x128xi32, #tpu.memory_space<vmem>>, vector<16xi32>,
        tpu.vector_store %arg7[%swap3A_1484, %swap3A_1485], %add3A_1483 {strides = array<i32>} : memref<8x128xi32, #tpu.memory_space<vmem>>, vector<16xi32>,
        %add3A_1487 = arith.addi %add3A_1471, %min3A_1463 : vector<16xi32>
        %swap3A_1488 = arith.index_cast %scan3A_590 : i32 to index
        %swap3A_1489 = arith.constant 96 : index
        %swap3A_1490 = tpu.vector_load %arg8[%swap3A_1488, %swap3A_1489] {strides = array<i32>} : memref<8x128xi32, #tpu.memory_space<vmem>>, vector<16xi32>,
        tpu.vector_store %arg8[%swap3A_1488, %swap3A_1489], %add3A_1487 {strides = array<i32>} : memref<8x128xi32, #tpu.memory_space<vmem>>, vector<16xi32>,
        %add3A_1491 = arith.addi %add3A_1482, %max3A_1457 : vector<16xi32>
        %swap3A_1492 = arith.index_cast %scan3A_590 : i32 to index
        %swap3A_1493 = arith.constant 96 : index
        %swap3A_1494 = tpu.vector_load %arg9[%swap3A_1492, %swap3A_1493] {strides = array<i32>} : memref<8x128xi32, #tpu.memory_space<vmem>>, vector<16xi32>,
        tpu.vector_store %arg9[%swap3A_1492, %swap3A_1493], %add3A_1491 {strides = array<i32>} : memref<8x128xi32, #tpu.memory_space<vmem>>, vector<16xi32>,
        %add3A_1495 = arith.addi %add3A_1482, %min3A_1463 : vector<16xi32>
        %swap3A_1496 = arith.index_cast %scan3A_590 : i32 to index
        %swap3A_1497 = arith.constant 96 : index
        %swap3A_1498 = tpu.vector_load %arg10[%swap3A_1496, %swap3A_1497] {strides = array<i32>} : memref<8x128xi32, #tpu.memory_space<vmem>>, vector<16xi32>,
        tpu.vector_store %arg10[%swap3A_1496, %swap3A_1497], %add3A_1495 {strides = array<i32>} : memref<8x128xi32, #tpu.memory_space<vmem>>, vector<16xi32>,
        %broadcast_in_dim3A_1499 = arith.constant 0.000000e+00 : f32
        %broadcast_in_dim3A_1500 = vector.broadcast %broadcast_in_dim3A_1499 : f32 to vector<16xf32>
        %and3A_1501 = arith.andi %ge3A_1451, %ge3A_1445 : vector<16xi1>
        %mul3A_1502 = arith.mulf %sub3A_1442, %sub3A_1437 : vector<16xf32>
        %select_n3A_1503 = arith.select %and3A_1501, %mul3A_1502, %broadcast_in_dim3A_1500 : vector<16xi1>, vector<16xf32>
        %swap3A_1504 = arith.index_cast %add3A_1390 : i32 to index
        %swap3A_1505 = tpu.vector_load %arg11[%swap3A_1504] {strides = array<i32>} : memref<1024xf32, #tpu.memory_space<vmem>>, vector<16xf32>,
        tpu.vector_store %arg11[%swap3A_1504], %select_n3A_1503 {strides = array<i32>} : memref<1024xf32, #tpu.memory_space<vmem>>, vector<16xf32>,
        %and3A_1506 = arith.andi %ge3A_1451, %le3A_1448 : vector<16xi1>
        %mul3A_1507 = arith.mulf %sub3A_1442, %sub3A_1434 : vector<16xf32>
        %select_n3A_1508 = arith.select %and3A_1506, %mul3A_1507, %broadcast_in_dim3A_1500 : vector<16xi1>, vector<16xf32>
        %swap3A_1509 = arith.index_cast %add3A_1390 : i32 to index
        %swap3A_1510 = tpu.vector_load %arg12[%swap3A_1509] {strides = array<i32>} : memref<1024xf32, #tpu.memory_space<vmem>>, vector<16xf32>,
        tpu.vector_store %arg12[%swap3A_1509], %select_n3A_1508 {strides = array<i32>} : memref<1024xf32, #tpu.memory_space<vmem>>, vector<16xf32>,
        %and3A_1511 = arith.andi %le3A_1454, %ge3A_1445 : vector<16xi1>
        %mul3A_1512 = arith.mulf %sub3A_1439, %sub3A_1437 : vector<16xf32>
        %select_n3A_1513 = arith.select %and3A_1511, %mul3A_1512, %broadcast_in_dim3A_1500 : vector<16xi1>, vector<16xf32>
        %swap3A_1514 = arith.index_cast %add3A_1390 : i32 to index
        %swap3A_1515 = tpu.vector_load %arg13[%swap3A_1514] {strides = array<i32>} : memref<1024xf32, #tpu.memory_space<vmem>>, vector<16xf32>,
        tpu.vector_store %arg13[%swap3A_1514], %select_n3A_1513 {strides = array<i32>} : memref<1024xf32, #tpu.memory_space<vmem>>, vector<16xf32>,
        %and3A_1516 = arith.andi %le3A_1454, %le3A_1448 : vector<16xi1>
        %mul3A_1517 = arith.mulf %sub3A_1439, %sub3A_1434 : vector<16xf32>
        %select_n3A_1518 = arith.select %and3A_1516, %mul3A_1517, %broadcast_in_dim3A_1500 : vector<16xi1>, vector<16xf32>
        %swap3A_1519 = arith.index_cast %add3A_1390 : i32 to index
        %swap3A_1520 = tpu.vector_load %arg14[%swap3A_1519] {strides = array<i32>} : memref<1024xf32, #tpu.memory_space<vmem>>, vector<16xf32>,
        tpu.vector_store %arg14[%swap3A_1519], %select_n3A_1518 {strides = array<i32>} : memref<1024xf32, #tpu.memory_space<vmem>>, vector<16xf32>,
        %mul3A_1521 = arith.constant 128 : i32
        %mul3A_1522 = arith.muli %scan3A_590, %mul3A_1521 : i32
        %add3A_1523 = arith.constant 112 : i32
        %add3A_1524 = arith.addi %mul3A_1522, %add3A_1523 : i32
        %get3A_1525 = arith.index_cast %add3A_1524 : i32 to index
        %get3A_1526 = tpu.vector_load %arg5[%get3A_1525] {strides = array<i32>} : memref<1024xf32, #tpu.memory_space<vmem>>, vector<16xf32>,
        %get3A_1527 = arith.index_cast %add3A_1524 : i32 to index
        %get3A_1528 = tpu.vector_load %arg6[%get3A_1527] {strides = array<i32>} : memref<1024xf32, #tpu.memory_space<vmem>>, vector<16xf32>,
        %add3A_1529 = arith.constant 1.000000e+00 : f32
        %add3A_1530 = vector.broadcast %add3A_1529 : f32 to vector<16xf32>
        %add3A_1531 = arith.addf %get3A_1526, %add3A_1530 : vector<16xf32>
        %mul3A_1532 = arith.constant 3.840000e+02 : f32
        %mul3A_1533 = vector.broadcast %mul3A_1532 : f32 to vector<16xf32>
        %mul3A_1534 = arith.mulf %add3A_1531, %mul3A_1533 : vector<16xf32>
        %sub3A_1535 = arith.constant 1.000000e+00 : f32
        %sub3A_1536 = vector.broadcast %sub3A_1535 : f32 to vector<16xf32>
        %sub3A_1537 = arith.subf %mul3A_1534, %sub3A_1536 : vector<16xf32>
        %mul3A_1538 = arith.constant 5.000000e-01 : f32
        %mul3A_1539 = vector.broadcast %mul3A_1538 : f32 to vector<16xf32>
        %mul3A_1540 = arith.mulf %sub3A_1537, %mul3A_1539 : vector<16xf32>
        %add3A_1541 = arith.constant 1.000000e+00 : f32
        %add3A_1542 = vector.broadcast %add3A_1541 : f32 to vector<16xf32>
        %add3A_1543 = arith.addf %get3A_1528, %add3A_1542 : vector<16xf32>
        %mul3A_1544 = arith.constant 3.840000e+02 : f32
        %mul3A_1545 = vector.broadcast %mul3A_1544 : f32 to vector<16xf32>
        %mul3A_1546 = arith.mulf %add3A_1543, %mul3A_1545 : vector<16xf32>
        %sub3A_1547 = arith.constant 1.000000e+00 : f32
        %sub3A_1548 = vector.broadcast %sub3A_1547 : f32 to vector<16xf32>
        %sub3A_1549 = arith.subf %mul3A_1546, %sub3A_1548 : vector<16xf32>
        %mul3A_1550 = arith.constant 5.000000e-01 : f32
        %mul3A_1551 = vector.broadcast %mul3A_1550 : f32 to vector<16xf32>
        %mul3A_1552 = arith.mulf %sub3A_1549, %mul3A_1551 : vector<16xf32>
        %add3A_1553 = arith.constant 1.000000e+00 : f32
        %add3A_1554 = vector.broadcast %add3A_1553 : f32 to vector<16xf32>
        %add3A_1555 = arith.addf %mul3A_1540, %add3A_1554 : vector<16xf32>
        %convert_element_type3A_1556 = arith.fptosi %add3A_1555 : vector<16xf32> to vector<16xi32>
        %sub3A_1557 = arith.constant 1 : i32
        %sub3A_1558 = vector.broadcast %sub3A_1557 : i32 to vector<16xi32>
        %sub3A_1559 = arith.subi %convert_element_type3A_1556, %sub3A_1558 : vector<16xi32>
        %add3A_1560 = arith.constant 1.000000e+00 : f32
        %add3A_1561 = vector.broadcast %add3A_1560 : f32 to vector<16xf32>
        %add3A_1562 = arith.addf %mul3A_1552, %add3A_1561 : vector<16xf32>
        %convert_element_type3A_1563 = arith.fptosi %add3A_1562 : vector<16xf32> to vector<16xi32>
        %sub3A_1564 = arith.constant 1 : i32
        %sub3A_1565 = vector.broadcast %sub3A_1564 : i32 to vector<16xi32>
        %sub3A_1566 = arith.subi %convert_element_type3A_1563, %sub3A_1565 : vector<16xi32>
        %convert_element_type3A_1567 = arith.sitofp %sub3A_1559 : vector<16xi32> to vector<16xf32>
        %sub3A_1568 = arith.subf %mul3A_1540, %convert_element_type3A_1567 : vector<16xf32>
        %sub3A_1569 = arith.constant 1.000000e+00 : f32
        %sub3A_1570 = vector.broadcast %sub3A_1569 : f32 to vector<16xf32>
        %sub3A_1571 = arith.subf %sub3A_1570, %sub3A_1568 : vector<16xf32>
        %convert_element_type3A_1572 = arith.sitofp %sub3A_1566 : vector<16xi32> to vector<16xf32>
        %sub3A_1573 = arith.subf %mul3A_1552, %convert_element_type3A_1572 : vector<16xf32>
        %sub3A_1574 = arith.constant 1.000000e+00 : f32
        %sub3A_1575 = vector.broadcast %sub3A_1574 : f32 to vector<16xf32>
        %sub3A_1576 = arith.subf %sub3A_1575, %sub3A_1573 : vector<16xf32>
        %ge3A_1577 = arith.constant 0 : i32
        %ge3A_1578 = vector.broadcast %ge3A_1577 : i32 to vector<16xi32>
        %ge3A_1579 = arith.cmpi sge, %sub3A_1559, %ge3A_1578 : vector<16xi32>
        %le3A_1580 = arith.constant 382 : i32
        %le3A_1581 = vector.broadcast %le3A_1580 : i32 to vector<16xi32>
        %le3A_1582 = arith.cmpi sle, %sub3A_1559, %le3A_1581 : vector<16xi32>
        %ge3A_1583 = arith.constant 0 : i32
        %ge3A_1584 = vector.broadcast %ge3A_1583 : i32 to vector<16xi32>
        %ge3A_1585 = arith.cmpi sge, %sub3A_1566, %ge3A_1584 : vector<16xi32>
        %le3A_1586 = arith.constant 382 : i32
        %le3A_1587 = vector.broadcast %le3A_1586 : i32 to vector<16xi32>
        %le3A_1588 = arith.cmpi sle, %sub3A_1566, %le3A_1587 : vector<16xi32>
        %max3A_1589 = arith.constant 0 : i32
        %max3A_1590 = vector.broadcast %max3A_1589 : i32 to vector<16xi32>
        %max3A_1591 = arith.maxsi %sub3A_1559, %max3A_1590 : vector<16xi32>
        %add3A_1592 = arith.constant 1 : i32
        %add3A_1593 = vector.broadcast %add3A_1592 : i32 to vector<16xi32>
        %add3A_1594 = arith.addi %sub3A_1559, %add3A_1593 : vector<16xi32>
        %min3A_1595 = arith.constant 383 : i32
        %min3A_1596 = vector.broadcast %min3A_1595 : i32 to vector<16xi32>
        %min3A_1597 = arith.minsi %add3A_1594, %min3A_1596 : vector<16xi32>
        %max3A_1598 = arith.constant 0 : i32
        %max3A_1599 = vector.broadcast %max3A_1598 : i32 to vector<16xi32>
        %max3A_1600 = arith.maxsi %sub3A_1566, %max3A_1599 : vector<16xi32>
        %mul3A_1601 = arith.constant 384 : i32
        %mul3A_1602 = vector.broadcast %mul3A_1601 : i32 to vector<16xi32>
        %mul3A_1603 = arith.muli %max3A_1600, %mul3A_1602 : vector<16xi32>
        %add3A_1604 = vector.broadcast %mul3A_38 : i32 to vector<16xi32>
        %add3A_1605 = arith.addi %mul3A_1603, %add3A_1604 : vector<16xi32>
        %add3A_1606 = arith.constant 1 : i32
        %add3A_1607 = vector.broadcast %add3A_1606 : i32 to vector<16xi32>
        %add3A_1608 = arith.addi %sub3A_1566, %add3A_1607 : vector<16xi32>
        %min3A_1609 = arith.constant 383 : i32
        %min3A_1610 = vector.broadcast %min3A_1609 : i32 to vector<16xi32>
        %min3A_1611 = arith.minsi %add3A_1608, %min3A_1610 : vector<16xi32>
        %mul3A_1612 = arith.constant 384 : i32
        %mul3A_1613 = vector.broadcast %mul3A_1612 : i32 to vector<16xi32>
        %mul3A_1614 = arith.muli %min3A_1611, %mul3A_1613 : vector<16xi32>
        %add3A_1615 = vector.broadcast %mul3A_38 : i32 to vector<16xi32>
        %add3A_1616 = arith.addi %mul3A_1614, %add3A_1615 : vector<16xi32>
        %add3A_1617 = arith.addi %add3A_1605, %max3A_1591 : vector<16xi32>
        %swap3A_1618 = arith.index_cast %scan3A_590 : i32 to index
        %swap3A_1619 = arith.constant 112 : index
        %swap3A_1620 = tpu.vector_load %arg7[%swap3A_1618, %swap3A_1619] {strides = array<i32>} : memref<8x128xi32, #tpu.memory_space<vmem>>, vector<16xi32>,
        tpu.vector_store %arg7[%swap3A_1618, %swap3A_1619], %add3A_1617 {strides = array<i32>} : memref<8x128xi32, #tpu.memory_space<vmem>>, vector<16xi32>,
        %add3A_1621 = arith.addi %add3A_1605, %min3A_1597 : vector<16xi32>
        %swap3A_1622 = arith.index_cast %scan3A_590 : i32 to index
        %swap3A_1623 = arith.constant 112 : index
        %swap3A_1624 = tpu.vector_load %arg8[%swap3A_1622, %swap3A_1623] {strides = array<i32>} : memref<8x128xi32, #tpu.memory_space<vmem>>, vector<16xi32>,
        tpu.vector_store %arg8[%swap3A_1622, %swap3A_1623], %add3A_1621 {strides = array<i32>} : memref<8x128xi32, #tpu.memory_space<vmem>>, vector<16xi32>,
        %add3A_1625 = arith.addi %add3A_1616, %max3A_1591 : vector<16xi32>
        %swap3A_1626 = arith.index_cast %scan3A_590 : i32 to index
        %swap3A_1627 = arith.constant 112 : index
        %swap3A_1628 = tpu.vector_load %arg9[%swap3A_1626, %swap3A_1627] {strides = array<i32>} : memref<8x128xi32, #tpu.memory_space<vmem>>, vector<16xi32>,
        tpu.vector_store %arg9[%swap3A_1626, %swap3A_1627], %add3A_1625 {strides = array<i32>} : memref<8x128xi32, #tpu.memory_space<vmem>>, vector<16xi32>,
        %add3A_1629 = arith.addi %add3A_1616, %min3A_1597 : vector<16xi32>
        %swap3A_1630 = arith.index_cast %scan3A_590 : i32 to index
        %swap3A_1631 = arith.constant 112 : index
        %swap3A_1632 = tpu.vector_load %arg10[%swap3A_1630, %swap3A_1631] {strides = array<i32>} : memref<8x128xi32, #tpu.memory_space<vmem>>, vector<16xi32>,
        tpu.vector_store %arg10[%swap3A_1630, %swap3A_1631], %add3A_1629 {strides = array<i32>} : memref<8x128xi32, #tpu.memory_space<vmem>>, vector<16xi32>,
        %broadcast_in_dim3A_1633 = arith.constant 0.000000e+00 : f32
        %broadcast_in_dim3A_1634 = vector.broadcast %broadcast_in_dim3A_1633 : f32 to vector<16xf32>
        %and3A_1635 = arith.andi %ge3A_1585, %ge3A_1579 : vector<16xi1>
        %mul3A_1636 = arith.mulf %sub3A_1576, %sub3A_1571 : vector<16xf32>
        %select_n3A_1637 = arith.select %and3A_1635, %mul3A_1636, %broadcast_in_dim3A_1634 : vector<16xi1>, vector<16xf32>
        %swap3A_1638 = arith.index_cast %add3A_1524 : i32 to index
        %swap3A_1639 = tpu.vector_load %arg11[%swap3A_1638] {strides = array<i32>} : memref<1024xf32, #tpu.memory_space<vmem>>, vector<16xf32>,
        tpu.vector_store %arg11[%swap3A_1638], %select_n3A_1637 {strides = array<i32>} : memref<1024xf32, #tpu.memory_space<vmem>>, vector<16xf32>,
        %and3A_1640 = arith.andi %ge3A_1585, %le3A_1582 : vector<16xi1>
        %mul3A_1641 = arith.mulf %sub3A_1576, %sub3A_1568 : vector<16xf32>
        %select_n3A_1642 = arith.select %and3A_1640, %mul3A_1641, %broadcast_in_dim3A_1634 : vector<16xi1>, vector<16xf32>
        %swap3A_1643 = arith.index_cast %add3A_1524 : i32 to index
        %swap3A_1644 = tpu.vector_load %arg12[%swap3A_1643] {strides = array<i32>} : memref<1024xf32, #tpu.memory_space<vmem>>, vector<16xf32>,
        tpu.vector_store %arg12[%swap3A_1643], %select_n3A_1642 {strides = array<i32>} : memref<1024xf32, #tpu.memory_space<vmem>>, vector<16xf32>,
        %and3A_1645 = arith.andi %le3A_1588, %ge3A_1579 : vector<16xi1>
        %mul3A_1646 = arith.mulf %sub3A_1573, %sub3A_1571 : vector<16xf32>
        %select_n3A_1647 = arith.select %and3A_1645, %mul3A_1646, %broadcast_in_dim3A_1634 : vector<16xi1>, vector<16xf32>
        %swap3A_1648 = arith.index_cast %add3A_1524 : i32 to index
        %swap3A_1649 = tpu.vector_load %arg13[%swap3A_1648] {strides = array<i32>} : memref<1024xf32, #tpu.memory_space<vmem>>, vector<16xf32>,
        tpu.vector_store %arg13[%swap3A_1648], %select_n3A_1647 {strides = array<i32>} : memref<1024xf32, #tpu.memory_space<vmem>>, vector<16xf32>,
        %and3A_1650 = arith.andi %le3A_1588, %le3A_1582 : vector<16xi1>
        %mul3A_1651 = arith.mulf %sub3A_1573, %sub3A_1568 : vector<16xf32>
        %select_n3A_1652 = arith.select %and3A_1650, %mul3A_1651, %broadcast_in_dim3A_1634 : vector<16xi1>, vector<16xf32>
        %swap3A_1653 = arith.index_cast %add3A_1524 : i32 to index
        %swap3A_1654 = tpu.vector_load %arg14[%swap3A_1653] {strides = array<i32>} : memref<1024xf32, #tpu.memory_space<vmem>>, vector<16xf32>,
        tpu.vector_store %arg14[%swap3A_1653], %select_n3A_1652 {strides = array<i32>} : memref<1024xf32, #tpu.memory_space<vmem>>, vector<16xf32>,
      }
      %scan3A_55 = arith.constant 8 : i32
      %dma_start3A = arith.constant 0 : i32
      %dma_start3A_56 = arith.constant 0 : i32
      %dma_start3A_57 = tpu.memref_slice %arg7[%dma_start3A, %dma_start3A_56] : memref<8x128xi32, #tpu.memory_space<vmem>> -> memref<1x128xi32, #tpu.memory_space<vmem>>
      %dma_start3A_58 = tpu.memref_squeeze %dma_start3A_57 : memref<1x128xi32, #tpu.memory_space<vmem>> -> memref<128xi32, #tpu.memory_space<vmem>>
      %dma_start3A_59 = arith.constant 0 : i32
      %dma_start3A_60 = arith.constant 0 : i32
      %dma_start3A_61 = tpu.memref_slice %arg2[%dma_start3A_59, %dma_start3A_60] : memref<589824x96xbf16, #tpu.memory_space<hbm>> -> memref<589824x96xbf16, #tpu.memory_space<hbm>>
      tpu.enqueue_indirect_dma source(%dma_start3A_61 : memref<589824x96xbf16, #tpu.memory_space<hbm>>) target(%arg15 : memref<128x96xbf16, #tpu.memory_space<vmem>>) offsets(%dma_start3A_58 : memref<128xi32, #tpu.memory_space<vmem>>) semaphore(%arg24 : memref<!tpu.dma_semaphore, #tpu.memory_space<semaphore_mem>>)
      %dma_start3A_62 = arith.constant 0 : i32
      %dma_start3A_63 = arith.constant 0 : i32
      %dma_start3A_64 = tpu.memref_slice %arg8[%dma_start3A_62, %dma_start3A_63] : memref<8x128xi32, #tpu.memory_space<vmem>> -> memref<1x128xi32, #tpu.memory_space<vmem>>
      %dma_start3A_65 = tpu.memref_squeeze %dma_start3A_64 : memref<1x128xi32, #tpu.memory_space<vmem>> -> memref<128xi32, #tpu.memory_space<vmem>>
      %dma_start3A_66 = arith.constant 0 : i32
      %dma_start3A_67 = arith.constant 0 : i32
      %dma_start3A_68 = tpu.memref_slice %arg2[%dma_start3A_66, %dma_start3A_67] : memref<589824x96xbf16, #tpu.memory_space<hbm>> -> memref<589824x96xbf16, #tpu.memory_space<hbm>>
      tpu.enqueue_indirect_dma source(%dma_start3A_68 : memref<589824x96xbf16, #tpu.memory_space<hbm>>) target(%arg16 : memref<128x96xbf16, #tpu.memory_space<vmem>>) offsets(%dma_start3A_65 : memref<128xi32, #tpu.memory_space<vmem>>) semaphore(%arg24 : memref<!tpu.dma_semaphore, #tpu.memory_space<semaphore_mem>>)
      %dma_start3A_69 = arith.constant 0 : i32
      %dma_start3A_70 = arith.constant 0 : i32
      %dma_start3A_71 = tpu.memref_slice %arg9[%dma_start3A_69, %dma_start3A_70] : memref<8x128xi32, #tpu.memory_space<vmem>> -> memref<1x128xi32, #tpu.memory_space<vmem>>
      %dma_start3A_72 = tpu.memref_squeeze %dma_start3A_71 : memref<1x128xi32, #tpu.memory_space<vmem>> -> memref<128xi32, #tpu.memory_space<vmem>>
      %dma_start3A_73 = arith.constant 0 : i32
      %dma_start3A_74 = arith.constant 0 : i32
      %dma_start3A_75 = tpu.memref_slice %arg2[%dma_start3A_73, %dma_start3A_74] : memref<589824x96xbf16, #tpu.memory_space<hbm>> -> memref<589824x96xbf16, #tpu.memory_space<hbm>>
      tpu.enqueue_indirect_dma source(%dma_start3A_75 : memref<589824x96xbf16, #tpu.memory_space<hbm>>) target(%arg17 : memref<128x96xbf16, #tpu.memory_space<vmem>>) offsets(%dma_start3A_72 : memref<128xi32, #tpu.memory_space<vmem>>) semaphore(%arg24 : memref<!tpu.dma_semaphore, #tpu.memory_space<semaphore_mem>>)
      %dma_start3A_76 = arith.constant 0 : i32
      %dma_start3A_77 = arith.constant 0 : i32
      %dma_start3A_78 = tpu.memref_slice %arg10[%dma_start3A_76, %dma_start3A_77] : memref<8x128xi32, #tpu.memory_space<vmem>> -> memref<1x128xi32, #tpu.memory_space<vmem>>
      %dma_start3A_79 = tpu.memref_squeeze %dma_start3A_78 : memref<1x128xi32, #tpu.memory_space<vmem>> -> memref<128xi32, #tpu.memory_space<vmem>>
      %dma_start3A_80 = arith.constant 0 : i32
      %dma_start3A_81 = arith.constant 0 : i32
      %dma_start3A_82 = tpu.memref_slice %arg2[%dma_start3A_80, %dma_start3A_81] : memref<589824x96xbf16, #tpu.memory_space<hbm>> -> memref<589824x96xbf16, #tpu.memory_space<hbm>>
      tpu.enqueue_indirect_dma source(%dma_start3A_82 : memref<589824x96xbf16, #tpu.memory_space<hbm>>) target(%arg18 : memref<128x96xbf16, #tpu.memory_space<vmem>>) offsets(%dma_start3A_79 : memref<128xi32, #tpu.memory_space<vmem>>) semaphore(%arg24 : memref<!tpu.dma_semaphore, #tpu.memory_space<semaphore_mem>>)
      %dma_start3A_83 = arith.constant 1 : i32
      %dma_start3A_84 = arith.constant 0 : i32
      %dma_start3A_85 = tpu.memref_slice %arg7[%dma_start3A_83, %dma_start3A_84] : memref<8x128xi32, #tpu.memory_space<vmem>> -> memref<1x128xi32, #tpu.memory_space<vmem>>
      %dma_start3A_86 = tpu.memref_squeeze %dma_start3A_85 : memref<1x128xi32, #tpu.memory_space<vmem>> -> memref<128xi32, #tpu.memory_space<vmem>>
      %dma_start3A_87 = arith.constant 0 : i32
      %dma_start3A_88 = arith.constant 0 : i32
      %dma_start3A_89 = tpu.memref_slice %arg2[%dma_start3A_87, %dma_start3A_88] : memref<589824x96xbf16, #tpu.memory_space<hbm>> -> memref<589824x96xbf16, #tpu.memory_space<hbm>>
      tpu.enqueue_indirect_dma source(%dma_start3A_89 : memref<589824x96xbf16, #tpu.memory_space<hbm>>) target(%arg19 : memref<128x96xbf16, #tpu.memory_space<vmem>>) offsets(%dma_start3A_86 : memref<128xi32, #tpu.memory_space<vmem>>) semaphore(%arg25 : memref<!tpu.dma_semaphore, #tpu.memory_space<semaphore_mem>>)
      %dma_start3A_90 = arith.constant 1 : i32
      %dma_start3A_91 = arith.constant 0 : i32
      %dma_start3A_92 = tpu.memref_slice %arg8[%dma_start3A_90, %dma_start3A_91] : memref<8x128xi32, #tpu.memory_space<vmem>> -> memref<1x128xi32, #tpu.memory_space<vmem>>
      %dma_start3A_93 = tpu.memref_squeeze %dma_start3A_92 : memref<1x128xi32, #tpu.memory_space<vmem>> -> memref<128xi32, #tpu.memory_space<vmem>>
      %dma_start3A_94 = arith.constant 0 : i32
      %dma_start3A_95 = arith.constant 0 : i32
      %dma_start3A_96 = tpu.memref_slice %arg2[%dma_start3A_94, %dma_start3A_95] : memref<589824x96xbf16, #tpu.memory_space<hbm>> -> memref<589824x96xbf16, #tpu.memory_space<hbm>>
      tpu.enqueue_indirect_dma source(%dma_start3A_96 : memref<589824x96xbf16, #tpu.memory_space<hbm>>) target(%arg20 : memref<128x96xbf16, #tpu.memory_space<vmem>>) offsets(%dma_start3A_93 : memref<128xi32, #tpu.memory_space<vmem>>) semaphore(%arg25 : memref<!tpu.dma_semaphore, #tpu.memory_space<semaphore_mem>>)
      %dma_start3A_97 = arith.constant 1 : i32
      %dma_start3A_98 = arith.constant 0 : i32
      %dma_start3A_99 = tpu.memref_slice %arg9[%dma_start3A_97, %dma_start3A_98] : memref<8x128xi32, #tpu.memory_space<vmem>> -> memref<1x128xi32, #tpu.memory_space<vmem>>
      %dma_start3A_100 = tpu.memref_squeeze %dma_start3A_99 : memref<1x128xi32, #tpu.memory_space<vmem>> -> memref<128xi32, #tpu.memory_space<vmem>>
      %dma_start3A_101 = arith.constant 0 : i32
      %dma_start3A_102 = arith.constant 0 : i32
      %dma_start3A_103 = tpu.memref_slice %arg2[%dma_start3A_101, %dma_start3A_102] : memref<589824x96xbf16, #tpu.memory_space<hbm>> -> memref<589824x96xbf16, #tpu.memory_space<hbm>>
      tpu.enqueue_indirect_dma source(%dma_start3A_103 : memref<589824x96xbf16, #tpu.memory_space<hbm>>) target(%arg21 : memref<128x96xbf16, #tpu.memory_space<vmem>>) offsets(%dma_start3A_100 : memref<128xi32, #tpu.memory_space<vmem>>) semaphore(%arg25 : memref<!tpu.dma_semaphore, #tpu.memory_space<semaphore_mem>>)
      %dma_start3A_104 = arith.constant 1 : i32
      %dma_start3A_105 = arith.constant 0 : i32
      %dma_start3A_106 = tpu.memref_slice %arg10[%dma_start3A_104, %dma_start3A_105] : memref<8x128xi32, #tpu.memory_space<vmem>> -> memref<1x128xi32, #tpu.memory_space<vmem>>
      %dma_start3A_107 = tpu.memref_squeeze %dma_start3A_106 : memref<1x128xi32, #tpu.memory_space<vmem>> -> memref<128xi32, #tpu.memory_space<vmem>>
      %dma_start3A_108 = arith.constant 0 : i32
      %dma_start3A_109 = arith.constant 0 : i32
      %dma_start3A_110 = tpu.memref_slice %arg2[%dma_start3A_108, %dma_start3A_109] : memref<589824x96xbf16, #tpu.memory_space<hbm>> -> memref<589824x96xbf16, #tpu.memory_space<hbm>>
      tpu.enqueue_indirect_dma source(%dma_start3A_110 : memref<589824x96xbf16, #tpu.memory_space<hbm>>) target(%arg22 : memref<128x96xbf16, #tpu.memory_space<vmem>>) offsets(%dma_start3A_107 : memref<128xi32, #tpu.memory_space<vmem>>) semaphore(%arg25 : memref<!tpu.dma_semaphore, #tpu.memory_space<semaphore_mem>>)
      %dma_wait3A = arith.constant 0 : i32
      %dma_wait3A_111 = arith.constant 0 : i32
      %dma_wait3A_112 = tpu.memref_slice %arg7[%dma_wait3A, %dma_wait3A_111] : memref<8x128xi32, #tpu.memory_space<vmem>> -> memref<1x128xi32, #tpu.memory_space<vmem>>
      %dma_wait3A_113 = tpu.memref_squeeze %dma_wait3A_112 : memref<1x128xi32, #tpu.memory_space<vmem>> -> memref<128xi32, #tpu.memory_space<vmem>>
      %dma_wait3A_114 = arith.constant 0 : i32
      %dma_wait3A_115 = arith.constant 0 : i32
      %dma_wait3A_116 = tpu.memref_slice %arg2[%dma_wait3A_114, %dma_wait3A_115] : memref<589824x96xbf16, #tpu.memory_space<hbm>> -> memref<589824x96xbf16, #tpu.memory_space<hbm>>
      tpu.wait_indirect_dma semaphore(%arg24 : memref<!tpu.dma_semaphore, #tpu.memory_space<semaphore_mem>>) src(%dma_wait3A_116 : memref<589824x96xbf16, #tpu.memory_space<hbm>>) dst(%arg15 : memref<128x96xbf16, #tpu.memory_space<vmem>>)
      %dma_wait3A_117 = arith.constant 0 : i32
      %dma_wait3A_118 = arith.constant 0 : i32
      %dma_wait3A_119 = tpu.memref_slice %arg8[%dma_wait3A_117, %dma_wait3A_118] : memref<8x128xi32, #tpu.memory_space<vmem>> -> memref<1x128xi32, #tpu.memory_space<vmem>>
      %dma_wait3A_120 = tpu.memref_squeeze %dma_wait3A_119 : memref<1x128xi32, #tpu.memory_space<vmem>> -> memref<128xi32, #tpu.memory_space<vmem>>
      %dma_wait3A_121 = arith.constant 0 : i32
      %dma_wait3A_122 = arith.constant 0 : i32
      %dma_wait3A_123 = tpu.memref_slice %arg2[%dma_wait3A_121, %dma_wait3A_122] : memref<589824x96xbf16, #tpu.memory_space<hbm>> -> memref<589824x96xbf16, #tpu.memory_space<hbm>>
      tpu.wait_indirect_dma semaphore(%arg24 : memref<!tpu.dma_semaphore, #tpu.memory_space<semaphore_mem>>) src(%dma_wait3A_123 : memref<589824x96xbf16, #tpu.memory_space<hbm>>) dst(%arg16 : memref<128x96xbf16, #tpu.memory_space<vmem>>)
      %dma_wait3A_124 = arith.constant 0 : i32
      %dma_wait3A_125 = arith.constant 0 : i32
      %dma_wait3A_126 = tpu.memref_slice %arg9[%dma_wait3A_124, %dma_wait3A_125] : memref<8x128xi32, #tpu.memory_space<vmem>> -> memref<1x128xi32, #tpu.memory_space<vmem>>
      %dma_wait3A_127 = tpu.memref_squeeze %dma_wait3A_126 : memref<1x128xi32, #tpu.memory_space<vmem>> -> memref<128xi32, #tpu.memory_space<vmem>>
      %dma_wait3A_128 = arith.constant 0 : i32
      %dma_wait3A_129 = arith.constant 0 : i32
      %dma_wait3A_130 = tpu.memref_slice %arg2[%dma_wait3A_128, %dma_wait3A_129] : memref<589824x96xbf16, #tpu.memory_space<hbm>> -> memref<589824x96xbf16, #tpu.memory_space<hbm>>
      tpu.wait_indirect_dma semaphore(%arg24 : memref<!tpu.dma_semaphore, #tpu.memory_space<semaphore_mem>>) src(%dma_wait3A_130 : memref<589824x96xbf16, #tpu.memory_space<hbm>>) dst(%arg17 : memref<128x96xbf16, #tpu.memory_space<vmem>>)
      %dma_wait3A_131 = arith.constant 0 : i32
      %dma_wait3A_132 = arith.constant 0 : i32
      %dma_wait3A_133 = tpu.memref_slice %arg10[%dma_wait3A_131, %dma_wait3A_132] : memref<8x128xi32, #tpu.memory_space<vmem>> -> memref<1x128xi32, #tpu.memory_space<vmem>>
      %dma_wait3A_134 = tpu.memref_squeeze %dma_wait3A_133 : memref<1x128xi32, #tpu.memory_space<vmem>> -> memref<128xi32, #tpu.memory_space<vmem>>
      %dma_wait3A_135 = arith.constant 0 : i32
      %dma_wait3A_136 = arith.constant 0 : i32
      %dma_wait3A_137 = tpu.memref_slice %arg2[%dma_wait3A_135, %dma_wait3A_136] : memref<589824x96xbf16, #tpu.memory_space<hbm>> -> memref<589824x96xbf16, #tpu.memory_space<hbm>>
      tpu.wait_indirect_dma semaphore(%arg24 : memref<!tpu.dma_semaphore, #tpu.memory_space<semaphore_mem>>) src(%dma_wait3A_137 : memref<589824x96xbf16, #tpu.memory_space<hbm>>) dst(%arg18 : memref<128x96xbf16, #tpu.memory_space<vmem>>)
      %scan3A_138 = arith.constant 0 : i32
      %scan3A_139 = arith.constant 0 : i32
      %scan3A_140 = arith.constant 128 : i32
      %scan3A_141 = arith.addi %scan3A_139, %scan3A_140 : i32
      %scan3A_142 = arith.constant 1 : i32
      scf.for %scan3A_590 = %scan3A_139 to %scan3A_141 step %scan3A_142  : i32 {
        %add3A_591 = arith.constant 0 : i32
        %add3A_592 = arith.addi %add3A_591, %scan3A_590 : i32
        %broadcast_in_dim3A = vector.broadcast %add3A_592 : i32 to vector<16xi32>
        %gather3A = tpu.vector_load_idx %arg11[%broadcast_in_dim3A] : memref<1024xf32, #tpu.memory_space<vmem>>[vector<16xi32>], vector<16xf32>,
        %gather3A_593 = tpu.vector_load_idx %arg12[%broadcast_in_dim3A] : memref<1024xf32, #tpu.memory_space<vmem>>[vector<16xi32>], vector<16xf32>,
        %gather3A_594 = tpu.vector_load_idx %arg13[%broadcast_in_dim3A] : memref<1024xf32, #tpu.memory_space<vmem>>[vector<16xi32>], vector<16xf32>,
        %gather3A_595 = tpu.vector_load_idx %arg14[%broadcast_in_dim3A] : memref<1024xf32, #tpu.memory_space<vmem>>[vector<16xi32>], vector<16xf32>,
        %get3A = arith.index_cast %scan3A_590 : i32 to index
        %get3A_596 = arith.constant 0 : index
        %get3A_597 = tpu.vector_load %arg15[%get3A, %get3A_596] {strides = array<i32>} : memref<128x96xbf16, #tpu.memory_space<vmem>>, vector<32xbf16>,
        %unpack3A = tpu.unpack_subelements %get3A_597, 0 {pack_format = #tpu.pack_format<interleaved>} : vector<32xbf16> -> vector<16xf32>
        %unpack3A_598 = tpu.unpack_subelements %get3A_597, 1 {pack_format = #tpu.pack_format<interleaved>} : vector<32xbf16> -> vector<16xf32>
        %get3A_599 = arith.index_cast %scan3A_590 : i32 to index
        %get3A_600 = arith.constant 0 : index
        %get3A_601 = tpu.vector_load %arg16[%get3A_599, %get3A_600] {strides = array<i32>} : memref<128x96xbf16, #tpu.memory_space<vmem>>, vector<32xbf16>,
        %unpack3A_602 = tpu.unpack_subelements %get3A_601, 0 {pack_format = #tpu.pack_format<interleaved>} : vector<32xbf16> -> vector<16xf32>
        %unpack3A_603 = tpu.unpack_subelements %get3A_601, 1 {pack_format = #tpu.pack_format<interleaved>} : vector<32xbf16> -> vector<16xf32>
        %get3A_604 = arith.index_cast %scan3A_590 : i32 to index
        %get3A_605 = arith.constant 0 : index
        %get3A_606 = tpu.vector_load %arg17[%get3A_604, %get3A_605] {strides = array<i32>} : memref<128x96xbf16, #tpu.memory_space<vmem>>, vector<32xbf16>,
        %unpack3A_607 = tpu.unpack_subelements %get3A_606, 0 {pack_format = #tpu.pack_format<interleaved>} : vector<32xbf16> -> vector<16xf32>
        %unpack3A_608 = tpu.unpack_subelements %get3A_606, 1 {pack_format = #tpu.pack_format<interleaved>} : vector<32xbf16> -> vector<16xf32>
        %get3A_609 = arith.index_cast %scan3A_590 : i32 to index
        %get3A_610 = arith.constant 0 : index
        %get3A_611 = tpu.vector_load %arg18[%get3A_609, %get3A_610] {strides = array<i32>} : memref<128x96xbf16, #tpu.memory_space<vmem>>, vector<32xbf16>,
        %unpack3A_612 = tpu.unpack_subelements %get3A_611, 0 {pack_format = #tpu.pack_format<interleaved>} : vector<32xbf16> -> vector<16xf32>
        %unpack3A_613 = tpu.unpack_subelements %get3A_611, 1 {pack_format = #tpu.pack_format<interleaved>} : vector<32xbf16> -> vector<16xf32>
        %mul3A_614 = arith.mulf %unpack3A, %gather3A : vector<16xf32>
        %mul3A_615 = arith.mulf %unpack3A_602, %gather3A_593 : vector<16xf32>
        %add3A_616 = arith.addf %mul3A_614, %mul3A_615 : vector<16xf32>
        %mul3A_617 = arith.mulf %unpack3A_607, %gather3A_594 : vector<16xf32>
        %add3A_618 = arith.addf %add3A_616, %mul3A_617 : vector<16xf32>
        %mul3A_619 = arith.mulf %unpack3A_612, %gather3A_595 : vector<16xf32>
        %add3A_620 = arith.addf %add3A_618, %mul3A_619 : vector<16xf32>
        %mul3A_621 = arith.mulf %unpack3A_598, %gather3A : vector<16xf32>
        %mul3A_622 = arith.mulf %unpack3A_603, %gather3A_593 : vector<16xf32>
        %add3A_623 = arith.addf %mul3A_621, %mul3A_622 : vector<16xf32>
        %mul3A_624 = arith.mulf %unpack3A_608, %gather3A_594 : vector<16xf32>
        %add3A_625 = arith.addf %add3A_623, %mul3A_624 : vector<16xf32>
        %mul3A_626 = arith.mulf %unpack3A_613, %gather3A_595 : vector<16xf32>
        %add3A_627 = arith.addf %add3A_625, %mul3A_626 : vector<16xf32>
        %swap3A = arith.index_cast %scan3A_590 : i32 to index
        %swap3A_628 = arith.constant 0 : index
        %swap3A_629 = tpu.vector_load %arg23[%swap3A, %swap3A_628] {strides = array<i32>} : memref<128x96xf32, #tpu.memory_space<vmem>>, vector<16xf32>,
        tpu.vector_store %arg23[%swap3A, %swap3A_628], %add3A_620 {strides = array<i32>} : memref<128x96xf32, #tpu.memory_space<vmem>>, vector<16xf32>,
        %swap3A_630 = arith.index_cast %scan3A_590 : i32 to index
        %swap3A_631 = arith.constant 16 : index
        %swap3A_632 = tpu.vector_load %arg23[%swap3A_630, %swap3A_631] {strides = array<i32>} : memref<128x96xf32, #tpu.memory_space<vmem>>, vector<16xf32>,
        tpu.vector_store %arg23[%swap3A_630, %swap3A_631], %add3A_627 {strides = array<i32>} : memref<128x96xf32, #tpu.memory_space<vmem>>, vector<16xf32>,
        %get3A_633 = arith.index_cast %scan3A_590 : i32 to index
        %get3A_634 = arith.constant 32 : index
        %get3A_635 = tpu.vector_load %arg15[%get3A_633, %get3A_634] {strides = array<i32>} : memref<128x96xbf16, #tpu.memory_space<vmem>>, vector<32xbf16>,
        %unpack3A_636 = tpu.unpack_subelements %get3A_635, 0 {pack_format = #tpu.pack_format<interleaved>} : vector<32xbf16> -> vector<16xf32>
        %unpack3A_637 = tpu.unpack_subelements %get3A_635, 1 {pack_format = #tpu.pack_format<interleaved>} : vector<32xbf16> -> vector<16xf32>
        %get3A_638 = arith.index_cast %scan3A_590 : i32 to index
        %get3A_639 = arith.constant 32 : index
        %get3A_640 = tpu.vector_load %arg16[%get3A_638, %get3A_639] {strides = array<i32>} : memref<128x96xbf16, #tpu.memory_space<vmem>>, vector<32xbf16>,
        %unpack3A_641 = tpu.unpack_subelements %get3A_640, 0 {pack_format = #tpu.pack_format<interleaved>} : vector<32xbf16> -> vector<16xf32>
        %unpack3A_642 = tpu.unpack_subelements %get3A_640, 1 {pack_format = #tpu.pack_format<interleaved>} : vector<32xbf16> -> vector<16xf32>
        %get3A_643 = arith.index_cast %scan3A_590 : i32 to index
        %get3A_644 = arith.constant 32 : index
        %get3A_645 = tpu.vector_load %arg17[%get3A_643, %get3A_644] {strides = array<i32>} : memref<128x96xbf16, #tpu.memory_space<vmem>>, vector<32xbf16>,
        %unpack3A_646 = tpu.unpack_subelements %get3A_645, 0 {pack_format = #tpu.pack_format<interleaved>} : vector<32xbf16> -> vector<16xf32>
        %unpack3A_647 = tpu.unpack_subelements %get3A_645, 1 {pack_format = #tpu.pack_format<interleaved>} : vector<32xbf16> -> vector<16xf32>
        %get3A_648 = arith.index_cast %scan3A_590 : i32 to index
        %get3A_649 = arith.constant 32 : index
        %get3A_650 = tpu.vector_load %arg18[%get3A_648, %get3A_649] {strides = array<i32>} : memref<128x96xbf16, #tpu.memory_space<vmem>>, vector<32xbf16>,
        %unpack3A_651 = tpu.unpack_subelements %get3A_650, 0 {pack_format = #tpu.pack_format<interleaved>} : vector<32xbf16> -> vector<16xf32>
        %unpack3A_652 = tpu.unpack_subelements %get3A_650, 1 {pack_format = #tpu.pack_format<interleaved>} : vector<32xbf16> -> vector<16xf32>
        %mul3A_653 = arith.mulf %unpack3A_636, %gather3A : vector<16xf32>
        %mul3A_654 = arith.mulf %unpack3A_641, %gather3A_593 : vector<16xf32>
        %add3A_655 = arith.addf %mul3A_653, %mul3A_654 : vector<16xf32>
        %mul3A_656 = arith.mulf %unpack3A_646, %gather3A_594 : vector<16xf32>
        %add3A_657 = arith.addf %add3A_655, %mul3A_656 : vector<16xf32>
        %mul3A_658 = arith.mulf %unpack3A_651, %gather3A_595 : vector<16xf32>
        %add3A_659 = arith.addf %add3A_657, %mul3A_658 : vector<16xf32>
        %mul3A_660 = arith.mulf %unpack3A_637, %gather3A : vector<16xf32>
        %mul3A_661 = arith.mulf %unpack3A_642, %gather3A_593 : vector<16xf32>
        %add3A_662 = arith.addf %mul3A_660, %mul3A_661 : vector<16xf32>
        %mul3A_663 = arith.mulf %unpack3A_647, %gather3A_594 : vector<16xf32>
        %add3A_664 = arith.addf %add3A_662, %mul3A_663 : vector<16xf32>
        %mul3A_665 = arith.mulf %unpack3A_652, %gather3A_595 : vector<16xf32>
        %add3A_666 = arith.addf %add3A_664, %mul3A_665 : vector<16xf32>
        %swap3A_667 = arith.index_cast %scan3A_590 : i32 to index
        %swap3A_668 = arith.constant 32 : index
        %swap3A_669 = tpu.vector_load %arg23[%swap3A_667, %swap3A_668] {strides = array<i32>} : memref<128x96xf32, #tpu.memory_space<vmem>>, vector<16xf32>,
        tpu.vector_store %arg23[%swap3A_667, %swap3A_668], %add3A_659 {strides = array<i32>} : memref<128x96xf32, #tpu.memory_space<vmem>>, vector<16xf32>,
        %swap3A_670 = arith.index_cast %scan3A_590 : i32 to index
        %swap3A_671 = arith.constant 48 : index
        %swap3A_672 = tpu.vector_load %arg23[%swap3A_670, %swap3A_671] {strides = array<i32>} : memref<128x96xf32, #tpu.memory_space<vmem>>, vector<16xf32>,
        tpu.vector_store %arg23[%swap3A_670, %swap3A_671], %add3A_666 {strides = array<i32>} : memref<128x96xf32, #tpu.memory_space<vmem>>, vector<16xf32>,
        %get3A_673 = arith.index_cast %scan3A_590 : i32 to index
        %get3A_674 = arith.constant 64 : index
        %get3A_675 = tpu.vector_load %arg15[%get3A_673, %get3A_674] {strides = array<i32>} : memref<128x96xbf16, #tpu.memory_space<vmem>>, vector<32xbf16>,
        %unpack3A_676 = tpu.unpack_subelements %get3A_675, 0 {pack_format = #tpu.pack_format<interleaved>} : vector<32xbf16> -> vector<16xf32>
        %unpack3A_677 = tpu.unpack_subelements %get3A_675, 1 {pack_format = #tpu.pack_format<interleaved>} : vector<32xbf16> -> vector<16xf32>
        %get3A_678 = arith.index_cast %scan3A_590 : i32 to index
        %get3A_679 = arith.constant 64 : index
        %get3A_680 = tpu.vector_load %arg16[%get3A_678, %get3A_679] {strides = array<i32>} : memref<128x96xbf16, #tpu.memory_space<vmem>>, vector<32xbf16>,
        %unpack3A_681 = tpu.unpack_subelements %get3A_680, 0 {pack_format = #tpu.pack_format<interleaved>} : vector<32xbf16> -> vector<16xf32>
        %unpack3A_682 = tpu.unpack_subelements %get3A_680, 1 {pack_format = #tpu.pack_format<interleaved>} : vector<32xbf16> -> vector<16xf32>
        %get3A_683 = arith.index_cast %scan3A_590 : i32 to index
        %get3A_684 = arith.constant 64 : index
        %get3A_685 = tpu.vector_load %arg17[%get3A_683, %get3A_684] {strides = array<i32>} : memref<128x96xbf16, #tpu.memory_space<vmem>>, vector<32xbf16>,
        %unpack3A_686 = tpu.unpack_subelements %get3A_685, 0 {pack_format = #tpu.pack_format<interleaved>} : vector<32xbf16> -> vector<16xf32>
        %unpack3A_687 = tpu.unpack_subelements %get3A_685, 1 {pack_format = #tpu.pack_format<interleaved>} : vector<32xbf16> -> vector<16xf32>
        %get3A_688 = arith.index_cast %scan3A_590 : i32 to index
        %get3A_689 = arith.constant 64 : index
        %get3A_690 = tpu.vector_load %arg18[%get3A_688, %get3A_689] {strides = array<i32>} : memref<128x96xbf16, #tpu.memory_space<vmem>>, vector<32xbf16>,
        %unpack3A_691 = tpu.unpack_subelements %get3A_690, 0 {pack_format = #tpu.pack_format<interleaved>} : vector<32xbf16> -> vector<16xf32>
        %unpack3A_692 = tpu.unpack_subelements %get3A_690, 1 {pack_format = #tpu.pack_format<interleaved>} : vector<32xbf16> -> vector<16xf32>
        %mul3A_693 = arith.mulf %unpack3A_676, %gather3A : vector<16xf32>
        %mul3A_694 = arith.mulf %unpack3A_681, %gather3A_593 : vector<16xf32>
        %add3A_695 = arith.addf %mul3A_693, %mul3A_694 : vector<16xf32>
        %mul3A_696 = arith.mulf %unpack3A_686, %gather3A_594 : vector<16xf32>
        %add3A_697 = arith.addf %add3A_695, %mul3A_696 : vector<16xf32>
        %mul3A_698 = arith.mulf %unpack3A_691, %gather3A_595 : vector<16xf32>
        %add3A_699 = arith.addf %add3A_697, %mul3A_698 : vector<16xf32>
        %mul3A_700 = arith.mulf %unpack3A_677, %gather3A : vector<16xf32>
        %mul3A_701 = arith.mulf %unpack3A_682, %gather3A_593 : vector<16xf32>
        %add3A_702 = arith.addf %mul3A_700, %mul3A_701 : vector<16xf32>
        %mul3A_703 = arith.mulf %unpack3A_687, %gather3A_594 : vector<16xf32>
        %add3A_704 = arith.addf %add3A_702, %mul3A_703 : vector<16xf32>
        %mul3A_705 = arith.mulf %unpack3A_692, %gather3A_595 : vector<16xf32>
        %add3A_706 = arith.addf %add3A_704, %mul3A_705 : vector<16xf32>
        %swap3A_707 = arith.index_cast %scan3A_590 : i32 to index
        %swap3A_708 = arith.constant 64 : index
        %swap3A_709 = tpu.vector_load %arg23[%swap3A_707, %swap3A_708] {strides = array<i32>} : memref<128x96xf32, #tpu.memory_space<vmem>>, vector<16xf32>,
        tpu.vector_store %arg23[%swap3A_707, %swap3A_708], %add3A_699 {strides = array<i32>} : memref<128x96xf32, #tpu.memory_space<vmem>>, vector<16xf32>,
        %swap3A_710 = arith.index_cast %scan3A_590 : i32 to index
        %swap3A_711 = arith.constant 80 : index
        %swap3A_712 = tpu.vector_load %arg23[%swap3A_710, %swap3A_711] {strides = array<i32>} : memref<128x96xf32, #tpu.memory_space<vmem>>, vector<16xf32>,
        tpu.vector_store %arg23[%swap3A_710, %swap3A_711], %add3A_706 {strides = array<i32>} : memref<128x96xf32, #tpu.memory_space<vmem>>, vector<16xf32>,
      }
      %scan3A_143 = arith.constant 128 : i32
      %mul3A_144 = arith.constant 147456 : i32
      %mul3A_145 = arith.muli %select_n3A, %mul3A_144 : i32
      %add3A_146 = arith.addi %mul3A_145, %add3A_47 : i32
      %add3A_147 = arith.constant 0 : i32
      %add3A_148 = arith.addi %add3A_146, %add3A_147 : i32
      "tpu.region"() ({
        %run_scoped3A = tpu.sem_alloc : memref<!tpu.dma_semaphore, #tpu.memory_space<semaphore_mem>>
        %dma_start3A_590 = arith.constant 0 : i32
        %dma_start3A_591 = tpu.memref_slice %arg4[%add3A_148, %dma_start3A_590] : memref<589824x96xf32, #tpu.memory_space<hbm>> -> memref<128x96xf32, #tpu.memory_space<hbm>>
        %dma_start3A_592 = arith.constant 0 : i32
        %dma_start3A_593 = tpu.memref_slice %arg4[%add3A_148, %dma_start3A_592] : memref<589824x96xf32, #tpu.memory_space<hbm>> -> memref<128x96xf32, #tpu.memory_space<hbm>>
        tpu.enqueue_dma source(%arg23 : memref<128x96xf32, #tpu.memory_space<vmem>>) target(%dma_start3A_593 : memref<128x96xf32, #tpu.memory_space<hbm>>) target_semaphore(%run_scoped3A : memref<!tpu.dma_semaphore, #tpu.memory_space<semaphore_mem>>)
        %dma_wait3A_594 = arith.constant 0 : i32
        %dma_wait3A_595 = tpu.memref_slice %arg4[%add3A_148, %dma_wait3A_594] : memref<589824x96xf32, #tpu.memory_space<hbm>> -> memref<128x96xf32, #tpu.memory_space<hbm>>
        %dma_wait3A_596 = arith.constant 0 : i32
        %dma_wait3A_597 = tpu.memref_slice %arg4[%add3A_148, %dma_wait3A_596] : memref<589824x96xf32, #tpu.memory_space<hbm>> -> memref<128x96xf32, #tpu.memory_space<hbm>>
        tpu.wait_dma2 semaphore(%run_scoped3A : memref<!tpu.dma_semaphore, #tpu.memory_space<semaphore_mem>>) src(%arg23 : memref<128x96xf32, #tpu.memory_space<vmem>>) dst(%dma_wait3A_597 : memref<128x96xf32, #tpu.memory_space<hbm>>)
        tpu.yield
      }) : () -> ()
      %dma_start3A_149 = arith.constant 2 : i32
      %dma_start3A_150 = arith.constant 0 : i32
      %dma_start3A_151 = tpu.memref_slice %arg7[%dma_start3A_149, %dma_start3A_150] : memref<8x128xi32, #tpu.memory_space<vmem>> -> memref<1x128xi32, #tpu.memory_space<vmem>>
      %dma_start3A_152 = tpu.memref_squeeze %dma_start3A_151 : memref<1x128xi32, #tpu.memory_space<vmem>> -> memref<128xi32, #tpu.memory_space<vmem>>
      %dma_start3A_153 = arith.constant 0 : i32
      %dma_start3A_154 = arith.constant 0 : i32
      %dma_start3A_155 = tpu.memref_slice %arg2[%dma_start3A_153, %dma_start3A_154] : memref<589824x96xbf16, #tpu.memory_space<hbm>> -> memref<589824x96xbf16, #tpu.memory_space<hbm>>
      tpu.enqueue_indirect_dma source(%dma_start3A_155 : memref<589824x96xbf16, #tpu.memory_space<hbm>>) target(%arg15 : memref<128x96xbf16, #tpu.memory_space<vmem>>) offsets(%dma_start3A_152 : memref<128xi32, #tpu.memory_space<vmem>>) semaphore(%arg24 : memref<!tpu.dma_semaphore, #tpu.memory_space<semaphore_mem>>)
      %dma_start3A_156 = arith.constant 2 : i32
      %dma_start3A_157 = arith.constant 0 : i32
      %dma_start3A_158 = tpu.memref_slice %arg8[%dma_start3A_156, %dma_start3A_157] : memref<8x128xi32, #tpu.memory_space<vmem>> -> memref<1x128xi32, #tpu.memory_space<vmem>>
      %dma_start3A_159 = tpu.memref_squeeze %dma_start3A_158 : memref<1x128xi32, #tpu.memory_space<vmem>> -> memref<128xi32, #tpu.memory_space<vmem>>
      %dma_start3A_160 = arith.constant 0 : i32
      %dma_start3A_161 = arith.constant 0 : i32
      %dma_start3A_162 = tpu.memref_slice %arg2[%dma_start3A_160, %dma_start3A_161] : memref<589824x96xbf16, #tpu.memory_space<hbm>> -> memref<589824x96xbf16, #tpu.memory_space<hbm>>
      tpu.enqueue_indirect_dma source(%dma_start3A_162 : memref<589824x96xbf16, #tpu.memory_space<hbm>>) target(%arg16 : memref<128x96xbf16, #tpu.memory_space<vmem>>) offsets(%dma_start3A_159 : memref<128xi32, #tpu.memory_space<vmem>>) semaphore(%arg24 : memref<!tpu.dma_semaphore, #tpu.memory_space<semaphore_mem>>)
      %dma_start3A_163 = arith.constant 2 : i32
      %dma_start3A_164 = arith.constant 0 : i32
      %dma_start3A_165 = tpu.memref_slice %arg9[%dma_start3A_163, %dma_start3A_164] : memref<8x128xi32, #tpu.memory_space<vmem>> -> memref<1x128xi32, #tpu.memory_space<vmem>>
      %dma_start3A_166 = tpu.memref_squeeze %dma_start3A_165 : memref<1x128xi32, #tpu.memory_space<vmem>> -> memref<128xi32, #tpu.memory_space<vmem>>
      %dma_start3A_167 = arith.constant 0 : i32
      %dma_start3A_168 = arith.constant 0 : i32
      %dma_start3A_169 = tpu.memref_slice %arg2[%dma_start3A_167, %dma_start3A_168] : memref<589824x96xbf16, #tpu.memory_space<hbm>> -> memref<589824x96xbf16, #tpu.memory_space<hbm>>
      tpu.enqueue_indirect_dma source(%dma_start3A_169 : memref<589824x96xbf16, #tpu.memory_space<hbm>>) target(%arg17 : memref<128x96xbf16, #tpu.memory_space<vmem>>) offsets(%dma_start3A_166 : memref<128xi32, #tpu.memory_space<vmem>>) semaphore(%arg24 : memref<!tpu.dma_semaphore, #tpu.memory_space<semaphore_mem>>)
      %dma_start3A_170 = arith.constant 2 : i32
      %dma_start3A_171 = arith.constant 0 : i32
      %dma_start3A_172 = tpu.memref_slice %arg10[%dma_start3A_170, %dma_start3A_171] : memref<8x128xi32, #tpu.memory_space<vmem>> -> memref<1x128xi32, #tpu.memory_space<vmem>>
      %dma_start3A_173 = tpu.memref_squeeze %dma_start3A_172 : memref<1x128xi32, #tpu.memory_space<vmem>> -> memref<128xi32, #tpu.memory_space<vmem>>
      %dma_start3A_174 = arith.constant 0 : i32
      %dma_start3A_175 = arith.constant 0 : i32
      %dma_start3A_176 = tpu.memref_slice %arg2[%dma_start3A_174, %dma_start3A_175] : memref<589824x96xbf16, #tpu.memory_space<hbm>> -> memref<589824x96xbf16, #tpu.memory_space<hbm>>
      tpu.enqueue_indirect_dma source(%dma_start3A_176 : memref<589824x96xbf16, #tpu.memory_space<hbm>>) target(%arg18 : memref<128x96xbf16, #tpu.memory_space<vmem>>) offsets(%dma_start3A_173 : memref<128xi32, #tpu.memory_space<vmem>>) semaphore(%arg24 : memref<!tpu.dma_semaphore, #tpu.memory_space<semaphore_mem>>)
      %dma_wait3A_177 = arith.constant 1 : i32
      %dma_wait3A_178 = arith.constant 0 : i32
      %dma_wait3A_179 = tpu.memref_slice %arg7[%dma_wait3A_177, %dma_wait3A_178] : memref<8x128xi32, #tpu.memory_space<vmem>> -> memref<1x128xi32, #tpu.memory_space<vmem>>
      %dma_wait3A_180 = tpu.memref_squeeze %dma_wait3A_179 : memref<1x128xi32, #tpu.memory_space<vmem>> -> memref<128xi32, #tpu.memory_space<vmem>>
      %dma_wait3A_181 = arith.constant 0 : i32
      %dma_wait3A_182 = arith.constant 0 : i32
      %dma_wait3A_183 = tpu.memref_slice %arg2[%dma_wait3A_181, %dma_wait3A_182] : memref<589824x96xbf16, #tpu.memory_space<hbm>> -> memref<589824x96xbf16, #tpu.memory_space<hbm>>
      tpu.wait_indirect_dma semaphore(%arg25 : memref<!tpu.dma_semaphore, #tpu.memory_space<semaphore_mem>>) src(%dma_wait3A_183 : memref<589824x96xbf16, #tpu.memory_space<hbm>>) dst(%arg19 : memref<128x96xbf16, #tpu.memory_space<vmem>>)
      %dma_wait3A_184 = arith.constant 1 : i32
      %dma_wait3A_185 = arith.constant 0 : i32
      %dma_wait3A_186 = tpu.memref_slice %arg8[%dma_wait3A_184, %dma_wait3A_185] : memref<8x128xi32, #tpu.memory_space<vmem>> -> memref<1x128xi32, #tpu.memory_space<vmem>>
      %dma_wait3A_187 = tpu.memref_squeeze %dma_wait3A_186 : memref<1x128xi32, #tpu.memory_space<vmem>> -> memref<128xi32, #tpu.memory_space<vmem>>
      %dma_wait3A_188 = arith.constant 0 : i32
      %dma_wait3A_189 = arith.constant 0 : i32
      %dma_wait3A_190 = tpu.memref_slice %arg2[%dma_wait3A_188, %dma_wait3A_189] : memref<589824x96xbf16, #tpu.memory_space<hbm>> -> memref<589824x96xbf16, #tpu.memory_space<hbm>>
      tpu.wait_indirect_dma semaphore(%arg25 : memref<!tpu.dma_semaphore, #tpu.memory_space<semaphore_mem>>) src(%dma_wait3A_190 : memref<589824x96xbf16, #tpu.memory_space<hbm>>) dst(%arg20 : memref<128x96xbf16, #tpu.memory_space<vmem>>)
      %dma_wait3A_191 = arith.constant 1 : i32
      %dma_wait3A_192 = arith.constant 0 : i32
      %dma_wait3A_193 = tpu.memref_slice %arg9[%dma_wait3A_191, %dma_wait3A_192] : memref<8x128xi32, #tpu.memory_space<vmem>> -> memref<1x128xi32, #tpu.memory_space<vmem>>
      %dma_wait3A_194 = tpu.memref_squeeze %dma_wait3A_193 : memref<1x128xi32, #tpu.memory_space<vmem>> -> memref<128xi32, #tpu.memory_space<vmem>>
      %dma_wait3A_195 = arith.constant 0 : i32
      %dma_wait3A_196 = arith.constant 0 : i32
      %dma_wait3A_197 = tpu.memref_slice %arg2[%dma_wait3A_195, %dma_wait3A_196] : memref<589824x96xbf16, #tpu.memory_space<hbm>> -> memref<589824x96xbf16, #tpu.memory_space<hbm>>
      tpu.wait_indirect_dma semaphore(%arg25 : memref<!tpu.dma_semaphore, #tpu.memory_space<semaphore_mem>>) src(%dma_wait3A_197 : memref<589824x96xbf16, #tpu.memory_space<hbm>>) dst(%arg21 : memref<128x96xbf16, #tpu.memory_space<vmem>>)
      %dma_wait3A_198 = arith.constant 1 : i32
      %dma_wait3A_199 = arith.constant 0 : i32
      %dma_wait3A_200 = tpu.memref_slice %arg10[%dma_wait3A_198, %dma_wait3A_199] : memref<8x128xi32, #tpu.memory_space<vmem>> -> memref<1x128xi32, #tpu.memory_space<vmem>>
      %dma_wait3A_201 = tpu.memref_squeeze %dma_wait3A_200 : memref<1x128xi32, #tpu.memory_space<vmem>> -> memref<128xi32, #tpu.memory_space<vmem>>
      %dma_wait3A_202 = arith.constant 0 : i32
      %dma_wait3A_203 = arith.constant 0 : i32
      %dma_wait3A_204 = tpu.memref_slice %arg2[%dma_wait3A_202, %dma_wait3A_203] : memref<589824x96xbf16, #tpu.memory_space<hbm>> -> memref<589824x96xbf16, #tpu.memory_space<hbm>>
      tpu.wait_indirect_dma semaphore(%arg25 : memref<!tpu.dma_semaphore, #tpu.memory_space<semaphore_mem>>) src(%dma_wait3A_204 : memref<589824x96xbf16, #tpu.memory_space<hbm>>) dst(%arg22 : memref<128x96xbf16, #tpu.memory_space<vmem>>)
      %scan3A_205 = arith.constant 0 : i32
      %scan3A_206 = arith.constant 0 : i32
      %scan3A_207 = arith.constant 128 : i32
      %scan3A_208 = arith.addi %scan3A_206, %scan3A_207 : i32
      %scan3A_209 = arith.constant 1 : i32
      scf.for %scan3A_590 = %scan3A_206 to %scan3A_208 step %scan3A_209  : i32 {
        %add3A_591 = arith.constant 128 : i32
        %add3A_592 = arith.addi %add3A_591, %scan3A_590 : i32
        %broadcast_in_dim3A = vector.broadcast %add3A_592 : i32 to vector<16xi32>
        %gather3A = tpu.vector_load_idx %arg11[%broadcast_in_dim3A] : memref<1024xf32, #tpu.memory_space<vmem>>[vector<16xi32>], vector<16xf32>,
        %gather3A_593 = tpu.vector_load_idx %arg12[%broadcast_in_dim3A] : memref<1024xf32, #tpu.memory_space<vmem>>[vector<16xi32>], vector<16xf32>,
        %gather3A_594 = tpu.vector_load_idx %arg13[%broadcast_in_dim3A] : memref<1024xf32, #tpu.memory_space<vmem>>[vector<16xi32>], vector<16xf32>,
        %gather3A_595 = tpu.vector_load_idx %arg14[%broadcast_in_dim3A] : memref<1024xf32, #tpu.memory_space<vmem>>[vector<16xi32>], vector<16xf32>,
        %get3A = arith.index_cast %scan3A_590 : i32 to index
        %get3A_596 = arith.constant 0 : index
        %get3A_597 = tpu.vector_load %arg19[%get3A, %get3A_596] {strides = array<i32>} : memref<128x96xbf16, #tpu.memory_space<vmem>>, vector<32xbf16>,
        %unpack3A = tpu.unpack_subelements %get3A_597, 0 {pack_format = #tpu.pack_format<interleaved>} : vector<32xbf16> -> vector<16xf32>
        %unpack3A_598 = tpu.unpack_subelements %get3A_597, 1 {pack_format = #tpu.pack_format<interleaved>} : vector<32xbf16> -> vector<16xf32>
        %get3A_599 = arith.index_cast %scan3A_590 : i32 to index
        %get3A_600 = arith.constant 0 : index
        %get3A_601 = tpu.vector_load %arg20[%get3A_599, %get3A_600] {strides = array<i32>} : memref<128x96xbf16, #tpu.memory_space<vmem>>, vector<32xbf16>,
        %unpack3A_602 = tpu.unpack_subelements %get3A_601, 0 {pack_format = #tpu.pack_format<interleaved>} : vector<32xbf16> -> vector<16xf32>
        %unpack3A_603 = tpu.unpack_subelements %get3A_601, 1 {pack_format = #tpu.pack_format<interleaved>} : vector<32xbf16> -> vector<16xf32>
        %get3A_604 = arith.index_cast %scan3A_590 : i32 to index
        %get3A_605 = arith.constant 0 : index
        %get3A_606 = tpu.vector_load %arg21[%get3A_604, %get3A_605] {strides = array<i32>} : memref<128x96xbf16, #tpu.memory_space<vmem>>, vector<32xbf16>,
        %unpack3A_607 = tpu.unpack_subelements %get3A_606, 0 {pack_format = #tpu.pack_format<interleaved>} : vector<32xbf16> -> vector<16xf32>
        %unpack3A_608 = tpu.unpack_subelements %get3A_606, 1 {pack_format = #tpu.pack_format<interleaved>} : vector<32xbf16> -> vector<16xf32>
        %get3A_609 = arith.index_cast %scan3A_590 : i32 to index
        %get3A_610 = arith.constant 0 : index
        %get3A_611 = tpu.vector_load %arg22[%get3A_609, %get3A_610] {strides = array<i32>} : memref<128x96xbf16, #tpu.memory_space<vmem>>, vector<32xbf16>,
        %unpack3A_612 = tpu.unpack_subelements %get3A_611, 0 {pack_format = #tpu.pack_format<interleaved>} : vector<32xbf16> -> vector<16xf32>
        %unpack3A_613 = tpu.unpack_subelements %get3A_611, 1 {pack_format = #tpu.pack_format<interleaved>} : vector<32xbf16> -> vector<16xf32>
        %mul3A_614 = arith.mulf %unpack3A, %gather3A : vector<16xf32>
        %mul3A_615 = arith.mulf %unpack3A_602, %gather3A_593 : vector<16xf32>
        %add3A_616 = arith.addf %mul3A_614, %mul3A_615 : vector<16xf32>
        %mul3A_617 = arith.mulf %unpack3A_607, %gather3A_594 : vector<16xf32>
        %add3A_618 = arith.addf %add3A_616, %mul3A_617 : vector<16xf32>
        %mul3A_619 = arith.mulf %unpack3A_612, %gather3A_595 : vector<16xf32>
        %add3A_620 = arith.addf %add3A_618, %mul3A_619 : vector<16xf32>
        %mul3A_621 = arith.mulf %unpack3A_598, %gather3A : vector<16xf32>
        %mul3A_622 = arith.mulf %unpack3A_603, %gather3A_593 : vector<16xf32>
        %add3A_623 = arith.addf %mul3A_621, %mul3A_622 : vector<16xf32>
        %mul3A_624 = arith.mulf %unpack3A_608, %gather3A_594 : vector<16xf32>
        %add3A_625 = arith.addf %add3A_623, %mul3A_624 : vector<16xf32>
        %mul3A_626 = arith.mulf %unpack3A_613, %gather3A_595 : vector<16xf32>
        %add3A_627 = arith.addf %add3A_625, %mul3A_626 : vector<16xf32>
        %swap3A = arith.index_cast %scan3A_590 : i32 to index
        %swap3A_628 = arith.constant 0 : index
        %swap3A_629 = tpu.vector_load %arg23[%swap3A, %swap3A_628] {strides = array<i32>} : memref<128x96xf32, #tpu.memory_space<vmem>>, vector<16xf32>,
        tpu.vector_store %arg23[%swap3A, %swap3A_628], %add3A_620 {strides = array<i32>} : memref<128x96xf32, #tpu.memory_space<vmem>>, vector<16xf32>,
        %swap3A_630 = arith.index_cast %scan3A_590 : i32 to index
        %swap3A_631 = arith.constant 16 : index
        %swap3A_632 = tpu.vector_load %arg23[%swap3A_630, %swap3A_631] {strides = array<i32>} : memref<128x96xf32, #tpu.memory_space<vmem>>, vector<16xf32>,
        tpu.vector_store %arg23[%swap3A_630, %swap3A_631], %add3A_627 {strides = array<i32>} : memref<128x96xf32, #tpu.memory_space<vmem>>, vector<16xf32>,
        %get3A_633 = arith.index_cast %scan3A_590 : i32 to index
        %get3A_634 = arith.constant 32 : index
        %get3A_635 = tpu.vector_load %arg19[%get3A_633, %get3A_634] {strides = array<i32>} : memref<128x96xbf16, #tpu.memory_space<vmem>>, vector<32xbf16>,
        %unpack3A_636 = tpu.unpack_subelements %get3A_635, 0 {pack_format = #tpu.pack_format<interleaved>} : vector<32xbf16> -> vector<16xf32>
        %unpack3A_637 = tpu.unpack_subelements %get3A_635, 1 {pack_format = #tpu.pack_format<interleaved>} : vector<32xbf16> -> vector<16xf32>
        %get3A_638 = arith.index_cast %scan3A_590 : i32 to index
        %get3A_639 = arith.constant 32 : index
        %get3A_640 = tpu.vector_load %arg20[%get3A_638, %get3A_639] {strides = array<i32>} : memref<128x96xbf16, #tpu.memory_space<vmem>>, vector<32xbf16>,
        %unpack3A_641 = tpu.unpack_subelements %get3A_640, 0 {pack_format = #tpu.pack_format<interleaved>} : vector<32xbf16> -> vector<16xf32>
        %unpack3A_642 = tpu.unpack_subelements %get3A_640, 1 {pack_format = #tpu.pack_format<interleaved>} : vector<32xbf16> -> vector<16xf32>
        %get3A_643 = arith.index_cast %scan3A_590 : i32 to index
        %get3A_644 = arith.constant 32 : index
        %get3A_645 = tpu.vector_load %arg21[%get3A_643, %get3A_644] {strides = array<i32>} : memref<128x96xbf16, #tpu.memory_space<vmem>>, vector<32xbf16>,
        %unpack3A_646 = tpu.unpack_subelements %get3A_645, 0 {pack_format = #tpu.pack_format<interleaved>} : vector<32xbf16> -> vector<16xf32>
        %unpack3A_647 = tpu.unpack_subelements %get3A_645, 1 {pack_format = #tpu.pack_format<interleaved>} : vector<32xbf16> -> vector<16xf32>
        %get3A_648 = arith.index_cast %scan3A_590 : i32 to index
        %get3A_649 = arith.constant 32 : index
        %get3A_650 = tpu.vector_load %arg22[%get3A_648, %get3A_649] {strides = array<i32>} : memref<128x96xbf16, #tpu.memory_space<vmem>>, vector<32xbf16>,
        %unpack3A_651 = tpu.unpack_subelements %get3A_650, 0 {pack_format = #tpu.pack_format<interleaved>} : vector<32xbf16> -> vector<16xf32>
        %unpack3A_652 = tpu.unpack_subelements %get3A_650, 1 {pack_format = #tpu.pack_format<interleaved>} : vector<32xbf16> -> vector<16xf32>
        %mul3A_653 = arith.mulf %unpack3A_636, %gather3A : vector<16xf32>
        %mul3A_654 = arith.mulf %unpack3A_641, %gather3A_593 : vector<16xf32>
        %add3A_655 = arith.addf %mul3A_653, %mul3A_654 : vector<16xf32>
        %mul3A_656 = arith.mulf %unpack3A_646, %gather3A_594 : vector<16xf32>
        %add3A_657 = arith.addf %add3A_655, %mul3A_656 : vector<16xf32>
        %mul3A_658 = arith.mulf %unpack3A_651, %gather3A_595 : vector<16xf32>
        %add3A_659 = arith.addf %add3A_657, %mul3A_658 : vector<16xf32>
        %mul3A_660 = arith.mulf %unpack3A_637, %gather3A : vector<16xf32>
        %mul3A_661 = arith.mulf %unpack3A_642, %gather3A_593 : vector<16xf32>
        %add3A_662 = arith.addf %mul3A_660, %mul3A_661 : vector<16xf32>
        %mul3A_663 = arith.mulf %unpack3A_647, %gather3A_594 : vector<16xf32>
        %add3A_664 = arith.addf %add3A_662, %mul3A_663 : vector<16xf32>
        %mul3A_665 = arith.mulf %unpack3A_652, %gather3A_595 : vector<16xf32>
        %add3A_666 = arith.addf %add3A_664, %mul3A_665 : vector<16xf32>
        %swap3A_667 = arith.index_cast %scan3A_590 : i32 to index
        %swap3A_668 = arith.constant 32 : index
        %swap3A_669 = tpu.vector_load %arg23[%swap3A_667, %swap3A_668] {strides = array<i32>} : memref<128x96xf32, #tpu.memory_space<vmem>>, vector<16xf32>,
        tpu.vector_store %arg23[%swap3A_667, %swap3A_668], %add3A_659 {strides = array<i32>} : memref<128x96xf32, #tpu.memory_space<vmem>>, vector<16xf32>,
        %swap3A_670 = arith.index_cast %scan3A_590 : i32 to index
        %swap3A_671 = arith.constant 48 : index
        %swap3A_672 = tpu.vector_load %arg23[%swap3A_670, %swap3A_671] {strides = array<i32>} : memref<128x96xf32, #tpu.memory_space<vmem>>, vector<16xf32>,
        tpu.vector_store %arg23[%swap3A_670, %swap3A_671], %add3A_666 {strides = array<i32>} : memref<128x96xf32, #tpu.memory_space<vmem>>, vector<16xf32>,
        %get3A_673 = arith.index_cast %scan3A_590 : i32 to index
        %get3A_674 = arith.constant 64 : index
        %get3A_675 = tpu.vector_load %arg19[%get3A_673, %get3A_674] {strides = array<i32>} : memref<128x96xbf16, #tpu.memory_space<vmem>>, vector<32xbf16>,
        %unpack3A_676 = tpu.unpack_subelements %get3A_675, 0 {pack_format = #tpu.pack_format<interleaved>} : vector<32xbf16> -> vector<16xf32>
        %unpack3A_677 = tpu.unpack_subelements %get3A_675, 1 {pack_format = #tpu.pack_format<interleaved>} : vector<32xbf16> -> vector<16xf32>
        %get3A_678 = arith.index_cast %scan3A_590 : i32 to index
        %get3A_679 = arith.constant 64 : index
        %get3A_680 = tpu.vector_load %arg20[%get3A_678, %get3A_679] {strides = array<i32>} : memref<128x96xbf16, #tpu.memory_space<vmem>>, vector<32xbf16>,
        %unpack3A_681 = tpu.unpack_subelements %get3A_680, 0 {pack_format = #tpu.pack_format<interleaved>} : vector<32xbf16> -> vector<16xf32>
        %unpack3A_682 = tpu.unpack_subelements %get3A_680, 1 {pack_format = #tpu.pack_format<interleaved>} : vector<32xbf16> -> vector<16xf32>
        %get3A_683 = arith.index_cast %scan3A_590 : i32 to index
        %get3A_684 = arith.constant 64 : index
        %get3A_685 = tpu.vector_load %arg21[%get3A_683, %get3A_684] {strides = array<i32>} : memref<128x96xbf16, #tpu.memory_space<vmem>>, vector<32xbf16>,
        %unpack3A_686 = tpu.unpack_subelements %get3A_685, 0 {pack_format = #tpu.pack_format<interleaved>} : vector<32xbf16> -> vector<16xf32>
        %unpack3A_687 = tpu.unpack_subelements %get3A_685, 1 {pack_format = #tpu.pack_format<interleaved>} : vector<32xbf16> -> vector<16xf32>
        %get3A_688 = arith.index_cast %scan3A_590 : i32 to index
        %get3A_689 = arith.constant 64 : index
        %get3A_690 = tpu.vector_load %arg22[%get3A_688, %get3A_689] {strides = array<i32>} : memref<128x96xbf16, #tpu.memory_space<vmem>>, vector<32xbf16>,
        %unpack3A_691 = tpu.unpack_subelements %get3A_690, 0 {pack_format = #tpu.pack_format<interleaved>} : vector<32xbf16> -> vector<16xf32>
        %unpack3A_692 = tpu.unpack_subelements %get3A_690, 1 {pack_format = #tpu.pack_format<interleaved>} : vector<32xbf16> -> vector<16xf32>
        %mul3A_693 = arith.mulf %unpack3A_676, %gather3A : vector<16xf32>
        %mul3A_694 = arith.mulf %unpack3A_681, %gather3A_593 : vector<16xf32>
        %add3A_695 = arith.addf %mul3A_693, %mul3A_694 : vector<16xf32>
        %mul3A_696 = arith.mulf %unpack3A_686, %gather3A_594 : vector<16xf32>
        %add3A_697 = arith.addf %add3A_695, %mul3A_696 : vector<16xf32>
        %mul3A_698 = arith.mulf %unpack3A_691, %gather3A_595 : vector<16xf32>
        %add3A_699 = arith.addf %add3A_697, %mul3A_698 : vector<16xf32>
        %mul3A_700 = arith.mulf %unpack3A_677, %gather3A : vector<16xf32>
        %mul3A_701 = arith.mulf %unpack3A_682, %gather3A_593 : vector<16xf32>
        %add3A_702 = arith.addf %mul3A_700, %mul3A_701 : vector<16xf32>
        %mul3A_703 = arith.mulf %unpack3A_687, %gather3A_594 : vector<16xf32>
        %add3A_704 = arith.addf %add3A_702, %mul3A_703 : vector<16xf32>
        %mul3A_705 = arith.mulf %unpack3A_692, %gather3A_595 : vector<16xf32>
        %add3A_706 = arith.addf %add3A_704, %mul3A_705 : vector<16xf32>
        %swap3A_707 = arith.index_cast %scan3A_590 : i32 to index
        %swap3A_708 = arith.constant 64 : index
        %swap3A_709 = tpu.vector_load %arg23[%swap3A_707, %swap3A_708] {strides = array<i32>} : memref<128x96xf32, #tpu.memory_space<vmem>>, vector<16xf32>,
        tpu.vector_store %arg23[%swap3A_707, %swap3A_708], %add3A_699 {strides = array<i32>} : memref<128x96xf32, #tpu.memory_space<vmem>>, vector<16xf32>,
        %swap3A_710 = arith.index_cast %scan3A_590 : i32 to index
        %swap3A_711 = arith.constant 80 : index
        %swap3A_712 = tpu.vector_load %arg23[%swap3A_710, %swap3A_711] {strides = array<i32>} : memref<128x96xf32, #tpu.memory_space<vmem>>, vector<16xf32>,
        tpu.vector_store %arg23[%swap3A_710, %swap3A_711], %add3A_706 {strides = array<i32>} : memref<128x96xf32, #tpu.memory_space<vmem>>, vector<16xf32>,
      }
      %scan3A_210 = arith.constant 128 : i32
      %mul3A_211 = arith.constant 147456 : i32
      %mul3A_212 = arith.muli %select_n3A, %mul3A_211 : i32
      %add3A_213 = arith.addi %mul3A_212, %add3A_47 : i32
      %add3A_214 = arith.constant 128 : i32
      %add3A_215 = arith.addi %add3A_213, %add3A_214 : i32
      "tpu.region"() ({
        %run_scoped3A = tpu.sem_alloc : memref<!tpu.dma_semaphore, #tpu.memory_space<semaphore_mem>>
        %dma_start3A_590 = arith.constant 0 : i32
        %dma_start3A_591 = tpu.memref_slice %arg4[%add3A_215, %dma_start3A_590] : memref<589824x96xf32, #tpu.memory_space<hbm>> -> memref<128x96xf32, #tpu.memory_space<hbm>>
        %dma_start3A_592 = arith.constant 0 : i32
        %dma_start3A_593 = tpu.memref_slice %arg4[%add3A_215, %dma_start3A_592] : memref<589824x96xf32, #tpu.memory_space<hbm>> -> memref<128x96xf32, #tpu.memory_space<hbm>>
        tpu.enqueue_dma source(%arg23 : memref<128x96xf32, #tpu.memory_space<vmem>>) target(%dma_start3A_593 : memref<128x96xf32, #tpu.memory_space<hbm>>) target_semaphore(%run_scoped3A : memref<!tpu.dma_semaphore, #tpu.memory_space<semaphore_mem>>)
        %dma_wait3A_594 = arith.constant 0 : i32
        %dma_wait3A_595 = tpu.memref_slice %arg4[%add3A_215, %dma_wait3A_594] : memref<589824x96xf32, #tpu.memory_space<hbm>> -> memref<128x96xf32, #tpu.memory_space<hbm>>
        %dma_wait3A_596 = arith.constant 0 : i32
        %dma_wait3A_597 = tpu.memref_slice %arg4[%add3A_215, %dma_wait3A_596] : memref<589824x96xf32, #tpu.memory_space<hbm>> -> memref<128x96xf32, #tpu.memory_space<hbm>>
        tpu.wait_dma2 semaphore(%run_scoped3A : memref<!tpu.dma_semaphore, #tpu.memory_space<semaphore_mem>>) src(%arg23 : memref<128x96xf32, #tpu.memory_space<vmem>>) dst(%dma_wait3A_597 : memref<128x96xf32, #tpu.memory_space<hbm>>)
        tpu.yield
      }) : () -> ()
      %dma_start3A_216 = arith.constant 3 : i32
      %dma_start3A_217 = arith.constant 0 : i32
      %dma_start3A_218 = tpu.memref_slice %arg7[%dma_start3A_216, %dma_start3A_217] : memref<8x128xi32, #tpu.memory_space<vmem>> -> memref<1x128xi32, #tpu.memory_space<vmem>>
      %dma_start3A_219 = tpu.memref_squeeze %dma_start3A_218 : memref<1x128xi32, #tpu.memory_space<vmem>> -> memref<128xi32, #tpu.memory_space<vmem>>
      %dma_start3A_220 = arith.constant 0 : i32
      %dma_start3A_221 = arith.constant 0 : i32
      %dma_start3A_222 = tpu.memref_slice %arg2[%dma_start3A_220, %dma_start3A_221] : memref<589824x96xbf16, #tpu.memory_space<hbm>> -> memref<589824x96xbf16, #tpu.memory_space<hbm>>
      tpu.enqueue_indirect_dma source(%dma_start3A_222 : memref<589824x96xbf16, #tpu.memory_space<hbm>>) target(%arg19 : memref<128x96xbf16, #tpu.memory_space<vmem>>) offsets(%dma_start3A_219 : memref<128xi32, #tpu.memory_space<vmem>>) semaphore(%arg25 : memref<!tpu.dma_semaphore, #tpu.memory_space<semaphore_mem>>)
      %dma_start3A_223 = arith.constant 3 : i32
      %dma_start3A_224 = arith.constant 0 : i32
      %dma_start3A_225 = tpu.memref_slice %arg8[%dma_start3A_223, %dma_start3A_224] : memref<8x128xi32, #tpu.memory_space<vmem>> -> memref<1x128xi32, #tpu.memory_space<vmem>>
      %dma_start3A_226 = tpu.memref_squeeze %dma_start3A_225 : memref<1x128xi32, #tpu.memory_space<vmem>> -> memref<128xi32, #tpu.memory_space<vmem>>
      %dma_start3A_227 = arith.constant 0 : i32
      %dma_start3A_228 = arith.constant 0 : i32
      %dma_start3A_229 = tpu.memref_slice %arg2[%dma_start3A_227, %dma_start3A_228] : memref<589824x96xbf16, #tpu.memory_space<hbm>> -> memref<589824x96xbf16, #tpu.memory_space<hbm>>
      tpu.enqueue_indirect_dma source(%dma_start3A_229 : memref<589824x96xbf16, #tpu.memory_space<hbm>>) target(%arg20 : memref<128x96xbf16, #tpu.memory_space<vmem>>) offsets(%dma_start3A_226 : memref<128xi32, #tpu.memory_space<vmem>>) semaphore(%arg25 : memref<!tpu.dma_semaphore, #tpu.memory_space<semaphore_mem>>)
      %dma_start3A_230 = arith.constant 3 : i32
      %dma_start3A_231 = arith.constant 0 : i32
      %dma_start3A_232 = tpu.memref_slice %arg9[%dma_start3A_230, %dma_start3A_231] : memref<8x128xi32, #tpu.memory_space<vmem>> -> memref<1x128xi32, #tpu.memory_space<vmem>>
      %dma_start3A_233 = tpu.memref_squeeze %dma_start3A_232 : memref<1x128xi32, #tpu.memory_space<vmem>> -> memref<128xi32, #tpu.memory_space<vmem>>
      %dma_start3A_234 = arith.constant 0 : i32
      %dma_start3A_235 = arith.constant 0 : i32
      %dma_start3A_236 = tpu.memref_slice %arg2[%dma_start3A_234, %dma_start3A_235] : memref<589824x96xbf16, #tpu.memory_space<hbm>> -> memref<589824x96xbf16, #tpu.memory_space<hbm>>
      tpu.enqueue_indirect_dma source(%dma_start3A_236 : memref<589824x96xbf16, #tpu.memory_space<hbm>>) target(%arg21 : memref<128x96xbf16, #tpu.memory_space<vmem>>) offsets(%dma_start3A_233 : memref<128xi32, #tpu.memory_space<vmem>>) semaphore(%arg25 : memref<!tpu.dma_semaphore, #tpu.memory_space<semaphore_mem>>)
      %dma_start3A_237 = arith.constant 3 : i32
      %dma_start3A_238 = arith.constant 0 : i32
      %dma_start3A_239 = tpu.memref_slice %arg10[%dma_start3A_237, %dma_start3A_238] : memref<8x128xi32, #tpu.memory_space<vmem>> -> memref<1x128xi32, #tpu.memory_space<vmem>>
      %dma_start3A_240 = tpu.memref_squeeze %dma_start3A_239 : memref<1x128xi32, #tpu.memory_space<vmem>> -> memref<128xi32, #tpu.memory_space<vmem>>
      %dma_start3A_241 = arith.constant 0 : i32
      %dma_start3A_242 = arith.constant 0 : i32
      %dma_start3A_243 = tpu.memref_slice %arg2[%dma_start3A_241, %dma_start3A_242] : memref<589824x96xbf16, #tpu.memory_space<hbm>> -> memref<589824x96xbf16, #tpu.memory_space<hbm>>
      tpu.enqueue_indirect_dma source(%dma_start3A_243 : memref<589824x96xbf16, #tpu.memory_space<hbm>>) target(%arg22 : memref<128x96xbf16, #tpu.memory_space<vmem>>) offsets(%dma_start3A_240 : memref<128xi32, #tpu.memory_space<vmem>>) semaphore(%arg25 : memref<!tpu.dma_semaphore, #tpu.memory_space<semaphore_mem>>)
      %dma_wait3A_244 = arith.constant 2 : i32
      %dma_wait3A_245 = arith.constant 0 : i32
      %dma_wait3A_246 = tpu.memref_slice %arg7[%dma_wait3A_244, %dma_wait3A_245] : memref<8x128xi32, #tpu.memory_space<vmem>> -> memref<1x128xi32, #tpu.memory_space<vmem>>
      %dma_wait3A_247 = tpu.memref_squeeze %dma_wait3A_246 : memref<1x128xi32, #tpu.memory_space<vmem>> -> memref<128xi32, #tpu.memory_space<vmem>>
      %dma_wait3A_248 = arith.constant 0 : i32
      %dma_wait3A_249 = arith.constant 0 : i32
      %dma_wait3A_250 = tpu.memref_slice %arg2[%dma_wait3A_248, %dma_wait3A_249] : memref<589824x96xbf16, #tpu.memory_space<hbm>> -> memref<589824x96xbf16, #tpu.memory_space<hbm>>
      tpu.wait_indirect_dma semaphore(%arg24 : memref<!tpu.dma_semaphore, #tpu.memory_space<semaphore_mem>>) src(%dma_wait3A_250 : memref<589824x96xbf16, #tpu.memory_space<hbm>>) dst(%arg15 : memref<128x96xbf16, #tpu.memory_space<vmem>>)
      %dma_wait3A_251 = arith.constant 2 : i32
      %dma_wait3A_252 = arith.constant 0 : i32
      %dma_wait3A_253 = tpu.memref_slice %arg8[%dma_wait3A_251, %dma_wait3A_252] : memref<8x128xi32, #tpu.memory_space<vmem>> -> memref<1x128xi32, #tpu.memory_space<vmem>>
      %dma_wait3A_254 = tpu.memref_squeeze %dma_wait3A_253 : memref<1x128xi32, #tpu.memory_space<vmem>> -> memref<128xi32, #tpu.memory_space<vmem>>
      %dma_wait3A_255 = arith.constant 0 : i32
      %dma_wait3A_256 = arith.constant 0 : i32
      %dma_wait3A_257 = tpu.memref_slice %arg2[%dma_wait3A_255, %dma_wait3A_256] : memref<589824x96xbf16, #tpu.memory_space<hbm>> -> memref<589824x96xbf16, #tpu.memory_space<hbm>>
      tpu.wait_indirect_dma semaphore(%arg24 : memref<!tpu.dma_semaphore, #tpu.memory_space<semaphore_mem>>) src(%dma_wait3A_257 : memref<589824x96xbf16, #tpu.memory_space<hbm>>) dst(%arg16 : memref<128x96xbf16, #tpu.memory_space<vmem>>)
      %dma_wait3A_258 = arith.constant 2 : i32
      %dma_wait3A_259 = arith.constant 0 : i32
      %dma_wait3A_260 = tpu.memref_slice %arg9[%dma_wait3A_258, %dma_wait3A_259] : memref<8x128xi32, #tpu.memory_space<vmem>> -> memref<1x128xi32, #tpu.memory_space<vmem>>
      %dma_wait3A_261 = tpu.memref_squeeze %dma_wait3A_260 : memref<1x128xi32, #tpu.memory_space<vmem>> -> memref<128xi32, #tpu.memory_space<vmem>>
      %dma_wait3A_262 = arith.constant 0 : i32
      %dma_wait3A_263 = arith.constant 0 : i32
      %dma_wait3A_264 = tpu.memref_slice %arg2[%dma_wait3A_262, %dma_wait3A_263] : memref<589824x96xbf16, #tpu.memory_space<hbm>> -> memref<589824x96xbf16, #tpu.memory_space<hbm>>
      tpu.wait_indirect_dma semaphore(%arg24 : memref<!tpu.dma_semaphore, #tpu.memory_space<semaphore_mem>>) src(%dma_wait3A_264 : memref<589824x96xbf16, #tpu.memory_space<hbm>>) dst(%arg17 : memref<128x96xbf16, #tpu.memory_space<vmem>>)
      %dma_wait3A_265 = arith.constant 2 : i32
      %dma_wait3A_266 = arith.constant 0 : i32
      %dma_wait3A_267 = tpu.memref_slice %arg10[%dma_wait3A_265, %dma_wait3A_266] : memref<8x128xi32, #tpu.memory_space<vmem>> -> memref<1x128xi32, #tpu.memory_space<vmem>>
      %dma_wait3A_268 = tpu.memref_squeeze %dma_wait3A_267 : memref<1x128xi32, #tpu.memory_space<vmem>> -> memref<128xi32, #tpu.memory_space<vmem>>
      %dma_wait3A_269 = arith.constant 0 : i32
      %dma_wait3A_270 = arith.constant 0 : i32
      %dma_wait3A_271 = tpu.memref_slice %arg2[%dma_wait3A_269, %dma_wait3A_270] : memref<589824x96xbf16, #tpu.memory_space<hbm>> -> memref<589824x96xbf16, #tpu.memory_space<hbm>>
      tpu.wait_indirect_dma semaphore(%arg24 : memref<!tpu.dma_semaphore, #tpu.memory_space<semaphore_mem>>) src(%dma_wait3A_271 : memref<589824x96xbf16, #tpu.memory_space<hbm>>) dst(%arg18 : memref<128x96xbf16, #tpu.memory_space<vmem>>)
      %scan3A_272 = arith.constant 0 : i32
      %scan3A_273 = arith.constant 0 : i32
      %scan3A_274 = arith.constant 128 : i32
      %scan3A_275 = arith.addi %scan3A_273, %scan3A_274 : i32
      %scan3A_276 = arith.constant 1 : i32
      scf.for %scan3A_590 = %scan3A_273 to %scan3A_275 step %scan3A_276  : i32 {
        %add3A_591 = arith.constant 256 : i32
        %add3A_592 = arith.addi %add3A_591, %scan3A_590 : i32
        %broadcast_in_dim3A = vector.broadcast %add3A_592 : i32 to vector<16xi32>
        %gather3A = tpu.vector_load_idx %arg11[%broadcast_in_dim3A] : memref<1024xf32, #tpu.memory_space<vmem>>[vector<16xi32>], vector<16xf32>,
        %gather3A_593 = tpu.vector_load_idx %arg12[%broadcast_in_dim3A] : memref<1024xf32, #tpu.memory_space<vmem>>[vector<16xi32>], vector<16xf32>,
        %gather3A_594 = tpu.vector_load_idx %arg13[%broadcast_in_dim3A] : memref<1024xf32, #tpu.memory_space<vmem>>[vector<16xi32>], vector<16xf32>,
        %gather3A_595 = tpu.vector_load_idx %arg14[%broadcast_in_dim3A] : memref<1024xf32, #tpu.memory_space<vmem>>[vector<16xi32>], vector<16xf32>,
        %get3A = arith.index_cast %scan3A_590 : i32 to index
        %get3A_596 = arith.constant 0 : index
        %get3A_597 = tpu.vector_load %arg15[%get3A, %get3A_596] {strides = array<i32>} : memref<128x96xbf16, #tpu.memory_space<vmem>>, vector<32xbf16>,
        %unpack3A = tpu.unpack_subelements %get3A_597, 0 {pack_format = #tpu.pack_format<interleaved>} : vector<32xbf16> -> vector<16xf32>
        %unpack3A_598 = tpu.unpack_subelements %get3A_597, 1 {pack_format = #tpu.pack_format<interleaved>} : vector<32xbf16> -> vector<16xf32>
        %get3A_599 = arith.index_cast %scan3A_590 : i32 to index
        %get3A_600 = arith.constant 0 : index
        %get3A_601 = tpu.vector_load %arg16[%get3A_599, %get3A_600] {strides = array<i32>} : memref<128x96xbf16, #tpu.memory_space<vmem>>, vector<32xbf16>,
        %unpack3A_602 = tpu.unpack_subelements %get3A_601, 0 {pack_format = #tpu.pack_format<interleaved>} : vector<32xbf16> -> vector<16xf32>
        %unpack3A_603 = tpu.unpack_subelements %get3A_601, 1 {pack_format = #tpu.pack_format<interleaved>} : vector<32xbf16> -> vector<16xf32>
        %get3A_604 = arith.index_cast %scan3A_590 : i32 to index
        %get3A_605 = arith.constant 0 : index
        %get3A_606 = tpu.vector_load %arg17[%get3A_604, %get3A_605] {strides = array<i32>} : memref<128x96xbf16, #tpu.memory_space<vmem>>, vector<32xbf16>,
        %unpack3A_607 = tpu.unpack_subelements %get3A_606, 0 {pack_format = #tpu.pack_format<interleaved>} : vector<32xbf16> -> vector<16xf32>
        %unpack3A_608 = tpu.unpack_subelements %get3A_606, 1 {pack_format = #tpu.pack_format<interleaved>} : vector<32xbf16> -> vector<16xf32>
        %get3A_609 = arith.index_cast %scan3A_590 : i32 to index
        %get3A_610 = arith.constant 0 : index
        %get3A_611 = tpu.vector_load %arg18[%get3A_609, %get3A_610] {strides = array<i32>} : memref<128x96xbf16, #tpu.memory_space<vmem>>, vector<32xbf16>,
        %unpack3A_612 = tpu.unpack_subelements %get3A_611, 0 {pack_format = #tpu.pack_format<interleaved>} : vector<32xbf16> -> vector<16xf32>
        %unpack3A_613 = tpu.unpack_subelements %get3A_611, 1 {pack_format = #tpu.pack_format<interleaved>} : vector<32xbf16> -> vector<16xf32>
        %mul3A_614 = arith.mulf %unpack3A, %gather3A : vector<16xf32>
        %mul3A_615 = arith.mulf %unpack3A_602, %gather3A_593 : vector<16xf32>
        %add3A_616 = arith.addf %mul3A_614, %mul3A_615 : vector<16xf32>
        %mul3A_617 = arith.mulf %unpack3A_607, %gather3A_594 : vector<16xf32>
        %add3A_618 = arith.addf %add3A_616, %mul3A_617 : vector<16xf32>
        %mul3A_619 = arith.mulf %unpack3A_612, %gather3A_595 : vector<16xf32>
        %add3A_620 = arith.addf %add3A_618, %mul3A_619 : vector<16xf32>
        %mul3A_621 = arith.mulf %unpack3A_598, %gather3A : vector<16xf32>
        %mul3A_622 = arith.mulf %unpack3A_603, %gather3A_593 : vector<16xf32>
        %add3A_623 = arith.addf %mul3A_621, %mul3A_622 : vector<16xf32>
        %mul3A_624 = arith.mulf %unpack3A_608, %gather3A_594 : vector<16xf32>
        %add3A_625 = arith.addf %add3A_623, %mul3A_624 : vector<16xf32>
        %mul3A_626 = arith.mulf %unpack3A_613, %gather3A_595 : vector<16xf32>
        %add3A_627 = arith.addf %add3A_625, %mul3A_626 : vector<16xf32>
        %swap3A = arith.index_cast %scan3A_590 : i32 to index
        %swap3A_628 = arith.constant 0 : index
        %swap3A_629 = tpu.vector_load %arg23[%swap3A, %swap3A_628] {strides = array<i32>} : memref<128x96xf32, #tpu.memory_space<vmem>>, vector<16xf32>,
        tpu.vector_store %arg23[%swap3A, %swap3A_628], %add3A_620 {strides = array<i32>} : memref<128x96xf32, #tpu.memory_space<vmem>>, vector<16xf32>,
        %swap3A_630 = arith.index_cast %scan3A_590 : i32 to index
        %swap3A_631 = arith.constant 16 : index
        %swap3A_632 = tpu.vector_load %arg23[%swap3A_630, %swap3A_631] {strides = array<i32>} : memref<128x96xf32, #tpu.memory_space<vmem>>, vector<16xf32>,
        tpu.vector_store %arg23[%swap3A_630, %swap3A_631], %add3A_627 {strides = array<i32>} : memref<128x96xf32, #tpu.memory_space<vmem>>, vector<16xf32>,
        %get3A_633 = arith.index_cast %scan3A_590 : i32 to index
        %get3A_634 = arith.constant 32 : index
        %get3A_635 = tpu.vector_load %arg15[%get3A_633, %get3A_634] {strides = array<i32>} : memref<128x96xbf16, #tpu.memory_space<vmem>>, vector<32xbf16>,
        %unpack3A_636 = tpu.unpack_subelements %get3A_635, 0 {pack_format = #tpu.pack_format<interleaved>} : vector<32xbf16> -> vector<16xf32>
        %unpack3A_637 = tpu.unpack_subelements %get3A_635, 1 {pack_format = #tpu.pack_format<interleaved>} : vector<32xbf16> -> vector<16xf32>
        %get3A_638 = arith.index_cast %scan3A_590 : i32 to index
        %get3A_639 = arith.constant 32 : index
        %get3A_640 = tpu.vector_load %arg16[%get3A_638, %get3A_639] {strides = array<i32>} : memref<128x96xbf16, #tpu.memory_space<vmem>>, vector<32xbf16>,
        %unpack3A_641 = tpu.unpack_subelements %get3A_640, 0 {pack_format = #tpu.pack_format<interleaved>} : vector<32xbf16> -> vector<16xf32>
        %unpack3A_642 = tpu.unpack_subelements %get3A_640, 1 {pack_format = #tpu.pack_format<interleaved>} : vector<32xbf16> -> vector<16xf32>
        %get3A_643 = arith.index_cast %scan3A_590 : i32 to index
        %get3A_644 = arith.constant 32 : index
        %get3A_645 = tpu.vector_load %arg17[%get3A_643, %get3A_644] {strides = array<i32>} : memref<128x96xbf16, #tpu.memory_space<vmem>>, vector<32xbf16>,
        %unpack3A_646 = tpu.unpack_subelements %get3A_645, 0 {pack_format = #tpu.pack_format<interleaved>} : vector<32xbf16> -> vector<16xf32>
        %unpack3A_647 = tpu.unpack_subelements %get3A_645, 1 {pack_format = #tpu.pack_format<interleaved>} : vector<32xbf16> -> vector<16xf32>
        %get3A_648 = arith.index_cast %scan3A_590 : i32 to index
        %get3A_649 = arith.constant 32 : index
        %get3A_650 = tpu.vector_load %arg18[%get3A_648, %get3A_649] {strides = array<i32>} : memref<128x96xbf16, #tpu.memory_space<vmem>>, vector<32xbf16>,
        %unpack3A_651 = tpu.unpack_subelements %get3A_650, 0 {pack_format = #tpu.pack_format<interleaved>} : vector<32xbf16> -> vector<16xf32>
        %unpack3A_652 = tpu.unpack_subelements %get3A_650, 1 {pack_format = #tpu.pack_format<interleaved>} : vector<32xbf16> -> vector<16xf32>
        %mul3A_653 = arith.mulf %unpack3A_636, %gather3A : vector<16xf32>
        %mul3A_654 = arith.mulf %unpack3A_641, %gather3A_593 : vector<16xf32>
        %add3A_655 = arith.addf %mul3A_653, %mul3A_654 : vector<16xf32>
        %mul3A_656 = arith.mulf %unpack3A_646, %gather3A_594 : vector<16xf32>
        %add3A_657 = arith.addf %add3A_655, %mul3A_656 : vector<16xf32>
        %mul3A_658 = arith.mulf %unpack3A_651, %gather3A_595 : vector<16xf32>
        %add3A_659 = arith.addf %add3A_657, %mul3A_658 : vector<16xf32>
        %mul3A_660 = arith.mulf %unpack3A_637, %gather3A : vector<16xf32>
        %mul3A_661 = arith.mulf %unpack3A_642, %gather3A_593 : vector<16xf32>
        %add3A_662 = arith.addf %mul3A_660, %mul3A_661 : vector<16xf32>
        %mul3A_663 = arith.mulf %unpack3A_647, %gather3A_594 : vector<16xf32>
        %add3A_664 = arith.addf %add3A_662, %mul3A_663 : vector<16xf32>
        %mul3A_665 = arith.mulf %unpack3A_652, %gather3A_595 : vector<16xf32>
        %add3A_666 = arith.addf %add3A_664, %mul3A_665 : vector<16xf32>
        %swap3A_667 = arith.index_cast %scan3A_590 : i32 to index
        %swap3A_668 = arith.constant 32 : index
        %swap3A_669 = tpu.vector_load %arg23[%swap3A_667, %swap3A_668] {strides = array<i32>} : memref<128x96xf32, #tpu.memory_space<vmem>>, vector<16xf32>,
        tpu.vector_store %arg23[%swap3A_667, %swap3A_668], %add3A_659 {strides = array<i32>} : memref<128x96xf32, #tpu.memory_space<vmem>>, vector<16xf32>,
        %swap3A_670 = arith.index_cast %scan3A_590 : i32 to index
        %swap3A_671 = arith.constant 48 : index
        %swap3A_672 = tpu.vector_load %arg23[%swap3A_670, %swap3A_671] {strides = array<i32>} : memref<128x96xf32, #tpu.memory_space<vmem>>, vector<16xf32>,
        tpu.vector_store %arg23[%swap3A_670, %swap3A_671], %add3A_666 {strides = array<i32>} : memref<128x96xf32, #tpu.memory_space<vmem>>, vector<16xf32>,
        %get3A_673 = arith.index_cast %scan3A_590 : i32 to index
        %get3A_674 = arith.constant 64 : index
        %get3A_675 = tpu.vector_load %arg15[%get3A_673, %get3A_674] {strides = array<i32>} : memref<128x96xbf16, #tpu.memory_space<vmem>>, vector<32xbf16>,
        %unpack3A_676 = tpu.unpack_subelements %get3A_675, 0 {pack_format = #tpu.pack_format<interleaved>} : vector<32xbf16> -> vector<16xf32>
        %unpack3A_677 = tpu.unpack_subelements %get3A_675, 1 {pack_format = #tpu.pack_format<interleaved>} : vector<32xbf16> -> vector<16xf32>
        %get3A_678 = arith.index_cast %scan3A_590 : i32 to index
        %get3A_679 = arith.constant 64 : index
        %get3A_680 = tpu.vector_load %arg16[%get3A_678, %get3A_679] {strides = array<i32>} : memref<128x96xbf16, #tpu.memory_space<vmem>>, vector<32xbf16>,
        %unpack3A_681 = tpu.unpack_subelements %get3A_680, 0 {pack_format = #tpu.pack_format<interleaved>} : vector<32xbf16> -> vector<16xf32>
        %unpack3A_682 = tpu.unpack_subelements %get3A_680, 1 {pack_format = #tpu.pack_format<interleaved>} : vector<32xbf16> -> vector<16xf32>
        %get3A_683 = arith.index_cast %scan3A_590 : i32 to index
        %get3A_684 = arith.constant 64 : index
        %get3A_685 = tpu.vector_load %arg17[%get3A_683, %get3A_684] {strides = array<i32>} : memref<128x96xbf16, #tpu.memory_space<vmem>>, vector<32xbf16>,
        %unpack3A_686 = tpu.unpack_subelements %get3A_685, 0 {pack_format = #tpu.pack_format<interleaved>} : vector<32xbf16> -> vector<16xf32>
        %unpack3A_687 = tpu.unpack_subelements %get3A_685, 1 {pack_format = #tpu.pack_format<interleaved>} : vector<32xbf16> -> vector<16xf32>
        %get3A_688 = arith.index_cast %scan3A_590 : i32 to index
        %get3A_689 = arith.constant 64 : index
        %get3A_690 = tpu.vector_load %arg18[%get3A_688, %get3A_689] {strides = array<i32>} : memref<128x96xbf16, #tpu.memory_space<vmem>>, vector<32xbf16>,
        %unpack3A_691 = tpu.unpack_subelements %get3A_690, 0 {pack_format = #tpu.pack_format<interleaved>} : vector<32xbf16> -> vector<16xf32>
        %unpack3A_692 = tpu.unpack_subelements %get3A_690, 1 {pack_format = #tpu.pack_format<interleaved>} : vector<32xbf16> -> vector<16xf32>
        %mul3A_693 = arith.mulf %unpack3A_676, %gather3A : vector<16xf32>
        %mul3A_694 = arith.mulf %unpack3A_681, %gather3A_593 : vector<16xf32>
        %add3A_695 = arith.addf %mul3A_693, %mul3A_694 : vector<16xf32>
        %mul3A_696 = arith.mulf %unpack3A_686, %gather3A_594 : vector<16xf32>
        %add3A_697 = arith.addf %add3A_695, %mul3A_696 : vector<16xf32>
        %mul3A_698 = arith.mulf %unpack3A_691, %gather3A_595 : vector<16xf32>
        %add3A_699 = arith.addf %add3A_697, %mul3A_698 : vector<16xf32>
        %mul3A_700 = arith.mulf %unpack3A_677, %gather3A : vector<16xf32>
        %mul3A_701 = arith.mulf %unpack3A_682, %gather3A_593 : vector<16xf32>
        %add3A_702 = arith.addf %mul3A_700, %mul3A_701 : vector<16xf32>
        %mul3A_703 = arith.mulf %unpack3A_687, %gather3A_594 : vector<16xf32>
        %add3A_704 = arith.addf %add3A_702, %mul3A_703 : vector<16xf32>
        %mul3A_705 = arith.mulf %unpack3A_692, %gather3A_595 : vector<16xf32>
        %add3A_706 = arith.addf %add3A_704, %mul3A_705 : vector<16xf32>
        %swap3A_707 = arith.index_cast %scan3A_590 : i32 to index
        %swap3A_708 = arith.constant 64 : index
        %swap3A_709 = tpu.vector_load %arg23[%swap3A_707, %swap3A_708] {strides = array<i32>} : memref<128x96xf32, #tpu.memory_space<vmem>>, vector<16xf32>,
        tpu.vector_store %arg23[%swap3A_707, %swap3A_708], %add3A_699 {strides = array<i32>} : memref<128x96xf32, #tpu.memory_space<vmem>>, vector<16xf32>,
        %swap3A_710 = arith.index_cast %scan3A_590 : i32 to index
        %swap3A_711 = arith.constant 80 : index
        %swap3A_712 = tpu.vector_load %arg23[%swap3A_710, %swap3A_711] {strides = array<i32>} : memref<128x96xf32, #tpu.memory_space<vmem>>, vector<16xf32>,
        tpu.vector_store %arg23[%swap3A_710, %swap3A_711], %add3A_706 {strides = array<i32>} : memref<128x96xf32, #tpu.memory_space<vmem>>, vector<16xf32>,
      }
      %scan3A_277 = arith.constant 128 : i32
      %mul3A_278 = arith.constant 147456 : i32
      %mul3A_279 = arith.muli %select_n3A, %mul3A_278 : i32
      %add3A_280 = arith.addi %mul3A_279, %add3A_47 : i32
      %add3A_281 = arith.constant 256 : i32
      %add3A_282 = arith.addi %add3A_280, %add3A_281 : i32
      "tpu.region"() ({
        %run_scoped3A = tpu.sem_alloc : memref<!tpu.dma_semaphore, #tpu.memory_space<semaphore_mem>>
        %dma_start3A_590 = arith.constant 0 : i32
        %dma_start3A_591 = tpu.memref_slice %arg4[%add3A_282, %dma_start3A_590] : memref<589824x96xf32, #tpu.memory_space<hbm>> -> memref<128x96xf32, #tpu.memory_space<hbm>>
        %dma_start3A_592 = arith.constant 0 : i32
        %dma_start3A_593 = tpu.memref_slice %arg4[%add3A_282, %dma_start3A_592] : memref<589824x96xf32, #tpu.memory_space<hbm>> -> memref<128x96xf32, #tpu.memory_space<hbm>>
        tpu.enqueue_dma source(%arg23 : memref<128x96xf32, #tpu.memory_space<vmem>>) target(%dma_start3A_593 : memref<128x96xf32, #tpu.memory_space<hbm>>) target_semaphore(%run_scoped3A : memref<!tpu.dma_semaphore, #tpu.memory_space<semaphore_mem>>)
        %dma_wait3A_594 = arith.constant 0 : i32
        %dma_wait3A_595 = tpu.memref_slice %arg4[%add3A_282, %dma_wait3A_594] : memref<589824x96xf32, #tpu.memory_space<hbm>> -> memref<128x96xf32, #tpu.memory_space<hbm>>
        %dma_wait3A_596 = arith.constant 0 : i32
        %dma_wait3A_597 = tpu.memref_slice %arg4[%add3A_282, %dma_wait3A_596] : memref<589824x96xf32, #tpu.memory_space<hbm>> -> memref<128x96xf32, #tpu.memory_space<hbm>>
        tpu.wait_dma2 semaphore(%run_scoped3A : memref<!tpu.dma_semaphore, #tpu.memory_space<semaphore_mem>>) src(%arg23 : memref<128x96xf32, #tpu.memory_space<vmem>>) dst(%dma_wait3A_597 : memref<128x96xf32, #tpu.memory_space<hbm>>)
        tpu.yield
      }) : () -> ()
      %dma_start3A_283 = arith.constant 4 : i32
      %dma_start3A_284 = arith.constant 0 : i32
      %dma_start3A_285 = tpu.memref_slice %arg7[%dma_start3A_283, %dma_start3A_284] : memref<8x128xi32, #tpu.memory_space<vmem>> -> memref<1x128xi32, #tpu.memory_space<vmem>>
      %dma_start3A_286 = tpu.memref_squeeze %dma_start3A_285 : memref<1x128xi32, #tpu.memory_space<vmem>> -> memref<128xi32, #tpu.memory_space<vmem>>
      %dma_start3A_287 = arith.constant 0 : i32
      %dma_start3A_288 = arith.constant 0 : i32
      %dma_start3A_289 = tpu.memref_slice %arg2[%dma_start3A_287, %dma_start3A_288] : memref<589824x96xbf16, #tpu.memory_space<hbm>> -> memref<589824x96xbf16, #tpu.memory_space<hbm>>
      tpu.enqueue_indirect_dma source(%dma_start3A_289 : memref<589824x96xbf16, #tpu.memory_space<hbm>>) target(%arg15 : memref<128x96xbf16, #tpu.memory_space<vmem>>) offsets(%dma_start3A_286 : memref<128xi32, #tpu.memory_space<vmem>>) semaphore(%arg24 : memref<!tpu.dma_semaphore, #tpu.memory_space<semaphore_mem>>)
      %dma_start3A_290 = arith.constant 4 : i32
      %dma_start3A_291 = arith.constant 0 : i32
      %dma_start3A_292 = tpu.memref_slice %arg8[%dma_start3A_290, %dma_start3A_291] : memref<8x128xi32, #tpu.memory_space<vmem>> -> memref<1x128xi32, #tpu.memory_space<vmem>>
      %dma_start3A_293 = tpu.memref_squeeze %dma_start3A_292 : memref<1x128xi32, #tpu.memory_space<vmem>> -> memref<128xi32, #tpu.memory_space<vmem>>
      %dma_start3A_294 = arith.constant 0 : i32
      %dma_start3A_295 = arith.constant 0 : i32
      %dma_start3A_296 = tpu.memref_slice %arg2[%dma_start3A_294, %dma_start3A_295] : memref<589824x96xbf16, #tpu.memory_space<hbm>> -> memref<589824x96xbf16, #tpu.memory_space<hbm>>
      tpu.enqueue_indirect_dma source(%dma_start3A_296 : memref<589824x96xbf16, #tpu.memory_space<hbm>>) target(%arg16 : memref<128x96xbf16, #tpu.memory_space<vmem>>) offsets(%dma_start3A_293 : memref<128xi32, #tpu.memory_space<vmem>>) semaphore(%arg24 : memref<!tpu.dma_semaphore, #tpu.memory_space<semaphore_mem>>)
      %dma_start3A_297 = arith.constant 4 : i32
      %dma_start3A_298 = arith.constant 0 : i32
      %dma_start3A_299 = tpu.memref_slice %arg9[%dma_start3A_297, %dma_start3A_298] : memref<8x128xi32, #tpu.memory_space<vmem>> -> memref<1x128xi32, #tpu.memory_space<vmem>>
      %dma_start3A_300 = tpu.memref_squeeze %dma_start3A_299 : memref<1x128xi32, #tpu.memory_space<vmem>> -> memref<128xi32, #tpu.memory_space<vmem>>
      %dma_start3A_301 = arith.constant 0 : i32
      %dma_start3A_302 = arith.constant 0 : i32
      %dma_start3A_303 = tpu.memref_slice %arg2[%dma_start3A_301, %dma_start3A_302] : memref<589824x96xbf16, #tpu.memory_space<hbm>> -> memref<589824x96xbf16, #tpu.memory_space<hbm>>
      tpu.enqueue_indirect_dma source(%dma_start3A_303 : memref<589824x96xbf16, #tpu.memory_space<hbm>>) target(%arg17 : memref<128x96xbf16, #tpu.memory_space<vmem>>) offsets(%dma_start3A_300 : memref<128xi32, #tpu.memory_space<vmem>>) semaphore(%arg24 : memref<!tpu.dma_semaphore, #tpu.memory_space<semaphore_mem>>)
      %dma_start3A_304 = arith.constant 4 : i32
      %dma_start3A_305 = arith.constant 0 : i32
      %dma_start3A_306 = tpu.memref_slice %arg10[%dma_start3A_304, %dma_start3A_305] : memref<8x128xi32, #tpu.memory_space<vmem>> -> memref<1x128xi32, #tpu.memory_space<vmem>>
      %dma_start3A_307 = tpu.memref_squeeze %dma_start3A_306 : memref<1x128xi32, #tpu.memory_space<vmem>> -> memref<128xi32, #tpu.memory_space<vmem>>
      %dma_start3A_308 = arith.constant 0 : i32
      %dma_start3A_309 = arith.constant 0 : i32
      %dma_start3A_310 = tpu.memref_slice %arg2[%dma_start3A_308, %dma_start3A_309] : memref<589824x96xbf16, #tpu.memory_space<hbm>> -> memref<589824x96xbf16, #tpu.memory_space<hbm>>
      tpu.enqueue_indirect_dma source(%dma_start3A_310 : memref<589824x96xbf16, #tpu.memory_space<hbm>>) target(%arg18 : memref<128x96xbf16, #tpu.memory_space<vmem>>) offsets(%dma_start3A_307 : memref<128xi32, #tpu.memory_space<vmem>>) semaphore(%arg24 : memref<!tpu.dma_semaphore, #tpu.memory_space<semaphore_mem>>)
      %dma_wait3A_311 = arith.constant 3 : i32
      %dma_wait3A_312 = arith.constant 0 : i32
      %dma_wait3A_313 = tpu.memref_slice %arg7[%dma_wait3A_311, %dma_wait3A_312] : memref<8x128xi32, #tpu.memory_space<vmem>> -> memref<1x128xi32, #tpu.memory_space<vmem>>
      %dma_wait3A_314 = tpu.memref_squeeze %dma_wait3A_313 : memref<1x128xi32, #tpu.memory_space<vmem>> -> memref<128xi32, #tpu.memory_space<vmem>>
      %dma_wait3A_315 = arith.constant 0 : i32
      %dma_wait3A_316 = arith.constant 0 : i32
      %dma_wait3A_317 = tpu.memref_slice %arg2[%dma_wait3A_315, %dma_wait3A_316] : memref<589824x96xbf16, #tpu.memory_space<hbm>> -> memref<589824x96xbf16, #tpu.memory_space<hbm>>
      tpu.wait_indirect_dma semaphore(%arg25 : memref<!tpu.dma_semaphore, #tpu.memory_space<semaphore_mem>>) src(%dma_wait3A_317 : memref<589824x96xbf16, #tpu.memory_space<hbm>>) dst(%arg19 : memref<128x96xbf16, #tpu.memory_space<vmem>>)
      %dma_wait3A_318 = arith.constant 3 : i32
      %dma_wait3A_319 = arith.constant 0 : i32
      %dma_wait3A_320 = tpu.memref_slice %arg8[%dma_wait3A_318, %dma_wait3A_319] : memref<8x128xi32, #tpu.memory_space<vmem>> -> memref<1x128xi32, #tpu.memory_space<vmem>>
      %dma_wait3A_321 = tpu.memref_squeeze %dma_wait3A_320 : memref<1x128xi32, #tpu.memory_space<vmem>> -> memref<128xi32, #tpu.memory_space<vmem>>
      %dma_wait3A_322 = arith.constant 0 : i32
      %dma_wait3A_323 = arith.constant 0 : i32
      %dma_wait3A_324 = tpu.memref_slice %arg2[%dma_wait3A_322, %dma_wait3A_323] : memref<589824x96xbf16, #tpu.memory_space<hbm>> -> memref<589824x96xbf16, #tpu.memory_space<hbm>>
      tpu.wait_indirect_dma semaphore(%arg25 : memref<!tpu.dma_semaphore, #tpu.memory_space<semaphore_mem>>) src(%dma_wait3A_324 : memref<589824x96xbf16, #tpu.memory_space<hbm>>) dst(%arg20 : memref<128x96xbf16, #tpu.memory_space<vmem>>)
      %dma_wait3A_325 = arith.constant 3 : i32
      %dma_wait3A_326 = arith.constant 0 : i32
      %dma_wait3A_327 = tpu.memref_slice %arg9[%dma_wait3A_325, %dma_wait3A_326] : memref<8x128xi32, #tpu.memory_space<vmem>> -> memref<1x128xi32, #tpu.memory_space<vmem>>
      %dma_wait3A_328 = tpu.memref_squeeze %dma_wait3A_327 : memref<1x128xi32, #tpu.memory_space<vmem>> -> memref<128xi32, #tpu.memory_space<vmem>>
      %dma_wait3A_329 = arith.constant 0 : i32
      %dma_wait3A_330 = arith.constant 0 : i32
      %dma_wait3A_331 = tpu.memref_slice %arg2[%dma_wait3A_329, %dma_wait3A_330] : memref<589824x96xbf16, #tpu.memory_space<hbm>> -> memref<589824x96xbf16, #tpu.memory_space<hbm>>
      tpu.wait_indirect_dma semaphore(%arg25 : memref<!tpu.dma_semaphore, #tpu.memory_space<semaphore_mem>>) src(%dma_wait3A_331 : memref<589824x96xbf16, #tpu.memory_space<hbm>>) dst(%arg21 : memref<128x96xbf16, #tpu.memory_space<vmem>>)
      %dma_wait3A_332 = arith.constant 3 : i32
      %dma_wait3A_333 = arith.constant 0 : i32
      %dma_wait3A_334 = tpu.memref_slice %arg10[%dma_wait3A_332, %dma_wait3A_333] : memref<8x128xi32, #tpu.memory_space<vmem>> -> memref<1x128xi32, #tpu.memory_space<vmem>>
      %dma_wait3A_335 = tpu.memref_squeeze %dma_wait3A_334 : memref<1x128xi32, #tpu.memory_space<vmem>> -> memref<128xi32, #tpu.memory_space<vmem>>
      %dma_wait3A_336 = arith.constant 0 : i32
      %dma_wait3A_337 = arith.constant 0 : i32
      %dma_wait3A_338 = tpu.memref_slice %arg2[%dma_wait3A_336, %dma_wait3A_337] : memref<589824x96xbf16, #tpu.memory_space<hbm>> -> memref<589824x96xbf16, #tpu.memory_space<hbm>>
      tpu.wait_indirect_dma semaphore(%arg25 : memref<!tpu.dma_semaphore, #tpu.memory_space<semaphore_mem>>) src(%dma_wait3A_338 : memref<589824x96xbf16, #tpu.memory_space<hbm>>) dst(%arg22 : memref<128x96xbf16, #tpu.memory_space<vmem>>)
      %scan3A_339 = arith.constant 0 : i32
      %scan3A_340 = arith.constant 0 : i32
      %scan3A_341 = arith.constant 128 : i32
      %scan3A_342 = arith.addi %scan3A_340, %scan3A_341 : i32
      %scan3A_343 = arith.constant 1 : i32
      scf.for %scan3A_590 = %scan3A_340 to %scan3A_342 step %scan3A_343  : i32 {
        %add3A_591 = arith.constant 384 : i32
        %add3A_592 = arith.addi %add3A_591, %scan3A_590 : i32
        %broadcast_in_dim3A = vector.broadcast %add3A_592 : i32 to vector<16xi32>
        %gather3A = tpu.vector_load_idx %arg11[%broadcast_in_dim3A] : memref<1024xf32, #tpu.memory_space<vmem>>[vector<16xi32>], vector<16xf32>,
        %gather3A_593 = tpu.vector_load_idx %arg12[%broadcast_in_dim3A] : memref<1024xf32, #tpu.memory_space<vmem>>[vector<16xi32>], vector<16xf32>,
        %gather3A_594 = tpu.vector_load_idx %arg13[%broadcast_in_dim3A] : memref<1024xf32, #tpu.memory_space<vmem>>[vector<16xi32>], vector<16xf32>,
        %gather3A_595 = tpu.vector_load_idx %arg14[%broadcast_in_dim3A] : memref<1024xf32, #tpu.memory_space<vmem>>[vector<16xi32>], vector<16xf32>,
        %get3A = arith.index_cast %scan3A_590 : i32 to index
        %get3A_596 = arith.constant 0 : index
        %get3A_597 = tpu.vector_load %arg19[%get3A, %get3A_596] {strides = array<i32>} : memref<128x96xbf16, #tpu.memory_space<vmem>>, vector<32xbf16>,
        %unpack3A = tpu.unpack_subelements %get3A_597, 0 {pack_format = #tpu.pack_format<interleaved>} : vector<32xbf16> -> vector<16xf32>
        %unpack3A_598 = tpu.unpack_subelements %get3A_597, 1 {pack_format = #tpu.pack_format<interleaved>} : vector<32xbf16> -> vector<16xf32>
        %get3A_599 = arith.index_cast %scan3A_590 : i32 to index
        %get3A_600 = arith.constant 0 : index
        %get3A_601 = tpu.vector_load %arg20[%get3A_599, %get3A_600] {strides = array<i32>} : memref<128x96xbf16, #tpu.memory_space<vmem>>, vector<32xbf16>,
        %unpack3A_602 = tpu.unpack_subelements %get3A_601, 0 {pack_format = #tpu.pack_format<interleaved>} : vector<32xbf16> -> vector<16xf32>
        %unpack3A_603 = tpu.unpack_subelements %get3A_601, 1 {pack_format = #tpu.pack_format<interleaved>} : vector<32xbf16> -> vector<16xf32>
        %get3A_604 = arith.index_cast %scan3A_590 : i32 to index
        %get3A_605 = arith.constant 0 : index
        %get3A_606 = tpu.vector_load %arg21[%get3A_604, %get3A_605] {strides = array<i32>} : memref<128x96xbf16, #tpu.memory_space<vmem>>, vector<32xbf16>,
        %unpack3A_607 = tpu.unpack_subelements %get3A_606, 0 {pack_format = #tpu.pack_format<interleaved>} : vector<32xbf16> -> vector<16xf32>
        %unpack3A_608 = tpu.unpack_subelements %get3A_606, 1 {pack_format = #tpu.pack_format<interleaved>} : vector<32xbf16> -> vector<16xf32>
        %get3A_609 = arith.index_cast %scan3A_590 : i32 to index
        %get3A_610 = arith.constant 0 : index
        %get3A_611 = tpu.vector_load %arg22[%get3A_609, %get3A_610] {strides = array<i32>} : memref<128x96xbf16, #tpu.memory_space<vmem>>, vector<32xbf16>,
        %unpack3A_612 = tpu.unpack_subelements %get3A_611, 0 {pack_format = #tpu.pack_format<interleaved>} : vector<32xbf16> -> vector<16xf32>
        %unpack3A_613 = tpu.unpack_subelements %get3A_611, 1 {pack_format = #tpu.pack_format<interleaved>} : vector<32xbf16> -> vector<16xf32>
        %mul3A_614 = arith.mulf %unpack3A, %gather3A : vector<16xf32>
        %mul3A_615 = arith.mulf %unpack3A_602, %gather3A_593 : vector<16xf32>
        %add3A_616 = arith.addf %mul3A_614, %mul3A_615 : vector<16xf32>
        %mul3A_617 = arith.mulf %unpack3A_607, %gather3A_594 : vector<16xf32>
        %add3A_618 = arith.addf %add3A_616, %mul3A_617 : vector<16xf32>
        %mul3A_619 = arith.mulf %unpack3A_612, %gather3A_595 : vector<16xf32>
        %add3A_620 = arith.addf %add3A_618, %mul3A_619 : vector<16xf32>
        %mul3A_621 = arith.mulf %unpack3A_598, %gather3A : vector<16xf32>
        %mul3A_622 = arith.mulf %unpack3A_603, %gather3A_593 : vector<16xf32>
        %add3A_623 = arith.addf %mul3A_621, %mul3A_622 : vector<16xf32>
        %mul3A_624 = arith.mulf %unpack3A_608, %gather3A_594 : vector<16xf32>
        %add3A_625 = arith.addf %add3A_623, %mul3A_624 : vector<16xf32>
        %mul3A_626 = arith.mulf %unpack3A_613, %gather3A_595 : vector<16xf32>
        %add3A_627 = arith.addf %add3A_625, %mul3A_626 : vector<16xf32>
        %swap3A = arith.index_cast %scan3A_590 : i32 to index
        %swap3A_628 = arith.constant 0 : index
        %swap3A_629 = tpu.vector_load %arg23[%swap3A, %swap3A_628] {strides = array<i32>} : memref<128x96xf32, #tpu.memory_space<vmem>>, vector<16xf32>,
        tpu.vector_store %arg23[%swap3A, %swap3A_628], %add3A_620 {strides = array<i32>} : memref<128x96xf32, #tpu.memory_space<vmem>>, vector<16xf32>,
        %swap3A_630 = arith.index_cast %scan3A_590 : i32 to index
        %swap3A_631 = arith.constant 16 : index
        %swap3A_632 = tpu.vector_load %arg23[%swap3A_630, %swap3A_631] {strides = array<i32>} : memref<128x96xf32, #tpu.memory_space<vmem>>, vector<16xf32>,
        tpu.vector_store %arg23[%swap3A_630, %swap3A_631], %add3A_627 {strides = array<i32>} : memref<128x96xf32, #tpu.memory_space<vmem>>, vector<16xf32>,
        %get3A_633 = arith.index_cast %scan3A_590 : i32 to index
        %get3A_634 = arith.constant 32 : index
        %get3A_635 = tpu.vector_load %arg19[%get3A_633, %get3A_634] {strides = array<i32>} : memref<128x96xbf16, #tpu.memory_space<vmem>>, vector<32xbf16>,
        %unpack3A_636 = tpu.unpack_subelements %get3A_635, 0 {pack_format = #tpu.pack_format<interleaved>} : vector<32xbf16> -> vector<16xf32>
        %unpack3A_637 = tpu.unpack_subelements %get3A_635, 1 {pack_format = #tpu.pack_format<interleaved>} : vector<32xbf16> -> vector<16xf32>
        %get3A_638 = arith.index_cast %scan3A_590 : i32 to index
        %get3A_639 = arith.constant 32 : index
        %get3A_640 = tpu.vector_load %arg20[%get3A_638, %get3A_639] {strides = array<i32>} : memref<128x96xbf16, #tpu.memory_space<vmem>>, vector<32xbf16>,
        %unpack3A_641 = tpu.unpack_subelements %get3A_640, 0 {pack_format = #tpu.pack_format<interleaved>} : vector<32xbf16> -> vector<16xf32>
        %unpack3A_642 = tpu.unpack_subelements %get3A_640, 1 {pack_format = #tpu.pack_format<interleaved>} : vector<32xbf16> -> vector<16xf32>
        %get3A_643 = arith.index_cast %scan3A_590 : i32 to index
        %get3A_644 = arith.constant 32 : index
        %get3A_645 = tpu.vector_load %arg21[%get3A_643, %get3A_644] {strides = array<i32>} : memref<128x96xbf16, #tpu.memory_space<vmem>>, vector<32xbf16>,
        %unpack3A_646 = tpu.unpack_subelements %get3A_645, 0 {pack_format = #tpu.pack_format<interleaved>} : vector<32xbf16> -> vector<16xf32>
        %unpack3A_647 = tpu.unpack_subelements %get3A_645, 1 {pack_format = #tpu.pack_format<interleaved>} : vector<32xbf16> -> vector<16xf32>
        %get3A_648 = arith.index_cast %scan3A_590 : i32 to index
        %get3A_649 = arith.constant 32 : index
        %get3A_650 = tpu.vector_load %arg22[%get3A_648, %get3A_649] {strides = array<i32>} : memref<128x96xbf16, #tpu.memory_space<vmem>>, vector<32xbf16>,
        %unpack3A_651 = tpu.unpack_subelements %get3A_650, 0 {pack_format = #tpu.pack_format<interleaved>} : vector<32xbf16> -> vector<16xf32>
        %unpack3A_652 = tpu.unpack_subelements %get3A_650, 1 {pack_format = #tpu.pack_format<interleaved>} : vector<32xbf16> -> vector<16xf32>
        %mul3A_653 = arith.mulf %unpack3A_636, %gather3A : vector<16xf32>
        %mul3A_654 = arith.mulf %unpack3A_641, %gather3A_593 : vector<16xf32>
        %add3A_655 = arith.addf %mul3A_653, %mul3A_654 : vector<16xf32>
        %mul3A_656 = arith.mulf %unpack3A_646, %gather3A_594 : vector<16xf32>
        %add3A_657 = arith.addf %add3A_655, %mul3A_656 : vector<16xf32>
        %mul3A_658 = arith.mulf %unpack3A_651, %gather3A_595 : vector<16xf32>
        %add3A_659 = arith.addf %add3A_657, %mul3A_658 : vector<16xf32>
        %mul3A_660 = arith.mulf %unpack3A_637, %gather3A : vector<16xf32>
        %mul3A_661 = arith.mulf %unpack3A_642, %gather3A_593 : vector<16xf32>
        %add3A_662 = arith.addf %mul3A_660, %mul3A_661 : vector<16xf32>
        %mul3A_663 = arith.mulf %unpack3A_647, %gather3A_594 : vector<16xf32>
        %add3A_664 = arith.addf %add3A_662, %mul3A_663 : vector<16xf32>
        %mul3A_665 = arith.mulf %unpack3A_652, %gather3A_595 : vector<16xf32>
        %add3A_666 = arith.addf %add3A_664, %mul3A_665 : vector<16xf32>
        %swap3A_667 = arith.index_cast %scan3A_590 : i32 to index
        %swap3A_668 = arith.constant 32 : index
        %swap3A_669 = tpu.vector_load %arg23[%swap3A_667, %swap3A_668] {strides = array<i32>} : memref<128x96xf32, #tpu.memory_space<vmem>>, vector<16xf32>,
        tpu.vector_store %arg23[%swap3A_667, %swap3A_668], %add3A_659 {strides = array<i32>} : memref<128x96xf32, #tpu.memory_space<vmem>>, vector<16xf32>,
        %swap3A_670 = arith.index_cast %scan3A_590 : i32 to index
        %swap3A_671 = arith.constant 48 : index
        %swap3A_672 = tpu.vector_load %arg23[%swap3A_670, %swap3A_671] {strides = array<i32>} : memref<128x96xf32, #tpu.memory_space<vmem>>, vector<16xf32>,
        tpu.vector_store %arg23[%swap3A_670, %swap3A_671], %add3A_666 {strides = array<i32>} : memref<128x96xf32, #tpu.memory_space<vmem>>, vector<16xf32>,
        %get3A_673 = arith.index_cast %scan3A_590 : i32 to index
        %get3A_674 = arith.constant 64 : index
        %get3A_675 = tpu.vector_load %arg19[%get3A_673, %get3A_674] {strides = array<i32>} : memref<128x96xbf16, #tpu.memory_space<vmem>>, vector<32xbf16>,
        %unpack3A_676 = tpu.unpack_subelements %get3A_675, 0 {pack_format = #tpu.pack_format<interleaved>} : vector<32xbf16> -> vector<16xf32>
        %unpack3A_677 = tpu.unpack_subelements %get3A_675, 1 {pack_format = #tpu.pack_format<interleaved>} : vector<32xbf16> -> vector<16xf32>
        %get3A_678 = arith.index_cast %scan3A_590 : i32 to index
        %get3A_679 = arith.constant 64 : index
        %get3A_680 = tpu.vector_load %arg20[%get3A_678, %get3A_679] {strides = array<i32>} : memref<128x96xbf16, #tpu.memory_space<vmem>>, vector<32xbf16>,
        %unpack3A_681 = tpu.unpack_subelements %get3A_680, 0 {pack_format = #tpu.pack_format<interleaved>} : vector<32xbf16> -> vector<16xf32>
        %unpack3A_682 = tpu.unpack_subelements %get3A_680, 1 {pack_format = #tpu.pack_format<interleaved>} : vector<32xbf16> -> vector<16xf32>
        %get3A_683 = arith.index_cast %scan3A_590 : i32 to index
        %get3A_684 = arith.constant 64 : index
        %get3A_685 = tpu.vector_load %arg21[%get3A_683, %get3A_684] {strides = array<i32>} : memref<128x96xbf16, #tpu.memory_space<vmem>>, vector<32xbf16>,
        %unpack3A_686 = tpu.unpack_subelements %get3A_685, 0 {pack_format = #tpu.pack_format<interleaved>} : vector<32xbf16> -> vector<16xf32>
        %unpack3A_687 = tpu.unpack_subelements %get3A_685, 1 {pack_format = #tpu.pack_format<interleaved>} : vector<32xbf16> -> vector<16xf32>
        %get3A_688 = arith.index_cast %scan3A_590 : i32 to index
        %get3A_689 = arith.constant 64 : index
        %get3A_690 = tpu.vector_load %arg22[%get3A_688, %get3A_689] {strides = array<i32>} : memref<128x96xbf16, #tpu.memory_space<vmem>>, vector<32xbf16>,
        %unpack3A_691 = tpu.unpack_subelements %get3A_690, 0 {pack_format = #tpu.pack_format<interleaved>} : vector<32xbf16> -> vector<16xf32>
        %unpack3A_692 = tpu.unpack_subelements %get3A_690, 1 {pack_format = #tpu.pack_format<interleaved>} : vector<32xbf16> -> vector<16xf32>
        %mul3A_693 = arith.mulf %unpack3A_676, %gather3A : vector<16xf32>
        %mul3A_694 = arith.mulf %unpack3A_681, %gather3A_593 : vector<16xf32>
        %add3A_695 = arith.addf %mul3A_693, %mul3A_694 : vector<16xf32>
        %mul3A_696 = arith.mulf %unpack3A_686, %gather3A_594 : vector<16xf32>
        %add3A_697 = arith.addf %add3A_695, %mul3A_696 : vector<16xf32>
        %mul3A_698 = arith.mulf %unpack3A_691, %gather3A_595 : vector<16xf32>
        %add3A_699 = arith.addf %add3A_697, %mul3A_698 : vector<16xf32>
        %mul3A_700 = arith.mulf %unpack3A_677, %gather3A : vector<16xf32>
        %mul3A_701 = arith.mulf %unpack3A_682, %gather3A_593 : vector<16xf32>
        %add3A_702 = arith.addf %mul3A_700, %mul3A_701 : vector<16xf32>
        %mul3A_703 = arith.mulf %unpack3A_687, %gather3A_594 : vector<16xf32>
        %add3A_704 = arith.addf %add3A_702, %mul3A_703 : vector<16xf32>
        %mul3A_705 = arith.mulf %unpack3A_692, %gather3A_595 : vector<16xf32>
        %add3A_706 = arith.addf %add3A_704, %mul3A_705 : vector<16xf32>
        %swap3A_707 = arith.index_cast %scan3A_590 : i32 to index
        %swap3A_708 = arith.constant 64 : index
        %swap3A_709 = tpu.vector_load %arg23[%swap3A_707, %swap3A_708] {strides = array<i32>} : memref<128x96xf32, #tpu.memory_space<vmem>>, vector<16xf32>,
        tpu.vector_store %arg23[%swap3A_707, %swap3A_708], %add3A_699 {strides = array<i32>} : memref<128x96xf32, #tpu.memory_space<vmem>>, vector<16xf32>,
        %swap3A_710 = arith.index_cast %scan3A_590 : i32 to index
        %swap3A_711 = arith.constant 80 : index
        %swap3A_712 = tpu.vector_load %arg23[%swap3A_710, %swap3A_711] {strides = array<i32>} : memref<128x96xf32, #tpu.memory_space<vmem>>, vector<16xf32>,
        tpu.vector_store %arg23[%swap3A_710, %swap3A_711], %add3A_706 {strides = array<i32>} : memref<128x96xf32, #tpu.memory_space<vmem>>, vector<16xf32>,
      }
      %scan3A_344 = arith.constant 128 : i32
      %mul3A_345 = arith.constant 147456 : i32
      %mul3A_346 = arith.muli %select_n3A, %mul3A_345 : i32
      %add3A_347 = arith.addi %mul3A_346, %add3A_47 : i32
      %add3A_348 = arith.constant 384 : i32
      %add3A_349 = arith.addi %add3A_347, %add3A_348 : i32
      "tpu.region"() ({
        %run_scoped3A = tpu.sem_alloc : memref<!tpu.dma_semaphore, #tpu.memory_space<semaphore_mem>>
        %dma_start3A_590 = arith.constant 0 : i32
        %dma_start3A_591 = tpu.memref_slice %arg4[%add3A_349, %dma_start3A_590] : memref<589824x96xf32, #tpu.memory_space<hbm>> -> memref<128x96xf32, #tpu.memory_space<hbm>>
        %dma_start3A_592 = arith.constant 0 : i32
        %dma_start3A_593 = tpu.memref_slice %arg4[%add3A_349, %dma_start3A_592] : memref<589824x96xf32, #tpu.memory_space<hbm>> -> memref<128x96xf32, #tpu.memory_space<hbm>>
        tpu.enqueue_dma source(%arg23 : memref<128x96xf32, #tpu.memory_space<vmem>>) target(%dma_start3A_593 : memref<128x96xf32, #tpu.memory_space<hbm>>) target_semaphore(%run_scoped3A : memref<!tpu.dma_semaphore, #tpu.memory_space<semaphore_mem>>)
        %dma_wait3A_594 = arith.constant 0 : i32
        %dma_wait3A_595 = tpu.memref_slice %arg4[%add3A_349, %dma_wait3A_594] : memref<589824x96xf32, #tpu.memory_space<hbm>> -> memref<128x96xf32, #tpu.memory_space<hbm>>
        %dma_wait3A_596 = arith.constant 0 : i32
        %dma_wait3A_597 = tpu.memref_slice %arg4[%add3A_349, %dma_wait3A_596] : memref<589824x96xf32, #tpu.memory_space<hbm>> -> memref<128x96xf32, #tpu.memory_space<hbm>>
        tpu.wait_dma2 semaphore(%run_scoped3A : memref<!tpu.dma_semaphore, #tpu.memory_space<semaphore_mem>>) src(%arg23 : memref<128x96xf32, #tpu.memory_space<vmem>>) dst(%dma_wait3A_597 : memref<128x96xf32, #tpu.memory_space<hbm>>)
        tpu.yield
      }) : () -> ()
      %dma_start3A_350 = arith.constant 5 : i32
      %dma_start3A_351 = arith.constant 0 : i32
      %dma_start3A_352 = tpu.memref_slice %arg7[%dma_start3A_350, %dma_start3A_351] : memref<8x128xi32, #tpu.memory_space<vmem>> -> memref<1x128xi32, #tpu.memory_space<vmem>>
      %dma_start3A_353 = tpu.memref_squeeze %dma_start3A_352 : memref<1x128xi32, #tpu.memory_space<vmem>> -> memref<128xi32, #tpu.memory_space<vmem>>
      %dma_start3A_354 = arith.constant 0 : i32
      %dma_start3A_355 = arith.constant 0 : i32
      %dma_start3A_356 = tpu.memref_slice %arg2[%dma_start3A_354, %dma_start3A_355] : memref<589824x96xbf16, #tpu.memory_space<hbm>> -> memref<589824x96xbf16, #tpu.memory_space<hbm>>
      tpu.enqueue_indirect_dma source(%dma_start3A_356 : memref<589824x96xbf16, #tpu.memory_space<hbm>>) target(%arg19 : memref<128x96xbf16, #tpu.memory_space<vmem>>) offsets(%dma_start3A_353 : memref<128xi32, #tpu.memory_space<vmem>>) semaphore(%arg25 : memref<!tpu.dma_semaphore, #tpu.memory_space<semaphore_mem>>)
      %dma_start3A_357 = arith.constant 5 : i32
      %dma_start3A_358 = arith.constant 0 : i32
      %dma_start3A_359 = tpu.memref_slice %arg8[%dma_start3A_357, %dma_start3A_358] : memref<8x128xi32, #tpu.memory_space<vmem>> -> memref<1x128xi32, #tpu.memory_space<vmem>>
      %dma_start3A_360 = tpu.memref_squeeze %dma_start3A_359 : memref<1x128xi32, #tpu.memory_space<vmem>> -> memref<128xi32, #tpu.memory_space<vmem>>
      %dma_start3A_361 = arith.constant 0 : i32
      %dma_start3A_362 = arith.constant 0 : i32
      %dma_start3A_363 = tpu.memref_slice %arg2[%dma_start3A_361, %dma_start3A_362] : memref<589824x96xbf16, #tpu.memory_space<hbm>> -> memref<589824x96xbf16, #tpu.memory_space<hbm>>
      tpu.enqueue_indirect_dma source(%dma_start3A_363 : memref<589824x96xbf16, #tpu.memory_space<hbm>>) target(%arg20 : memref<128x96xbf16, #tpu.memory_space<vmem>>) offsets(%dma_start3A_360 : memref<128xi32, #tpu.memory_space<vmem>>) semaphore(%arg25 : memref<!tpu.dma_semaphore, #tpu.memory_space<semaphore_mem>>)
      %dma_start3A_364 = arith.constant 5 : i32
      %dma_start3A_365 = arith.constant 0 : i32
      %dma_start3A_366 = tpu.memref_slice %arg9[%dma_start3A_364, %dma_start3A_365] : memref<8x128xi32, #tpu.memory_space<vmem>> -> memref<1x128xi32, #tpu.memory_space<vmem>>
      %dma_start3A_367 = tpu.memref_squeeze %dma_start3A_366 : memref<1x128xi32, #tpu.memory_space<vmem>> -> memref<128xi32, #tpu.memory_space<vmem>>
      %dma_start3A_368 = arith.constant 0 : i32
      %dma_start3A_369 = arith.constant 0 : i32
      %dma_start3A_370 = tpu.memref_slice %arg2[%dma_start3A_368, %dma_start3A_369] : memref<589824x96xbf16, #tpu.memory_space<hbm>> -> memref<589824x96xbf16, #tpu.memory_space<hbm>>
      tpu.enqueue_indirect_dma source(%dma_start3A_370 : memref<589824x96xbf16, #tpu.memory_space<hbm>>) target(%arg21 : memref<128x96xbf16, #tpu.memory_space<vmem>>) offsets(%dma_start3A_367 : memref<128xi32, #tpu.memory_space<vmem>>) semaphore(%arg25 : memref<!tpu.dma_semaphore, #tpu.memory_space<semaphore_mem>>)
      %dma_start3A_371 = arith.constant 5 : i32
      %dma_start3A_372 = arith.constant 0 : i32
      %dma_start3A_373 = tpu.memref_slice %arg10[%dma_start3A_371, %dma_start3A_372] : memref<8x128xi32, #tpu.memory_space<vmem>> -> memref<1x128xi32, #tpu.memory_space<vmem>>
      %dma_start3A_374 = tpu.memref_squeeze %dma_start3A_373 : memref<1x128xi32, #tpu.memory_space<vmem>> -> memref<128xi32, #tpu.memory_space<vmem>>
      %dma_start3A_375 = arith.constant 0 : i32
      %dma_start3A_376 = arith.constant 0 : i32
      %dma_start3A_377 = tpu.memref_slice %arg2[%dma_start3A_375, %dma_start3A_376] : memref<589824x96xbf16, #tpu.memory_space<hbm>> -> memref<589824x96xbf16, #tpu.memory_space<hbm>>
      tpu.enqueue_indirect_dma source(%dma_start3A_377 : memref<589824x96xbf16, #tpu.memory_space<hbm>>) target(%arg22 : memref<128x96xbf16, #tpu.memory_space<vmem>>) offsets(%dma_start3A_374 : memref<128xi32, #tpu.memory_space<vmem>>) semaphore(%arg25 : memref<!tpu.dma_semaphore, #tpu.memory_space<semaphore_mem>>)
      %dma_wait3A_378 = arith.constant 4 : i32
      %dma_wait3A_379 = arith.constant 0 : i32
      %dma_wait3A_380 = tpu.memref_slice %arg7[%dma_wait3A_378, %dma_wait3A_379] : memref<8x128xi32, #tpu.memory_space<vmem>> -> memref<1x128xi32, #tpu.memory_space<vmem>>
      %dma_wait3A_381 = tpu.memref_squeeze %dma_wait3A_380 : memref<1x128xi32, #tpu.memory_space<vmem>> -> memref<128xi32, #tpu.memory_space<vmem>>
      %dma_wait3A_382 = arith.constant 0 : i32
      %dma_wait3A_383 = arith.constant 0 : i32
      %dma_wait3A_384 = tpu.memref_slice %arg2[%dma_wait3A_382, %dma_wait3A_383] : memref<589824x96xbf16, #tpu.memory_space<hbm>> -> memref<589824x96xbf16, #tpu.memory_space<hbm>>
      tpu.wait_indirect_dma semaphore(%arg24 : memref<!tpu.dma_semaphore, #tpu.memory_space<semaphore_mem>>) src(%dma_wait3A_384 : memref<589824x96xbf16, #tpu.memory_space<hbm>>) dst(%arg15 : memref<128x96xbf16, #tpu.memory_space<vmem>>)
      %dma_wait3A_385 = arith.constant 4 : i32
      %dma_wait3A_386 = arith.constant 0 : i32
      %dma_wait3A_387 = tpu.memref_slice %arg8[%dma_wait3A_385, %dma_wait3A_386] : memref<8x128xi32, #tpu.memory_space<vmem>> -> memref<1x128xi32, #tpu.memory_space<vmem>>
      %dma_wait3A_388 = tpu.memref_squeeze %dma_wait3A_387 : memref<1x128xi32, #tpu.memory_space<vmem>> -> memref<128xi32, #tpu.memory_space<vmem>>
      %dma_wait3A_389 = arith.constant 0 : i32
      %dma_wait3A_390 = arith.constant 0 : i32
      %dma_wait3A_391 = tpu.memref_slice %arg2[%dma_wait3A_389, %dma_wait3A_390] : memref<589824x96xbf16, #tpu.memory_space<hbm>> -> memref<589824x96xbf16, #tpu.memory_space<hbm>>
      tpu.wait_indirect_dma semaphore(%arg24 : memref<!tpu.dma_semaphore, #tpu.memory_space<semaphore_mem>>) src(%dma_wait3A_391 : memref<589824x96xbf16, #tpu.memory_space<hbm>>) dst(%arg16 : memref<128x96xbf16, #tpu.memory_space<vmem>>)
      %dma_wait3A_392 = arith.constant 4 : i32
      %dma_wait3A_393 = arith.constant 0 : i32
      %dma_wait3A_394 = tpu.memref_slice %arg9[%dma_wait3A_392, %dma_wait3A_393] : memref<8x128xi32, #tpu.memory_space<vmem>> -> memref<1x128xi32, #tpu.memory_space<vmem>>
      %dma_wait3A_395 = tpu.memref_squeeze %dma_wait3A_394 : memref<1x128xi32, #tpu.memory_space<vmem>> -> memref<128xi32, #tpu.memory_space<vmem>>
      %dma_wait3A_396 = arith.constant 0 : i32
      %dma_wait3A_397 = arith.constant 0 : i32
      %dma_wait3A_398 = tpu.memref_slice %arg2[%dma_wait3A_396, %dma_wait3A_397] : memref<589824x96xbf16, #tpu.memory_space<hbm>> -> memref<589824x96xbf16, #tpu.memory_space<hbm>>
      tpu.wait_indirect_dma semaphore(%arg24 : memref<!tpu.dma_semaphore, #tpu.memory_space<semaphore_mem>>) src(%dma_wait3A_398 : memref<589824x96xbf16, #tpu.memory_space<hbm>>) dst(%arg17 : memref<128x96xbf16, #tpu.memory_space<vmem>>)
      %dma_wait3A_399 = arith.constant 4 : i32
      %dma_wait3A_400 = arith.constant 0 : i32
      %dma_wait3A_401 = tpu.memref_slice %arg10[%dma_wait3A_399, %dma_wait3A_400] : memref<8x128xi32, #tpu.memory_space<vmem>> -> memref<1x128xi32, #tpu.memory_space<vmem>>
      %dma_wait3A_402 = tpu.memref_squeeze %dma_wait3A_401 : memref<1x128xi32, #tpu.memory_space<vmem>> -> memref<128xi32, #tpu.memory_space<vmem>>
      %dma_wait3A_403 = arith.constant 0 : i32
      %dma_wait3A_404 = arith.constant 0 : i32
      %dma_wait3A_405 = tpu.memref_slice %arg2[%dma_wait3A_403, %dma_wait3A_404] : memref<589824x96xbf16, #tpu.memory_space<hbm>> -> memref<589824x96xbf16, #tpu.memory_space<hbm>>
      tpu.wait_indirect_dma semaphore(%arg24 : memref<!tpu.dma_semaphore, #tpu.memory_space<semaphore_mem>>) src(%dma_wait3A_405 : memref<589824x96xbf16, #tpu.memory_space<hbm>>) dst(%arg18 : memref<128x96xbf16, #tpu.memory_space<vmem>>)
      %scan3A_406 = arith.constant 0 : i32
      %scan3A_407 = arith.constant 0 : i32
      %scan3A_408 = arith.constant 128 : i32
      %scan3A_409 = arith.addi %scan3A_407, %scan3A_408 : i32
      %scan3A_410 = arith.constant 1 : i32
      scf.for %scan3A_590 = %scan3A_407 to %scan3A_409 step %scan3A_410  : i32 {
        %add3A_591 = arith.constant 512 : i32
        %add3A_592 = arith.addi %add3A_591, %scan3A_590 : i32
        %broadcast_in_dim3A = vector.broadcast %add3A_592 : i32 to vector<16xi32>
        %gather3A = tpu.vector_load_idx %arg11[%broadcast_in_dim3A] : memref<1024xf32, #tpu.memory_space<vmem>>[vector<16xi32>], vector<16xf32>,
        %gather3A_593 = tpu.vector_load_idx %arg12[%broadcast_in_dim3A] : memref<1024xf32, #tpu.memory_space<vmem>>[vector<16xi32>], vector<16xf32>,
        %gather3A_594 = tpu.vector_load_idx %arg13[%broadcast_in_dim3A] : memref<1024xf32, #tpu.memory_space<vmem>>[vector<16xi32>], vector<16xf32>,
        %gather3A_595 = tpu.vector_load_idx %arg14[%broadcast_in_dim3A] : memref<1024xf32, #tpu.memory_space<vmem>>[vector<16xi32>], vector<16xf32>,
        %get3A = arith.index_cast %scan3A_590 : i32 to index
        %get3A_596 = arith.constant 0 : index
        %get3A_597 = tpu.vector_load %arg15[%get3A, %get3A_596] {strides = array<i32>} : memref<128x96xbf16, #tpu.memory_space<vmem>>, vector<32xbf16>,
        %unpack3A = tpu.unpack_subelements %get3A_597, 0 {pack_format = #tpu.pack_format<interleaved>} : vector<32xbf16> -> vector<16xf32>
        %unpack3A_598 = tpu.unpack_subelements %get3A_597, 1 {pack_format = #tpu.pack_format<interleaved>} : vector<32xbf16> -> vector<16xf32>
        %get3A_599 = arith.index_cast %scan3A_590 : i32 to index
        %get3A_600 = arith.constant 0 : index
        %get3A_601 = tpu.vector_load %arg16[%get3A_599, %get3A_600] {strides = array<i32>} : memref<128x96xbf16, #tpu.memory_space<vmem>>, vector<32xbf16>,
        %unpack3A_602 = tpu.unpack_subelements %get3A_601, 0 {pack_format = #tpu.pack_format<interleaved>} : vector<32xbf16> -> vector<16xf32>
        %unpack3A_603 = tpu.unpack_subelements %get3A_601, 1 {pack_format = #tpu.pack_format<interleaved>} : vector<32xbf16> -> vector<16xf32>
        %get3A_604 = arith.index_cast %scan3A_590 : i32 to index
        %get3A_605 = arith.constant 0 : index
        %get3A_606 = tpu.vector_load %arg17[%get3A_604, %get3A_605] {strides = array<i32>} : memref<128x96xbf16, #tpu.memory_space<vmem>>, vector<32xbf16>,
        %unpack3A_607 = tpu.unpack_subelements %get3A_606, 0 {pack_format = #tpu.pack_format<interleaved>} : vector<32xbf16> -> vector<16xf32>
        %unpack3A_608 = tpu.unpack_subelements %get3A_606, 1 {pack_format = #tpu.pack_format<interleaved>} : vector<32xbf16> -> vector<16xf32>
        %get3A_609 = arith.index_cast %scan3A_590 : i32 to index
        %get3A_610 = arith.constant 0 : index
        %get3A_611 = tpu.vector_load %arg18[%get3A_609, %get3A_610] {strides = array<i32>} : memref<128x96xbf16, #tpu.memory_space<vmem>>, vector<32xbf16>,
        %unpack3A_612 = tpu.unpack_subelements %get3A_611, 0 {pack_format = #tpu.pack_format<interleaved>} : vector<32xbf16> -> vector<16xf32>
        %unpack3A_613 = tpu.unpack_subelements %get3A_611, 1 {pack_format = #tpu.pack_format<interleaved>} : vector<32xbf16> -> vector<16xf32>
        %mul3A_614 = arith.mulf %unpack3A, %gather3A : vector<16xf32>
        %mul3A_615 = arith.mulf %unpack3A_602, %gather3A_593 : vector<16xf32>
        %add3A_616 = arith.addf %mul3A_614, %mul3A_615 : vector<16xf32>
        %mul3A_617 = arith.mulf %unpack3A_607, %gather3A_594 : vector<16xf32>
        %add3A_618 = arith.addf %add3A_616, %mul3A_617 : vector<16xf32>
        %mul3A_619 = arith.mulf %unpack3A_612, %gather3A_595 : vector<16xf32>
        %add3A_620 = arith.addf %add3A_618, %mul3A_619 : vector<16xf32>
        %mul3A_621 = arith.mulf %unpack3A_598, %gather3A : vector<16xf32>
        %mul3A_622 = arith.mulf %unpack3A_603, %gather3A_593 : vector<16xf32>
        %add3A_623 = arith.addf %mul3A_621, %mul3A_622 : vector<16xf32>
        %mul3A_624 = arith.mulf %unpack3A_608, %gather3A_594 : vector<16xf32>
        %add3A_625 = arith.addf %add3A_623, %mul3A_624 : vector<16xf32>
        %mul3A_626 = arith.mulf %unpack3A_613, %gather3A_595 : vector<16xf32>
        %add3A_627 = arith.addf %add3A_625, %mul3A_626 : vector<16xf32>
        %swap3A = arith.index_cast %scan3A_590 : i32 to index
        %swap3A_628 = arith.constant 0 : index
        %swap3A_629 = tpu.vector_load %arg23[%swap3A, %swap3A_628] {strides = array<i32>} : memref<128x96xf32, #tpu.memory_space<vmem>>, vector<16xf32>,
        tpu.vector_store %arg23[%swap3A, %swap3A_628], %add3A_620 {strides = array<i32>} : memref<128x96xf32, #tpu.memory_space<vmem>>, vector<16xf32>,
        %swap3A_630 = arith.index_cast %scan3A_590 : i32 to index
        %swap3A_631 = arith.constant 16 : index
        %swap3A_632 = tpu.vector_load %arg23[%swap3A_630, %swap3A_631] {strides = array<i32>} : memref<128x96xf32, #tpu.memory_space<vmem>>, vector<16xf32>,
        tpu.vector_store %arg23[%swap3A_630, %swap3A_631], %add3A_627 {strides = array<i32>} : memref<128x96xf32, #tpu.memory_space<vmem>>, vector<16xf32>,
        %get3A_633 = arith.index_cast %scan3A_590 : i32 to index
        %get3A_634 = arith.constant 32 : index
        %get3A_635 = tpu.vector_load %arg15[%get3A_633, %get3A_634] {strides = array<i32>} : memref<128x96xbf16, #tpu.memory_space<vmem>>, vector<32xbf16>,
        %unpack3A_636 = tpu.unpack_subelements %get3A_635, 0 {pack_format = #tpu.pack_format<interleaved>} : vector<32xbf16> -> vector<16xf32>
        %unpack3A_637 = tpu.unpack_subelements %get3A_635, 1 {pack_format = #tpu.pack_format<interleaved>} : vector<32xbf16> -> vector<16xf32>
        %get3A_638 = arith.index_cast %scan3A_590 : i32 to index
        %get3A_639 = arith.constant 32 : index
        %get3A_640 = tpu.vector_load %arg16[%get3A_638, %get3A_639] {strides = array<i32>} : memref<128x96xbf16, #tpu.memory_space<vmem>>, vector<32xbf16>,
        %unpack3A_641 = tpu.unpack_subelements %get3A_640, 0 {pack_format = #tpu.pack_format<interleaved>} : vector<32xbf16> -> vector<16xf32>
        %unpack3A_642 = tpu.unpack_subelements %get3A_640, 1 {pack_format = #tpu.pack_format<interleaved>} : vector<32xbf16> -> vector<16xf32>
        %get3A_643 = arith.index_cast %scan3A_590 : i32 to index
        %get3A_644 = arith.constant 32 : index
        %get3A_645 = tpu.vector_load %arg17[%get3A_643, %get3A_644] {strides = array<i32>} : memref<128x96xbf16, #tpu.memory_space<vmem>>, vector<32xbf16>,
        %unpack3A_646 = tpu.unpack_subelements %get3A_645, 0 {pack_format = #tpu.pack_format<interleaved>} : vector<32xbf16> -> vector<16xf32>
        %unpack3A_647 = tpu.unpack_subelements %get3A_645, 1 {pack_format = #tpu.pack_format<interleaved>} : vector<32xbf16> -> vector<16xf32>
        %get3A_648 = arith.index_cast %scan3A_590 : i32 to index
        %get3A_649 = arith.constant 32 : index
        %get3A_650 = tpu.vector_load %arg18[%get3A_648, %get3A_649] {strides = array<i32>} : memref<128x96xbf16, #tpu.memory_space<vmem>>, vector<32xbf16>,
        %unpack3A_651 = tpu.unpack_subelements %get3A_650, 0 {pack_format = #tpu.pack_format<interleaved>} : vector<32xbf16> -> vector<16xf32>
        %unpack3A_652 = tpu.unpack_subelements %get3A_650, 1 {pack_format = #tpu.pack_format<interleaved>} : vector<32xbf16> -> vector<16xf32>
        %mul3A_653 = arith.mulf %unpack3A_636, %gather3A : vector<16xf32>
        %mul3A_654 = arith.mulf %unpack3A_641, %gather3A_593 : vector<16xf32>
        %add3A_655 = arith.addf %mul3A_653, %mul3A_654 : vector<16xf32>
        %mul3A_656 = arith.mulf %unpack3A_646, %gather3A_594 : vector<16xf32>
        %add3A_657 = arith.addf %add3A_655, %mul3A_656 : vector<16xf32>
        %mul3A_658 = arith.mulf %unpack3A_651, %gather3A_595 : vector<16xf32>
        %add3A_659 = arith.addf %add3A_657, %mul3A_658 : vector<16xf32>
        %mul3A_660 = arith.mulf %unpack3A_637, %gather3A : vector<16xf32>
        %mul3A_661 = arith.mulf %unpack3A_642, %gather3A_593 : vector<16xf32>
        %add3A_662 = arith.addf %mul3A_660, %mul3A_661 : vector<16xf32>
        %mul3A_663 = arith.mulf %unpack3A_647, %gather3A_594 : vector<16xf32>
        %add3A_664 = arith.addf %add3A_662, %mul3A_663 : vector<16xf32>
        %mul3A_665 = arith.mulf %unpack3A_652, %gather3A_595 : vector<16xf32>
        %add3A_666 = arith.addf %add3A_664, %mul3A_665 : vector<16xf32>
        %swap3A_667 = arith.index_cast %scan3A_590 : i32 to index
        %swap3A_668 = arith.constant 32 : index
        %swap3A_669 = tpu.vector_load %arg23[%swap3A_667, %swap3A_668] {strides = array<i32>} : memref<128x96xf32, #tpu.memory_space<vmem>>, vector<16xf32>,
        tpu.vector_store %arg23[%swap3A_667, %swap3A_668], %add3A_659 {strides = array<i32>} : memref<128x96xf32, #tpu.memory_space<vmem>>, vector<16xf32>,
        %swap3A_670 = arith.index_cast %scan3A_590 : i32 to index
        %swap3A_671 = arith.constant 48 : index
        %swap3A_672 = tpu.vector_load %arg23[%swap3A_670, %swap3A_671] {strides = array<i32>} : memref<128x96xf32, #tpu.memory_space<vmem>>, vector<16xf32>,
        tpu.vector_store %arg23[%swap3A_670, %swap3A_671], %add3A_666 {strides = array<i32>} : memref<128x96xf32, #tpu.memory_space<vmem>>, vector<16xf32>,
        %get3A_673 = arith.index_cast %scan3A_590 : i32 to index
        %get3A_674 = arith.constant 64 : index
        %get3A_675 = tpu.vector_load %arg15[%get3A_673, %get3A_674] {strides = array<i32>} : memref<128x96xbf16, #tpu.memory_space<vmem>>, vector<32xbf16>,
        %unpack3A_676 = tpu.unpack_subelements %get3A_675, 0 {pack_format = #tpu.pack_format<interleaved>} : vector<32xbf16> -> vector<16xf32>
        %unpack3A_677 = tpu.unpack_subelements %get3A_675, 1 {pack_format = #tpu.pack_format<interleaved>} : vector<32xbf16> -> vector<16xf32>
        %get3A_678 = arith.index_cast %scan3A_590 : i32 to index
        %get3A_679 = arith.constant 64 : index
        %get3A_680 = tpu.vector_load %arg16[%get3A_678, %get3A_679] {strides = array<i32>} : memref<128x96xbf16, #tpu.memory_space<vmem>>, vector<32xbf16>,
        %unpack3A_681 = tpu.unpack_subelements %get3A_680, 0 {pack_format = #tpu.pack_format<interleaved>} : vector<32xbf16> -> vector<16xf32>
        %unpack3A_682 = tpu.unpack_subelements %get3A_680, 1 {pack_format = #tpu.pack_format<interleaved>} : vector<32xbf16> -> vector<16xf32>
        %get3A_683 = arith.index_cast %scan3A_590 : i32 to index
        %get3A_684 = arith.constant 64 : index
        %get3A_685 = tpu.vector_load %arg17[%get3A_683, %get3A_684] {strides = array<i32>} : memref<128x96xbf16, #tpu.memory_space<vmem>>, vector<32xbf16>,
        %unpack3A_686 = tpu.unpack_subelements %get3A_685, 0 {pack_format = #tpu.pack_format<interleaved>} : vector<32xbf16> -> vector<16xf32>
        %unpack3A_687 = tpu.unpack_subelements %get3A_685, 1 {pack_format = #tpu.pack_format<interleaved>} : vector<32xbf16> -> vector<16xf32>
        %get3A_688 = arith.index_cast %scan3A_590 : i32 to index
        %get3A_689 = arith.constant 64 : index
        %get3A_690 = tpu.vector_load %arg18[%get3A_688, %get3A_689] {strides = array<i32>} : memref<128x96xbf16, #tpu.memory_space<vmem>>, vector<32xbf16>,
        %unpack3A_691 = tpu.unpack_subelements %get3A_690, 0 {pack_format = #tpu.pack_format<interleaved>} : vector<32xbf16> -> vector<16xf32>
        %unpack3A_692 = tpu.unpack_subelements %get3A_690, 1 {pack_format = #tpu.pack_format<interleaved>} : vector<32xbf16> -> vector<16xf32>
        %mul3A_693 = arith.mulf %unpack3A_676, %gather3A : vector<16xf32>
        %mul3A_694 = arith.mulf %unpack3A_681, %gather3A_593 : vector<16xf32>
        %add3A_695 = arith.addf %mul3A_693, %mul3A_694 : vector<16xf32>
        %mul3A_696 = arith.mulf %unpack3A_686, %gather3A_594 : vector<16xf32>
        %add3A_697 = arith.addf %add3A_695, %mul3A_696 : vector<16xf32>
        %mul3A_698 = arith.mulf %unpack3A_691, %gather3A_595 : vector<16xf32>
        %add3A_699 = arith.addf %add3A_697, %mul3A_698 : vector<16xf32>
        %mul3A_700 = arith.mulf %unpack3A_677, %gather3A : vector<16xf32>
        %mul3A_701 = arith.mulf %unpack3A_682, %gather3A_593 : vector<16xf32>
        %add3A_702 = arith.addf %mul3A_700, %mul3A_701 : vector<16xf32>
        %mul3A_703 = arith.mulf %unpack3A_687, %gather3A_594 : vector<16xf32>
        %add3A_704 = arith.addf %add3A_702, %mul3A_703 : vector<16xf32>
        %mul3A_705 = arith.mulf %unpack3A_692, %gather3A_595 : vector<16xf32>
        %add3A_706 = arith.addf %add3A_704, %mul3A_705 : vector<16xf32>
        %swap3A_707 = arith.index_cast %scan3A_590 : i32 to index
        %swap3A_708 = arith.constant 64 : index
        %swap3A_709 = tpu.vector_load %arg23[%swap3A_707, %swap3A_708] {strides = array<i32>} : memref<128x96xf32, #tpu.memory_space<vmem>>, vector<16xf32>,
        tpu.vector_store %arg23[%swap3A_707, %swap3A_708], %add3A_699 {strides = array<i32>} : memref<128x96xf32, #tpu.memory_space<vmem>>, vector<16xf32>,
        %swap3A_710 = arith.index_cast %scan3A_590 : i32 to index
        %swap3A_711 = arith.constant 80 : index
        %swap3A_712 = tpu.vector_load %arg23[%swap3A_710, %swap3A_711] {strides = array<i32>} : memref<128x96xf32, #tpu.memory_space<vmem>>, vector<16xf32>,
        tpu.vector_store %arg23[%swap3A_710, %swap3A_711], %add3A_706 {strides = array<i32>} : memref<128x96xf32, #tpu.memory_space<vmem>>, vector<16xf32>,
      }
      %scan3A_411 = arith.constant 128 : i32
      %mul3A_412 = arith.constant 147456 : i32
      %mul3A_413 = arith.muli %select_n3A, %mul3A_412 : i32
      %add3A_414 = arith.addi %mul3A_413, %add3A_47 : i32
      %add3A_415 = arith.constant 512 : i32
      %add3A_416 = arith.addi %add3A_414, %add3A_415 : i32
      "tpu.region"() ({
        %run_scoped3A = tpu.sem_alloc : memref<!tpu.dma_semaphore, #tpu.memory_space<semaphore_mem>>
        %dma_start3A_590 = arith.constant 0 : i32
        %dma_start3A_591 = tpu.memref_slice %arg4[%add3A_416, %dma_start3A_590] : memref<589824x96xf32, #tpu.memory_space<hbm>> -> memref<128x96xf32, #tpu.memory_space<hbm>>
        %dma_start3A_592 = arith.constant 0 : i32
        %dma_start3A_593 = tpu.memref_slice %arg4[%add3A_416, %dma_start3A_592] : memref<589824x96xf32, #tpu.memory_space<hbm>> -> memref<128x96xf32, #tpu.memory_space<hbm>>
        tpu.enqueue_dma source(%arg23 : memref<128x96xf32, #tpu.memory_space<vmem>>) target(%dma_start3A_593 : memref<128x96xf32, #tpu.memory_space<hbm>>) target_semaphore(%run_scoped3A : memref<!tpu.dma_semaphore, #tpu.memory_space<semaphore_mem>>)
        %dma_wait3A_594 = arith.constant 0 : i32
        %dma_wait3A_595 = tpu.memref_slice %arg4[%add3A_416, %dma_wait3A_594] : memref<589824x96xf32, #tpu.memory_space<hbm>> -> memref<128x96xf32, #tpu.memory_space<hbm>>
        %dma_wait3A_596 = arith.constant 0 : i32
        %dma_wait3A_597 = tpu.memref_slice %arg4[%add3A_416, %dma_wait3A_596] : memref<589824x96xf32, #tpu.memory_space<hbm>> -> memref<128x96xf32, #tpu.memory_space<hbm>>
        tpu.wait_dma2 semaphore(%run_scoped3A : memref<!tpu.dma_semaphore, #tpu.memory_space<semaphore_mem>>) src(%arg23 : memref<128x96xf32, #tpu.memory_space<vmem>>) dst(%dma_wait3A_597 : memref<128x96xf32, #tpu.memory_space<hbm>>)
        tpu.yield
      }) : () -> ()
      %dma_start3A_417 = arith.constant 6 : i32
      %dma_start3A_418 = arith.constant 0 : i32
      %dma_start3A_419 = tpu.memref_slice %arg7[%dma_start3A_417, %dma_start3A_418] : memref<8x128xi32, #tpu.memory_space<vmem>> -> memref<1x128xi32, #tpu.memory_space<vmem>>
      %dma_start3A_420 = tpu.memref_squeeze %dma_start3A_419 : memref<1x128xi32, #tpu.memory_space<vmem>> -> memref<128xi32, #tpu.memory_space<vmem>>
      %dma_start3A_421 = arith.constant 0 : i32
      %dma_start3A_422 = arith.constant 0 : i32
      %dma_start3A_423 = tpu.memref_slice %arg2[%dma_start3A_421, %dma_start3A_422] : memref<589824x96xbf16, #tpu.memory_space<hbm>> -> memref<589824x96xbf16, #tpu.memory_space<hbm>>
      tpu.enqueue_indirect_dma source(%dma_start3A_423 : memref<589824x96xbf16, #tpu.memory_space<hbm>>) target(%arg15 : memref<128x96xbf16, #tpu.memory_space<vmem>>) offsets(%dma_start3A_420 : memref<128xi32, #tpu.memory_space<vmem>>) semaphore(%arg24 : memref<!tpu.dma_semaphore, #tpu.memory_space<semaphore_mem>>)
      %dma_start3A_424 = arith.constant 6 : i32
      %dma_start3A_425 = arith.constant 0 : i32
      %dma_start3A_426 = tpu.memref_slice %arg8[%dma_start3A_424, %dma_start3A_425] : memref<8x128xi32, #tpu.memory_space<vmem>> -> memref<1x128xi32, #tpu.memory_space<vmem>>
      %dma_start3A_427 = tpu.memref_squeeze %dma_start3A_426 : memref<1x128xi32, #tpu.memory_space<vmem>> -> memref<128xi32, #tpu.memory_space<vmem>>
      %dma_start3A_428 = arith.constant 0 : i32
      %dma_start3A_429 = arith.constant 0 : i32
      %dma_start3A_430 = tpu.memref_slice %arg2[%dma_start3A_428, %dma_start3A_429] : memref<589824x96xbf16, #tpu.memory_space<hbm>> -> memref<589824x96xbf16, #tpu.memory_space<hbm>>
      tpu.enqueue_indirect_dma source(%dma_start3A_430 : memref<589824x96xbf16, #tpu.memory_space<hbm>>) target(%arg16 : memref<128x96xbf16, #tpu.memory_space<vmem>>) offsets(%dma_start3A_427 : memref<128xi32, #tpu.memory_space<vmem>>) semaphore(%arg24 : memref<!tpu.dma_semaphore, #tpu.memory_space<semaphore_mem>>)
      %dma_start3A_431 = arith.constant 6 : i32
      %dma_start3A_432 = arith.constant 0 : i32
      %dma_start3A_433 = tpu.memref_slice %arg9[%dma_start3A_431, %dma_start3A_432] : memref<8x128xi32, #tpu.memory_space<vmem>> -> memref<1x128xi32, #tpu.memory_space<vmem>>
      %dma_start3A_434 = tpu.memref_squeeze %dma_start3A_433 : memref<1x128xi32, #tpu.memory_space<vmem>> -> memref<128xi32, #tpu.memory_space<vmem>>
      %dma_start3A_435 = arith.constant 0 : i32
      %dma_start3A_436 = arith.constant 0 : i32
      %dma_start3A_437 = tpu.memref_slice %arg2[%dma_start3A_435, %dma_start3A_436] : memref<589824x96xbf16, #tpu.memory_space<hbm>> -> memref<589824x96xbf16, #tpu.memory_space<hbm>>
      tpu.enqueue_indirect_dma source(%dma_start3A_437 : memref<589824x96xbf16, #tpu.memory_space<hbm>>) target(%arg17 : memref<128x96xbf16, #tpu.memory_space<vmem>>) offsets(%dma_start3A_434 : memref<128xi32, #tpu.memory_space<vmem>>) semaphore(%arg24 : memref<!tpu.dma_semaphore, #tpu.memory_space<semaphore_mem>>)
      %dma_start3A_438 = arith.constant 6 : i32
      %dma_start3A_439 = arith.constant 0 : i32
      %dma_start3A_440 = tpu.memref_slice %arg10[%dma_start3A_438, %dma_start3A_439] : memref<8x128xi32, #tpu.memory_space<vmem>> -> memref<1x128xi32, #tpu.memory_space<vmem>>
      %dma_start3A_441 = tpu.memref_squeeze %dma_start3A_440 : memref<1x128xi32, #tpu.memory_space<vmem>> -> memref<128xi32, #tpu.memory_space<vmem>>
      %dma_start3A_442 = arith.constant 0 : i32
      %dma_start3A_443 = arith.constant 0 : i32
      %dma_start3A_444 = tpu.memref_slice %arg2[%dma_start3A_442, %dma_start3A_443] : memref<589824x96xbf16, #tpu.memory_space<hbm>> -> memref<589824x96xbf16, #tpu.memory_space<hbm>>
      tpu.enqueue_indirect_dma source(%dma_start3A_444 : memref<589824x96xbf16, #tpu.memory_space<hbm>>) target(%arg18 : memref<128x96xbf16, #tpu.memory_space<vmem>>) offsets(%dma_start3A_441 : memref<128xi32, #tpu.memory_space<vmem>>) semaphore(%arg24 : memref<!tpu.dma_semaphore, #tpu.memory_space<semaphore_mem>>)
      %dma_wait3A_445 = arith.constant 5 : i32
      %dma_wait3A_446 = arith.constant 0 : i32
      %dma_wait3A_447 = tpu.memref_slice %arg7[%dma_wait3A_445, %dma_wait3A_446] : memref<8x128xi32, #tpu.memory_space<vmem>> -> memref<1x128xi32, #tpu.memory_space<vmem>>
      %dma_wait3A_448 = tpu.memref_squeeze %dma_wait3A_447 : memref<1x128xi32, #tpu.memory_space<vmem>> -> memref<128xi32, #tpu.memory_space<vmem>>
      %dma_wait3A_449 = arith.constant 0 : i32
      %dma_wait3A_450 = arith.constant 0 : i32
      %dma_wait3A_451 = tpu.memref_slice %arg2[%dma_wait3A_449, %dma_wait3A_450] : memref<589824x96xbf16, #tpu.memory_space<hbm>> -> memref<589824x96xbf16, #tpu.memory_space<hbm>>
      tpu.wait_indirect_dma semaphore(%arg25 : memref<!tpu.dma_semaphore, #tpu.memory_space<semaphore_mem>>) src(%dma_wait3A_451 : memref<589824x96xbf16, #tpu.memory_space<hbm>>) dst(%arg19 : memref<128x96xbf16, #tpu.memory_space<vmem>>)
      %dma_wait3A_452 = arith.constant 5 : i32
      %dma_wait3A_453 = arith.constant 0 : i32
      %dma_wait3A_454 = tpu.memref_slice %arg8[%dma_wait3A_452, %dma_wait3A_453] : memref<8x128xi32, #tpu.memory_space<vmem>> -> memref<1x128xi32, #tpu.memory_space<vmem>>
      %dma_wait3A_455 = tpu.memref_squeeze %dma_wait3A_454 : memref<1x128xi32, #tpu.memory_space<vmem>> -> memref<128xi32, #tpu.memory_space<vmem>>
      %dma_wait3A_456 = arith.constant 0 : i32
      %dma_wait3A_457 = arith.constant 0 : i32
      %dma_wait3A_458 = tpu.memref_slice %arg2[%dma_wait3A_456, %dma_wait3A_457] : memref<589824x96xbf16, #tpu.memory_space<hbm>> -> memref<589824x96xbf16, #tpu.memory_space<hbm>>
      tpu.wait_indirect_dma semaphore(%arg25 : memref<!tpu.dma_semaphore, #tpu.memory_space<semaphore_mem>>) src(%dma_wait3A_458 : memref<589824x96xbf16, #tpu.memory_space<hbm>>) dst(%arg20 : memref<128x96xbf16, #tpu.memory_space<vmem>>)
      %dma_wait3A_459 = arith.constant 5 : i32
      %dma_wait3A_460 = arith.constant 0 : i32
      %dma_wait3A_461 = tpu.memref_slice %arg9[%dma_wait3A_459, %dma_wait3A_460] : memref<8x128xi32, #tpu.memory_space<vmem>> -> memref<1x128xi32, #tpu.memory_space<vmem>>
      %dma_wait3A_462 = tpu.memref_squeeze %dma_wait3A_461 : memref<1x128xi32, #tpu.memory_space<vmem>> -> memref<128xi32, #tpu.memory_space<vmem>>
      %dma_wait3A_463 = arith.constant 0 : i32
      %dma_wait3A_464 = arith.constant 0 : i32
      %dma_wait3A_465 = tpu.memref_slice %arg2[%dma_wait3A_463, %dma_wait3A_464] : memref<589824x96xbf16, #tpu.memory_space<hbm>> -> memref<589824x96xbf16, #tpu.memory_space<hbm>>
      tpu.wait_indirect_dma semaphore(%arg25 : memref<!tpu.dma_semaphore, #tpu.memory_space<semaphore_mem>>) src(%dma_wait3A_465 : memref<589824x96xbf16, #tpu.memory_space<hbm>>) dst(%arg21 : memref<128x96xbf16, #tpu.memory_space<vmem>>)
      %dma_wait3A_466 = arith.constant 5 : i32
      %dma_wait3A_467 = arith.constant 0 : i32
      %dma_wait3A_468 = tpu.memref_slice %arg10[%dma_wait3A_466, %dma_wait3A_467] : memref<8x128xi32, #tpu.memory_space<vmem>> -> memref<1x128xi32, #tpu.memory_space<vmem>>
      %dma_wait3A_469 = tpu.memref_squeeze %dma_wait3A_468 : memref<1x128xi32, #tpu.memory_space<vmem>> -> memref<128xi32, #tpu.memory_space<vmem>>
      %dma_wait3A_470 = arith.constant 0 : i32
      %dma_wait3A_471 = arith.constant 0 : i32
      %dma_wait3A_472 = tpu.memref_slice %arg2[%dma_wait3A_470, %dma_wait3A_471] : memref<589824x96xbf16, #tpu.memory_space<hbm>> -> memref<589824x96xbf16, #tpu.memory_space<hbm>>
      tpu.wait_indirect_dma semaphore(%arg25 : memref<!tpu.dma_semaphore, #tpu.memory_space<semaphore_mem>>) src(%dma_wait3A_472 : memref<589824x96xbf16, #tpu.memory_space<hbm>>) dst(%arg22 : memref<128x96xbf16, #tpu.memory_space<vmem>>)
      %scan3A_473 = arith.constant 0 : i32
      %scan3A_474 = arith.constant 0 : i32
      %scan3A_475 = arith.constant 128 : i32
      %scan3A_476 = arith.addi %scan3A_474, %scan3A_475 : i32
      %scan3A_477 = arith.constant 1 : i32
      scf.for %scan3A_590 = %scan3A_474 to %scan3A_476 step %scan3A_477  : i32 {
        %add3A_591 = arith.constant 640 : i32
        %add3A_592 = arith.addi %add3A_591, %scan3A_590 : i32
        %broadcast_in_dim3A = vector.broadcast %add3A_592 : i32 to vector<16xi32>
        %gather3A = tpu.vector_load_idx %arg11[%broadcast_in_dim3A] : memref<1024xf32, #tpu.memory_space<vmem>>[vector<16xi32>], vector<16xf32>,
        %gather3A_593 = tpu.vector_load_idx %arg12[%broadcast_in_dim3A] : memref<1024xf32, #tpu.memory_space<vmem>>[vector<16xi32>], vector<16xf32>,
        %gather3A_594 = tpu.vector_load_idx %arg13[%broadcast_in_dim3A] : memref<1024xf32, #tpu.memory_space<vmem>>[vector<16xi32>], vector<16xf32>,
        %gather3A_595 = tpu.vector_load_idx %arg14[%broadcast_in_dim3A] : memref<1024xf32, #tpu.memory_space<vmem>>[vector<16xi32>], vector<16xf32>,
        %get3A = arith.index_cast %scan3A_590 : i32 to index
        %get3A_596 = arith.constant 0 : index
        %get3A_597 = tpu.vector_load %arg19[%get3A, %get3A_596] {strides = array<i32>} : memref<128x96xbf16, #tpu.memory_space<vmem>>, vector<32xbf16>,
        %unpack3A = tpu.unpack_subelements %get3A_597, 0 {pack_format = #tpu.pack_format<interleaved>} : vector<32xbf16> -> vector<16xf32>
        %unpack3A_598 = tpu.unpack_subelements %get3A_597, 1 {pack_format = #tpu.pack_format<interleaved>} : vector<32xbf16> -> vector<16xf32>
        %get3A_599 = arith.index_cast %scan3A_590 : i32 to index
        %get3A_600 = arith.constant 0 : index
        %get3A_601 = tpu.vector_load %arg20[%get3A_599, %get3A_600] {strides = array<i32>} : memref<128x96xbf16, #tpu.memory_space<vmem>>, vector<32xbf16>,
        %unpack3A_602 = tpu.unpack_subelements %get3A_601, 0 {pack_format = #tpu.pack_format<interleaved>} : vector<32xbf16> -> vector<16xf32>
        %unpack3A_603 = tpu.unpack_subelements %get3A_601, 1 {pack_format = #tpu.pack_format<interleaved>} : vector<32xbf16> -> vector<16xf32>
        %get3A_604 = arith.index_cast %scan3A_590 : i32 to index
        %get3A_605 = arith.constant 0 : index
        %get3A_606 = tpu.vector_load %arg21[%get3A_604, %get3A_605] {strides = array<i32>} : memref<128x96xbf16, #tpu.memory_space<vmem>>, vector<32xbf16>,
        %unpack3A_607 = tpu.unpack_subelements %get3A_606, 0 {pack_format = #tpu.pack_format<interleaved>} : vector<32xbf16> -> vector<16xf32>
        %unpack3A_608 = tpu.unpack_subelements %get3A_606, 1 {pack_format = #tpu.pack_format<interleaved>} : vector<32xbf16> -> vector<16xf32>
        %get3A_609 = arith.index_cast %scan3A_590 : i32 to index
        %get3A_610 = arith.constant 0 : index
        %get3A_611 = tpu.vector_load %arg22[%get3A_609, %get3A_610] {strides = array<i32>} : memref<128x96xbf16, #tpu.memory_space<vmem>>, vector<32xbf16>,
        %unpack3A_612 = tpu.unpack_subelements %get3A_611, 0 {pack_format = #tpu.pack_format<interleaved>} : vector<32xbf16> -> vector<16xf32>
        %unpack3A_613 = tpu.unpack_subelements %get3A_611, 1 {pack_format = #tpu.pack_format<interleaved>} : vector<32xbf16> -> vector<16xf32>
        %mul3A_614 = arith.mulf %unpack3A, %gather3A : vector<16xf32>
        %mul3A_615 = arith.mulf %unpack3A_602, %gather3A_593 : vector<16xf32>
        %add3A_616 = arith.addf %mul3A_614, %mul3A_615 : vector<16xf32>
        %mul3A_617 = arith.mulf %unpack3A_607, %gather3A_594 : vector<16xf32>
        %add3A_618 = arith.addf %add3A_616, %mul3A_617 : vector<16xf32>
        %mul3A_619 = arith.mulf %unpack3A_612, %gather3A_595 : vector<16xf32>
        %add3A_620 = arith.addf %add3A_618, %mul3A_619 : vector<16xf32>
        %mul3A_621 = arith.mulf %unpack3A_598, %gather3A : vector<16xf32>
        %mul3A_622 = arith.mulf %unpack3A_603, %gather3A_593 : vector<16xf32>
        %add3A_623 = arith.addf %mul3A_621, %mul3A_622 : vector<16xf32>
        %mul3A_624 = arith.mulf %unpack3A_608, %gather3A_594 : vector<16xf32>
        %add3A_625 = arith.addf %add3A_623, %mul3A_624 : vector<16xf32>
        %mul3A_626 = arith.mulf %unpack3A_613, %gather3A_595 : vector<16xf32>
        %add3A_627 = arith.addf %add3A_625, %mul3A_626 : vector<16xf32>
        %swap3A = arith.index_cast %scan3A_590 : i32 to index
        %swap3A_628 = arith.constant 0 : index
        %swap3A_629 = tpu.vector_load %arg23[%swap3A, %swap3A_628] {strides = array<i32>} : memref<128x96xf32, #tpu.memory_space<vmem>>, vector<16xf32>,
        tpu.vector_store %arg23[%swap3A, %swap3A_628], %add3A_620 {strides = array<i32>} : memref<128x96xf32, #tpu.memory_space<vmem>>, vector<16xf32>,
        %swap3A_630 = arith.index_cast %scan3A_590 : i32 to index
        %swap3A_631 = arith.constant 16 : index
        %swap3A_632 = tpu.vector_load %arg23[%swap3A_630, %swap3A_631] {strides = array<i32>} : memref<128x96xf32, #tpu.memory_space<vmem>>, vector<16xf32>,
        tpu.vector_store %arg23[%swap3A_630, %swap3A_631], %add3A_627 {strides = array<i32>} : memref<128x96xf32, #tpu.memory_space<vmem>>, vector<16xf32>,
        %get3A_633 = arith.index_cast %scan3A_590 : i32 to index
        %get3A_634 = arith.constant 32 : index
        %get3A_635 = tpu.vector_load %arg19[%get3A_633, %get3A_634] {strides = array<i32>} : memref<128x96xbf16, #tpu.memory_space<vmem>>, vector<32xbf16>,
        %unpack3A_636 = tpu.unpack_subelements %get3A_635, 0 {pack_format = #tpu.pack_format<interleaved>} : vector<32xbf16> -> vector<16xf32>
        %unpack3A_637 = tpu.unpack_subelements %get3A_635, 1 {pack_format = #tpu.pack_format<interleaved>} : vector<32xbf16> -> vector<16xf32>
        %get3A_638 = arith.index_cast %scan3A_590 : i32 to index
        %get3A_639 = arith.constant 32 : index
        %get3A_640 = tpu.vector_load %arg20[%get3A_638, %get3A_639] {strides = array<i32>} : memref<128x96xbf16, #tpu.memory_space<vmem>>, vector<32xbf16>,
        %unpack3A_641 = tpu.unpack_subelements %get3A_640, 0 {pack_format = #tpu.pack_format<interleaved>} : vector<32xbf16> -> vector<16xf32>
        %unpack3A_642 = tpu.unpack_subelements %get3A_640, 1 {pack_format = #tpu.pack_format<interleaved>} : vector<32xbf16> -> vector<16xf32>
        %get3A_643 = arith.index_cast %scan3A_590 : i32 to index
        %get3A_644 = arith.constant 32 : index
        %get3A_645 = tpu.vector_load %arg21[%get3A_643, %get3A_644] {strides = array<i32>} : memref<128x96xbf16, #tpu.memory_space<vmem>>, vector<32xbf16>,
        %unpack3A_646 = tpu.unpack_subelements %get3A_645, 0 {pack_format = #tpu.pack_format<interleaved>} : vector<32xbf16> -> vector<16xf32>
        %unpack3A_647 = tpu.unpack_subelements %get3A_645, 1 {pack_format = #tpu.pack_format<interleaved>} : vector<32xbf16> -> vector<16xf32>
        %get3A_648 = arith.index_cast %scan3A_590 : i32 to index
        %get3A_649 = arith.constant 32 : index
        %get3A_650 = tpu.vector_load %arg22[%get3A_648, %get3A_649] {strides = array<i32>} : memref<128x96xbf16, #tpu.memory_space<vmem>>, vector<32xbf16>,
        %unpack3A_651 = tpu.unpack_subelements %get3A_650, 0 {pack_format = #tpu.pack_format<interleaved>} : vector<32xbf16> -> vector<16xf32>
        %unpack3A_652 = tpu.unpack_subelements %get3A_650, 1 {pack_format = #tpu.pack_format<interleaved>} : vector<32xbf16> -> vector<16xf32>
        %mul3A_653 = arith.mulf %unpack3A_636, %gather3A : vector<16xf32>
        %mul3A_654 = arith.mulf %unpack3A_641, %gather3A_593 : vector<16xf32>
        %add3A_655 = arith.addf %mul3A_653, %mul3A_654 : vector<16xf32>
        %mul3A_656 = arith.mulf %unpack3A_646, %gather3A_594 : vector<16xf32>
        %add3A_657 = arith.addf %add3A_655, %mul3A_656 : vector<16xf32>
        %mul3A_658 = arith.mulf %unpack3A_651, %gather3A_595 : vector<16xf32>
        %add3A_659 = arith.addf %add3A_657, %mul3A_658 : vector<16xf32>
        %mul3A_660 = arith.mulf %unpack3A_637, %gather3A : vector<16xf32>
        %mul3A_661 = arith.mulf %unpack3A_642, %gather3A_593 : vector<16xf32>
        %add3A_662 = arith.addf %mul3A_660, %mul3A_661 : vector<16xf32>
        %mul3A_663 = arith.mulf %unpack3A_647, %gather3A_594 : vector<16xf32>
        %add3A_664 = arith.addf %add3A_662, %mul3A_663 : vector<16xf32>
        %mul3A_665 = arith.mulf %unpack3A_652, %gather3A_595 : vector<16xf32>
        %add3A_666 = arith.addf %add3A_664, %mul3A_665 : vector<16xf32>
        %swap3A_667 = arith.index_cast %scan3A_590 : i32 to index
        %swap3A_668 = arith.constant 32 : index
        %swap3A_669 = tpu.vector_load %arg23[%swap3A_667, %swap3A_668] {strides = array<i32>} : memref<128x96xf32, #tpu.memory_space<vmem>>, vector<16xf32>,
        tpu.vector_store %arg23[%swap3A_667, %swap3A_668], %add3A_659 {strides = array<i32>} : memref<128x96xf32, #tpu.memory_space<vmem>>, vector<16xf32>,
        %swap3A_670 = arith.index_cast %scan3A_590 : i32 to index
        %swap3A_671 = arith.constant 48 : index
        %swap3A_672 = tpu.vector_load %arg23[%swap3A_670, %swap3A_671] {strides = array<i32>} : memref<128x96xf32, #tpu.memory_space<vmem>>, vector<16xf32>,
        tpu.vector_store %arg23[%swap3A_670, %swap3A_671], %add3A_666 {strides = array<i32>} : memref<128x96xf32, #tpu.memory_space<vmem>>, vector<16xf32>,
        %get3A_673 = arith.index_cast %scan3A_590 : i32 to index
        %get3A_674 = arith.constant 64 : index
        %get3A_675 = tpu.vector_load %arg19[%get3A_673, %get3A_674] {strides = array<i32>} : memref<128x96xbf16, #tpu.memory_space<vmem>>, vector<32xbf16>,
        %unpack3A_676 = tpu.unpack_subelements %get3A_675, 0 {pack_format = #tpu.pack_format<interleaved>} : vector<32xbf16> -> vector<16xf32>
        %unpack3A_677 = tpu.unpack_subelements %get3A_675, 1 {pack_format = #tpu.pack_format<interleaved>} : vector<32xbf16> -> vector<16xf32>
        %get3A_678 = arith.index_cast %scan3A_590 : i32 to index
        %get3A_679 = arith.constant 64 : index
        %get3A_680 = tpu.vector_load %arg20[%get3A_678, %get3A_679] {strides = array<i32>} : memref<128x96xbf16, #tpu.memory_space<vmem>>, vector<32xbf16>,
        %unpack3A_681 = tpu.unpack_subelements %get3A_680, 0 {pack_format = #tpu.pack_format<interleaved>} : vector<32xbf16> -> vector<16xf32>
        %unpack3A_682 = tpu.unpack_subelements %get3A_680, 1 {pack_format = #tpu.pack_format<interleaved>} : vector<32xbf16> -> vector<16xf32>
        %get3A_683 = arith.index_cast %scan3A_590 : i32 to index
        %get3A_684 = arith.constant 64 : index
        %get3A_685 = tpu.vector_load %arg21[%get3A_683, %get3A_684] {strides = array<i32>} : memref<128x96xbf16, #tpu.memory_space<vmem>>, vector<32xbf16>,
        %unpack3A_686 = tpu.unpack_subelements %get3A_685, 0 {pack_format = #tpu.pack_format<interleaved>} : vector<32xbf16> -> vector<16xf32>
        %unpack3A_687 = tpu.unpack_subelements %get3A_685, 1 {pack_format = #tpu.pack_format<interleaved>} : vector<32xbf16> -> vector<16xf32>
        %get3A_688 = arith.index_cast %scan3A_590 : i32 to index
        %get3A_689 = arith.constant 64 : index
        %get3A_690 = tpu.vector_load %arg22[%get3A_688, %get3A_689] {strides = array<i32>} : memref<128x96xbf16, #tpu.memory_space<vmem>>, vector<32xbf16>,
        %unpack3A_691 = tpu.unpack_subelements %get3A_690, 0 {pack_format = #tpu.pack_format<interleaved>} : vector<32xbf16> -> vector<16xf32>
        %unpack3A_692 = tpu.unpack_subelements %get3A_690, 1 {pack_format = #tpu.pack_format<interleaved>} : vector<32xbf16> -> vector<16xf32>
        %mul3A_693 = arith.mulf %unpack3A_676, %gather3A : vector<16xf32>
        %mul3A_694 = arith.mulf %unpack3A_681, %gather3A_593 : vector<16xf32>
        %add3A_695 = arith.addf %mul3A_693, %mul3A_694 : vector<16xf32>
        %mul3A_696 = arith.mulf %unpack3A_686, %gather3A_594 : vector<16xf32>
        %add3A_697 = arith.addf %add3A_695, %mul3A_696 : vector<16xf32>
        %mul3A_698 = arith.mulf %unpack3A_691, %gather3A_595 : vector<16xf32>
        %add3A_699 = arith.addf %add3A_697, %mul3A_698 : vector<16xf32>
        %mul3A_700 = arith.mulf %unpack3A_677, %gather3A : vector<16xf32>
        %mul3A_701 = arith.mulf %unpack3A_682, %gather3A_593 : vector<16xf32>
        %add3A_702 = arith.addf %mul3A_700, %mul3A_701 : vector<16xf32>
        %mul3A_703 = arith.mulf %unpack3A_687, %gather3A_594 : vector<16xf32>
        %add3A_704 = arith.addf %add3A_702, %mul3A_703 : vector<16xf32>
        %mul3A_705 = arith.mulf %unpack3A_692, %gather3A_595 : vector<16xf32>
        %add3A_706 = arith.addf %add3A_704, %mul3A_705 : vector<16xf32>
        %swap3A_707 = arith.index_cast %scan3A_590 : i32 to index
        %swap3A_708 = arith.constant 64 : index
        %swap3A_709 = tpu.vector_load %arg23[%swap3A_707, %swap3A_708] {strides = array<i32>} : memref<128x96xf32, #tpu.memory_space<vmem>>, vector<16xf32>,
        tpu.vector_store %arg23[%swap3A_707, %swap3A_708], %add3A_699 {strides = array<i32>} : memref<128x96xf32, #tpu.memory_space<vmem>>, vector<16xf32>,
        %swap3A_710 = arith.index_cast %scan3A_590 : i32 to index
        %swap3A_711 = arith.constant 80 : index
        %swap3A_712 = tpu.vector_load %arg23[%swap3A_710, %swap3A_711] {strides = array<i32>} : memref<128x96xf32, #tpu.memory_space<vmem>>, vector<16xf32>,
        tpu.vector_store %arg23[%swap3A_710, %swap3A_711], %add3A_706 {strides = array<i32>} : memref<128x96xf32, #tpu.memory_space<vmem>>, vector<16xf32>,
      }
      %scan3A_478 = arith.constant 128 : i32
      %mul3A_479 = arith.constant 147456 : i32
      %mul3A_480 = arith.muli %select_n3A, %mul3A_479 : i32
      %add3A_481 = arith.addi %mul3A_480, %add3A_47 : i32
      %add3A_482 = arith.constant 640 : i32
      %add3A_483 = arith.addi %add3A_481, %add3A_482 : i32
      "tpu.region"() ({
        %run_scoped3A = tpu.sem_alloc : memref<!tpu.dma_semaphore, #tpu.memory_space<semaphore_mem>>
        %dma_start3A_590 = arith.constant 0 : i32
        %dma_start3A_591 = tpu.memref_slice %arg4[%add3A_483, %dma_start3A_590] : memref<589824x96xf32, #tpu.memory_space<hbm>> -> memref<128x96xf32, #tpu.memory_space<hbm>>
        %dma_start3A_592 = arith.constant 0 : i32
        %dma_start3A_593 = tpu.memref_slice %arg4[%add3A_483, %dma_start3A_592] : memref<589824x96xf32, #tpu.memory_space<hbm>> -> memref<128x96xf32, #tpu.memory_space<hbm>>
        tpu.enqueue_dma source(%arg23 : memref<128x96xf32, #tpu.memory_space<vmem>>) target(%dma_start3A_593 : memref<128x96xf32, #tpu.memory_space<hbm>>) target_semaphore(%run_scoped3A : memref<!tpu.dma_semaphore, #tpu.memory_space<semaphore_mem>>)
        %dma_wait3A_594 = arith.constant 0 : i32
        %dma_wait3A_595 = tpu.memref_slice %arg4[%add3A_483, %dma_wait3A_594] : memref<589824x96xf32, #tpu.memory_space<hbm>> -> memref<128x96xf32, #tpu.memory_space<hbm>>
        %dma_wait3A_596 = arith.constant 0 : i32
        %dma_wait3A_597 = tpu.memref_slice %arg4[%add3A_483, %dma_wait3A_596] : memref<589824x96xf32, #tpu.memory_space<hbm>> -> memref<128x96xf32, #tpu.memory_space<hbm>>
        tpu.wait_dma2 semaphore(%run_scoped3A : memref<!tpu.dma_semaphore, #tpu.memory_space<semaphore_mem>>) src(%arg23 : memref<128x96xf32, #tpu.memory_space<vmem>>) dst(%dma_wait3A_597 : memref<128x96xf32, #tpu.memory_space<hbm>>)
        tpu.yield
      }) : () -> ()
      %dma_start3A_484 = arith.constant 7 : i32
      %dma_start3A_485 = arith.constant 0 : i32
      %dma_start3A_486 = tpu.memref_slice %arg7[%dma_start3A_484, %dma_start3A_485] : memref<8x128xi32, #tpu.memory_space<vmem>> -> memref<1x128xi32, #tpu.memory_space<vmem>>
      %dma_start3A_487 = tpu.memref_squeeze %dma_start3A_486 : memref<1x128xi32, #tpu.memory_space<vmem>> -> memref<128xi32, #tpu.memory_space<vmem>>
      %dma_start3A_488 = arith.constant 0 : i32
      %dma_start3A_489 = arith.constant 0 : i32
      %dma_start3A_490 = tpu.memref_slice %arg2[%dma_start3A_488, %dma_start3A_489] : memref<589824x96xbf16, #tpu.memory_space<hbm>> -> memref<589824x96xbf16, #tpu.memory_space<hbm>>
      tpu.enqueue_indirect_dma source(%dma_start3A_490 : memref<589824x96xbf16, #tpu.memory_space<hbm>>) target(%arg19 : memref<128x96xbf16, #tpu.memory_space<vmem>>) offsets(%dma_start3A_487 : memref<128xi32, #tpu.memory_space<vmem>>) semaphore(%arg25 : memref<!tpu.dma_semaphore, #tpu.memory_space<semaphore_mem>>)
      %dma_start3A_491 = arith.constant 7 : i32
      %dma_start3A_492 = arith.constant 0 : i32
      %dma_start3A_493 = tpu.memref_slice %arg8[%dma_start3A_491, %dma_start3A_492] : memref<8x128xi32, #tpu.memory_space<vmem>> -> memref<1x128xi32, #tpu.memory_space<vmem>>
      %dma_start3A_494 = tpu.memref_squeeze %dma_start3A_493 : memref<1x128xi32, #tpu.memory_space<vmem>> -> memref<128xi32, #tpu.memory_space<vmem>>
      %dma_start3A_495 = arith.constant 0 : i32
      %dma_start3A_496 = arith.constant 0 : i32
      %dma_start3A_497 = tpu.memref_slice %arg2[%dma_start3A_495, %dma_start3A_496] : memref<589824x96xbf16, #tpu.memory_space<hbm>> -> memref<589824x96xbf16, #tpu.memory_space<hbm>>
      tpu.enqueue_indirect_dma source(%dma_start3A_497 : memref<589824x96xbf16, #tpu.memory_space<hbm>>) target(%arg20 : memref<128x96xbf16, #tpu.memory_space<vmem>>) offsets(%dma_start3A_494 : memref<128xi32, #tpu.memory_space<vmem>>) semaphore(%arg25 : memref<!tpu.dma_semaphore, #tpu.memory_space<semaphore_mem>>)
      %dma_start3A_498 = arith.constant 7 : i32
      %dma_start3A_499 = arith.constant 0 : i32
      %dma_start3A_500 = tpu.memref_slice %arg9[%dma_start3A_498, %dma_start3A_499] : memref<8x128xi32, #tpu.memory_space<vmem>> -> memref<1x128xi32, #tpu.memory_space<vmem>>
      %dma_start3A_501 = tpu.memref_squeeze %dma_start3A_500 : memref<1x128xi32, #tpu.memory_space<vmem>> -> memref<128xi32, #tpu.memory_space<vmem>>
      %dma_start3A_502 = arith.constant 0 : i32
      %dma_start3A_503 = arith.constant 0 : i32
      %dma_start3A_504 = tpu.memref_slice %arg2[%dma_start3A_502, %dma_start3A_503] : memref<589824x96xbf16, #tpu.memory_space<hbm>> -> memref<589824x96xbf16, #tpu.memory_space<hbm>>
      tpu.enqueue_indirect_dma source(%dma_start3A_504 : memref<589824x96xbf16, #tpu.memory_space<hbm>>) target(%arg21 : memref<128x96xbf16, #tpu.memory_space<vmem>>) offsets(%dma_start3A_501 : memref<128xi32, #tpu.memory_space<vmem>>) semaphore(%arg25 : memref<!tpu.dma_semaphore, #tpu.memory_space<semaphore_mem>>)
      %dma_start3A_505 = arith.constant 7 : i32
      %dma_start3A_506 = arith.constant 0 : i32
      %dma_start3A_507 = tpu.memref_slice %arg10[%dma_start3A_505, %dma_start3A_506] : memref<8x128xi32, #tpu.memory_space<vmem>> -> memref<1x128xi32, #tpu.memory_space<vmem>>
      %dma_start3A_508 = tpu.memref_squeeze %dma_start3A_507 : memref<1x128xi32, #tpu.memory_space<vmem>> -> memref<128xi32, #tpu.memory_space<vmem>>
      %dma_start3A_509 = arith.constant 0 : i32
      %dma_start3A_510 = arith.constant 0 : i32
      %dma_start3A_511 = tpu.memref_slice %arg2[%dma_start3A_509, %dma_start3A_510] : memref<589824x96xbf16, #tpu.memory_space<hbm>> -> memref<589824x96xbf16, #tpu.memory_space<hbm>>
      tpu.enqueue_indirect_dma source(%dma_start3A_511 : memref<589824x96xbf16, #tpu.memory_space<hbm>>) target(%arg22 : memref<128x96xbf16, #tpu.memory_space<vmem>>) offsets(%dma_start3A_508 : memref<128xi32, #tpu.memory_space<vmem>>) semaphore(%arg25 : memref<!tpu.dma_semaphore, #tpu.memory_space<semaphore_mem>>)
      %dma_wait3A_512 = arith.constant 6 : i32
      %dma_wait3A_513 = arith.constant 0 : i32
      %dma_wait3A_514 = tpu.memref_slice %arg7[%dma_wait3A_512, %dma_wait3A_513] : memref<8x128xi32, #tpu.memory_space<vmem>> -> memref<1x128xi32, #tpu.memory_space<vmem>>
      %dma_wait3A_515 = tpu.memref_squeeze %dma_wait3A_514 : memref<1x128xi32, #tpu.memory_space<vmem>> -> memref<128xi32, #tpu.memory_space<vmem>>
      %dma_wait3A_516 = arith.constant 0 : i32
      %dma_wait3A_517 = arith.constant 0 : i32
      %dma_wait3A_518 = tpu.memref_slice %arg2[%dma_wait3A_516, %dma_wait3A_517] : memref<589824x96xbf16, #tpu.memory_space<hbm>> -> memref<589824x96xbf16, #tpu.memory_space<hbm>>
      tpu.wait_indirect_dma semaphore(%arg24 : memref<!tpu.dma_semaphore, #tpu.memory_space<semaphore_mem>>) src(%dma_wait3A_518 : memref<589824x96xbf16, #tpu.memory_space<hbm>>) dst(%arg15 : memref<128x96xbf16, #tpu.memory_space<vmem>>)
      %dma_wait3A_519 = arith.constant 6 : i32
      %dma_wait3A_520 = arith.constant 0 : i32
      %dma_wait3A_521 = tpu.memref_slice %arg8[%dma_wait3A_519, %dma_wait3A_520] : memref<8x128xi32, #tpu.memory_space<vmem>> -> memref<1x128xi32, #tpu.memory_space<vmem>>
      %dma_wait3A_522 = tpu.memref_squeeze %dma_wait3A_521 : memref<1x128xi32, #tpu.memory_space<vmem>> -> memref<128xi32, #tpu.memory_space<vmem>>
      %dma_wait3A_523 = arith.constant 0 : i32
      %dma_wait3A_524 = arith.constant 0 : i32
      %dma_wait3A_525 = tpu.memref_slice %arg2[%dma_wait3A_523, %dma_wait3A_524] : memref<589824x96xbf16, #tpu.memory_space<hbm>> -> memref<589824x96xbf16, #tpu.memory_space<hbm>>
      tpu.wait_indirect_dma semaphore(%arg24 : memref<!tpu.dma_semaphore, #tpu.memory_space<semaphore_mem>>) src(%dma_wait3A_525 : memref<589824x96xbf16, #tpu.memory_space<hbm>>) dst(%arg16 : memref<128x96xbf16, #tpu.memory_space<vmem>>)
      %dma_wait3A_526 = arith.constant 6 : i32
      %dma_wait3A_527 = arith.constant 0 : i32
      %dma_wait3A_528 = tpu.memref_slice %arg9[%dma_wait3A_526, %dma_wait3A_527] : memref<8x128xi32, #tpu.memory_space<vmem>> -> memref<1x128xi32, #tpu.memory_space<vmem>>
      %dma_wait3A_529 = tpu.memref_squeeze %dma_wait3A_528 : memref<1x128xi32, #tpu.memory_space<vmem>> -> memref<128xi32, #tpu.memory_space<vmem>>
      %dma_wait3A_530 = arith.constant 0 : i32
      %dma_wait3A_531 = arith.constant 0 : i32
      %dma_wait3A_532 = tpu.memref_slice %arg2[%dma_wait3A_530, %dma_wait3A_531] : memref<589824x96xbf16, #tpu.memory_space<hbm>> -> memref<589824x96xbf16, #tpu.memory_space<hbm>>
      tpu.wait_indirect_dma semaphore(%arg24 : memref<!tpu.dma_semaphore, #tpu.memory_space<semaphore_mem>>) src(%dma_wait3A_532 : memref<589824x96xbf16, #tpu.memory_space<hbm>>) dst(%arg17 : memref<128x96xbf16, #tpu.memory_space<vmem>>)
      %dma_wait3A_533 = arith.constant 6 : i32
      %dma_wait3A_534 = arith.constant 0 : i32
      %dma_wait3A_535 = tpu.memref_slice %arg10[%dma_wait3A_533, %dma_wait3A_534] : memref<8x128xi32, #tpu.memory_space<vmem>> -> memref<1x128xi32, #tpu.memory_space<vmem>>
      %dma_wait3A_536 = tpu.memref_squeeze %dma_wait3A_535 : memref<1x128xi32, #tpu.memory_space<vmem>> -> memref<128xi32, #tpu.memory_space<vmem>>
      %dma_wait3A_537 = arith.constant 0 : i32
      %dma_wait3A_538 = arith.constant 0 : i32
      %dma_wait3A_539 = tpu.memref_slice %arg2[%dma_wait3A_537, %dma_wait3A_538] : memref<589824x96xbf16, #tpu.memory_space<hbm>> -> memref<589824x96xbf16, #tpu.memory_space<hbm>>
      tpu.wait_indirect_dma semaphore(%arg24 : memref<!tpu.dma_semaphore, #tpu.memory_space<semaphore_mem>>) src(%dma_wait3A_539 : memref<589824x96xbf16, #tpu.memory_space<hbm>>) dst(%arg18 : memref<128x96xbf16, #tpu.memory_space<vmem>>)
      %scan3A_540 = arith.constant 0 : i32
      %scan3A_541 = arith.constant 0 : i32
      %scan3A_542 = arith.constant 128 : i32
      %scan3A_543 = arith.addi %scan3A_541, %scan3A_542 : i32
      %scan3A_544 = arith.constant 1 : i32
      scf.for %scan3A_590 = %scan3A_541 to %scan3A_543 step %scan3A_544  : i32 {
        %add3A_591 = arith.constant 768 : i32
        %add3A_592 = arith.addi %add3A_591, %scan3A_590 : i32
        %broadcast_in_dim3A = vector.broadcast %add3A_592 : i32 to vector<16xi32>
        %gather3A = tpu.vector_load_idx %arg11[%broadcast_in_dim3A] : memref<1024xf32, #tpu.memory_space<vmem>>[vector<16xi32>], vector<16xf32>,
        %gather3A_593 = tpu.vector_load_idx %arg12[%broadcast_in_dim3A] : memref<1024xf32, #tpu.memory_space<vmem>>[vector<16xi32>], vector<16xf32>,
        %gather3A_594 = tpu.vector_load_idx %arg13[%broadcast_in_dim3A] : memref<1024xf32, #tpu.memory_space<vmem>>[vector<16xi32>], vector<16xf32>,
        %gather3A_595 = tpu.vector_load_idx %arg14[%broadcast_in_dim3A] : memref<1024xf32, #tpu.memory_space<vmem>>[vector<16xi32>], vector<16xf32>,
        %get3A = arith.index_cast %scan3A_590 : i32 to index
        %get3A_596 = arith.constant 0 : index
        %get3A_597 = tpu.vector_load %arg15[%get3A, %get3A_596] {strides = array<i32>} : memref<128x96xbf16, #tpu.memory_space<vmem>>, vector<32xbf16>,
        %unpack3A = tpu.unpack_subelements %get3A_597, 0 {pack_format = #tpu.pack_format<interleaved>} : vector<32xbf16> -> vector<16xf32>
        %unpack3A_598 = tpu.unpack_subelements %get3A_597, 1 {pack_format = #tpu.pack_format<interleaved>} : vector<32xbf16> -> vector<16xf32>
        %get3A_599 = arith.index_cast %scan3A_590 : i32 to index
        %get3A_600 = arith.constant 0 : index
        %get3A_601 = tpu.vector_load %arg16[%get3A_599, %get3A_600] {strides = array<i32>} : memref<128x96xbf16, #tpu.memory_space<vmem>>, vector<32xbf16>,
        %unpack3A_602 = tpu.unpack_subelements %get3A_601, 0 {pack_format = #tpu.pack_format<interleaved>} : vector<32xbf16> -> vector<16xf32>
        %unpack3A_603 = tpu.unpack_subelements %get3A_601, 1 {pack_format = #tpu.pack_format<interleaved>} : vector<32xbf16> -> vector<16xf32>
        %get3A_604 = arith.index_cast %scan3A_590 : i32 to index
        %get3A_605 = arith.constant 0 : index
        %get3A_606 = tpu.vector_load %arg17[%get3A_604, %get3A_605] {strides = array<i32>} : memref<128x96xbf16, #tpu.memory_space<vmem>>, vector<32xbf16>,
        %unpack3A_607 = tpu.unpack_subelements %get3A_606, 0 {pack_format = #tpu.pack_format<interleaved>} : vector<32xbf16> -> vector<16xf32>
        %unpack3A_608 = tpu.unpack_subelements %get3A_606, 1 {pack_format = #tpu.pack_format<interleaved>} : vector<32xbf16> -> vector<16xf32>
        %get3A_609 = arith.index_cast %scan3A_590 : i32 to index
        %get3A_610 = arith.constant 0 : index
        %get3A_611 = tpu.vector_load %arg18[%get3A_609, %get3A_610] {strides = array<i32>} : memref<128x96xbf16, #tpu.memory_space<vmem>>, vector<32xbf16>,
        %unpack3A_612 = tpu.unpack_subelements %get3A_611, 0 {pack_format = #tpu.pack_format<interleaved>} : vector<32xbf16> -> vector<16xf32>
        %unpack3A_613 = tpu.unpack_subelements %get3A_611, 1 {pack_format = #tpu.pack_format<interleaved>} : vector<32xbf16> -> vector<16xf32>
        %mul3A_614 = arith.mulf %unpack3A, %gather3A : vector<16xf32>
        %mul3A_615 = arith.mulf %unpack3A_602, %gather3A_593 : vector<16xf32>
        %add3A_616 = arith.addf %mul3A_614, %mul3A_615 : vector<16xf32>
        %mul3A_617 = arith.mulf %unpack3A_607, %gather3A_594 : vector<16xf32>
        %add3A_618 = arith.addf %add3A_616, %mul3A_617 : vector<16xf32>
        %mul3A_619 = arith.mulf %unpack3A_612, %gather3A_595 : vector<16xf32>
        %add3A_620 = arith.addf %add3A_618, %mul3A_619 : vector<16xf32>
        %mul3A_621 = arith.mulf %unpack3A_598, %gather3A : vector<16xf32>
        %mul3A_622 = arith.mulf %unpack3A_603, %gather3A_593 : vector<16xf32>
        %add3A_623 = arith.addf %mul3A_621, %mul3A_622 : vector<16xf32>
        %mul3A_624 = arith.mulf %unpack3A_608, %gather3A_594 : vector<16xf32>
        %add3A_625 = arith.addf %add3A_623, %mul3A_624 : vector<16xf32>
        %mul3A_626 = arith.mulf %unpack3A_613, %gather3A_595 : vector<16xf32>
        %add3A_627 = arith.addf %add3A_625, %mul3A_626 : vector<16xf32>
        %swap3A = arith.index_cast %scan3A_590 : i32 to index
        %swap3A_628 = arith.constant 0 : index
        %swap3A_629 = tpu.vector_load %arg23[%swap3A, %swap3A_628] {strides = array<i32>} : memref<128x96xf32, #tpu.memory_space<vmem>>, vector<16xf32>,
        tpu.vector_store %arg23[%swap3A, %swap3A_628], %add3A_620 {strides = array<i32>} : memref<128x96xf32, #tpu.memory_space<vmem>>, vector<16xf32>,
        %swap3A_630 = arith.index_cast %scan3A_590 : i32 to index
        %swap3A_631 = arith.constant 16 : index
        %swap3A_632 = tpu.vector_load %arg23[%swap3A_630, %swap3A_631] {strides = array<i32>} : memref<128x96xf32, #tpu.memory_space<vmem>>, vector<16xf32>,
        tpu.vector_store %arg23[%swap3A_630, %swap3A_631], %add3A_627 {strides = array<i32>} : memref<128x96xf32, #tpu.memory_space<vmem>>, vector<16xf32>,
        %get3A_633 = arith.index_cast %scan3A_590 : i32 to index
        %get3A_634 = arith.constant 32 : index
        %get3A_635 = tpu.vector_load %arg15[%get3A_633, %get3A_634] {strides = array<i32>} : memref<128x96xbf16, #tpu.memory_space<vmem>>, vector<32xbf16>,
        %unpack3A_636 = tpu.unpack_subelements %get3A_635, 0 {pack_format = #tpu.pack_format<interleaved>} : vector<32xbf16> -> vector<16xf32>
        %unpack3A_637 = tpu.unpack_subelements %get3A_635, 1 {pack_format = #tpu.pack_format<interleaved>} : vector<32xbf16> -> vector<16xf32>
        %get3A_638 = arith.index_cast %scan3A_590 : i32 to index
        %get3A_639 = arith.constant 32 : index
        %get3A_640 = tpu.vector_load %arg16[%get3A_638, %get3A_639] {strides = array<i32>} : memref<128x96xbf16, #tpu.memory_space<vmem>>, vector<32xbf16>,
        %unpack3A_641 = tpu.unpack_subelements %get3A_640, 0 {pack_format = #tpu.pack_format<interleaved>} : vector<32xbf16> -> vector<16xf32>
        %unpack3A_642 = tpu.unpack_subelements %get3A_640, 1 {pack_format = #tpu.pack_format<interleaved>} : vector<32xbf16> -> vector<16xf32>
        %get3A_643 = arith.index_cast %scan3A_590 : i32 to index
        %get3A_644 = arith.constant 32 : index
        %get3A_645 = tpu.vector_load %arg17[%get3A_643, %get3A_644] {strides = array<i32>} : memref<128x96xbf16, #tpu.memory_space<vmem>>, vector<32xbf16>,
        %unpack3A_646 = tpu.unpack_subelements %get3A_645, 0 {pack_format = #tpu.pack_format<interleaved>} : vector<32xbf16> -> vector<16xf32>
        %unpack3A_647 = tpu.unpack_subelements %get3A_645, 1 {pack_format = #tpu.pack_format<interleaved>} : vector<32xbf16> -> vector<16xf32>
        %get3A_648 = arith.index_cast %scan3A_590 : i32 to index
        %get3A_649 = arith.constant 32 : index
        %get3A_650 = tpu.vector_load %arg18[%get3A_648, %get3A_649] {strides = array<i32>} : memref<128x96xbf16, #tpu.memory_space<vmem>>, vector<32xbf16>,
        %unpack3A_651 = tpu.unpack_subelements %get3A_650, 0 {pack_format = #tpu.pack_format<interleaved>} : vector<32xbf16> -> vector<16xf32>
        %unpack3A_652 = tpu.unpack_subelements %get3A_650, 1 {pack_format = #tpu.pack_format<interleaved>} : vector<32xbf16> -> vector<16xf32>
        %mul3A_653 = arith.mulf %unpack3A_636, %gather3A : vector<16xf32>
        %mul3A_654 = arith.mulf %unpack3A_641, %gather3A_593 : vector<16xf32>
        %add3A_655 = arith.addf %mul3A_653, %mul3A_654 : vector<16xf32>
        %mul3A_656 = arith.mulf %unpack3A_646, %gather3A_594 : vector<16xf32>
        %add3A_657 = arith.addf %add3A_655, %mul3A_656 : vector<16xf32>
        %mul3A_658 = arith.mulf %unpack3A_651, %gather3A_595 : vector<16xf32>
        %add3A_659 = arith.addf %add3A_657, %mul3A_658 : vector<16xf32>
        %mul3A_660 = arith.mulf %unpack3A_637, %gather3A : vector<16xf32>
        %mul3A_661 = arith.mulf %unpack3A_642, %gather3A_593 : vector<16xf32>
        %add3A_662 = arith.addf %mul3A_660, %mul3A_661 : vector<16xf32>
        %mul3A_663 = arith.mulf %unpack3A_647, %gather3A_594 : vector<16xf32>
        %add3A_664 = arith.addf %add3A_662, %mul3A_663 : vector<16xf32>
        %mul3A_665 = arith.mulf %unpack3A_652, %gather3A_595 : vector<16xf32>
        %add3A_666 = arith.addf %add3A_664, %mul3A_665 : vector<16xf32>
        %swap3A_667 = arith.index_cast %scan3A_590 : i32 to index
        %swap3A_668 = arith.constant 32 : index
        %swap3A_669 = tpu.vector_load %arg23[%swap3A_667, %swap3A_668] {strides = array<i32>} : memref<128x96xf32, #tpu.memory_space<vmem>>, vector<16xf32>,
        tpu.vector_store %arg23[%swap3A_667, %swap3A_668], %add3A_659 {strides = array<i32>} : memref<128x96xf32, #tpu.memory_space<vmem>>, vector<16xf32>,
        %swap3A_670 = arith.index_cast %scan3A_590 : i32 to index
        %swap3A_671 = arith.constant 48 : index
        %swap3A_672 = tpu.vector_load %arg23[%swap3A_670, %swap3A_671] {strides = array<i32>} : memref<128x96xf32, #tpu.memory_space<vmem>>, vector<16xf32>,
        tpu.vector_store %arg23[%swap3A_670, %swap3A_671], %add3A_666 {strides = array<i32>} : memref<128x96xf32, #tpu.memory_space<vmem>>, vector<16xf32>,
        %get3A_673 = arith.index_cast %scan3A_590 : i32 to index
        %get3A_674 = arith.constant 64 : index
        %get3A_675 = tpu.vector_load %arg15[%get3A_673, %get3A_674] {strides = array<i32>} : memref<128x96xbf16, #tpu.memory_space<vmem>>, vector<32xbf16>,
        %unpack3A_676 = tpu.unpack_subelements %get3A_675, 0 {pack_format = #tpu.pack_format<interleaved>} : vector<32xbf16> -> vector<16xf32>
        %unpack3A_677 = tpu.unpack_subelements %get3A_675, 1 {pack_format = #tpu.pack_format<interleaved>} : vector<32xbf16> -> vector<16xf32>
        %get3A_678 = arith.index_cast %scan3A_590 : i32 to index
        %get3A_679 = arith.constant 64 : index
        %get3A_680 = tpu.vector_load %arg16[%get3A_678, %get3A_679] {strides = array<i32>} : memref<128x96xbf16, #tpu.memory_space<vmem>>, vector<32xbf16>,
        %unpack3A_681 = tpu.unpack_subelements %get3A_680, 0 {pack_format = #tpu.pack_format<interleaved>} : vector<32xbf16> -> vector<16xf32>
        %unpack3A_682 = tpu.unpack_subelements %get3A_680, 1 {pack_format = #tpu.pack_format<interleaved>} : vector<32xbf16> -> vector<16xf32>
        %get3A_683 = arith.index_cast %scan3A_590 : i32 to index
        %get3A_684 = arith.constant 64 : index
        %get3A_685 = tpu.vector_load %arg17[%get3A_683, %get3A_684] {strides = array<i32>} : memref<128x96xbf16, #tpu.memory_space<vmem>>, vector<32xbf16>,
        %unpack3A_686 = tpu.unpack_subelements %get3A_685, 0 {pack_format = #tpu.pack_format<interleaved>} : vector<32xbf16> -> vector<16xf32>
        %unpack3A_687 = tpu.unpack_subelements %get3A_685, 1 {pack_format = #tpu.pack_format<interleaved>} : vector<32xbf16> -> vector<16xf32>
        %get3A_688 = arith.index_cast %scan3A_590 : i32 to index
        %get3A_689 = arith.constant 64 : index
        %get3A_690 = tpu.vector_load %arg18[%get3A_688, %get3A_689] {strides = array<i32>} : memref<128x96xbf16, #tpu.memory_space<vmem>>, vector<32xbf16>,
        %unpack3A_691 = tpu.unpack_subelements %get3A_690, 0 {pack_format = #tpu.pack_format<interleaved>} : vector<32xbf16> -> vector<16xf32>
        %unpack3A_692 = tpu.unpack_subelements %get3A_690, 1 {pack_format = #tpu.pack_format<interleaved>} : vector<32xbf16> -> vector<16xf32>
        %mul3A_693 = arith.mulf %unpack3A_676, %gather3A : vector<16xf32>
        %mul3A_694 = arith.mulf %unpack3A_681, %gather3A_593 : vector<16xf32>
        %add3A_695 = arith.addf %mul3A_693, %mul3A_694 : vector<16xf32>
        %mul3A_696 = arith.mulf %unpack3A_686, %gather3A_594 : vector<16xf32>
        %add3A_697 = arith.addf %add3A_695, %mul3A_696 : vector<16xf32>
        %mul3A_698 = arith.mulf %unpack3A_691, %gather3A_595 : vector<16xf32>
        %add3A_699 = arith.addf %add3A_697, %mul3A_698 : vector<16xf32>
        %mul3A_700 = arith.mulf %unpack3A_677, %gather3A : vector<16xf32>
        %mul3A_701 = arith.mulf %unpack3A_682, %gather3A_593 : vector<16xf32>
        %add3A_702 = arith.addf %mul3A_700, %mul3A_701 : vector<16xf32>
        %mul3A_703 = arith.mulf %unpack3A_687, %gather3A_594 : vector<16xf32>
        %add3A_704 = arith.addf %add3A_702, %mul3A_703 : vector<16xf32>
        %mul3A_705 = arith.mulf %unpack3A_692, %gather3A_595 : vector<16xf32>
        %add3A_706 = arith.addf %add3A_704, %mul3A_705 : vector<16xf32>
        %swap3A_707 = arith.index_cast %scan3A_590 : i32 to index
        %swap3A_708 = arith.constant 64 : index
        %swap3A_709 = tpu.vector_load %arg23[%swap3A_707, %swap3A_708] {strides = array<i32>} : memref<128x96xf32, #tpu.memory_space<vmem>>, vector<16xf32>,
        tpu.vector_store %arg23[%swap3A_707, %swap3A_708], %add3A_699 {strides = array<i32>} : memref<128x96xf32, #tpu.memory_space<vmem>>, vector<16xf32>,
        %swap3A_710 = arith.index_cast %scan3A_590 : i32 to index
        %swap3A_711 = arith.constant 80 : index
        %swap3A_712 = tpu.vector_load %arg23[%swap3A_710, %swap3A_711] {strides = array<i32>} : memref<128x96xf32, #tpu.memory_space<vmem>>, vector<16xf32>,
        tpu.vector_store %arg23[%swap3A_710, %swap3A_711], %add3A_706 {strides = array<i32>} : memref<128x96xf32, #tpu.memory_space<vmem>>, vector<16xf32>,
      }
      %scan3A_545 = arith.constant 128 : i32
      %mul3A_546 = arith.constant 147456 : i32
      %mul3A_547 = arith.muli %select_n3A, %mul3A_546 : i32
      %add3A_548 = arith.addi %mul3A_547, %add3A_47 : i32
      %add3A_549 = arith.constant 768 : i32
      %add3A_550 = arith.addi %add3A_548, %add3A_549 : i32
      "tpu.region"() ({
        %run_scoped3A = tpu.sem_alloc : memref<!tpu.dma_semaphore, #tpu.memory_space<semaphore_mem>>
        %dma_start3A_590 = arith.constant 0 : i32
        %dma_start3A_591 = tpu.memref_slice %arg4[%add3A_550, %dma_start3A_590] : memref<589824x96xf32, #tpu.memory_space<hbm>> -> memref<128x96xf32, #tpu.memory_space<hbm>>
        %dma_start3A_592 = arith.constant 0 : i32
        %dma_start3A_593 = tpu.memref_slice %arg4[%add3A_550, %dma_start3A_592] : memref<589824x96xf32, #tpu.memory_space<hbm>> -> memref<128x96xf32, #tpu.memory_space<hbm>>
        tpu.enqueue_dma source(%arg23 : memref<128x96xf32, #tpu.memory_space<vmem>>) target(%dma_start3A_593 : memref<128x96xf32, #tpu.memory_space<hbm>>) target_semaphore(%run_scoped3A : memref<!tpu.dma_semaphore, #tpu.memory_space<semaphore_mem>>)
        %dma_wait3A_594 = arith.constant 0 : i32
        %dma_wait3A_595 = tpu.memref_slice %arg4[%add3A_550, %dma_wait3A_594] : memref<589824x96xf32, #tpu.memory_space<hbm>> -> memref<128x96xf32, #tpu.memory_space<hbm>>
        %dma_wait3A_596 = arith.constant 0 : i32
        %dma_wait3A_597 = tpu.memref_slice %arg4[%add3A_550, %dma_wait3A_596] : memref<589824x96xf32, #tpu.memory_space<hbm>> -> memref<128x96xf32, #tpu.memory_space<hbm>>
        tpu.wait_dma2 semaphore(%run_scoped3A : memref<!tpu.dma_semaphore, #tpu.memory_space<semaphore_mem>>) src(%arg23 : memref<128x96xf32, #tpu.memory_space<vmem>>) dst(%dma_wait3A_597 : memref<128x96xf32, #tpu.memory_space<hbm>>)
        tpu.yield
      }) : () -> ()
      %dma_wait3A_551 = arith.constant 7 : i32
      %dma_wait3A_552 = arith.constant 0 : i32
      %dma_wait3A_553 = tpu.memref_slice %arg7[%dma_wait3A_551, %dma_wait3A_552] : memref<8x128xi32, #tpu.memory_space<vmem>> -> memref<1x128xi32, #tpu.memory_space<vmem>>
      %dma_wait3A_554 = tpu.memref_squeeze %dma_wait3A_553 : memref<1x128xi32, #tpu.memory_space<vmem>> -> memref<128xi32, #tpu.memory_space<vmem>>
      %dma_wait3A_555 = arith.constant 0 : i32
      %dma_wait3A_556 = arith.constant 0 : i32
      %dma_wait3A_557 = tpu.memref_slice %arg2[%dma_wait3A_555, %dma_wait3A_556] : memref<589824x96xbf16, #tpu.memory_space<hbm>> -> memref<589824x96xbf16, #tpu.memory_space<hbm>>
      tpu.wait_indirect_dma semaphore(%arg25 : memref<!tpu.dma_semaphore, #tpu.memory_space<semaphore_mem>>) src(%dma_wait3A_557 : memref<589824x96xbf16, #tpu.memory_space<hbm>>) dst(%arg19 : memref<128x96xbf16, #tpu.memory_space<vmem>>)
      %dma_wait3A_558 = arith.constant 7 : i32
      %dma_wait3A_559 = arith.constant 0 : i32
      %dma_wait3A_560 = tpu.memref_slice %arg8[%dma_wait3A_558, %dma_wait3A_559] : memref<8x128xi32, #tpu.memory_space<vmem>> -> memref<1x128xi32, #tpu.memory_space<vmem>>
      %dma_wait3A_561 = tpu.memref_squeeze %dma_wait3A_560 : memref<1x128xi32, #tpu.memory_space<vmem>> -> memref<128xi32, #tpu.memory_space<vmem>>
      %dma_wait3A_562 = arith.constant 0 : i32
      %dma_wait3A_563 = arith.constant 0 : i32
      %dma_wait3A_564 = tpu.memref_slice %arg2[%dma_wait3A_562, %dma_wait3A_563] : memref<589824x96xbf16, #tpu.memory_space<hbm>> -> memref<589824x96xbf16, #tpu.memory_space<hbm>>
      tpu.wait_indirect_dma semaphore(%arg25 : memref<!tpu.dma_semaphore, #tpu.memory_space<semaphore_mem>>) src(%dma_wait3A_564 : memref<589824x96xbf16, #tpu.memory_space<hbm>>) dst(%arg20 : memref<128x96xbf16, #tpu.memory_space<vmem>>)
      %dma_wait3A_565 = arith.constant 7 : i32
      %dma_wait3A_566 = arith.constant 0 : i32
      %dma_wait3A_567 = tpu.memref_slice %arg9[%dma_wait3A_565, %dma_wait3A_566] : memref<8x128xi32, #tpu.memory_space<vmem>> -> memref<1x128xi32, #tpu.memory_space<vmem>>
      %dma_wait3A_568 = tpu.memref_squeeze %dma_wait3A_567 : memref<1x128xi32, #tpu.memory_space<vmem>> -> memref<128xi32, #tpu.memory_space<vmem>>
      %dma_wait3A_569 = arith.constant 0 : i32
      %dma_wait3A_570 = arith.constant 0 : i32
      %dma_wait3A_571 = tpu.memref_slice %arg2[%dma_wait3A_569, %dma_wait3A_570] : memref<589824x96xbf16, #tpu.memory_space<hbm>> -> memref<589824x96xbf16, #tpu.memory_space<hbm>>
      tpu.wait_indirect_dma semaphore(%arg25 : memref<!tpu.dma_semaphore, #tpu.memory_space<semaphore_mem>>) src(%dma_wait3A_571 : memref<589824x96xbf16, #tpu.memory_space<hbm>>) dst(%arg21 : memref<128x96xbf16, #tpu.memory_space<vmem>>)
      %dma_wait3A_572 = arith.constant 7 : i32
      %dma_wait3A_573 = arith.constant 0 : i32
      %dma_wait3A_574 = tpu.memref_slice %arg10[%dma_wait3A_572, %dma_wait3A_573] : memref<8x128xi32, #tpu.memory_space<vmem>> -> memref<1x128xi32, #tpu.memory_space<vmem>>
      %dma_wait3A_575 = tpu.memref_squeeze %dma_wait3A_574 : memref<1x128xi32, #tpu.memory_space<vmem>> -> memref<128xi32, #tpu.memory_space<vmem>>
      %dma_wait3A_576 = arith.constant 0 : i32
      %dma_wait3A_577 = arith.constant 0 : i32
      %dma_wait3A_578 = tpu.memref_slice %arg2[%dma_wait3A_576, %dma_wait3A_577] : memref<589824x96xbf16, #tpu.memory_space<hbm>> -> memref<589824x96xbf16, #tpu.memory_space<hbm>>
      tpu.wait_indirect_dma semaphore(%arg25 : memref<!tpu.dma_semaphore, #tpu.memory_space<semaphore_mem>>) src(%dma_wait3A_578 : memref<589824x96xbf16, #tpu.memory_space<hbm>>) dst(%arg22 : memref<128x96xbf16, #tpu.memory_space<vmem>>)
      %scan3A_579 = arith.constant 0 : i32
      %scan3A_580 = arith.constant 0 : i32
      %scan3A_581 = arith.constant 128 : i32
      %scan3A_582 = arith.addi %scan3A_580, %scan3A_581 : i32
      %scan3A_583 = arith.constant 1 : i32
      scf.for %scan3A_590 = %scan3A_580 to %scan3A_582 step %scan3A_583  : i32 {
        %add3A_591 = arith.constant 896 : i32
        %add3A_592 = arith.addi %add3A_591, %scan3A_590 : i32
        %broadcast_in_dim3A = vector.broadcast %add3A_592 : i32 to vector<16xi32>
        %gather3A = tpu.vector_load_idx %arg11[%broadcast_in_dim3A] : memref<1024xf32, #tpu.memory_space<vmem>>[vector<16xi32>], vector<16xf32>,
        %gather3A_593 = tpu.vector_load_idx %arg12[%broadcast_in_dim3A] : memref<1024xf32, #tpu.memory_space<vmem>>[vector<16xi32>], vector<16xf32>,
        %gather3A_594 = tpu.vector_load_idx %arg13[%broadcast_in_dim3A] : memref<1024xf32, #tpu.memory_space<vmem>>[vector<16xi32>], vector<16xf32>,
        %gather3A_595 = tpu.vector_load_idx %arg14[%broadcast_in_dim3A] : memref<1024xf32, #tpu.memory_space<vmem>>[vector<16xi32>], vector<16xf32>,
        %get3A = arith.index_cast %scan3A_590 : i32 to index
        %get3A_596 = arith.constant 0 : index
        %get3A_597 = tpu.vector_load %arg19[%get3A, %get3A_596] {strides = array<i32>} : memref<128x96xbf16, #tpu.memory_space<vmem>>, vector<32xbf16>,
        %unpack3A = tpu.unpack_subelements %get3A_597, 0 {pack_format = #tpu.pack_format<interleaved>} : vector<32xbf16> -> vector<16xf32>
        %unpack3A_598 = tpu.unpack_subelements %get3A_597, 1 {pack_format = #tpu.pack_format<interleaved>} : vector<32xbf16> -> vector<16xf32>
        %get3A_599 = arith.index_cast %scan3A_590 : i32 to index
        %get3A_600 = arith.constant 0 : index
        %get3A_601 = tpu.vector_load %arg20[%get3A_599, %get3A_600] {strides = array<i32>} : memref<128x96xbf16, #tpu.memory_space<vmem>>, vector<32xbf16>,
        %unpack3A_602 = tpu.unpack_subelements %get3A_601, 0 {pack_format = #tpu.pack_format<interleaved>} : vector<32xbf16> -> vector<16xf32>
        %unpack3A_603 = tpu.unpack_subelements %get3A_601, 1 {pack_format = #tpu.pack_format<interleaved>} : vector<32xbf16> -> vector<16xf32>
        %get3A_604 = arith.index_cast %scan3A_590 : i32 to index
        %get3A_605 = arith.constant 0 : index
        %get3A_606 = tpu.vector_load %arg21[%get3A_604, %get3A_605] {strides = array<i32>} : memref<128x96xbf16, #tpu.memory_space<vmem>>, vector<32xbf16>,
        %unpack3A_607 = tpu.unpack_subelements %get3A_606, 0 {pack_format = #tpu.pack_format<interleaved>} : vector<32xbf16> -> vector<16xf32>
        %unpack3A_608 = tpu.unpack_subelements %get3A_606, 1 {pack_format = #tpu.pack_format<interleaved>} : vector<32xbf16> -> vector<16xf32>
        %get3A_609 = arith.index_cast %scan3A_590 : i32 to index
        %get3A_610 = arith.constant 0 : index
        %get3A_611 = tpu.vector_load %arg22[%get3A_609, %get3A_610] {strides = array<i32>} : memref<128x96xbf16, #tpu.memory_space<vmem>>, vector<32xbf16>,
        %unpack3A_612 = tpu.unpack_subelements %get3A_611, 0 {pack_format = #tpu.pack_format<interleaved>} : vector<32xbf16> -> vector<16xf32>
        %unpack3A_613 = tpu.unpack_subelements %get3A_611, 1 {pack_format = #tpu.pack_format<interleaved>} : vector<32xbf16> -> vector<16xf32>
        %mul3A_614 = arith.mulf %unpack3A, %gather3A : vector<16xf32>
        %mul3A_615 = arith.mulf %unpack3A_602, %gather3A_593 : vector<16xf32>
        %add3A_616 = arith.addf %mul3A_614, %mul3A_615 : vector<16xf32>
        %mul3A_617 = arith.mulf %unpack3A_607, %gather3A_594 : vector<16xf32>
        %add3A_618 = arith.addf %add3A_616, %mul3A_617 : vector<16xf32>
        %mul3A_619 = arith.mulf %unpack3A_612, %gather3A_595 : vector<16xf32>
        %add3A_620 = arith.addf %add3A_618, %mul3A_619 : vector<16xf32>
        %mul3A_621 = arith.mulf %unpack3A_598, %gather3A : vector<16xf32>
        %mul3A_622 = arith.mulf %unpack3A_603, %gather3A_593 : vector<16xf32>
        %add3A_623 = arith.addf %mul3A_621, %mul3A_622 : vector<16xf32>
        %mul3A_624 = arith.mulf %unpack3A_608, %gather3A_594 : vector<16xf32>
        %add3A_625 = arith.addf %add3A_623, %mul3A_624 : vector<16xf32>
        %mul3A_626 = arith.mulf %unpack3A_613, %gather3A_595 : vector<16xf32>
        %add3A_627 = arith.addf %add3A_625, %mul3A_626 : vector<16xf32>
        %swap3A = arith.index_cast %scan3A_590 : i32 to index
        %swap3A_628 = arith.constant 0 : index
        %swap3A_629 = tpu.vector_load %arg23[%swap3A, %swap3A_628] {strides = array<i32>} : memref<128x96xf32, #tpu.memory_space<vmem>>, vector<16xf32>,
        tpu.vector_store %arg23[%swap3A, %swap3A_628], %add3A_620 {strides = array<i32>} : memref<128x96xf32, #tpu.memory_space<vmem>>, vector<16xf32>,
        %swap3A_630 = arith.index_cast %scan3A_590 : i32 to index
        %swap3A_631 = arith.constant 16 : index
        %swap3A_632 = tpu.vector_load %arg23[%swap3A_630, %swap3A_631] {strides = array<i32>} : memref<128x96xf32, #tpu.memory_space<vmem>>, vector<16xf32>,
        tpu.vector_store %arg23[%swap3A_630, %swap3A_631], %add3A_627 {strides = array<i32>} : memref<128x96xf32, #tpu.memory_space<vmem>>, vector<16xf32>,
        %get3A_633 = arith.index_cast %scan3A_590 : i32 to index
        %get3A_634 = arith.constant 32 : index
        %get3A_635 = tpu.vector_load %arg19[%get3A_633, %get3A_634] {strides = array<i32>} : memref<128x96xbf16, #tpu.memory_space<vmem>>, vector<32xbf16>,
        %unpack3A_636 = tpu.unpack_subelements %get3A_635, 0 {pack_format = #tpu.pack_format<interleaved>} : vector<32xbf16> -> vector<16xf32>
        %unpack3A_637 = tpu.unpack_subelements %get3A_635, 1 {pack_format = #tpu.pack_format<interleaved>} : vector<32xbf16> -> vector<16xf32>
        %get3A_638 = arith.index_cast %scan3A_590 : i32 to index
        %get3A_639 = arith.constant 32 : index
        %get3A_640 = tpu.vector_load %arg20[%get3A_638, %get3A_639] {strides = array<i32>} : memref<128x96xbf16, #tpu.memory_space<vmem>>, vector<32xbf16>,
        %unpack3A_641 = tpu.unpack_subelements %get3A_640, 0 {pack_format = #tpu.pack_format<interleaved>} : vector<32xbf16> -> vector<16xf32>
        %unpack3A_642 = tpu.unpack_subelements %get3A_640, 1 {pack_format = #tpu.pack_format<interleaved>} : vector<32xbf16> -> vector<16xf32>
        %get3A_643 = arith.index_cast %scan3A_590 : i32 to index
        %get3A_644 = arith.constant 32 : index
        %get3A_645 = tpu.vector_load %arg21[%get3A_643, %get3A_644] {strides = array<i32>} : memref<128x96xbf16, #tpu.memory_space<vmem>>, vector<32xbf16>,
        %unpack3A_646 = tpu.unpack_subelements %get3A_645, 0 {pack_format = #tpu.pack_format<interleaved>} : vector<32xbf16> -> vector<16xf32>
        %unpack3A_647 = tpu.unpack_subelements %get3A_645, 1 {pack_format = #tpu.pack_format<interleaved>} : vector<32xbf16> -> vector<16xf32>
        %get3A_648 = arith.index_cast %scan3A_590 : i32 to index
        %get3A_649 = arith.constant 32 : index
        %get3A_650 = tpu.vector_load %arg22[%get3A_648, %get3A_649] {strides = array<i32>} : memref<128x96xbf16, #tpu.memory_space<vmem>>, vector<32xbf16>,
        %unpack3A_651 = tpu.unpack_subelements %get3A_650, 0 {pack_format = #tpu.pack_format<interleaved>} : vector<32xbf16> -> vector<16xf32>
        %unpack3A_652 = tpu.unpack_subelements %get3A_650, 1 {pack_format = #tpu.pack_format<interleaved>} : vector<32xbf16> -> vector<16xf32>
        %mul3A_653 = arith.mulf %unpack3A_636, %gather3A : vector<16xf32>
        %mul3A_654 = arith.mulf %unpack3A_641, %gather3A_593 : vector<16xf32>
        %add3A_655 = arith.addf %mul3A_653, %mul3A_654 : vector<16xf32>
        %mul3A_656 = arith.mulf %unpack3A_646, %gather3A_594 : vector<16xf32>
        %add3A_657 = arith.addf %add3A_655, %mul3A_656 : vector<16xf32>
        %mul3A_658 = arith.mulf %unpack3A_651, %gather3A_595 : vector<16xf32>
        %add3A_659 = arith.addf %add3A_657, %mul3A_658 : vector<16xf32>
        %mul3A_660 = arith.mulf %unpack3A_637, %gather3A : vector<16xf32>
        %mul3A_661 = arith.mulf %unpack3A_642, %gather3A_593 : vector<16xf32>
        %add3A_662 = arith.addf %mul3A_660, %mul3A_661 : vector<16xf32>
        %mul3A_663 = arith.mulf %unpack3A_647, %gather3A_594 : vector<16xf32>
        %add3A_664 = arith.addf %add3A_662, %mul3A_663 : vector<16xf32>
        %mul3A_665 = arith.mulf %unpack3A_652, %gather3A_595 : vector<16xf32>
        %add3A_666 = arith.addf %add3A_664, %mul3A_665 : vector<16xf32>
        %swap3A_667 = arith.index_cast %scan3A_590 : i32 to index
        %swap3A_668 = arith.constant 32 : index
        %swap3A_669 = tpu.vector_load %arg23[%swap3A_667, %swap3A_668] {strides = array<i32>} : memref<128x96xf32, #tpu.memory_space<vmem>>, vector<16xf32>,
        tpu.vector_store %arg23[%swap3A_667, %swap3A_668], %add3A_659 {strides = array<i32>} : memref<128x96xf32, #tpu.memory_space<vmem>>, vector<16xf32>,
        %swap3A_670 = arith.index_cast %scan3A_590 : i32 to index
        %swap3A_671 = arith.constant 48 : index
        %swap3A_672 = tpu.vector_load %arg23[%swap3A_670, %swap3A_671] {strides = array<i32>} : memref<128x96xf32, #tpu.memory_space<vmem>>, vector<16xf32>,
        tpu.vector_store %arg23[%swap3A_670, %swap3A_671], %add3A_666 {strides = array<i32>} : memref<128x96xf32, #tpu.memory_space<vmem>>, vector<16xf32>,
        %get3A_673 = arith.index_cast %scan3A_590 : i32 to index
        %get3A_674 = arith.constant 64 : index
        %get3A_675 = tpu.vector_load %arg19[%get3A_673, %get3A_674] {strides = array<i32>} : memref<128x96xbf16, #tpu.memory_space<vmem>>, vector<32xbf16>,
        %unpack3A_676 = tpu.unpack_subelements %get3A_675, 0 {pack_format = #tpu.pack_format<interleaved>} : vector<32xbf16> -> vector<16xf32>
        %unpack3A_677 = tpu.unpack_subelements %get3A_675, 1 {pack_format = #tpu.pack_format<interleaved>} : vector<32xbf16> -> vector<16xf32>
        %get3A_678 = arith.index_cast %scan3A_590 : i32 to index
        %get3A_679 = arith.constant 64 : index
        %get3A_680 = tpu.vector_load %arg20[%get3A_678, %get3A_679] {strides = array<i32>} : memref<128x96xbf16, #tpu.memory_space<vmem>>, vector<32xbf16>,
        %unpack3A_681 = tpu.unpack_subelements %get3A_680, 0 {pack_format = #tpu.pack_format<interleaved>} : vector<32xbf16> -> vector<16xf32>
        %unpack3A_682 = tpu.unpack_subelements %get3A_680, 1 {pack_format = #tpu.pack_format<interleaved>} : vector<32xbf16> -> vector<16xf32>
        %get3A_683 = arith.index_cast %scan3A_590 : i32 to index
        %get3A_684 = arith.constant 64 : index
        %get3A_685 = tpu.vector_load %arg21[%get3A_683, %get3A_684] {strides = array<i32>} : memref<128x96xbf16, #tpu.memory_space<vmem>>, vector<32xbf16>,
        %unpack3A_686 = tpu.unpack_subelements %get3A_685, 0 {pack_format = #tpu.pack_format<interleaved>} : vector<32xbf16> -> vector<16xf32>
        %unpack3A_687 = tpu.unpack_subelements %get3A_685, 1 {pack_format = #tpu.pack_format<interleaved>} : vector<32xbf16> -> vector<16xf32>
        %get3A_688 = arith.index_cast %scan3A_590 : i32 to index
        %get3A_689 = arith.constant 64 : index
        %get3A_690 = tpu.vector_load %arg22[%get3A_688, %get3A_689] {strides = array<i32>} : memref<128x96xbf16, #tpu.memory_space<vmem>>, vector<32xbf16>,
        %unpack3A_691 = tpu.unpack_subelements %get3A_690, 0 {pack_format = #tpu.pack_format<interleaved>} : vector<32xbf16> -> vector<16xf32>
        %unpack3A_692 = tpu.unpack_subelements %get3A_690, 1 {pack_format = #tpu.pack_format<interleaved>} : vector<32xbf16> -> vector<16xf32>
        %mul3A_693 = arith.mulf %unpack3A_676, %gather3A : vector<16xf32>
        %mul3A_694 = arith.mulf %unpack3A_681, %gather3A_593 : vector<16xf32>
        %add3A_695 = arith.addf %mul3A_693, %mul3A_694 : vector<16xf32>
        %mul3A_696 = arith.mulf %unpack3A_686, %gather3A_594 : vector<16xf32>
        %add3A_697 = arith.addf %add3A_695, %mul3A_696 : vector<16xf32>
        %mul3A_698 = arith.mulf %unpack3A_691, %gather3A_595 : vector<16xf32>
        %add3A_699 = arith.addf %add3A_697, %mul3A_698 : vector<16xf32>
        %mul3A_700 = arith.mulf %unpack3A_677, %gather3A : vector<16xf32>
        %mul3A_701 = arith.mulf %unpack3A_682, %gather3A_593 : vector<16xf32>
        %add3A_702 = arith.addf %mul3A_700, %mul3A_701 : vector<16xf32>
        %mul3A_703 = arith.mulf %unpack3A_687, %gather3A_594 : vector<16xf32>
        %add3A_704 = arith.addf %add3A_702, %mul3A_703 : vector<16xf32>
        %mul3A_705 = arith.mulf %unpack3A_692, %gather3A_595 : vector<16xf32>
        %add3A_706 = arith.addf %add3A_704, %mul3A_705 : vector<16xf32>
        %swap3A_707 = arith.index_cast %scan3A_590 : i32 to index
        %swap3A_708 = arith.constant 64 : index
        %swap3A_709 = tpu.vector_load %arg23[%swap3A_707, %swap3A_708] {strides = array<i32>} : memref<128x96xf32, #tpu.memory_space<vmem>>, vector<16xf32>,
        tpu.vector_store %arg23[%swap3A_707, %swap3A_708], %add3A_699 {strides = array<i32>} : memref<128x96xf32, #tpu.memory_space<vmem>>, vector<16xf32>,
        %swap3A_710 = arith.index_cast %scan3A_590 : i32 to index
        %swap3A_711 = arith.constant 80 : index
        %swap3A_712 = tpu.vector_load %arg23[%swap3A_710, %swap3A_711] {strides = array<i32>} : memref<128x96xf32, #tpu.memory_space<vmem>>, vector<16xf32>,
        tpu.vector_store %arg23[%swap3A_710, %swap3A_711], %add3A_706 {strides = array<i32>} : memref<128x96xf32, #tpu.memory_space<vmem>>, vector<16xf32>,
      }
      %scan3A_584 = arith.constant 128 : i32
      %mul3A_585 = arith.constant 147456 : i32
      %mul3A_586 = arith.muli %select_n3A, %mul3A_585 : i32
      %add3A_587 = arith.addi %mul3A_586, %add3A_47 : i32
      %add3A_588 = arith.constant 896 : i32
      %add3A_589 = arith.addi %add3A_587, %add3A_588 : i32
      "tpu.region"() ({
        %run_scoped3A = tpu.sem_alloc : memref<!tpu.dma_semaphore, #tpu.memory_space<semaphore_mem>>
        %dma_start3A_590 = arith.constant 0 : i32
        %dma_start3A_591 = tpu.memref_slice %arg4[%add3A_589, %dma_start3A_590] : memref<589824x96xf32, #tpu.memory_space<hbm>> -> memref<128x96xf32, #tpu.memory_space<hbm>>
        %dma_start3A_592 = arith.constant 0 : i32
        %dma_start3A_593 = tpu.memref_slice %arg4[%add3A_589, %dma_start3A_592] : memref<589824x96xf32, #tpu.memory_space<hbm>> -> memref<128x96xf32, #tpu.memory_space<hbm>>
        tpu.enqueue_dma source(%arg23 : memref<128x96xf32, #tpu.memory_space<vmem>>) target(%dma_start3A_593 : memref<128x96xf32, #tpu.memory_space<hbm>>) target_semaphore(%run_scoped3A : memref<!tpu.dma_semaphore, #tpu.memory_space<semaphore_mem>>)
        %dma_wait3A_594 = arith.constant 0 : i32
        %dma_wait3A_595 = tpu.memref_slice %arg4[%add3A_589, %dma_wait3A_594] : memref<589824x96xf32, #tpu.memory_space<hbm>> -> memref<128x96xf32, #tpu.memory_space<hbm>>
        %dma_wait3A_596 = arith.constant 0 : i32
        %dma_wait3A_597 = tpu.memref_slice %arg4[%add3A_589, %dma_wait3A_596] : memref<589824x96xf32, #tpu.memory_space<hbm>> -> memref<128x96xf32, #tpu.memory_space<hbm>>
        tpu.wait_dma2 semaphore(%run_scoped3A : memref<!tpu.dma_semaphore, #tpu.memory_space<semaphore_mem>>) src(%arg23 : memref<128x96xf32, #tpu.memory_space<vmem>>) dst(%dma_wait3A_597 : memref<128x96xf32, #tpu.memory_space<hbm>>)
        tpu.yield
      }) : () -> ()
    }
    %scan3A_43 = arith.constant 18 : i32
    return
  }
}

</mosaic_0001>

<sc_bundles>
// kernel: _warp_call.3.cloned.1.call-start
scs
__scs_entry_jumppad:
0x0: {  	(pc) =	sbr.rel $0x88, $3  }
0x1: {  	(tag) =	ssettag $0x0;
	lr =	simm.s32 $0x1  }
0x2: {  	[smem:$0x3F9F] =	sst lr;
	_ =	strace $0xD0000000  }
0x3: {  	_ = 	snop  }
0x4: {  	_ = 	snop  }
0x5: {  	_ = 	snop  }
0x6: {  	_ = 	snop  }
0x7: {  	_ = 	snop  }
__scs_overlays_trampoline_lowered:
0x8: {  	[smem:$0x3FAE] =	sst s0  }
0x9: {  	[smem:$0x3FAF] =	sst s1  }
0xa: {  	[smem:$0x3FB0] =	sst s2  }
0xb: {  	[smem:$0x3FB1] =	sst s3  }
0xc: {  	[smem:$0x3FB2] =	sst s4  }
0xd: {  	[smem:$0x3FB3] =	sst s5  }
0xe: {  	[smem:$0x3FB4] =	sst s6  }
0xf: {  	[smem:$0x3FB5] =	sst s7  }
0x10: {  	[smem:$0x3FB6] =	sst s8  }
0x11: {  	[smem:$0x3FB7] =	sst s9;
	s0 =	simm.s32 @!p0 $0x0  }
0x12: {  	s1 =	sld [smem:$0x3F9D];
	s0 =	simm.s32 @p0 $0x1  }
0x13: {  	[smem:$0x3FB8] =	sst s0;
	s0 =	simm.s32 @!p1 $0x0  }
0x14: {  	s2 =	sld [smem:$0x3F9C];
	s0 =	simm.s32 @p1 $0x1  }
0x15: {  	[smem:$0x3FB9] =	sst s0;
	s0 =	simm.s32 @!p2 $0x0  }
0x16: {  	s3 =	sld [smem:$0x3FDB];
	s0 =	simm.s32 @p2 $0x1  }
0x17: {  	s4 =	simm.s32 $0x1BF5;
	[smem:$0x3FBB] =	sst s0  }
0x18: {  	s0 =	sld [smem:$0x3F9E];
	_ =	swait.ge [sflag:s4], $0x0  }
0x19: {  	s7 =	sld [smem:$0x3F9F]  }
0x1a: {  	s8 =	sadd.s32 $0xFFFFE003, lr  }
0x1b: {  	s9 =	sadd.s32 $0xFFFFFEF7, lr;
	s5 =	simm.s32 $0xFFFFFFFF;
	p2 =	slt.u32 s8, $0xFFFFF086  }
0x1c: {  	p1 =	slt.u32 s9, $0xF7A;
	s5 =	simm.s32 @!p2 $0x0  }
0x1d: {  	s5 =	simm.s32 @p1 $0x1;
	p0 =	seq.s32 s7, s2  }
0x1e: {  	s7 =	smul.u32 @!p0 $0xF7A, s2;
	p2 =	seq.s32 @!p0 s5, $0x0  }
0x1f: {  	s9 =	smul.u32 $0xF7A, s1;
	s8 =	simm.s32 @!p0 $0x1BF5;
	p2 =	por !p2, p0  }
0x20: {  	[sflag:s8] =	ssyncset.s32 @!p0 $0xFFFFF086;
	s6 =	sadd.s32 @!p0 s3, s7;
	s7 =	simm.s32 @!p0 $0x108  }
0x21: {  	s3 =	sadd.s32 s3, s9;
	s6 =	sadd.s32 @!p0 $0x88, s6;
	s7 =	simm.s32 @p2 $0x1082  }
0x22: {  	[simem:s7], [sflag:s8] =	dma.local @!p0 [hbm:s6], $0xF7A  }
0x23: {  	s9 =	sor.u32 $0xD0000000, s2;
	s6 =	simm.s32 $0x108;
	_ =	swait.ge @!p0 [sflag:s8], $0x0  }
0x24: {  	s3 =	sadd.s32 $0x88, s3;
	s6 =	simm.s32 @!p1 $0x1082;
	[sflag:s4] =	ssyncset.s32 $0xFFFFF086  }
0x25: {  	[simem:s6], [sflag:s4] =	dma.local [hbm:s3], $0xF7A  }
0x26: {  	[smem:$0x3F9F] =	sst s1;
	(tag) =	ssettag s2;
	_ =	strace s9  }
0x27: {  	s1 =	sld [smem:$0x3FAF]  }
0x28: {  	s2 =	sld [smem:$0x3FB0]  }
0x29: {  	s4 =	sld [smem:$0x3FB2]  }
0x2a: {  	p0 =	seq.s32 s5, $0x0;
	s5 =	sld [smem:$0x3FB3]  }
0x2b: {  	s6 =	sld [smem:$0x3FB4]  }
0x2c: {  	s7 =	sld [smem:$0x3FB5]  }
0x2d: {  	s3 =	simm.s32 $0x108;
	s8 =	sld [smem:$0x3FB6]  }
0x2e: {  	s3 =	simm.s32 @!p0 $0x1082;
	s9 =	sld [smem:$0x3FB7]  }
0x2f: {  	lr =	sadd.s32 s0, s3;
	s0 =	sld [smem:$0x3FAE]  }
0x30: {  	s3 =	sld [smem:$0x3FB1]  }
0x31: {  	[smem:$0x3FBA] =	sst s10  }
0x32: {  	s10 =	sld [smem:$0x3FB8];
	_ =	sdelay $0x3  }
0x33: {  	p0 =	seq.s32 s10, $0x1;
	s10 =	sld [smem:$0x3FBA];
	_ =	sdelay $0x3  }
0x34: {  	[smem:$0x3FBA] =	sst s10  }
0x35: {  	s10 =	sld [smem:$0x3FB9];
	_ =	sdelay $0x3  }
0x36: {  	p1 =	seq.s32 s10, $0x1;
	s10 =	sld [smem:$0x3FBA];
	_ =	sdelay $0x3  }
0x37: {  	[smem:$0x3FBA] =	sst s10  }
0x38: {  	s10 =	sld [smem:$0x3FBB]  }
0x39: {  	_ = 	snop;
	(pc) =	sbr.ind lr, $3  }
0x3a: {  	_ = 	snop  }
0x3b: {  	_ = 	snop  }
0x3c: {  	p2 =	seq.s32 s10, $0x1;
	s10 =	sld [smem:$0x3FBA]  }
0x3d: {  	_ =	shalt  }
0x3e: {  	_ =	shalt  }
0x3f: {  	_ =	shalt  }
0x40: {  	_ =	shalt  }
0x41: {  	_ =	shalt  }
0x42: {  	_ =	shalt  }
0x43: {  	_ =	shalt  }
0x44: {  	_ =	shalt  }
0x45: {  	_ =	shalt  }
0x46: {  	_ =	shalt  }
0x47: {  	_ =	shalt  }
0x48: {  	_ =	shalt  }
0x49: {  	_ =	shalt  }
0x4a: {  	_ =	shalt  }
0x4b: {  	_ =	shalt  }
0x4c: {  	_ =	shalt  }
0x4d: {  	_ =	shalt  }
0x4e: {  	_ =	shalt  }
0x4f: {  	_ =	shalt  }
0x50: {  	_ =	shalt  }
0x51: {  	_ =	shalt  }
0x52: {  	_ =	shalt  }
0x53: {  	_ =	shalt  }
0x54: {  	_ =	shalt  }
0x55: {  	_ =	shalt  }
0x56: {  	_ =	shalt  }
0x57: {  	_ =	shalt  }
0x58: {  	_ =	shalt  }
0x59: {  	_ =	shalt  }
0x5a: {  	_ =	shalt  }
0x5b: {  	_ =	shalt  }
0x5c: {  	_ =	shalt  }
0x5d: {  	_ =	shalt  }
0x5e: {  	_ =	shalt  }
0x5f: {  	_ =	shalt  }
0x60: {  	_ =	shalt  }
0x61: {  	_ =	shalt  }
0x62: {  	_ =	shalt  }
0x63: {  	_ =	shalt  }
0x64: {  	_ =	shalt  }
0x65: {  	_ =	shalt  }
0x66: {  	_ =	shalt  }
0x67: {  	_ =	shalt  }
0x68: {  	_ =	shalt  }
0x69: {  	_ =	shalt  }
0x6a: {  	_ =	shalt  }
0x6b: {  	_ =	shalt  }
0x6c: {  	_ =	shalt  }
0x6d: {  	_ =	shalt  }
0x6e: {  	_ =	shalt  }
0x6f: {  	_ =	shalt  }
0x70: {  	_ =	shalt  }
0x71: {  	_ =	shalt  }
0x72: {  	_ =	shalt  }
0x73: {  	_ =	shalt  }
0x74: {  	_ =	shalt  }
0x75: {  	_ =	shalt  }
0x76: {  	_ =	shalt  }
0x77: {  	_ =	shalt  }
0x78: {  	_ =	shalt  }
0x79: {  	_ =	shalt  }
0x7a: {  	_ =	shalt  }
0x7b: {  	_ =	shalt  }
0x7c: {  	_ =	shalt  }
0x7d: {  	_ =	shalt  }
0x7e: {  	_ =	shalt  }
0x7f: {  	_ =	shalt  }
0x80: {  	_ =	shalt  }
0x81: {  	_ =	shalt  }
0x82: {  	_ =	shalt  }
0x83: {  	_ =	shalt  }
0x84: {  	_ =	shalt  }
0x85: {  	_ =	shalt  }
0x86: {  	_ =	shalt  }
0x87: {  	_ =	shalt  }
.Lfunc_end0:
.L_simem_size_0:
called_computation.2_lowered:
.L_overlay_start_0:
0x88: {  	s2 =	sld [smem:$0x3FD9]  }
0x89: {  	s3 =	sld [smem:$0x3FFE];
	_ =	sdelay $0x1  }
0x8a: {  	s1 =	srdreg.scid  }
0x8b: {  	s0 =	sand.u32 $0x1, s1  }
0x8c: {  	s17 =	sshll.u32 s0, $0xA;
	s2 =	sadd.s32 s3, s2  }
0x8d: {  	s2 =	sadd.s32 s2, s17  }
0x8e: {  	[smem:$0x3FC6] =	sst s2  }
0x8f: {  	_ = 	snop  }
0x90: {  	s2 =	sld [smem:$0x3FC8]  }
0x91: {  	s18 =	sld [smem:$0x3FD0];
	(tm) =	ssettm $0x1  }
0x92: {  	s4 =	sld [smem:$0x3FFB];
	_ =	sdelay $0x3  }
0x93: {  	_ =	strace s4  }
0x94: {  	s4 =	sld [smem:$0x3FFC];
	_ =	sdelay $0x3  }
0x95: {  	_ =	strace s4  }
0x96: {  	s4 =	sld [smem:$0x3FFD];
	_ =	sdelay $0x3  }
0x97: {  	_ =	strace s4  }
0x98: {  	_ =	strace $0x8FFFFFFF  }
0x99: {  	s19 =	sld [smem:$0x3FDB];
	_ =	sdelay $0x1  }
0x9a: {  	s5 =	simm.s32 $_scs_section_size  }
0x9b: {  	s6 =	simm.s32 $_size__tile_overlayer_lowered;
	s7 =	simm.s32 $_tile_overlayer_lowered  }
0x9c: {  	s22 =	simm.s32 $0x1BFF;
	s21 =	sshll.u32 s7, $0x1;
	s4 =	sadd.s32 s5, s19  }
0x9d: {  	s8 =	simm.s32 $0x0;
	s20 =	sshll.u32 s6, $0x1;
	s6 =	sadd.s32 s21, s4  }
0x9e: {  	[timem:s8], [sflag:s22] =	dma.local [hbm:s6], s20  }
0x9f: {  	_ =	swait.ge [sflag:s22], s20  }
0xa0: {  	s5 =	ssub.s32 $0x0, s20;
	[sflag:s22] =	ssyncset.done $0x0  }
0xa1: {  	[sflag:s22] =	ssyncadd.s32 s5;
	_ =	sdelay $0x1  }
0xa2: {  	s23 =	simm.s32 $0x1B8B  }
0xa3: {  	_ =	swait.ge [sflag:s23], $0x1  }
0xa4: {  	[sflag:s23] =	ssyncset.done $0x0  }
0xa5: {  	s25 =	simm.s32 $0x1B8E;
	s24 =	sld [smem:$0x3FFE];
	[sflag:s23] =	ssyncadd.s32 $0xFFFFFFFF  }
0xa6: {  	s26 =	simm.s32 $execute0_lowered;
	[smem:$0x3FD2] =	sst s25  }
0xa7: {  	s6 =	sshll.u32 s26, $0x1;
	_ =	strace $0x80000049;
	[dreg:$0x1] =	wrdreg $0xFFFFFFFF  }
0xa8: {  	s28 =	simm.s32 $_size_execute0_lowered;
	s4 =	sadd.s32 s4, s6;
	[dreg:$0x0] =	wrdreg $0x0  }
0xa9: {  	s6 =	sshll.u32 s28, $0x1;
	[dreg:$0x2] =	wrdreg s4  }
0xaa: {  	[dreg:$0x3] =	wrdreg s6  }
0xab: {  	[dreg:$0x4] =	wrdreg $0xC0  }
0xac: {  	_ =	task [dreg:s8], $0x5FFFF  }
0xad: {  	[dreg:$0x1] =	wrdreg $0xFFFFFFFF  }
0xae: {  	[dreg:$0x0] =	wrdreg $0x60  }
0xaf: {  	[dreg:$0x2] =	wrdreg s24  }
0xb0: {  	[dreg:$0x3] =	wrdreg s2  }
0xb1: {  	[dreg:$0x4] =	wrdreg s18  }
0xb2: {  	[dreg:$0x5] =	wrdreg $0x9  }
0xb3: {  	_ =	task.clear_ibuf [dreg:s8], $0x6FFFF;
	_ =	strace $0x90000049  }
0xb4: {  	s29 =	simm.s32 $0x9;
	_ =	strace $0x8000004B  }
0xb5: {  	_ =	swait.ge [sflag:s29], $0x1  }
0xb6: {  	[sflag:s29] =	ssyncadd.s32 $0xFFFFFFFF  }
0xb7: {  	_ =	strace $0x9000004B  }
0xb8: {  	_ =	sfence  }
0xb9: {  	s30 =	sld [smem:$0x0];
	_ =	sdelay $0x2  }
0xba: {  	s31 =	sshll.u32 s1, $0xD;
	s1 =	sshrl.u32 s1, $0x2  }
0xbb: {  	s3 =	sand.u32 $0x4000, s31;
	s1 =	sadd.s32 s1, s30  }
0xbc: {  	s0 =	sor.u32 s3, s0;
	s1 =	sshll.u32 s1, $0x11  }
0xbd: {  	s0 =	sor.u32 s1, s0  }
0xbe: {  	s0 =	sadd.s32 $0x8F2B, s0  }
0xbf: {  	[sflag:s0] =	ssyncadd.remote.s32 $0x1  }
0xc0: {  	_ =	sfence.sel $0xFFFF  }
0xc1: {  	[dreg:$0x0] =	wrdreg $0xFFFFFFFF;
	(pc) =	sbr.abs _section_cstart, $3  }
0xc2: {  	[dreg:$0x1] =	wrdreg $0xFFFFFFFF  }
0xc3: {  	_ =	task.clear_ibuf [dreg:s8], $0x2FFFF;
	_ =	strace $0x9FFFFFFF  }
0xc4: {  	(tm) =	ssettm $0x7FFFFFFF  }
0xc5: {  	_ =	shalt  }
tec
execute0_lowered:
.L_overlay_start_1:
0x0: {  	(tag) =	ssettag $0x1  }
0x1: {  	s0 =	rddreg [dreg:$0x0]  }
0x2: {  	s7 =	rddreg [dreg:$0x2];
	s4 =	simm.s32 $0x0  }
0x3: {  	s3 =	stileid.u32;
	s1 =	srdreg.scid;
	s13 =	simm.s32 $0x3  }
0x4: {  	s15 =	simm.s32 $0x80;
	s17 =	simm.s32 $0x2800;
	s19 =	simm.s32 $0x4000  }
0x5: {  	s25 =	simm.s32 $0x8800;
	s28 =	simm.s32 $0xA000;
	s30 =	simm.s32 $0xB800  }
0x6: {  	s12 =	simm.s32 $0x1800;
	s14 =	simm.s32 $0x1C00;
	s16 =	simm.s32 $0x2000  }
0x7: {  	s18 =	simm.s32 $0x2400;
	s20 =	simm.s32 $0xE800;
	s31 =	simm.s32 $0x2  }
0x8: {  	[smem:$0x7FF] =	sst s4;
	s2 =	sshll.u32 s3, $0x1;
	s1 =	sand.u32 $0x1, s1  }
0x9: {  	s3 =	sshrl.u32 s3, $0x2;
	s6 =	sadd.s32 $0xC00, s0;
	s26 =	sadd.s32 $0x600, s7  }
0xa: {  	s29 =	sadd.s32 $0xC00, s7;
	_ =	strace $0x8000004A;
	s2 =	sand.u32 $0x6, s2  }
0xb: {  	s5 =	ssub.s32 $0x2, s1;
	s21 =	smul.u32 $0x48000, s3;
	[dreg:$0x7] =	wrdreg s26  }
0xc: {  	s24 =	smul.u32 $0x24000, s3;
	[dreg:$0x8] =	wrdreg s29;
	s3 =	simm.s32 $0x0  }
0xd: {  	s1 =	sor.u32 s1, s2;
	s22 =	sshrl.u32 s5, $0x1;
	s2 =	simm.s32 $0x1  }
0xe: {  	s1 =	smul.u32 $0x4800, s1;
	[dreg:$0x4] =	wrdreg s21;
	s23 =	sadd.s32 $0x24000, s21  }
0xf: {  	s0 =	ssub.s32 s5, s22;
	s21 =	simm.s32 $0x5800;
	[dreg:$0x6] =	wrdreg s23  }
0x10: {  	s9 =	smov.u32 s24;
	v0 =	vmov s24;
	s0 =	smax.u32 s0, $0x1;
	[dreg:$0x5] =	wrdreg s1  }
0x11: {  	s23 =	simm.s32 $0x7000;
	[tilespmem:$0x1FFF0] =	vst v0;
	[dreg:$0x9] =	wrdreg s0;
	s0 =	simm.s32 $0xD000  }
.LBB2_1:
0x12: {  	[dreg:$0xa] =	wrdreg s3;
	s22 =	simm.s32 $0x0  }
.LBB2_2:
0x13: {  	s1 =	sshll.u32 s22, $0xA;
	s3 =	rddreg [dreg:$0x5]  }
0x14: {  	s8 =	rddreg [dreg:$0x4];
	s24 =	sadd.s32 s3, s1  }
0x15: {  	s1 =	sadd.s32 s8, s24  }
0x16: {  	s5 =	rddreg [dreg:$0x1];
	s1 =	sshrl.u32 s1, $0x3  }
0x17: {  	s10 =	simm.s32 $0x0;
	s1 =	sadd.s32 s5, s1  }
0x18: {  	[tilespmem:s10], [sflag:$0x3] =	stream.linear.gather [hbm4b:s1+s10], $0x400, $0x38;
	[tilespmem:$0x11800] =	vst v63  }
0x19: {  	_ =	swait.ge [sflag:s13], $0x400  }
0x1a: {  	s11 =	rddreg [dreg:$0x6]  }
0x1b: {  	s1 =	sadd.s32 s24, s11  }
0x1c: {  	[sflag:s13] =	ssyncset.done $0x0;
	s1 =	sshrl.u32 s1, $0x3  }
0x1d: {  	s26 =	simm.s32 $0x400;
	[sflag:s13] =	ssyncadd.s32 $0xFFFFFC00;
	s1 =	sadd.s32 s5, s1  }
0x1e: {  	[tilespmem:s26], [sflag:$0x3] =	stream.linear.gather [hbm4b:s1+s10], $0x400, $0x38;
	[tilespmem:$0x11800] =	vst v63  }
0x1f: {  	_ =	swait.ge [sflag:s13], $0x400  }
0x20: {  	[sflag:s13] =	ssyncset.done $0x0  }
0x21: {  	s26 =	simm.s32 $0x0;
	[sflag:s13] =	ssyncadd.s32 $0xFFFFFC00  }
0x22: {  	v0 =	vld [tilespmem:s26+$0x70]  }
0x23: {  	v1 =	vld [tilespmem:s26+$0x0]  }
0x24: {  	v2 =	vld [tilespmem:s26+$0x470]  }
0x25: {  	v3 =	vld [tilespmem:s26+$0x400]  }
0x26: {  	v4 =	vld [tilespmem:s26+$0x10]  }
0x27: {  	v5 =	vld [tilespmem:s26+$0x410]  }
0x28: {  	v6 =	vld [tilespmem:s26+$0x20]  }
0x29: {  	v8 =	vld [tilespmem:s26+$0x30]  }
0x2a: {  	v9 =	vld [tilespmem:s26+$0x430]  }
0x2b: {  	v10 =	vld [tilespmem:s26+$0x40];
	v0 =	vadd.f32 $1.000000000e+00, v0  }
0x2c: {  	v11 =	vld [tilespmem:s26+$0x440];
	v1 =	vadd.f32 $1.000000000e+00, v1;
	v2 =	vadd.f32 $1.000000000e+00, v2  }
0x2d: {  	v12 =	vld [tilespmem:s26+$0x450];
	v3 =	vadd.f32 $1.000000000e+00, v3;
	v4 =	vadd.f32 $1.000000000e+00, v4  }
0x2e: {  	v7 =	vld [tilespmem:s26+$0x420];
	v5 =	vadd.f32 $1.000000000e+00, v5;
	v6 =	vadd.f32 $1.000000000e+00, v6  }
0x2f: {  	v16 =	vld [tilespmem:s26+$0x60];
	v8 =	vadd.f32 $1.000000000e+00, v8;
	v9 =	vadd.f32 $1.000000000e+00, v9  }
0x30: {  	v17 =	vld [tilespmem:s26+$0x460];
	v10 =	vadd.f32 $1.000000000e+00, v10;
	v0 =	vmul.f32 $3.840000000e+02, v0;
	v1 =	vmul.f32 $3.840000000e+02, v1  }
0x31: {  	v11 =	vadd.f32 $1.000000000e+00, v11;
	v2 =	vmul.f32 $3.840000000e+02, v2;
	v3 =	vmul.f32 $3.840000000e+02, v3  }
0x32: {  	v18 =	vadd.f32 $1.000000000e+00, v12;
	v13 =	vmul.f32 $3.840000000e+02, v4;
	v5 =	vmul.f32 $3.840000000e+02, v5  }
0x33: {  	v4 =	vadd.f32 $1.000000000e+00, v7;
	v6 =	vmul.f32 $3.840000000e+02, v6;
	v8 =	vmul.f32 $3.840000000e+02, v8  }
0x34: {  	v9 =	vmul.f32 $3.840000000e+02, v9;
	v23 =	vmul.f32 $3.840000000e+02, v10;
	v10 =	vadd.f32 $1.000000000e+00, v16  }
0x35: {  	v24 =	vmul.f32 $3.840000000e+02, v11;
	v11 =	vadd.f32 $1.000000000e+00, v17;
	v0 =	vadd.f32 $-1.000000000e+00, v0  }
0x36: {  	v7 =	vld [tilespmem:s26+$0x50];
	v1 =	vadd.f32 $-1.000000000e+00, v1;
	v2 =	vadd.f32 $-1.000000000e+00, v2;
	v15 =	vmul.f32 $3.840000000e+02, v4  }
0x37: {  	v17 =	vmul.f32 $3.840000000e+02, v10;
	v8 =	vadd.f32 $-1.000000000e+00, v8;
	v9 =	vadd.f32 $-1.000000000e+00, v9  }
0x38: {  	v0 =	vmul.f32 $5.000000000e-01, v0;
	v10 =	vmul.f32 $5.000000000e-01, v1;
	v1 =	vadd.f32 $-1.000000000e+00, v5  }
0x39: {  	v2 =	vmul.f32 $5.000000000e-01, v2;
	v5 =	vadd.f32 $-1.000000000e+00, v6;
	v6 =	vadd.f32 $-1.000000000e+00, v15  }
0x3a: {  	v42 =	vmul.f32 $5.000000000e-01, v8;
	v45 =	vmul.f32 $5.000000000e-01, v9;
	v14 =	vadd.f32 $1.000000000e+00, v0  }
0x3b: {  	v7 =	vadd.f32 $1.000000000e+00, v7;
	v56 =	vmul.f32 $5.000000000e-01, v1;
	v1 =	vadd.f32 $-1.000000000e+00, v17  }
0x3c: {  	v53 =	vmul.f32 $5.000000000e-01, v5;
	v4 =	vtrunc.f32 v14;
	v14 =	vadd.f32 $1.000000000e+00, v2  }
0x3d: {  	v15 =	vadd.f32 $1.000000000e+00, v10;
	v54 =	vmul.f32 $5.000000000e-01, v6;
	v4 =	vcvt.f32.s32 v4  }
0x3e: {  	v8 =	vadd.f32 $1.000000000e+00, v45;
	v7 =	vmul.f32 $3.840000000e+02, v7;
	v14 =	vtrunc.f32 v14  }
0x3f: {  	v25 =	vmul.f32 $5.000000000e-01, v1;
	v12 =	vadd.s32 $0xFFFFFFFF, v4;
	v14 =	vcvt.f32.s32 v14  }
0x40: {  	v3 =	vadd.f32 $-1.000000000e+00, v3;
	v1 =	vtrunc.f32 v15;
	v16 =	vcvt.s32.f32 v12  }
0x41: {  	v8 =	vtrunc.f32 v8;
	vm0 =	vgt.s32 v12, $0xFFFFFFFF;
	v19 =	vadd.s32 $0xFFFFFFFF, v14  }
0x42: {  	vm15 =	vlt.s32 v14, $0x17F;
	v32 =	vsub.f32 v0, v16;
	v0 =	vcvt.s32.f32 v19  }
0x43: {  	v16 =	vmul.f32 $3.840000000e+02, v18;
	v18 =	vmul.f32 $3.840000000e+02, v11;
	vm1 =	vlt.s32 v19, $0x17F  }
0x44: {  	v11 =	vmul.f32 $5.000000000e-01, v3;
	v3 =	vadd.f32 $-1.000000000e+00, v24;
	vm14 =	vgt.s32 v19, $0x0  }
0x45: {  	vm0 =	vmand vm0, vm1;
	v20 =	vsub.f32 $1.000000000e+00, v32;
	v31 =	vsub.f32 v2, v0  }
0x46: {  	v0 =	vadd.f32 $-1.000000000e+00, v13;
	v2 =	vimm.s32 $0x0;
	v13 =	vadd.f32 $-1.000000000e+00, v18  }
0x47: {  	v5 =	vadd.f32 $1.000000000e+00, v11;
	v33 =	vmul.f32 $5.000000000e-01, v3;
	v2 =	vsel vm1, $0xFFFFFFFF, v2  }
0x48: {  	v3 =	vadd.f32 $1.000000000e+00, v54;
	v18 =	vadd.f32 $1.000000000e+00, v25;
	[tilespmem:$0x1FE50] =	vst v2;
	v2 =	vmul.f32 v20, v31  }
0x49: {  	v55 =	vmul.f32 $5.000000000e-01, v0;
	v0 =	vadd.f32 $-1.000000000e+00, v7;
	v7 =	vadd.f32 $-1.000000000e+00, v16  }
0x4a: {  	v9 =	vmul.f32 $5.000000000e-01, v13;
	v5 =	vtrunc.f32 v5;
	v15 =	vadd.f32 $1.000000000e+00, v33  }
0x4b: {  	v18 =	vtrunc.f32 v18;
	v5 =	vcvt.f32.s32 v5;
	v2 =	vnsel vm0, $0x0, v2  }
0x4c: {  	v6 =	vadd.f32 $1.000000000e+00, v55;
	v28 =	vmul.f32 $5.000000000e-01, v0;
	v26 =	vmul.f32 $5.000000000e-01, v7  }
0x4d: {  	v0 =	vadd.f32 $1.000000000e+00, v53;
	v7 =	vadd.f32 $1.000000000e+00, v42;
	v27 =	vtrunc.f32 v15  }
0x4e: {  	[tilespmem:$0x1FF30] =	vst v2;
	v2 =	vadd.f32 $-1.000000000e+00, v23;
	v23 =	vtrunc.f32 v3;
	v3 =	vadd.f32 $1.000000000e+00, v9  }
0x4f: {  	v15 =	vadd.s32 $0xFFFFFFFF, v5;
	vm7 =	vlt.s32 v5, $0x17F;
	v6 =	vtrunc.f32 v6  }
0x50: {  	v16 =	vadd.f32 $1.000000000e+00, v28;
	v17 =	vadd.f32 $1.000000000e+00, v26;
	v0 =	vtrunc.f32 v0  }
0x51: {  	v7 =	vtrunc.f32 v7;
	v23 =	vcvt.f32.s32 v23;
	vm0 =	vgt.s32 v15, $0x0  }
0x52: {  	v44 =	vnsel vm7, $0x17F, v5;
	v35 =	vmul.f32 $5.000000000e-01, v2;
	v30 =	vtrunc.f32 v3  }
0x53: {  	v2 =	vadd.f32 $1.000000000e+00, v56;
	v59 =	vcvt.f32.s32 v0;
	v29 =	vtrunc.f32 v16  }
0x54: {  	v3 =	vnsel vm14, $0x0, v19;
	v17 =	vtrunc.f32 v17;
	v16 =	vcvt.f32.s32 v7  }
0x55: {  	v43 =	vnsel vm0, $0x0, v15;
	v7 =	vcvt.f32.s32 v8;
	v8 =	vcvt.f32.s32 v27  }
0x56: {  	vm0 =	vgt.s32 v15, $0xFFFFFFFF;
	v27 =	vcvt.f32.s32 v18;
	v18 =	vcvt.f32.s32 v30  }
0x57: {  	v58 =	vadd.s32 $0xFFFFFFFF, v23;
	vm10 =	vlt.s32 v23, $0x17F;
	v2 =	vtrunc.f32 v2  }
0x58: {  	v13 =	vadd.f32 $1.000000000e+00, v35;
	v62 =	vcvt.f32.s32 v29;
	v17 =	vcvt.f32.s32 v17  }
0x59: {  	[tilespmem:$0x1FF40] =	vst v3;
	v3 =	vadd.s32 $0xFFFFFFFF, v59;
	vm2 =	vgt.s32 v58, $0x0;
	v38 =	vcvt.s32.f32 v58  }
0x5a: {  	v51 =	vadd.s32 $0xFFFFFFFF, v16;
	v52 =	vadd.s32 $0xFFFFFFFF, v7;
	v47 =	vadd.s32 $0xFFFFFFFF, v8  }
0x5b: {  	v50 =	vadd.s32 $0xFFFFFFFF, v18;
	vm11 =	vlt.s32 v7, $0x17F;
	vm12 =	vlt.s32 v8, $0x17F  }
0x5c: {  	vm14 =	vlt.s32 v18, $0x17F;
	v57 =	vnsel vm2, $0x0, v58;
	v24 =	vtrunc.f32 v13  }
0x5d: {  	v13 =	vcvt.f32.s32 v1;
	v1 =	vnsel vm15, $0x17F, v14;
	v14 =	vcvt.f32.s32 v6  }
0x5e: {  	v6 =	vcvt.f32.s32 v2;
	v48 =	vadd.s32 $0xFFFFFFFF, v62;
	v49 =	vadd.s32 $0xFFFFFFFF, v17  }
0x5f: {  	vm3 =	vgt.s32 v52, $0x0;
	vm4 =	vgt.s32 v47, $0x0;
	vm8 =	vgt.s32 v50, $0x0  }
0x60: {  	vm13 =	vlt.s32 v17, $0x17F;
	vm15 =	vgt.s32 v3, $0x0;
	v61 =	vcvt.f32.s32 v24  }
0x61: {  	vm6 =	vgt.s32 v49, $0x0;
	v41 =	vnsel vm3, $0x0, v52;
	v0 =	vnsel vm4, $0x0, v47  }
0x62: {  	vm4 =	vlt.s32 v15, $0x17F;
	v22 =	vnsel vm15, $0x0, v3;
	vm15 =	vgt.s32 v51, $0x0  }
0x63: {  	[tilespmem:$0x1FFE0] =	vst v1;
	v2 =	vadd.s32 $0xFFFFFFFF, v13;
	v1 =	vadd.s32 $0xFFFFFFFF, v14;
	v24 =	vadd.s32 $0xFFFFFFFF, v6  }
0x64: {  	vm9 =	vlt.s32 v6, $0x17F;
	[tilespmem:$0x1FF50] =	vst v0;
	v0 =	vnsel vm6, $0x0, v49;
	v46 =	vadd.s32 $0xFFFFFFFF, v61  }
0x65: {  	vm1 =	vgt.s32 v24, $0x0;
	[tilespmem:$0x1FF60] =	vst v0;
	v0 =	vnsel vm8, $0x0, v50;
	vm3 =	vlt.s32 v2, $0x17F  }
0x66: {  	vm2 =	vgt.s32 v2, $0x0;
	vm6 =	vgt.s32 v1, $0xFFFFFFFF;
	vm7 =	vlt.s32 v1, $0x17F  }
0x67: {  	vm8 =	vgt.s32 v24, $0xFFFFFFFF;
	v40 =	vcvt.s32.f32 v1;
	v34 =	vcvt.s32.f32 v24  }
0x68: {  	v39 =	vnsel vm1, $0x0, v24;
	[tilespmem:$0x1FF70] =	vst v0;
	v0 =	vnsel vm9, $0x17F, v6;
	vm1 =	vgt.s32 v2, $0xFFFFFFFF  }
0x69: {  	vm9 =	vlt.s32 v24, $0x17F;
	vm5 =	vmand vm3, vm0;
	[tilespmem:$0x1FF80] =	vst v0;
	v0 =	vnsel vm10, $0x17F, v23  }
0x6a: {  	v6 =	vimm.s32 $0x0;
	vm10 =	vgt.s32 v1, $0x0;
	[tilespmem:$0x1FF90] =	vst v0;
	v0 =	vnsel vm11, $0x17F, v7  }
0x6b: {  	vm0 =	vmand vm1, vm4;
	vm4 =	vmand vm3, vm4;
	[tilespmem:$0x1FFA0] =	vst v0;
	v0 =	vnsel vm12, $0x17F, v8  }
0x6c: {  	vm3 =	vmand vm7, vm8;
	vm8 =	vgt.s32 v46, $0x0;
	[tilespmem:$0x1FFB0] =	vst v0;
	v0 =	vnsel vm13, $0x17F, v17  }
0x6d: {  	v23 =	vadd.s32 $0xFFFFFFFF, v27;
	vm1 =	vlt.s32 v49, $0x17F;
	[tilespmem:$0x1FFC0] =	vst v0;
	v0 =	vnsel vm14, $0x17F, v18  }
0x6e: {  	vm11 =	vgt.s32 v3, $0xFFFFFFFF;
	v7 =	vnsel vm2, $0x0, v2;
	[tilespmem:$0x1FFD0] =	vst v0;
	v0 =	vimm.s32 $0x0  }
0x6f: {  	vm2 =	vgt.s32 v51, $0xFFFFFFFF;
	v60 =	vnsel vm10, $0x0, v1;
	v0 =	vsel vm0, $0xFFFFFFFF, v0  }
0x70: {  	vm10 =	vgt.s32 v52, $0xFFFFFFFF;
	v5 =	vnsel vm8, $0x0, v46;
	[tilespmem:$0x1FE80] =	vst v0;
	v0 =	vimm.s32 $0x0  }
0x71: {  	vm8 =	vgt.s32 v23, $0x0;
	vm12 =	vlt.s32 v3, $0x17F;
	v0 =	vsel vm4, $0xFFFFFFFF, v0  }
0x72: {  	vm4 =	vmand vm6, vm9;
	vm9 =	vmand vm7, vm9;
	[tilespmem:$0x1FED0] =	vst v0;
	v0 =	vimm.s32 $0x0  }
0x73: {  	vm13 =	vgt.s32 v58, $0xFFFFFFFF;
	vm14 =	vlt.s32 v58, $0x17F;
	v0 =	vsel vm9, $0xFFFFFFFF, v0  }
0x74: {  	vm0 =	vlt.s32 v51, $0x17F;
	vm9 =	vmand vm12, vm14;
	[tilespmem:$0x1FEE0] =	vst v0;
	v0 =	vimm.s32 $0x0  }
0x75: {  	vm7 =	vlt.s32 v52, $0x17F;
	vm6 =	vmand vm12, vm13;
	v0 =	vsel vm9, $0xFFFFFFFF, v0  }
0x76: {  	vm12 =	vmand vm0, vm10;
	vm10 =	vmand vm2, vm7;
	[tilespmem:$0x1FEF0] =	vst v0;
	v0 =	vimm.s32 $0x0  }
0x77: {  	v1 =	vor.u32 v1, v24;
	v8 =	vnsel vm15, $0x0, v51;
	v0 =	vsel vm10, $0xFFFFFFFF, v0  }
0x78: {  	v17 =	vnsel vm8, $0x0, v23;
	vm0 =	vmand vm0, vm7;
	[tilespmem:$0x1FEA0] =	vst v0;
	v0 =	vimm.s32 $0x0  }
0x79: {  	vm13 =	vgt.s32 v47, $0xFFFFFFFF;
	v0 =	vsel vm0, $0xFFFFFFFF, v0;
	vm0 =	vlt.s32 v46, $0x17F  }
0x7a: {  	vm11 =	vmand vm11, vm14;
	[tilespmem:$0x1FF00] =	vst v0;
	vm14 =	vmand vm0, vm13;
	v0 =	vimm.s32 $0x0  }
0x7b: {  	vm15 =	vlt.s32 v47, $0x17F;
	[tilespmem:$0x1FE40] =	vst v17;
	vm9 =	vgt.s32 v46, $0xFFFFFFFF;
	v0 =	vsel vm14, $0xFFFFFFFF, v0  }
0x7c: {  	v17 =	vcvt.s32.f32 v2;
	vm13 =	vmand vm9, vm15;
	[tilespmem:$0x1FEB0] =	vst v0;
	v0 =	vimm.s32 $0x0  }
0x7d: {  	v18 =	vcvt.s32.f32 v15;
	v2 =	vor.u32 v2, v15;
	v0 =	vsel vm13, $0xFFFFFFFF, v0  }
0x7e: {  	vm10 =	vgt.s32 v48, $0x0;
	vm0 =	vmand vm0, vm15;
	[tilespmem:$0x1FEC0] =	vst v0;
	v0 =	vimm.s32 $0x0  }
0x7f: {  	vm14 =	vgt.s32 v49, $0xFFFFFFFF;
	v0 =	vsel vm0, $0xFFFFFFFF, v0;
	vm0 =	vlt.s32 v48, $0x17F  }
0x80: {  	[tilespmem:$0x1FF10] =	vst v0;
	v0 =	vnsel vm10, $0x0, v48;
	vm10 =	vmand vm0, vm14;
	vm0 =	vmand vm0, vm1  }
0x81: {  	v10 =	vsub.f32 v10, v17;
	v63 =	vsub.f32 v11, v18;
	v6 =	vsel vm0, $0xFFFFFFFF, v6  }
0x82: {  	vm7 =	vgt.s32 v19, $0xFFFFFFFF;
	vm2 =	vlt.s32 v62, $0x17F;
	vm15 =	vgt.s32 v48, $0xFFFFFFFF;
	[tilespmem:$0x1FF20] =	vst v6;
	v6 =	vld [tilespmem:$0x1FE50]  }
0x83: {  	vm9 =	vlt.s32 v23, $0x17F;
	vm13 =	vmand vm15, vm1;
	vm14 =	vgt.s32 v50, $0xFFFFFFFF  }
0x84: {  	vm15 =	vgt.s32 v23, $0xFFFFFFFF;
	vm1 =	vlt.s32 v50, $0x17F;
	vm14 =	vmand vm9, vm14  }
0x85: {  	vm15 =	vmand vm15, vm1;
	vm9 =	vmand vm9, vm1;
	vm0 =	vlt.s32 v12, $0x17F  }
0x86: {  	v11 =	vmovc v0;
	vm1 =	vlt.s32 v14, $0x17F;
	v0 =	vsub.f32 $1.000000000e+00, v63;
	vm7 =	vmand vm0, vm7  }
0x87: {  	v17 =	vnsel vm1, $0x17F, v14;
	vm1 =	vlt.s32 v61, $0x17F;
	vm8 =	vnez.u8 v6  }
0x88: {  	v6 =	vnsel vm2, $0x17F, v62;
	vm8 =	vmand vm0, vm8;
	vm0 =	vlt.s32 v13, $0x17F  }
0x89: {  	v18 =	vnsel vm0, $0x17F, v13;
	vm0 =	vlt.s32 v59, $0x17F;
	v13 =	vnsel vm1, $0x17F, v61  }
0x8a: {  	v14 =	vnsel vm0, $0x17F, v59;
	v59 =	vsub.f32 $1.000000000e+00, v10;
	vm0 =	vlt.s32 v16, $0x17F  }
0x8b: {  	vm1 =	vgt.s32 v2, $0xFFFFFFFF;
	v16 =	vnsel vm0, $0x17F, v16;
	vm0 =	vlt.s32 v27, $0x17F  }
0x8c: {  	v61 =	vsub.f32 $1.000000000e+00, v31;
	v15 =	vmul.f32 v0, v59;
	v2 =	vnsel vm0, $0x17F, v27  }
0x8d: {  	v27 =	vsub.f32 v56, v34;
	v0 =	vmul.f32 v0, v10;
	vm0 =	vlt.s32 v4, $0x17F  }
0x8e: {  	v34 =	vmul.f32 v59, v63;
	[tilespmem:$0x1FE60] =	vst v2;
	v2 =	vsub.f32 v55, v40;
	v4 =	vnsel vm0, $0x17F, v4  }
0x8f: {  	vm0 =	vgt.s32 v1, $0xFFFFFFFF;
	v1 =	vld [tilespmem:$0x1FE80];
	[tilespmem:$0x1FE70] =	vst v4;
	v4 =	vcvt.s32.f32 v3;
	v40 =	vsub.f32 $1.000000000e+00, v27  }
0x90: {  	v10 =	vmul.f32 v63, v10;
	v56 =	vnsel vm5, $0x0, v0;
	v0 =	vsub.f32 $1.000000000e+00, v2  }
0x91: {  	v36 =	vnsel vm1, $0x0, v15;
	v4 =	vsub.f32 v53, v4;
	v37 =	vmul.f32 v40, v2  }
0x92: {  	v53 =	vsub.f32 v54, v38;
	v54 =	vcvt.s32.f32 v23;
	v24 =	vmul.f32 v40, v0  }
0x93: {  	v23 =	vor.u32 v23, v50;
	v0 =	vmul.f32 v0, v27;
	v40 =	vcvt.s32.f32 v51  }
0x94: {  	v59 =	vsub.f32 $1.000000000e+00, v4;
	v38 =	vsub.f32 $1.000000000e+00, v53;
	vm5 =	vnez.u8 v1  }
0x95: {  	v55 =	vnsel vm3, $0x0, v37;
	v1 =	vor.u32 v3, v58;
	v37 =	vcvt.s32.f32 v52  }
0x96: {  	v58 =	vmul.f32 v27, v2;
	v2 =	vcvt.s32.f32 v47;
	v62 =	vnsel vm5, $0x0, v34  }
0x97: {  	vm5 =	vgt.s32 v1, $0xFFFFFFFF;
	v34 =	vnsel vm4, $0x0, v0;
	v1 =	vsub.f32 v42, v40  }
0x98: {  	v40 =	vcvt.s32.f32 v49;
	v3 =	vmul.f32 v38, v59;
	v42 =	vsub.f32 v45, v37  }
0x99: {  	v0 =	vmul.f32 v38, v4;
	v2 =	vsub.f32 v33, v2;
	v27 =	vsub.f32 $1.000000000e+00, v1  }
0x9a: {  	v38 =	vcvt.s32.f32 v48;
	v26 =	vsub.f32 v26, v40;
	v45 =	vsub.f32 $1.000000000e+00, v42  }
0x9b: {  	v30 =	vnsel vm5, $0x0, v3;
	v37 =	vnsel vm6, $0x0, v0;
	v0 =	vcvt.s32.f32 v46  }
0x9c: {  	v28 =	vsub.f32 v28, v38;
	v38 =	vsub.f32 $1.000000000e+00, v2;
	v33 =	vmul.f32 v45, v27  }
0x9d: {  	v3 =	vsub.f32 v35, v0;
	v45 =	vmul.f32 v45, v1;
	v27 =	vmul.f32 v27, v42  }
0x9e: {  	v42 =	vmul.f32 v42, v1;
	v1 =	vsub.f32 v25, v54;
	v25 =	vcvt.s32.f32 v50  }
0x9f: {  	v15 =	vmovc v5;
	v5 =	vmul.f32 v53, v4;
	v35 =	vmul.f32 v59, v53;
	v59 =	vsub.f32 $1.000000000e+00, v3  }
0xa0: {  	v0 =	vsub.f32 $1.000000000e+00, v26;
	v54 =	vmul.f32 v38, v3;
	v25 =	vsub.f32 v9, v25  }
0xa1: {  	v4 =	vmul.f32 v2, v3;
	v53 =	vmul.f32 v38, v59;
	v38 =	vsub.f32 $1.000000000e+00, v28  }
0xa2: {  	v21 =	vnsel vm11, $0x0, v35;
	v3 =	vmul.f32 v0, v28;
	v59 =	vmul.f32 v59, v2  }
0xa3: {  	vm11 =	vgt.s32 v12, $0x0;
	v2 =	vmul.f32 v0, v38;
	v63 =	vmul.f32 v38, v26  }
0xa4: {  	v26 =	vmul.f32 v26, v28;
	v28 =	vor.u32 v51, v52;
	v51 =	vmul.f32 v61, v32  }
0xa5: {  	vm4 =	vgt.s32 v28, $0xFFFFFFFF;
	v28 =	vmul.f32 v61, v20;
	v61 =	vor.u32 v48, v49  }
0xa6: {  	v9 =	vmovc v8;
	v8 =	vnsel vm11, $0x0, v12;
	v33 =	vnsel vm4, $0x0, v33;
	vm11 =	vgt.s32 v61, $0xFFFFFFFF  }
0xa7: {  	vm4 =	vgt.s32 v23, $0xFFFFFFFF;
	v23 =	vnsel vm11, $0x0, v2;
	v2 =	vnsel vm10, $0x0, v3;
	v3 =	vld [tilespmem:$0x1FED0];
	_ =	sdelay $0x4  }
0xa8: {  	v40 =	vsub.f32 $1.000000000e+00, v1;
	vm10 =	vnez.u8 v3;
	v3 =	vld [tilespmem:$0x1FEE0]  }
0xa9: {  	v0 =	vsub.f32 $1.000000000e+00, v25  }
0xaa: {  	[tilespmem:s26+$0x2000] =	vst v62;
	v35 =	vmul.f32 v40, v25;
	v25 =	vmul.f32 v25, v1  }
0xab: {  	v62 =	vmovc v6;
	v6 =	vld [tilespmem:$0x1FF70];
	v38 =	vmul.f32 v0, v40;
	v0 =	vmul.f32 v0, v1;
	v1 =	vor.u32 v46, v47  }
0xac: {  	vm6 =	vgt.s32 v1, $0xFFFFFFFF;
	v1 =	vld [tilespmem:$0x1FEB0]  }
0xad: {  	vm11 =	vnez.u8 v3;
	v3 =	vld [tilespmem:$0x1FEF0];
	_ =	sdelay $0x2  }
0xae: {  	v31 =	vmul.f32 v31, v32;
	v29 =	vnsel vm0, $0x0, v24  }
0xaf: {  	v24 =	vnsel vm12, $0x0, v45;
	v32 =	vmul.u32 $0x180, v6;
	v6 =	vld [tilespmem:$0x1FF80];
	vm12 =	vnez.u8 v1  }
0xb0: {  	v61 =	vnsel vm12, $0x0, v54;
	vm12 =	vnez.u8 v3;
	v3 =	vld [tilespmem:$0x1FF00];
	_ =	sdelay $0x3  }
0xb1: {  	[tilespmem:s26+$0x1800] =	vst v36;
	v12 =	vor.u32 v12, v19;
	v40 =	vnsel vm6, $0x0, v53;
	v36 =	vmul.u32 $0x180, v6;
	v6 =	vld [tilespmem:$0x1FF90]  }
0xb2: {  	vm6 =	vgt.s32 v12, $0xFFFFFFFF;
	v12 =	vnsel vm13, $0x0, v63;
	vm13 =	vnez.u8 v3;
	v3 =	vld [tilespmem:$0x1FF10]  }
0xb3: {  	[tilespmem:$0x1FE90] =	vst v8;
	v8 =	vmov v13;
	v13 =	vld [tilespmem:$0x1FEA0];
	_ =	sdelay $0x2  }
0xb4: {  	v19 =	vnsel vm11, $0x0, v58;
	v58 =	vnsel vm13, $0x0, v42;
	v42 =	vmul.u32 $0x180, v6;
	v6 =	vld [tilespmem:$0x1FFA0]  }
0xb5: {  	v0 =	vnsel vm14, $0x0, v0;
	vm14 =	vnez.u8 v3;
	v3 =	vld [tilespmem:$0x1FF20]  }
0xb6: {  	vm5 =	vnez.u8 v13;
	v13 =	vld [tilespmem:$0x1FF50];
	_ =	sdelay $0x3  }
0xb7: {  	[tilespmem:s26+$0x1810] =	vst v29;
	v54 =	vnsel vm15, $0x0, v35;
	v29 =	vmul.u32 $0x180, v6;
	v6 =	vld [tilespmem:$0x1FFB0];
	vm15 =	vnez.u8 v3  }
0xb8: {  	v47 =	vnsel vm15, $0x0, v26;
	v26 =	vmul.u32 $0x180, v13;
	v13 =	vld [tilespmem:$0x1FF60];
	_ =	sdelay $0x4  }
0xb9: {  	v35 =	vnsel vm8, $0x0, v31;
	v31 =	vmul.u32 $0x180, v13;
	v13 =	vmul.u32 $0x180, v6;
	v6 =	vld [tilespmem:$0x1FFC0];
	_ =	sdelay $0x4  }
0xba: {  	v52 =	vnsel vm14, $0x0, v4;
	v4 =	vmul.u32 $0x180, v43;
	v43 =	vmul.u32 $0x180, v6;
	v6 =	vld [tilespmem:$0x1FFD0];
	_ =	sdelay $0x3  }
0xbb: {  	v3 =	vld [tilespmem:$0x1FF30]  }
0xbc: {  	v46 =	vnsel vm6, $0x0, v28;
	v28 =	vmul.u32 $0x180, v44;
	v44 =	vmul.u32 $0x180, v6;
	v6 =	vld [tilespmem:$0x1FFE0];
	_ =	sdelay $0x1  }
0xbd: {  	v1 =	vld [tilespmem:$0x1FEC0];
	_ =	sdelay $0x1  }
0xbe: {  	[tilespmem:s26+$0x2070] =	vst v3;
	v3 =	vld [tilespmem:$0x1FF40]  }
0xbf: {  	v48 =	vmul.u32 $0x180, v6;
	v6 =	vld [tilespmem:$0x1FFF0]  }
0xc0: {  	v20 =	vnsel vm5, $0x0, v27  }
0xc1: {  	v45 =	vnsel vm10, $0x0, v10;
	v10 =	vmul.u32 $0x180, v57;
	vm5 =	vnez.u8 v1  }
0xc2: {  	[tilespmem:s26+$0x1C00] =	vst v56;
	v1 =	vnsel vm4, $0x0, v38;
	v38 =	vnsel vm9, $0x0, v25;
	v25 =	vmul.u32 $0x180, v41  }
0xc3: {  	[tilespmem:s26+$0x1C10] =	vst v55;
	v27 =	vnsel vm5, $0x0, v59;
	v59 =	vnsel vm12, $0x0, v5;
	v5 =	vmul.u32 $0x180, v39  }
0xc4: {  	[tilespmem:s26+$0x2010] =	vst v34;
	v50 =	vnsel vm7, $0x0, v51;
	v3 =	vmul.u32 $0x180, v3;
	v4 =	vadd.s32 v6, v4  }
0xc5: {  	[tilespmem:s26+$0x1820] =	vst v30;
	v5 =	vadd.s32 v6, v5;
	v51 =	vadd.s32 v6, v10;
	v63 =	vadd.s32 v6, v25  }
0xc6: {  	[tilespmem:s26+$0x1C20] =	vst v37;
	v26 =	vadd.s32 v6, v26;
	v57 =	vadd.s32 v6, v31;
	v31 =	vadd.s32 v6, v32  }
0xc7: {  	[tilespmem:s26+$0x2020] =	vst v21;
	v41 =	vadd.s32 v6, v28;
	v36 =	vadd.s32 v6, v36;
	v39 =	vadd.s32 v6, v3  }
0xc8: {  	[tilespmem:s26+$0x1C30] =	vst v24;
	v34 =	vadd.s32 v6, v42;
	v32 =	vadd.s32 v6, v29;
	v28 =	vadd.s32 v6, v13  }
0xc9: {  	[tilespmem:s26+$0x1830] =	vst v33;
	v25 =	vadd.s32 v6, v43;
	v37 =	vadd.s32 v6, v44;
	v10 =	vadd.s32 v6, v48  }
0xca: {  	[tilespmem:s26+$0x1840] =	vst v40;
	v55 =	vadd.s32 v7, v4;
	v53 =	vadd.s32 v18, v4;
	v49 =	vadd.s32 v60, v5  }
0xcb: {  	[tilespmem:s26+$0x2030] =	vst v20;
	v48 =	vadd.s32 v17, v5;
	v43 =	vadd.s32 v22, v51;
	v29 =	vadd.s32 v14, v51  }
0xcc: {  	v6 =	vmovc v22;
	v22 =	vadd.s32 v9, v63;
	v33 =	vadd.s32 v16, v63;
	v30 =	vadd.s32 v15, v26  }
0xcd: {  	s29 =	simm.s32 $0x80;
	s1 =	simm.s32 $0x400;
	[tilespmem:s26+$0x1C40] =	vst v61;
	v4 =	vadd.s32 v8, v26;
	v63 =	vadd.s32 v11, v57;
	v42 =	vadd.s32 v62, v57  }
.LBB2_3:
0xce: {  	v3 =	vld [tilespmem:s29+$0x70]  }
0xcf: {  	v51 =	vld [tilespmem:$0x1FE40]  }
0xd0: {  	v61 =	vld [tilespmem:$0x1FE60]  }
0xd1: {  	v57 =	vld [tilespmem:$0x1FE90]  }
0xd2: {  	[tilespmem:s26+$0x2040] =	vst v27;
	v44 =	vadd.s32 v7, v41;
	v7 =	vld [tilespmem:$0x1FE70]  }
0xd3: {  	v26 =	vld [tilespmem:s29+$0x0];
	[tilespmem:s26+$0x1850] =	vst v23  }
0xd4: {  	v5 =	vadd.s32 v18, v41;
	v27 =	vld [tilespmem:s29+$0x470];
	[tilespmem:s26+$0x1C50] =	vst v2  }
0xd5: {  	v24 =	vadd.s32 v17, v36;
	v18 =	vadd.s32 v9, v32;
	v17 =	vadd.s32 v16, v32;
	v2 =	vld [tilespmem:s29+$0x400];
	[tilespmem:s26+$0x2050] =	vst v12  }
0xd6: {  	v16 =	vadd.s32 v15, v28;
	v12 =	vadd.s32 v11, v25;
	v11 =	vadd.s32 v62, v25;
	v41 =	vld [tilespmem:s29+$0x10];
	[tilespmem:s26+$0x1860] =	vst v1  }
0xd7: {  	v56 =	vadd.s32 v51, v31;
	v20 =	vadd.s32 v61, v31;
	v1 =	vld [tilespmem:s29+$0x410];
	v3 =	vadd.f32 $1.000000000e+00, v3;
	[tilespmem:s26+$0x1C60] =	vst v0  }
0xd8: {  	v13 =	vadd.s32 v57, v39;
	v40 =	vadd.s32 v7, v39;
	v31 =	vadd.s32 v60, v36;
	v25 =	vld [tilespmem:s29+$0x20];
	[tilespmem:s26+$0x2060] =	vst v54  }
0xd9: {  	v60 =	vadd.s32 v14, v34;
	v57 =	vadd.s32 v57, v10;
	v9 =	vld [tilespmem:s29+$0x420];
	v3 =	vmul.f32 $3.840000000e+02, v3;
	[tilespmem:s26+$0x1870] =	vst v46  }
0xda: {  	v7 =	vadd.s32 v7, v10;
	v15 =	vadd.f32 $1.000000000e+00, v27;
	v2 =	vadd.f32 $1.000000000e+00, v2;
	v10 =	vld [tilespmem:s29+$0x30];
	[tilespmem:s26+$0x1C70] =	vst v50  }
0xdb: {  	v14 =	vadd.s32 v8, v28;
	v0 =	vadd.f32 $1.000000000e+00, v26;
	v26 =	vld [tilespmem:s29+$0x430];
	v3 =	vadd.f32 $-1.000000000e+00, v3;
	[tilespmem:s26+$0x2400] =	vst v45  }
0xdc: {  	v21 =	vadd.f32 $1.000000000e+00, v41;
	v15 =	vmul.f32 $3.840000000e+02, v15;
	v27 =	vmul.f32 $3.840000000e+02, v2;
	v2 =	vld [tilespmem:s29+$0x40];
	[tilespmem:s26+$0x2410] =	vst v19  }
0xdd: {  	v0 =	vmul.f32 $3.840000000e+02, v0;
	v19 =	vadd.f32 $1.000000000e+00, v25;
	v25 =	vld [tilespmem:s29+$0x440];
	v28 =	vmul.f32 $5.000000000e-01, v3;
	[tilespmem:s26+$0x2420] =	vst v59  }
0xde: {  	v3 =	vadd.f32 $-1.000000000e+00, v15;
	v15 =	vmul.f32 $3.840000000e+02, v21;
	v9 =	vadd.f32 $1.000000000e+00, v9;
	v21 =	vld [tilespmem:s29+$0x50];
	[tilespmem:s26+$0x2430] =	vst v58  }
0xdf: {  	v23 =	vadd.s32 v6, v34;
	v6 =	vadd.s32 v51, v37;
	v1 =	vadd.f32 $1.000000000e+00, v1;
	v54 =	vld [tilespmem:s29+$0x450];
	[tilespmem:s26+$0x2440] =	vst v52  }
0xe0: {  	v0 =	vadd.f32 $-1.000000000e+00, v0;
	v58 =	vmul.f32 $3.840000000e+02, v9;
	v9 =	vadd.f32 $1.000000000e+00, v26;
	v26 =	vld [tilespmem:s29+$0x60];
	[tilespmem:s26+$0x2450] =	vst v47  }
0xe1: {  	v62 =	vadd.s32 v61, v37;
	v1 =	vmul.f32 $3.840000000e+02, v1;
	v27 =	vadd.f32 $-1.000000000e+00, v27;
	v45 =	vld [tilespmem:s29+$0x460];
	[tilespmem:s26+$0x2460] =	vst v38  }
0xe2: {  	v0 =	vmul.f32 $5.000000000e-01, v0;
	v34 =	vmul.f32 $5.000000000e-01, v3;
	v3 =	vadd.f32 $1.000000000e+00, v28;
	[tilespmem:s26+$0x2470] =	vst v35  }
0xe3: {  	v10 =	vadd.f32 $1.000000000e+00, v10;
	v19 =	vmul.f32 $3.840000000e+02, v19;
	v15 =	vadd.f32 $-1.000000000e+00, v15;
	[tilespmem:s26+$0x800] =	vst v55  }
0xe4: {  	v1 =	vadd.f32 $-1.000000000e+00, v1;
	v59 =	vadd.f32 $1.000000000e+00, v2;
	v2 =	vtrunc.f32 v3;
	[tilespmem:s26+$0xC00] =	vst v53  }
0xe5: {  	v3 =	vadd.f32 $1.000000000e+00, v34;
	v10 =	vmul.f32 $3.840000000e+02, v10;
	[tilespmem:s26+$0x830] =	vst v22;
	v22 =	vimm.s32 $0x0  }
0xe6: {  	v19 =	vadd.f32 $-1.000000000e+00, v19;
	[tilespmem:s26+$0xC40] =	vst v4;
	v4 =	vmul.f32 $5.000000000e-01, v15;
	v61 =	vcvt.f32.s32 v2  }
0xe7: {  	[tilespmem:s26+$0x840] =	vst v30;
	v25 =	vadd.f32 $1.000000000e+00, v25;
	v38 =	vmul.f32 $3.840000000e+02, v9;
	v30 =	vmul.f32 $5.000000000e-01, v1  }
0xe8: {  	[tilespmem:s26+$0x810] =	vst v49;
	v21 =	vadd.f32 $1.000000000e+00, v21;
	v2 =	vtrunc.f32 v3;
	v41 =	vmul.f32 $3.840000000e+02, v59  }
0xe9: {  	v8 =	vmovc v42;
	[tilespmem:s26+$0xC10] =	vst v48;
	v10 =	vadd.f32 $-1.000000000e+00, v10;
	v59 =	vadd.f32 $1.000000000e+00, v0;
	v42 =	vmul.f32 $5.000000000e-01, v19  }
0xea: {  	[tilespmem:s26+$0x820] =	vst v43;
	v32 =	vadd.f32 $1.000000000e+00, v54;
	v54 =	vadd.s32 $0xFFFFFFFF, v61;
	v2 =	vcvt.f32.s32 v2  }
0xeb: {  	[tilespmem:s26+$0xC20] =	vst v29;
	v25 =	vmul.f32 $3.840000000e+02, v25;
	v26 =	vadd.f32 $1.000000000e+00, v26;
	v50 =	vcvt.s32.f32 v54  }
0xec: {  	[tilespmem:s26+$0xC30] =	vst v33;
	v21 =	vmul.f32 $3.840000000e+02, v21;
	vm0 =	vgt.s32 v54, $0xFFFFFFFF;
	v52 =	vadd.s32 $0xFFFFFFFF, v2  }
0xed: {  	[tilespmem:s26+$0x850] =	vst v63;
	v35 =	vmul.f32 $5.000000000e-01, v10;
	v3 =	vsub.f32 v28, v50;
	v28 =	vcvt.s32.f32 v52  }
0xee: {  	[tilespmem:$0x1F9C0] =	vst v61;
	v10 =	vadd.f32 $1.000000000e+00, v4;
	vm7 =	vlt.s32 v2, $0x17F;
	vm1 =	vlt.s32 v52, $0x17F  }
0xef: {  	v2 =	vnsel vm7, $0x17F, v2;
	[tilespmem:$0x1F930] =	vst v3;
	v29 =	vsub.f32 $1.000000000e+00, v3;
	v3 =	vsub.f32 v34, v28  }
0xf0: {  	v45 =	vadd.f32 $1.000000000e+00, v45;
	v32 =	vmul.f32 $3.840000000e+02, v32;
	v22 =	vsel vm1, $0xFFFFFFFF, v22;
	[tilespmem:$0x1F910] =	vst v2  }
0xf1: {  	v25 =	vadd.f32 $-1.000000000e+00, v25;
	v53 =	vmul.f32 $3.840000000e+02, v26;
	[tilespmem:$0x1FB50] =	vst v22;
	v26 =	vmul.f32 v29, v3  }
0xf2: {  	v15 =	vadd.f32 $-1.000000000e+00, v21;
	v55 =	vmul.f32 $3.840000000e+02, v45;
	vm0 =	vmand vm0, vm1;
	[tilespmem:$0x1F920] =	vst v29  }
0xf3: {  	v21 =	vadd.f32 $-1.000000000e+00, v32;
	v28 =	vadd.f32 $-1.000000000e+00, v58;
	[tilespmem:$0x1F940] =	vst v3;
	v29 =	vnsel vm0, $0x0, v26  }
0xf4: {  	v10 =	vtrunc.f32 v10;
	v58 =	vadd.f32 $-1.000000000e+00, v38;
	v1 =	vadd.f32 $-1.000000000e+00, v53;
	[tilespmem:s29+$0x2070] =	vst v29  }
0xf5: {  	v43 =	vmul.f32 $5.000000000e-01, v15;
	v15 =	vadd.f32 $1.000000000e+00, v42;
	v22 =	vadd.f32 $-1.000000000e+00, v55;
	[tilespmem:s26+$0xC50] =	vst v8  }
0xf6: {  	v9 =	vmovc v3;
	v61 =	vmul.f32 $5.000000000e-01, v58;
	v3 =	vmul.f32 $5.000000000e-01, v25;
	v25 =	vadd.f32 $1.000000000e+00, v30;
	[tilespmem:s26+$0x870] =	vst v13  }
0xf7: {  	v15 =	vtrunc.f32 v15;
	v26 =	vmul.f32 $5.000000000e-01, v27;
	v27 =	vadd.f32 $-1.000000000e+00, v41;
	[tilespmem:s26+$0x1000] =	vst v44  }
0xf8: {  	v37 =	vmul.f32 $5.000000000e-01, v22;
	v22 =	vadd.f32 $1.000000000e+00, v61;
	v29 =	vmul.f32 $5.000000000e-01, v28;
	[tilespmem:s26+$0x1400] =	vst v5  }
0xf9: {  	v28 =	vadd.f32 $1.000000000e+00, v43;
	v39 =	vmul.f32 $5.000000000e-01, v27;
	v8 =	vmul.f32 $5.000000000e-01, v21;
	[tilespmem:s26+$0x1010] =	vst v31  }
0xfa: {  	v19 =	vadd.f32 $1.000000000e+00, v26;
	v44 =	vmul.f32 $5.000000000e-01, v1;
	v1 =	vtrunc.f32 v59;
	[tilespmem:s26+$0x1410] =	vst v24  }
0xfb: {  	v21 =	vadd.f32 $1.000000000e+00, v35;
	[tilespmem:s26+$0x1020] =	vst v23;
	v23 =	vtrunc.f32 v25;
	v1 =	vcvt.f32.s32 v1  }
0xfc: {  	v24 =	vadd.f32 $1.000000000e+00, v3;
	[tilespmem:s26+$0x1420] =	vst v60;
	v2 =	vcvt.f32.s32 v23;
	v19 =	vtrunc.f32 v19  }
0xfd: {  	[tilespmem:s26+$0x1030] =	vst v18;
	v5 =	vadd.f32 $1.000000000e+00, v29;
	v18 =	vtrunc.f32 v21;
	v21 =	vtrunc.f32 v22  }
0xfe: {  	[tilespmem:s26+$0x1430] =	vst v17;
	v27 =	vadd.f32 $1.000000000e+00, v39;
	v22 =	vtrunc.f32 v24;
	v24 =	vtrunc.f32 v28  }
0xff: {  	[tilespmem:s26+$0x1050] =	vst v12;
	v25 =	vadd.f32 $1.000000000e+00, v8;
	v60 =	vtrunc.f32 v5;
	v51 =	vcvt.f32.s32 v19  }
0x100: {  	[tilespmem:$0x1F950] =	vst v1;
	v47 =	vadd.s32 $0xFFFFFFFF, v1;
	v1 =	vcvt.f32.s32 v15;
	v12 =	vcvt.f32.s32 v21  }
0x101: {  	[tilespmem:s26+$0x1470] =	vst v7;
	v31 =	vadd.f32 $1.000000000e+00, v44;
	v13 =	vcvt.f32.s32 v22;
	v7 =	vcvt.f32.s32 v24  }
0x102: {  	[tilespmem:s26+$0x1440] =	vst v14;
	v5 =	vadd.f32 $1.000000000e+00, v37;
	v17 =	vtrunc.f32 v27;
	v25 =	vtrunc.f32 v25  }
0x103: {  	[tilespmem:s26+$0x1450] =	vst v11;
	v32 =	vadd.s32 $0xFFFFFFFF, v2;
	v14 =	vtrunc.f32 v31;
	v11 =	vcvt.f32.s32 v60  }
0x104: {  	vm1 =	vgt.s32 v32, $0x0;
	v27 =	vtrunc.f32 v5;
	v5 =	vcvt.f32.s32 v10  }
0x105: {  	v34 =	vadd.s32 $0xFFFFFFFF, v51;
	v15 =	vcvt.f32.s32 v25;
	v33 =	vadd.s32 $0xFFFFFFFF, v1  }
0x106: {  	[tilespmem:$0x1F970] =	vst v1;
	v1 =	vcvt.f32.s32 v14;
	v28 =	vadd.s32 $0xFFFFFFFF, v12;
	v19 =	vcvt.f32.s32 v27  }
0x107: {  	v25 =	vadd.s32 $0xFFFFFFFF, v13;
	v22 =	vcvt.s32.f32 v34;
	v27 =	vcvt.s32.f32 v32  }
0x108: {  	v63 =	vcvt.s32.f32 v28;
	vm9 =	vgt.s32 v25, $0x0;
	v45 =	vadd.s32 $0xFFFFFFFF, v5  }
0x109: {  	[tilespmem:$0x1F960] =	vst v5;
	v5 =	vcvt.f32.s32 v17;
	v24 =	vadd.s32 $0xFFFFFFFF, v15;
	v50 =	vadd.s32 $0xFFFFFFFF, v1  }
0x10a: {  	[tilespmem:$0x1F9B0] =	vst v1;
	v1 =	vcvt.s32.f32 v47;
	v21 =	vadd.s32 $0xFFFFFFFF, v19;
	v23 =	vcvt.s32.f32 v45  }
0x10b: {  	[tilespmem:s26+$0xC60] =	vst v20;
	v41 =	vsub.f32 v26, v22;
	v20 =	vsub.f32 v30, v27;
	v30 =	vcvt.s32.f32 v24  }
0x10c: {  	v60 =	vsub.f32 v61, v63;
	vm3 =	vlt.s32 v19, $0x17F;
	v46 =	vadd.s32 $0xFFFFFFFF, v5  }
0x10d: {  	v38 =	vsub.f32 v0, v1;
	v0 =	vcvt.s32.f32 v33;
	v48 =	vcvt.s32.f32 v21  }
0x10e: {  	v36 =	vsub.f32 v4, v23;
	v23 =	vcvt.s32.f32 v46;
	v17 =	vsub.f32 v8, v30  }
0x10f: {  	v30 =	vnsel vm9, $0x0, v25;
	v14 =	vsub.f32 v37, v48;
	v37 =	vsub.f32 $1.000000000e+00, v38  }
0x110: {  	v61 =	vsub.f32 v39, v23;
	v39 =	vsub.f32 $1.000000000e+00, v41;
	v23 =	vnsel vm1, $0x0, v32  }
0x111: {  	v26 =	vsub.f32 v42, v0;
	v0 =	vnsel vm3, $0x17F, v19;
	v63 =	vmul.u32 $0x180, v23  }
0x112: {  	v23 =	vmul.u32 $0x180, v30;
	v30 =	vmul.u32 $0x180, v0;
	v0 =	vmul.f32 v39, v37  }
0x113: {  	vm6 =	vgt.s32 v52, $0x0;
	[tilespmem:s26+$0x1040] =	vst v16  }
0x114: {  	v16 =	vnsel vm6, $0x0, v52;
	[tilespmem:$0x1FBC0] =	vst v0;
	v0 =	vmul.f32 v39, v38  }
0x115: {  	v58 =	vsub.f32 $1.000000000e+00, v9;
	v9 =	vmul.u32 $0x180, v16;
	v49 =	vadd.s32 $0xFFFFFFFF, v7  }
0x116: {  	vm4 =	vlt.s32 v12, $0x17F;
	v31 =	vadd.s32 $0xFFFFFFFF, v11;
	vm8 =	vgt.s32 v28, $0x0;
	[tilespmem:$0x1FC00] =	vst v0;
	v0 =	vld [tilespmem:$0x1F910]  }
0x117: {  	vm7 =	vlt.s32 v11, $0x17F;
	v12 =	vnsel vm4, $0x17F, v12;
	v1 =	vcvt.s32.f32 v31  }
0x118: {  	v27 =	vcvt.s32.f32 v49;
	vm13 =	vgt.s32 v21, $0x0;
	v42 =	vcvt.s32.f32 v50  }
0x119: {  	v53 =	vsub.f32 v29, v1;
	v29 =	vnsel vm8, $0x0, v28;
	v48 =	vnsel vm13, $0x0, v21  }
0x11a: {  	v1 =	vnsel vm7, $0x17F, v11;
	vm8 =	vgt.s32 v47, $0xFFFFFFFF;
	v11 =	vmul.u32 $0x180, v48  }
0x11b: {  	v48 =	vmul.u32 $0x180, v12;
	v12 =	vmul.u32 $0x180, v0;
	v0 =	vimm.s32 $0x0  }
0x11c: {  	[tilespmem:s26+$0x1460] =	vst v62;
	v62 =	vsub.f32 v43, v27;
	v43 =	vsub.f32 $1.000000000e+00, v20;
	v0 =	vsel vm8, $0xFFFFFFFF, v0  }
0x11d: {  	v16 =	vsub.f32 v44, v42;
	v42 =	vsub.f32 $1.000000000e+00, v36;
	[tilespmem:$0x1FA00] =	vst v0;
	v0 =	vmul.f32 v37, v41;
	_ =	sdelay $0x1  }
0x11e: {  	[tilespmem:$0x1FC20] =	vst v0;
	v0 =	vmul.f32 v43, v42;
	_ =	sdelay $0x1  }
0x11f: {  	[tilespmem:$0x1FC40] =	vst v0;
	v0 =	vmul.f32 v43, v36  }
0x120: {  	[tilespmem:s26+$0x860] =	vst v56  }
0x121: {  	[tilespmem:$0x1FC60] =	vst v0;
	v0 =	vmul.f32 v42, v20  }
0x122: {  	[tilespmem:s26+$0x1060] =	vst v6;
	v6 =	vcvt.f32.s32 v18;
	vm9 =	vgt.s32 v34, $0xFFFFFFFF  }
0x123: {  	v44 =	vsub.f32 $1.000000000e+00, v26;
	v55 =	vsub.f32 $1.000000000e+00, v53;
	[tilespmem:$0x1FC80] =	vst v0;
	v0 =	vimm.s32 $0x0  }
0x124: {  	[tilespmem:s26+$0xC70] =	vst v40;
	v40 =	vadd.s32 $0xFFFFFFFF, v6;
	v0 =	vsel vm9, $0xFFFFFFFF, v0  }
0x125: {  	v22 =	vcvt.s32.f32 v40;
	[tilespmem:$0x1F9F0] =	vst v0;
	v0 =	vmul.f32 v55, v44  }
0x126: {  	[tilespmem:s26+$0x1070] =	vst v57;
	v56 =	vcvt.s32.f32 v25  }
0x127: {  	v57 =	vsub.f32 v35, v22;
	[tilespmem:$0x1FCA0] =	vst v0;
	v0 =	vmul.f32 v55, v26  }
0x128: {  	v18 =	vsub.f32 v3, v56  }
0x129: {  	v59 =	vsub.f32 $1.000000000e+00, v60;
	v56 =	vsub.f32 $1.000000000e+00, v57;
	[tilespmem:$0x1FCC0] =	vst v0;
	v0 =	vmul.f32 v44, v53;
	_ =	sdelay $0x1  }
0x12a: {  	[tilespmem:$0x1FCE0] =	vst v0;
	v0 =	vmul.f32 v59, v56  }
0x12b: {  	vm11 =	vgt.s32 v24, $0x0  }
0x12c: {  	v35 =	vnsel vm11, $0x0, v24;
	vm11 =	vgt.s32 v47, $0x0;
	[tilespmem:$0x1FD00] =	vst v0;
	v0 =	vimm.s32 $0x0  }
0x12d: {  	v0 =	vsel vm11, $0xFFFFFFFF, v0  }
0x12e: {  	[tilespmem:$0x1F9E0] =	vst v0;
	v0 =	vmul.f32 v59, v57  }
0x12f: {  	[tilespmem:$0x1F990] =	vst v5  }
0x130: {  	v5 =	vsub.f32 $1.000000000e+00, v18;
	v8 =	vsub.f32 $1.000000000e+00, v61;
	[tilespmem:$0x1FD10] =	vst v0;
	v0 =	vmul.f32 v56, v60;
	_ =	sdelay $0x1  }
0x131: {  	[tilespmem:$0x1FD20] =	vst v0;
	v0 =	vmul.f32 v5, v8;
	_ =	sdelay $0x1  }
0x132: {  	[tilespmem:$0x1FD30] =	vst v0;
	v0 =	vmul.f32 v5, v61  }
0x133: {  	[tilespmem:$0x1F9D0] =	vst v9;
	vm12 =	vlt.s32 v15, $0x17F  }
0x134: {  	v3 =	vnsel vm12, $0x17F, v15;
	vm12 =	vgt.s32 v45, $0xFFFFFFFF;
	[tilespmem:$0x1FD40] =	vst v0;
	v0 =	vimm.s32 $0x0  }
0x135: {  	[tilespmem:$0x1F980] =	vst v6;
	v0 =	vsel vm12, $0xFFFFFFFF, v0  }
0x136: {  	v9 =	vsub.f32 $1.000000000e+00, v62;
	v6 =	vsub.f32 $1.000000000e+00, v17;
	[tilespmem:$0x1FA30] =	vst v0;
	v0 =	vmul.f32 v8, v18;
	_ =	sdelay $0x1  }
0x137: {  	[tilespmem:$0x1FD50] =	vst v0;
	v0 =	vmul.f32 v6, v9;
	_ =	sdelay $0x1  }
0x138: {  	[tilespmem:$0x1FD60] =	vst v0;
	v0 =	vmul.f32 v6, v62;
	_ =	sdelay $0x1  }
0x139: {  	[tilespmem:$0x1FD70] =	vst v0;
	v0 =	vmul.f32 v9, v17  }
0x13a: {  	[tilespmem:$0x1F9A0] =	vst v7;
	vm13 =	vgt.s32 v32, $0xFFFFFFFF  }
0x13b: {  	v7 =	vsub.f32 $1.000000000e+00, v14;
	v10 =	vsub.f32 $1.000000000e+00, v16;
	[tilespmem:$0x1FD80] =	vst v0;
	v0 =	vimm.s32 $0x0  }
0x13c: {  	v0 =	vsel vm13, $0xFFFFFFFF, v0  }
0x13d: {  	[tilespmem:$0x1FA20] =	vst v0;
	v0 =	vmul.f32 v7, v10;
	_ =	sdelay $0x1  }
0x13e: {  	[tilespmem:$0x1FD90] =	vst v0;
	v0 =	vmul.f32 v7, v16;
	_ =	sdelay $0x1  }
0x13f: {  	[tilespmem:$0x1FDA0] =	vst v0;
	v0 =	vmul.f32 v10, v14;
	_ =	sdelay $0x1  }
0x140: {  	[tilespmem:$0x1FDB0] =	vst v0;
	v0 =	vld [tilespmem:$0x1F920];
	_ =	sdelay $0x4  }
0x141: {  	vm14 =	vgt.s32 v45, $0x0;
	v56 =	vmul.f32 v58, v0;
	v0 =	vimm.s32 $0x0  }
0x142: {  	v0 =	vsel vm14, $0xFFFFFFFF, v0  }
0x143: {  	[tilespmem:$0x1FA10] =	vst v0;
	v0 =	vld [tilespmem:$0x1F930];
	_ =	sdelay $0x3  }
0x144: {  	v15 =	vmul.u32 $0x180, v29;
	v29 =	vmul.u32 $0x180, v35  }
0x145: {  	v35 =	vmul.u32 $0x180, v1;
	v1 =	vmul.u32 $0x180, v3;
	v3 =	vmul.f32 v58, v0;
	_ =	sdelay $0x1  }
0x146: {  	vm15 =	vgt.s32 v33, $0xFFFFFFFF;
	[tilespmem:$0x1FDE0] =	vst v3;
	v3 =	vimm.s32 $0x0  }
0x147: {  	v3 =	vsel vm15, $0xFFFFFFFF, v3  }
0x148: {  	vm4 =	vgt.s32 v31, $0xFFFFFFFF;
	[tilespmem:$0x1FA60] =	vst v3;
	v3 =	vimm.s32 $0x0  }
0x149: {  	v3 =	vsel vm4, $0xFFFFFFFF, v3  }
0x14a: {  	[tilespmem:$0x1FA50] =	vst v3;
	v3 =	vld [tilespmem:$0x1F940];
	_ =	sdelay $0x2  }
0x14b: {  	vm5 =	vlt.s32 v2, $0x17F  }
0x14c: {  	v4 =	vnsel vm5, $0x17F, v2  }
0x14d: {  	vm5 =	vgt.s32 v33, $0x0;
	v7 =	vmul.f32 v3, v0;
	v0 =	vimm.s32 $0x0  }
0x14e: {  	vm6 =	vgt.s32 v31, $0x0;
	v0 =	vsel vm5, $0xFFFFFFFF, v0  }
0x14f: {  	v27 =	vnsel vm6, $0x0, v31;
	vm6 =	vgt.s32 v40, $0xFFFFFFFF;
	[tilespmem:$0x1FA40] =	vst v0;
	v0 =	vimm.s32 $0x0  }
0x150: {  	v0 =	vsel vm6, $0xFFFFFFFF, v0  }
0x151: {  	vm7 =	vgt.s32 v28, $0xFFFFFFFF;
	[tilespmem:$0x1FA90] =	vst v0;
	v0 =	vimm.s32 $0x0  }
0x152: {  	v0 =	vsel vm7, $0xFFFFFFFF, v0  }
0x153: {  	vm8 =	vgt.s32 v40, $0x0;
	[tilespmem:$0x1FA80] =	vst v0;
	v0 =	vimm.s32 $0x0  }
0x154: {  	v0 =	vsel vm8, $0xFFFFFFFF, v0  }
0x155: {  	vm4 =	vgt.s32 v46, $0xFFFFFFFF;
	[tilespmem:$0x1FA70] =	vst v0;
	v0 =	vimm.s32 $0x0  }
0x156: {  	v0 =	vsel vm4, $0xFFFFFFFF, v0  }
0x157: {  	vm5 =	vgt.s32 v25, $0xFFFFFFFF;
	[tilespmem:$0x1FAC0] =	vst v0;
	v0 =	vimm.s32 $0x0  }
0x158: {  	v0 =	vsel vm5, $0xFFFFFFFF, v0  }
0x159: {  	vm8 =	vgt.s32 v46, $0x0;
	[tilespmem:$0x1FAB0] =	vst v0;
	v0 =	vimm.s32 $0x0  }
0x15a: {  	v0 =	vsel vm8, $0xFFFFFFFF, v0  }
0x15b: {  	vm5 =	vgt.s32 v49, $0xFFFFFFFF;
	[tilespmem:$0x1FAA0] =	vst v0;
	v0 =	vimm.s32 $0x0  }
0x15c: {  	v0 =	vsel vm5, $0xFFFFFFFF, v0  }
0x15d: {  	vm8 =	vgt.s32 v24, $0xFFFFFFFF;
	[tilespmem:$0x1FAF0] =	vst v0;
	v0 =	vimm.s32 $0x0  }
0x15e: {  	v0 =	vsel vm8, $0xFFFFFFFF, v0  }
0x15f: {  	vm8 =	vgt.s32 v49, $0x0;
	[tilespmem:$0x1FAE0] =	vst v0;
	v0 =	vimm.s32 $0x0  }
0x160: {  	v0 =	vsel vm8, $0xFFFFFFFF, v0  }
0x161: {  	vm8 =	vgt.s32 v50, $0xFFFFFFFF;
	[tilespmem:$0x1FAD0] =	vst v0;
	v0 =	vimm.s32 $0x0  }
0x162: {  	v0 =	vsel vm8, $0xFFFFFFFF, v0  }
0x163: {  	vm8 =	vgt.s32 v21, $0xFFFFFFFF;
	[tilespmem:$0x1FB20] =	vst v0;
	v0 =	vimm.s32 $0x0  }
0x164: {  	v0 =	vsel vm8, $0xFFFFFFFF, v0  }
0x165: {  	vm0 =	vgt.s32 v34, $0x0;
	vm8 =	vgt.s32 v50, $0x0;
	[tilespmem:$0x1FB10] =	vst v0;
	v0 =	vimm.s32 $0x0  }
0x166: {  	v22 =	vnsel vm0, $0x0, v34;
	v8 =	vld [tilespmem:$0x1F950];
	v0 =	vsel vm8, $0xFFFFFFFF, v0  }
0x167: {  	vm0 =	vlt.s32 v21, $0x17F;
	vm8 =	vgt.s32 v52, $0xFFFFFFFF;
	[tilespmem:$0x1FB00] =	vst v0;
	v0 =	vimm.s32 $0x0  }
0x168: {  	v55 =	vmul.f32 v20, v36;
	v20 =	vor.u32 v50, v21;
	v21 =	vld [tilespmem:$0x1F960];
	v0 =	vsel vm8, $0xFFFFFFFF, v0  }
0x169: {  	vm8 =	vgt.s32 v54, $0x0;
	[tilespmem:$0x1FB40] =	vst v0;
	v0 =	vimm.s32 $0x0  }
0x16a: {  	v59 =	vmul.f32 v41, v38;
	v38 =	vld [tilespmem:$0x1F970];
	v0 =	vsel vm8, $0xFFFFFFFF, v0  }
0x16b: {  	vm8 =	vlt.s32 v8, $0x17F;
	[tilespmem:$0x1FB30] =	vst v0;
	v0 =	vimm.s32 $0x0  }
0x16c: {  	v42 =	vld [tilespmem:$0x1F980];
	v0 =	vsel vm8, $0xFFFFFFFF, v0  }
0x16d: {  	v10 =	vld [tilespmem:$0x1FFF0];
	vm8 =	vlt.s32 v21, $0x17F;
	[tilespmem:$0x1FB60] =	vst v0;
	v0 =	vimm.s32 $0x0  }
0x16e: {  	v43 =	vld [tilespmem:$0x1F990];
	v0 =	vsel vm8, $0xFFFFFFFF, v0  }
0x16f: {  	vm10 =	vlt.s32 v13, $0x17F;
	vm8 =	vlt.s32 v38, $0x17F;
	[tilespmem:$0x1FB70] =	vst v0;
	v0 =	vimm.s32 $0x0  }
0x170: {  	v2 =	vnsel vm10, $0x17F, v13;
	v13 =	vmul.u32 $0x180, v22;
	v44 =	vld [tilespmem:$0x1F9A0];
	v0 =	vsel vm8, $0xFFFFFFFF, v0  }
0x171: {  	vm8 =	vlt.s32 v42, $0x17F;
	[tilespmem:$0x1FB80] =	vst v0;
	v0 =	vimm.s32 $0x0  }
0x172: {  	v6 =	vadd.s32 v10, v13;
	v13 =	vld [tilespmem:$0x1F9B0];
	v0 =	vsel vm8, $0xFFFFFFFF, v0  }
0x173: {  	vm8 =	vlt.s32 v43, $0x17F;
	[tilespmem:$0x1FB90] =	vst v0;
	v0 =	vimm.s32 $0x0  }
0x174: {  	v0 =	vsel vm8, $0xFFFFFFFF, v0  }
0x175: {  	vm8 =	vlt.s32 v44, $0x17F;
	[tilespmem:$0x1FBA0] =	vst v0;
	v0 =	vimm.s32 $0x0  }
0x176: {  	v0 =	vsel vm8, $0xFFFFFFFF, v0  }
0x177: {  	vm8 =	vlt.s32 v13, $0x17F;
	[tilespmem:$0x1FBB0] =	vst v0;
	v0 =	vimm.s32 $0x0  }
0x178: {  	v58 =	vmul.f32 v53, v26;
	v0 =	vsel vm8, $0xFFFFFFFF, v0  }
0x179: {  	v53 =	vmul.f32 v18, v61;
	v61 =	vmul.f32 v17, v62;
	[tilespmem:$0x1FBE0] =	vst v0;
	v0 =	vld [tilespmem:$0x1F9C0]  }
0x17a: {  	v17 =	vor.u32 v46, v25;
	vm4 =	vlt.s32 v25, $0x17F;
	v25 =	vadd.s32 v10, v1;
	v1 =	vld [tilespmem:$0x1F9E0];
	_ =	sdelay $0x1  }
0x17b: {  	v19 =	vmul.u32 $0x180, v27  }
0x17c: {  	v27 =	vmul.u32 $0x180, v2;
	v2 =	vor.u32 v47, v34;
	v9 =	vor.u32 v45, v32  }
0x17d: {  	vm13 =	vlt.s32 v32, $0x17F;
	v3 =	vimm.s32 $0x0;
	vm8 =	vlt.s32 v0, $0x17F  }
0x17e: {  	v32 =	vadd.s32 v10, v48;
	v3 =	vsel vm8, $0xFFFFFFFF, v3;
	vm8 =	vnez.u8 v1  }
0x17f: {  	v1 =	vimm.s32 $0x0;
	v48 =	vnsel vm8, $0x0, v47;
	vm8 =	vgt.s32 v2, $0xFFFFFFFF  }
0x180: {  	v1 =	vsel vm8, $0xFFFFFFFF, v1  }
0x181: {  	[tilespmem:$0x1FBD0] =	vst v1;
	v1 =	vld [tilespmem:$0x1F9F0];
	_ =	sdelay $0x4  }
0x182: {  	vm10 =	vlt.s32 v47, $0x17F;
	vm8 =	vnez.u8 v1  }
0x183: {  	v1 =	vimm.s32 $0x0;
	vm8 =	vmand vm10, vm8  }
0x184: {  	v1 =	vsel vm8, $0xFFFFFFFF, v1  }
0x185: {  	[tilespmem:$0x1FC10] =	vst v1;
	v1 =	vld [tilespmem:$0x1FA00];
	_ =	sdelay $0x4  }
0x186: {  	vm9 =	vlt.s32 v34, $0x17F;
	vm8 =	vnez.u8 v1  }
0x187: {  	v1 =	vimm.s32 $0x0;
	vm8 =	vmand vm8, vm9  }
0x188: {  	v1 =	vsel vm8, $0xFFFFFFFF, v1  }
0x189: {  	vm8 =	vmand vm10, vm9;
	[tilespmem:$0x1FC30] =	vst v1;
	v1 =	vimm.s32 $0x0  }
0x18a: {  	v1 =	vsel vm8, $0xFFFFFFFF, v1  }
0x18b: {  	[tilespmem:$0x1FDC0] =	vst v1;
	v1 =	vld [tilespmem:$0x1FA10];
	_ =	sdelay $0x4  }
0x18c: {  	v57 =	vmul.f32 v60, v57;
	vm8 =	vnez.u8 v1  }
0x18d: {  	v1 =	vimm.s32 $0x0;
	v60 =	vnsel vm8, $0x0, v45;
	vm8 =	vgt.s32 v9, $0xFFFFFFFF  }
0x18e: {  	v1 =	vsel vm8, $0xFFFFFFFF, v1  }
0x18f: {  	[tilespmem:$0x1FC50] =	vst v1;
	v1 =	vld [tilespmem:$0x1FA20];
	_ =	sdelay $0x4  }
0x190: {  	vm12 =	vlt.s32 v45, $0x17F;
	vm8 =	vnez.u8 v1  }
0x191: {  	v1 =	vimm.s32 $0x0;
	vm8 =	vmand vm12, vm8  }
0x192: {  	v1 =	vsel vm8, $0xFFFFFFFF, v1  }
0x193: {  	[tilespmem:$0x1FC70] =	vst v1;
	v1 =	vld [tilespmem:$0x1FA30];
	_ =	sdelay $0x4  }
0x194: {  	vm8 =	vnez.u8 v1  }
0x195: {  	v1 =	vimm.s32 $0x0;
	vm8 =	vmand vm8, vm13  }
0x196: {  	v1 =	vsel vm8, $0xFFFFFFFF, v1  }
0x197: {  	vm13 =	vmand vm12, vm13;
	[tilespmem:$0x1FC90] =	vst v1;
	v1 =	vimm.s32 $0x0  }
0x198: {  	v1 =	vsel vm13, $0xFFFFFFFF, v1  }
0x199: {  	[tilespmem:$0x1FDD0] =	vst v1;
	v1 =	vld [tilespmem:$0x1FA40];
	_ =	sdelay $0x3  }
0x19a: {  	v62 =	vmul.f32 v14, v16;
	v14 =	vor.u32 v33, v31  }
0x19b: {  	vm13 =	vgt.s32 v14, $0xFFFFFFFF;
	vm12 =	vnez.u8 v1;
	v1 =	vimm.s32 $0x0  }
0x19c: {  	vm14 =	vlt.s32 v31, $0x17F;
	v31 =	vadd.s32 v10, v11;
	v11 =	vld [tilespmem:$0x1F9D0];
	v1 =	vsel vm13, $0xFFFFFFFF, v1  }
0x19d: {  	[tilespmem:$0x1FCB0] =	vst v1;
	v1 =	vld [tilespmem:$0x1FA50];
	_ =	sdelay $0x3  }
0x19e: {  	vm11 =	vlt.s32 v33, $0x17F  }
0x19f: {  	v39 =	vadd.s32 v10, v11;
	v11 =	vnsel vm12, $0x0, v33;
	vm12 =	vnez.u8 v1  }
0x1a0: {  	v1 =	vimm.s32 $0x0;
	vm8 =	vmand vm11, vm12  }
0x1a1: {  	v1 =	vsel vm8, $0xFFFFFFFF, v1  }
0x1a2: {  	[tilespmem:$0x1FCD0] =	vst v1;
	v1 =	vld [tilespmem:$0x1FA60];
	_ =	sdelay $0x4  }
0x1a3: {  	vm13 =	vnez.u8 v1  }
0x1a4: {  	v1 =	vimm.s32 $0x0;
	vm8 =	vmand vm13, vm14  }
0x1a5: {  	v1 =	vsel vm8, $0xFFFFFFFF, v1  }
0x1a6: {  	vm12 =	vmand vm11, vm14;
	[tilespmem:$0x1FCF0] =	vst v1;
	v1 =	vimm.s32 $0x0  }
0x1a7: {  	v1 =	vsel vm12, $0xFFFFFFFF, v1  }
0x1a8: {  	[tilespmem:$0x1FDF0] =	vst v1;
	v1 =	vld [tilespmem:$0x1FA70];
	_ =	sdelay $0x4  }
0x1a9: {  	vm13 =	vnez.u8 v1;
	v1 =	vld [tilespmem:$0x1FA80];
	_ =	sdelay $0x4  }
0x1aa: {  	vm14 =	vnez.u8 v1;
	v1 =	vld [tilespmem:$0x1FA90];
	_ =	sdelay $0x4  }
0x1ab: {  	vm15 =	vlt.s32 v40, $0x17F;
	vm6 =	vlt.s32 v28, $0x17F;
	vm12 =	vnez.u8 v1  }
0x1ac: {  	v1 =	vimm.s32 $0x0;
	vm12 =	vmand vm12, vm6;
	vm6 =	vmand vm15, vm6  }
0x1ad: {  	v1 =	vsel vm6, $0xFFFFFFFF, v1  }
0x1ae: {  	[tilespmem:$0x1FE00] =	vst v1;
	v1 =	vld [tilespmem:$0x1FAA0];
	_ =	sdelay $0x4  }
0x1af: {  	v9 =	vnsel vm13, $0x0, v40;
	vm13 =	vnez.u8 v1;
	v1 =	vld [tilespmem:$0x1FAB0];
	_ =	sdelay $0x4  }
0x1b0: {  	vm14 =	vmand vm15, vm14;
	vm15 =	vnez.u8 v1;
	v1 =	vld [tilespmem:$0x1FAC0];
	_ =	sdelay $0x4  }
0x1b1: {  	vm7 =	vlt.s32 v46, $0x17F;
	vm11 =	vnez.u8 v1  }
0x1b2: {  	v1 =	vimm.s32 $0x0;
	vm11 =	vmand vm11, vm4;
	vm4 =	vmand vm7, vm4  }
0x1b3: {  	v1 =	vsel vm4, $0xFFFFFFFF, v1  }
0x1b4: {  	[tilespmem:$0x1FE10] =	vst v1;
	v1 =	vld [tilespmem:$0x1FAD0];
	_ =	sdelay $0x3  }
0x1b5: {  	v22 =	vmul.u32 $0x180, v4  }
0x1b6: {  	v4 =	vadd.s32 v10, v15;
	v15 =	vnsel vm13, $0x0, v46;
	vm13 =	vnez.u8 v1;
	v1 =	vld [tilespmem:$0x1FAE0];
	_ =	sdelay $0x4  }
0x1b7: {  	vm8 =	vnez.u8 v1;
	v1 =	vld [tilespmem:$0x1FAF0];
	_ =	sdelay $0x1  }
0x1b8: {  	vm2 =	vlt.s32 v51, $0x17F  }
0x1b9: {  	v51 =	vnsel vm2, $0x17F, v51;
	vm2 =	vlt.s32 v24, $0x17F  }
0x1ba: {  	v18 =	vor.u32 v49, v24;
	vm5 =	vlt.s32 v49, $0x17F;
	vm15 =	vmand vm7, vm15  }
0x1bb: {  	v49 =	vnsel vm13, $0x0, v49;
	vm7 =	vmand vm5, vm8;
	vm13 =	vnez.u8 v1  }
0x1bc: {  	v1 =	vimm.s32 $0x0;
	vm8 =	vmand vm13, vm2;
	vm2 =	vmand vm5, vm2  }
0x1bd: {  	v1 =	vsel vm2, $0xFFFFFFFF, v1  }
0x1be: {  	[tilespmem:$0x1FE20] =	vst v1;
	v1 =	vld [tilespmem:$0x1FB00];
	_ =	sdelay $0x4  }
0x1bf: {  	vm5 =	vnez.u8 v1  }
0x1c0: {  	v1 =	vnsel vm5, $0x0, v50  }
0x1c1: {  	[tilespmem:$0x1FE40] =	vst v1;
	v1 =	vld [tilespmem:$0x1FB10];
	_ =	sdelay $0x4  }
0x1c2: {  	vm13 =	vnez.u8 v1;
	v1 =	vld [tilespmem:$0x1FB20];
	_ =	sdelay $0x3  }
0x1c3: {  	vm3 =	vlt.s32 v50, $0x17F  }
0x1c4: {  	vm5 =	vmand vm3, vm13;
	vm13 =	vnez.u8 v1  }
0x1c5: {  	v1 =	vimm.s32 $0x0;
	vm4 =	vmand vm13, vm0;
	vm0 =	vmand vm3, vm0  }
0x1c6: {  	v1 =	vsel vm0, $0xFFFFFFFF, v1  }
0x1c7: {  	[tilespmem:$0x1FE30] =	vst v1;
	v1 =	vld [tilespmem:$0x1FB30];
	_ =	sdelay $0x4  }
0x1c8: {  	vm13 =	vnez.u8 v1  }
0x1c9: {  	v1 =	vnsel vm13, $0x0, v54  }
0x1ca: {  	[tilespmem:$0x1FE90] =	vst v1;
	v1 =	vld [tilespmem:$0x1FB40];
	_ =	sdelay $0x4  }
0x1cb: {  	vm13 =	vnez.u8 v1;
	v1 =	vld [tilespmem:$0x1FB50];
	_ =	sdelay $0x3  }
0x1cc: {  	vm1 =	vlt.s32 v54, $0x17F  }
0x1cd: {  	vm3 =	vmand vm1, vm13;
	vm13 =	vnez.u8 v1;
	v1 =	vld [tilespmem:$0x1FB60];
	_ =	sdelay $0x4  }
0x1ce: {  	vm1 =	vmand vm1, vm13;
	vm13 =	vnez.u8 v1;
	v1 =	vld [tilespmem:$0x1FB70];
	_ =	sdelay $0x4  }
0x1cf: {  	vm6 =	vgt.s32 v18, $0xFFFFFFFF;
	v18 =	vnsel vm13, $0x17F, v8;
	vm13 =	vnez.u8 v1;
	v1 =	vld [tilespmem:$0x1FB80];
	_ =	sdelay $0x4  }
0x1d0: {  	vm9 =	vgt.s32 v17, $0xFFFFFFFF;
	v17 =	vnsel vm13, $0x17F, v21;
	vm13 =	vnez.u8 v1;
	v1 =	vld [tilespmem:$0x1FB90];
	_ =	sdelay $0x4  }
0x1d1: {  	v14 =	vnsel vm13, $0x17F, v38;
	vm13 =	vnez.u8 v1;
	v1 =	vld [tilespmem:$0x1FBA0];
	_ =	sdelay $0x3  }
0x1d2: {  	v16 =	vor.u32 v40, v28  }
0x1d3: {  	vm10 =	vgt.s32 v16, $0xFFFFFFFF;
	v16 =	vnsel vm13, $0x17F, v42;
	vm13 =	vnez.u8 v1;
	v1 =	vld [tilespmem:$0x1FBB0]  }
0x1d4: {  	v2 =	vld [tilespmem:$0x1FBD0];
	_ =	sdelay $0x3  }
0x1d5: {  	v8 =	vnsel vm13, $0x17F, v43;
	vm13 =	vnez.u8 v1;
	v1 =	vld [tilespmem:$0x1FBC0]  }
0x1d6: {  	v34 =	vadd.s32 v10, v35;
	v35 =	vnsel vm13, $0x17F, v44;
	vm13 =	vnez.u8 v2;
	v2 =	vld [tilespmem:$0x1FBE0];
	_ =	sdelay $0x4  }
0x1d7: {  	v1 =	vnsel vm13, $0x0, v1;
	vm13 =	vnez.u8 v2  }
0x1d8: {  	[tilespmem:$0x1FBF0] =	vst v3;
	v2 =	vnsel vm13, $0x17F, v13  }
0x1d9: {  	[tilespmem:$0x1FE60] =	vst v2;
	v2 =	vld [tilespmem:$0x1FBF0];
	_ =	sdelay $0x3  }
0x1da: {  	s26 =	smov.u32 s29  }
0x1db: {  	[tilespmem:s26+$0x1800] =	vst v1;
	v1 =	vld [tilespmem:$0x1FC10];
	vm13 =	vnez.u8 v2  }
0x1dc: {  	v2 =	vnsel vm13, $0x17F, v0;
	v0 =	vld [tilespmem:$0x1FC00];
	_ =	sdelay $0x3  }
0x1dd: {  	vm13 =	vnez.u8 v1;
	[tilespmem:$0x1FE70] =	vst v2;
	v2 =	vld [tilespmem:$0x1FC30]  }
0x1de: {  	v51 =	vmul.u32 $0x180, v51;
	v1 =	vnsel vm13, $0x0, v0;
	v0 =	vld [tilespmem:$0x1FC20]  }
0x1df: {  	v5 =	vadd.s32 v10, v19  }
0x1e0: {  	v41 =	vadd.s32 v10, v51;
	v36 =	vadd.s32 v10, v22;
	v37 =	vadd.s32 v10, v30  }
0x1e1: {  	v26 =	vadd.s32 v10, v63;
	v28 =	vadd.s32 v10, v27;
	v24 =	vadd.s32 v10, v29  }
0x1e2: {  	v3 =	vadd.s32 v10, v23;
	v10 =	vadd.s32 v10, v12;
	v12 =	vld [tilespmem:$0x1FC50];
	vm13 =	vnez.u8 v2  }
0x1e3: {  	v2 =	vnsel vm13, $0x0, v0;
	v0 =	vld [tilespmem:$0x1FC40];
	_ =	sdelay $0x3  }
0x1e4: {  	[tilespmem:s26+$0x1C00] =	vst v1;
	v1 =	vld [tilespmem:$0x1FC70];
	vm13 =	vnez.u8 v12  }
0x1e5: {  	v12 =	vnsel vm13, $0x0, v0;
	v0 =	vld [tilespmem:$0x1FC60];
	_ =	sdelay $0x3  }
0x1e6: {  	v13 =	vld [tilespmem:$0x1FC90];
	vm13 =	vnez.u8 v1  }
0x1e7: {  	v1 =	vnsel vm13, $0x0, v0;
	v0 =	vld [tilespmem:$0x1FC80];
	_ =	sdelay $0x3  }
0x1e8: {  	vm13 =	vnez.u8 v13;
	v13 =	vld [tilespmem:$0x1FCB0]  }
0x1e9: {  	v19 =	vnsel vm13, $0x0, v0;
	v0 =	vld [tilespmem:$0x1FCA0];
	_ =	sdelay $0x3  }
0x1ea: {  	[tilespmem:s26+$0x2000] =	vst v2;
	v2 =	vld [tilespmem:$0x1FCD0];
	vm13 =	vnez.u8 v13  }
0x1eb: {  	vm2 =	vgt.s32 v20, $0xFFFFFFFF;
	v20 =	vnsel vm13, $0x0, v0;
	v0 =	vld [tilespmem:$0x1FCC0];
	_ =	sdelay $0x3  }
0x1ec: {  	vm13 =	vnez.u8 v2;
	v2 =	vld [tilespmem:$0x1FCF0]  }
0x1ed: {  	v22 =	vnsel vm13, $0x0, v0;
	v0 =	vld [tilespmem:$0x1FCE0];
	_ =	sdelay $0x3  }
0x1ee: {  	vm13 =	vnez.u8 v2  }
0x1ef: {  	v29 =	vnsel vm13, $0x0, v0;
	v0 =	vld [tilespmem:$0x1FD00];
	_ =	sdelay $0x4  }
0x1f0: {  	v30 =	vnsel vm10, $0x0, v0;
	v0 =	vld [tilespmem:$0x1FD10];
	_ =	sdelay $0x3  }
0x1f1: {  	v13 =	vld [tilespmem:$0x1FDB0]  }
0x1f2: {  	v33 =	vnsel vm14, $0x0, v0;
	v0 =	vld [tilespmem:$0x1FD20];
	_ =	sdelay $0x3  }
0x1f3: {  	v52 =	vor.u32 v54, v52;
	v54 =	vnsel vm4, $0x0, v13;
	v13 =	vld [tilespmem:$0x1FDC0]  }
0x1f4: {  	v40 =	vnsel vm12, $0x0, v0;
	v0 =	vld [tilespmem:$0x1FD30];
	_ =	sdelay $0x4  }
0x1f5: {  	v51 =	vnsel vm9, $0x0, v0;
	vm9 =	vnez.u8 v13;
	v13 =	vld [tilespmem:$0x1FDD0]  }
0x1f6: {  	v0 =	vld [tilespmem:$0x1FD40];
	_ =	sdelay $0x3  }
0x1f7: {  	vm10 =	vnez.u8 v13;
	v13 =	vld [tilespmem:$0x1FDE0]  }
0x1f8: {  	v63 =	vnsel vm15, $0x0, v0;
	v0 =	vld [tilespmem:$0x1FD50];
	_ =	sdelay $0x3  }
0x1f9: {  	v50 =	vnsel vm3, $0x0, v13;
	v13 =	vld [tilespmem:$0x1FDF0]  }
0x1fa: {  	v27 =	vnsel vm11, $0x0, v0;
	v0 =	vld [tilespmem:$0x1FD60];
	_ =	sdelay $0x3  }
0x1fb: {  	vm11 =	vnez.u8 v13;
	v13 =	vld [tilespmem:$0x1FE00]  }
0x1fc: {  	v23 =	vnsel vm6, $0x0, v0;
	v0 =	vld [tilespmem:$0x1FD70];
	_ =	sdelay $0x3  }
0x1fd: {  	vm12 =	vnez.u8 v13;
	v13 =	vld [tilespmem:$0x1FE10]  }
0x1fe: {  	v2 =	vnsel vm7, $0x0, v0;
	v0 =	vld [tilespmem:$0x1FD80];
	_ =	sdelay $0x3  }
0x1ff: {  	vm13 =	vnez.u8 v13;
	v13 =	vld [tilespmem:$0x1FE20]  }
0x200: {  	[tilespmem:s26+$0x1810] =	vst v12;
	v12 =	vnsel vm8, $0x0, v0;
	v0 =	vld [tilespmem:$0x1FD90]  }
0x201: {  	[tilespmem:s26+$0x1C10] =	vst v1  }
0x202: {  	vm0 =	vgt.s32 v52, $0xFFFFFFFF;
	[tilespmem:s26+$0x1C20] =	vst v22  }
0x203: {  	v46 =	vnsel vm0, $0x0, v56;
	[tilespmem:s26+$0x2020] =	vst v29  }
0x204: {  	v22 =	vadd.s32 v9, v4;
	v29 =	vadd.s32 v14, v5;
	[tilespmem:s26+$0x1830] =	vst v30;
	vm14 =	vnez.u8 v13;
	v13 =	vld [tilespmem:$0x1FE30]  }
0x205: {  	v30 =	vadd.s32 v15, v3;
	[tilespmem:s26+$0x1C30] =	vst v33;
	v33 =	vadd.s32 v16, v4;
	v1 =	vnsel vm2, $0x0, v0;
	v0 =	vld [tilespmem:$0x1FDA0]  }
0x206: {  	p0 =	sne.s32 s1, $0xE00;
	[tilespmem:s26+$0x2010] =	vst v19;
	v4 =	vadd.s32 v8, v3;
	v45 =	vnsel vm9, $0x0, v59;
	v19 =	vnsel vm10, $0x0, v55  }
.Ltmp0:
0x207: {  	[tilespmem:s26+$0x1820] =	vst v20;
	v55 =	vadd.s32 v48, v6;
	v59 =	vnsel vm11, $0x0, v58;
	v58 =	vnsel vm12, $0x0, v57;
	(pc) =	sbr.rel @p0 .LBB2_3-.Ltmp0, $4  }
0x208: {  	v52 =	vnsel vm13, $0x0, v53;
	v53 =	vadd.s32 v18, v6;
	v6 =	vmovc v11;
	v11 =	vmovc v49;
	v49 =	vadd.s32 v60, v26  }
0x209: {  	[tilespmem:s26+$0x1C40] =	vst v63;
	v43 =	vadd.s32 v6, v5;
	v63 =	vadd.s32 v11, v24;
	vm15 =	vnez.u8 v13  }
0x20a: {  	[tilespmem:s26+$0x2030] =	vst v40;
	v47 =	vnsel vm14, $0x0, v61;
	v0 =	vnsel vm5, $0x0, v0;
	v38 =	vnsel vm15, $0x0, v62;
	v62 =	vmovc v35  }
0x20b: {  	s29 =	sshra.s32 s1, $0x2;
	s1 =	sadd.s32 $0x200, s1;
	[tilespmem:s26+$0x1840] =	vst v51;
	v35 =	vnsel vm1, $0x0, v7;
	v7 =	vmovc v48;
	v48 =	vadd.s32 v17, v26;
	v42 =	vadd.s32 v62, v24  }
0x20c: {  	v3 =	vld [tilespmem:s29+$0x70];
	[tilespmem:s26+$0x2040] =	vst v27  }
0x20d: {  	[tilespmem:$0x1F730] =	vst v6  }
0x20e: {  	[tilespmem:$0x1F710] =	vst v7  }
0x20f: {  	v5 =	vld [tilespmem:s29+$0x0];
	[tilespmem:s26+$0x1850] =	vst v23  }
0x210: {  	v6 =	vld [tilespmem:s29+$0x470];
	[tilespmem:s26+$0x1C50] =	vst v2  }
0x211: {  	v2 =	vld [tilespmem:s29+$0x400];
	[tilespmem:s26+$0x2050] =	vst v12  }
0x212: {  	v7 =	vld [tilespmem:s29+$0x10];
	[tilespmem:s26+$0x1860] =	vst v1  }
0x213: {  	v1 =	vld [tilespmem:s29+$0x410];
	[tilespmem:s26+$0x1C60] =	vst v0;
	v3 =	vadd.f32 $1.000000000e+00, v3  }
0x214: {  	v0 =	vld [tilespmem:s29+$0x20]  }
0x215: {  	[tilespmem:s26+$0x2060] =	vst v54;
	v5 =	vadd.f32 $1.000000000e+00, v5;
	v3 =	vmul.f32 $3.840000000e+02, v3  }
0x216: {  	v12 =	vld [tilespmem:s29+$0x420];
	[tilespmem:s26+$0x1870] =	vst v46;
	v6 =	vadd.f32 $1.000000000e+00, v6;
	v2 =	vadd.f32 $1.000000000e+00, v2  }
0x217: {  	v20 =	vld [tilespmem:s29+$0x30];
	[tilespmem:s26+$0x1C70] =	vst v50;
	v5 =	vmul.f32 $3.840000000e+02, v5;
	v3 =	vadd.f32 $-1.000000000e+00, v3;
	v7 =	vadd.f32 $1.000000000e+00, v7  }
0x218: {  	v23 =	vld [tilespmem:s29+$0x430];
	v6 =	vmul.f32 $3.840000000e+02, v6;
	[tilespmem:s26+$0x2400] =	vst v45;
	v1 =	vadd.f32 $1.000000000e+00, v1;
	v2 =	vmul.f32 $3.840000000e+02, v2  }
0x219: {  	v24 =	vld [tilespmem:s29+$0x40];
	v5 =	vadd.f32 $-1.000000000e+00, v5;
	v3 =	vmul.f32 $5.000000000e-01, v3;
	v0 =	vadd.f32 $1.000000000e+00, v0  }
0x21a: {  	v6 =	vadd.f32 $-1.000000000e+00, v6;
	v7 =	vmul.f32 $3.840000000e+02, v7;
	v1 =	vmul.f32 $3.840000000e+02, v1  }
0x21b: {  	[tilespmem:s26+$0x2410] =	vst v19;
	v12 =	vadd.f32 $1.000000000e+00, v12;
	v2 =	vadd.f32 $-1.000000000e+00, v2;
	v5 =	vmul.f32 $5.000000000e-01, v5  }
0x21c: {  	v26 =	vld [tilespmem:s29+$0x440];
	v50 =	vadd.f32 $1.000000000e+00, v3;
	v20 =	vadd.f32 $1.000000000e+00, v20;
	v6 =	vmul.f32 $5.000000000e-01, v6  }
0x21d: {  	v0 =	vmul.f32 $3.840000000e+02, v0;
	v23 =	vadd.f32 $1.000000000e+00, v23;
	v12 =	vmul.f32 $3.840000000e+02, v12  }
0x21e: {  	v1 =	vadd.f32 $-1.000000000e+00, v1;
	v19 =	vtrunc.f32 v50;
	v54 =	vadd.f32 $1.000000000e+00, v24  }
0x21f: {  	v56 =	vadd.f32 $1.000000000e+00, v6;
	v20 =	vmul.f32 $3.840000000e+02, v20;
	v51 =	vcvt.f32.s32 v19  }
0x220: {  	v0 =	vadd.f32 $-1.000000000e+00, v0;
	v23 =	vmul.f32 $3.840000000e+02, v23;
	v45 =	vmul.f32 $5.000000000e-01, v1  }
0x221: {  	v26 =	vadd.f32 $1.000000000e+00, v26;
	v24 =	vtrunc.f32 v56;
	v19 =	vmul.f32 $3.840000000e+02, v54  }
0x222: {  	v20 =	vadd.f32 $-1.000000000e+00, v20;
	v50 =	vadd.s32 $0xFFFFFFFF, v51;
	v13 =	vcvt.f32.s32 v24  }
0x223: {  	v57 =	vmul.f32 $3.840000000e+02, v26;
	v23 =	vadd.f32 $-1.000000000e+00, v23;
	v26 =	vmul.f32 $5.000000000e-01, v2  }
0x224: {  	[tilespmem:$0x1F8B0] =	vst v51;
	v51 =	vmul.f32 $5.000000000e-01, v0;
	v27 =	vcvt.s32.f32 v50;
	v19 =	vadd.f32 $-1.000000000e+00, v19  }
0x225: {  	v56 =	vmul.f32 $5.000000000e-01, v20;
	vm1 =	vgt.s32 v50, $0xFFFFFFFF;
	v0 =	vadd.f32 $-1.000000000e+00, v57  }
0x226: {  	v61 =	vadd.s32 $0xFFFFFFFF, v13;
	v24 =	vadd.f32 $1.000000000e+00, v51;
	v40 =	vsub.f32 v3, v27  }
0x227: {  	v23 =	vmul.f32 $5.000000000e-01, v23;
	v3 =	vadd.f32 $-1.000000000e+00, v7;
	v7 =	vadd.f32 $-1.000000000e+00, v12  }
0x228: {  	[tilespmem:$0x1F720] =	vst v60;
	v60 =	vcvt.s32.f32 v61;
	v21 =	vmul.f32 $5.000000000e-01, v19;
	v12 =	vadd.f32 $1.000000000e+00, v56  }
0x229: {  	vm0 =	vlt.s32 v61, $0x17F;
	v27 =	vmul.f32 $5.000000000e-01, v0;
	v19 =	vadd.f32 $1.000000000e+00, v23  }
0x22a: {  	v44 =	vmul.f32 $5.000000000e-01, v3;
	v3 =	vadd.f32 $1.000000000e+00, v5;
	v54 =	vmul.f32 $5.000000000e-01, v7  }
0x22b: {  	[tilespmem:$0x1F760] =	vst v21;
	v46 =	vsub.f32 v6, v60;
	v60 =	vadd.f32 $1.000000000e+00, v21;
	v21 =	vtrunc.f32 v12  }
0x22c: {  	v19 =	vtrunc.f32 v19;
	v1 =	vtrunc.f32 v3;
	v3 =	vadd.f32 $1.000000000e+00, v26  }
0x22d: {  	[tilespmem:$0x1F750] =	vst v23;
	v6 =	vadd.f32 $1.000000000e+00, v54;
	v23 =	vtrunc.f32 v60;
	v60 =	vsub.f32 $1.000000000e+00, v40  }
0x22e: {  	[tilespmem:$0x1F7A0] =	vst v40;
	v40 =	vcvt.f32.s32 v21;
	v2 =	vcvt.f32.s32 v1;
	v1 =	vadd.f32 $1.000000000e+00, v44  }
0x22f: {  	v0 =	vtrunc.f32 v3;
	v3 =	vadd.f32 $1.000000000e+00, v45;
	v6 =	vtrunc.f32 v6  }
0x230: {  	v7 =	vadd.s32 $0xFFFFFFFF, v2;
	v1 =	vtrunc.f32 v1;
	v0 =	vcvt.f32.s32 v0  }
0x231: {  	vm1 =	vmand vm1, vm0;
	v6 =	vcvt.f32.s32 v6;
	v57 =	vcvt.s32.f32 v7  }
0x232: {  	[tilespmem:$0x1F770] =	vst v27;
	v27 =	vadd.f32 $1.000000000e+00, v27;
	v3 =	vtrunc.f32 v3;
	v12 =	vcvt.f32.s32 v1  }
0x233: {  	vm13 =	vgt.s32 v7, $0xFFFFFFFF;
	v20 =	vadd.s32 $0xFFFFFFFF, v0;
	v1 =	vcvt.f32.s32 v3  }
0x234: {  	[tilespmem:$0x1F900] =	vst v13;
	v3 =	vimm.s32 $0x0;
	vm8 =	vlt.s32 v0, $0x17F;
	v13 =	vsub.f32 v5, v57  }
0x235: {  	[tilespmem:$0x1F780] =	vst v46;
	v5 =	vtrunc.f32 v24;
	v24 =	vtrunc.f32 v27;
	v3 =	vsel vm0, $0xFFFFFFFF, v3  }
0x236: {  	[tilespmem:$0x1F7F0] =	vst v2;
	vm5 =	vgt.s32 v20, $0x0;
	v0 =	vnsel vm8, $0x17F, v0;
	v27 =	vadd.s32 $0xFFFFFFFF, v12  }
0x237: {  	[tilespmem:$0x1F810] =	vst v12;
	vm3 =	vgt.s32 v20, $0xFFFFFFFF;
	vm4 =	vlt.s32 v20, $0x17F;
	v2 =	vcvt.f32.s32 v5  }
0x238: {  	v12 =	vadd.s32 $0xFFFFFFFF, v6;
	[tilespmem:$0x1F7D0] =	vst v3;
	v3 =	vmul.f32 v60, v46;
	v5 =	vcvt.f32.s32 v19  }
0x239: {  	[tilespmem:$0x1F790] =	vst v60;
	v46 =	vcvt.f32.s32 v23;
	vm2 =	vlt.s32 v1, $0x17F;
	v60 =	vadd.s32 $0xFFFFFFFF, v1  }
0x23a: {  	[tilespmem:s26+$0x2420] =	vst v59;
	vm12 =	vgt.s32 v27, $0xFFFFFFFF;
	vm7 =	vlt.s32 v27, $0x17F;
	vm11 =	vgt.s32 v12, $0xFFFFFFFF  }
0x23b: {  	[tilespmem:$0x1F860] =	vst v40;
	v19 =	vadd.s32 $0xFFFFFFFF, v40;
	vm6 =	vlt.s32 v12, $0x17F;
	vm13 =	vmand vm13, vm4  }
0x23c: {  	[tilespmem:$0x1F8A0] =	vst v0;
	v0 =	vnsel vm2, $0x17F, v1;
	vm2 =	vlt.s32 v7, $0x17F;
	vm14 =	vgt.s32 v60, $0xFFFFFFFF  }
0x23d: {  	[tilespmem:$0x1F8C0] =	vst v6;
	vm9 =	vlt.s32 v60, $0x17F;
	vm8 =	vlt.s32 v19, $0x17F;
	v3 =	vnsel vm1, $0x0, v3  }
0x23e: {  	[tilespmem:$0x1F840] =	vst v2;
	v23 =	vadd.s32 $0xFFFFFFFF, v2;
	vm1 =	vgt.s32 v19, $0xFFFFFFFF;
	vm15 =	vmand vm2, vm3  }
0x23f: {  	[tilespmem:$0x1F8D0] =	vst v0;
	v1 =	vadd.s32 $0xFFFFFFFF, v5;
	vm2 =	vmand vm2, vm4;
	v0 =	vimm.s32 $0x0  }
0x240: {  	[tilespmem:$0x1F8E0] =	vst v5;
	vm14 =	vmand vm7, vm14;
	vm12 =	vmand vm12, vm9;
	vm3 =	vmand vm7, vm9  }
0x241: {  	[tilespmem:$0x1F880] =	vst v46;
	vm10 =	vgt.s32 v23, $0xFFFFFFFF;
	vm0 =	vlt.s32 v23, $0x17F;
	v0 =	vsel vm2, $0xFFFFFFFF, v0  }
0x242: {  	v5 =	vld [tilespmem:s29+$0x50];
	[tilespmem:s26+$0x2430] =	vst v58;
	vm2 =	vgt.s32 v1, $0xFFFFFFFF;
	vm9 =	vlt.s32 v1, $0x17F;
	vm11 =	vmand vm0, vm11  }
0x243: {  	[tilespmem:$0x1F740] =	vst v3;
	vm10 =	vmand vm10, vm6;
	vm4 =	vmand vm0, vm6;
	vm0 =	vgt.s32 v60, $0x0  }
0x244: {  	[tilespmem:$0x1F7B0] =	vst v0;
	vm7 =	vmand vm8, vm2;
	vm6 =	vmand vm1, vm9;
	v0 =	vnsel vm5, $0x0, v20  }
0x245: {  	vm2 =	vmand vm8, vm9;
	vm9 =	vgt.s32 v12, $0x0;
	[tilespmem:$0x1F7C0] =	vst v0;
	v0 =	vnsel vm0, $0x0, v60  }
0x246: {  	v57 =	vcvt.s32.f32 v20;
	v3 =	vcvt.f32.s32 v24;
	[tilespmem:$0x1F7E0] =	vst v0;
	v0 =	vnsel vm9, $0x0, v12  }
0x247: {  	v6 =	vor.u32 v7, v20;
	vm8 =	vgt.s32 v1, $0x0;
	vm9 =	vgt.s32 v7, $0x0;
	[tilespmem:$0x1F800] =	vst v0  }
0x248: {  	v24 =	vadd.s32 $0xFFFFFFFF, v3;
	v0 =	vnsel vm8, $0x0, v1;
	v59 =	vnsel vm9, $0x0, v7;
	v7 =	vld [tilespmem:s29+$0x450];
	[tilespmem:s26+$0x2440] =	vst v52  }
0x249: {  	vm0 =	vgt.s32 v24, $0x0;
	[tilespmem:$0x1F820] =	vst v0  }
0x24a: {  	v57 =	vsub.f32 v26, v57;
	vm8 =	vgt.s32 v27, $0x0;
	v0 =	vnsel vm0, $0x0, v24;
	v20 =	vld [tilespmem:s29+$0x60];
	[tilespmem:s26+$0x2450] =	vst v47  }
0x24b: {  	v26 =	vadd.s32 $0xFFFFFFFF, v46;
	vm0 =	vgt.s32 v23, $0x0;
	[tilespmem:$0x1F850] =	vst v0;
	v0 =	vnsel vm8, $0x0, v27  }
0x24c: {  	v58 =	vnsel vm0, $0x0, v23;
	vm0 =	vgt.s32 v26, $0x0;
	[tilespmem:$0x1F830] =	vst v0  }
0x24d: {  	v2 =	vnsel vm0, $0x0, v26;
	vm0 =	vgt.s32 v6, $0xFFFFFFFF;
	v6 =	vld [tilespmem:s29+$0x460];
	[tilespmem:s26+$0x2460] =	vst v38  }
0x24e: {  	[tilespmem:s26+$0x2470] =	vst v35  }
0x24f: {  	[tilespmem:s26+$0x800] =	vst v55  }
0x250: {  	[tilespmem:s26+$0xC00] =	vst v53  }
0x251: {  	[tilespmem:s26+$0x810] =	vst v49  }
0x252: {  	v18 =	vadd.s32 v18, v41;
	v62 =	vadd.s32 v62, v25;
	[tilespmem:s26+$0xC10] =	vst v48  }
0x253: {  	v46 =	vsub.f32 $1.000000000e+00, v13;
	v40 =	vsub.f32 $1.000000000e+00, v57;
	vm1 =	vlt.s32 v26, $0x17F;
	[tilespmem:s26+$0x820] =	vst v43  }
0x254: {  	vm5 =	vgt.s32 v19, $0x0;
	vm9 =	vgt.s32 v24, $0xFFFFFFFF;
	v5 =	vadd.f32 $1.000000000e+00, v5;
	[tilespmem:s26+$0xC20] =	vst v29  }
0x255: {  	v47 =	vadd.s32 v9, v32;
	v32 =	vadd.s32 v16, v32;
	vm8 =	vmand vm1, vm9;
	[tilespmem:s26+$0x830] =	vst v22  }
0x256: {  	vm9 =	vgt.s32 v26, $0xFFFFFFFF;
	v5 =	vmul.f32 $3.840000000e+02, v5;
	v0 =	vnsel vm5, $0x0, v19;
	v38 =	vld [tilespmem:$0x1FE60];
	[tilespmem:s26+$0xC30] =	vst v33  }
0x257: {  	v35 =	vadd.s32 v15, v28;
	v28 =	vadd.s32 v8, v28;
	v8 =	vld [tilespmem:$0x1F740];
	[tilespmem:$0x1F870] =	vst v0;
	v0 =	vmul.f32 v40, v46  }
0x258: {  	vm5 =	vlt.s32 v24, $0x17F;
	[tilespmem:$0x1F890] =	vst v2;
	v2 =	vld [tilespmem:$0x1F720];
	v5 =	vadd.f32 $-1.000000000e+00, v5;
	v7 =	vadd.f32 $1.000000000e+00, v7  }
0x259: {  	v55 =	vadd.s32 v11, v25;
	[tilespmem:s26+$0x840] =	vst v30;
	vm9 =	vmand vm9, vm5;
	v52 =	vnsel vm0, $0x0, v0;
	v0 =	vld [tilespmem:$0x1F710]  }
0x25a: {  	[tilespmem:s26+$0xC40] =	vst v4;
	v11 =	vadd.f32 $1.000000000e+00, v20;
	v21 =	vmul.f32 $5.000000000e-01, v5;
	v7 =	vmul.f32 $3.840000000e+02, v7  }
0x25b: {  	[tilespmem:s26+$0x850] =	vst v63;
	v53 =	vadd.s32 v38, v31;
	v25 =	vadd.f32 $1.000000000e+00, v6;
	v6 =	vcvt.s32.f32 v27  }
0x25c: {  	v48 =	vadd.s32 v38, v37;
	v11 =	vmul.f32 $3.840000000e+02, v11;
	v38 =	vcvt.s32.f32 v23;
	[tilespmem:s29+$0x2070] =	vst v8  }
0x25d: {  	v9 =	vld [tilespmem:$0x1FE40];
	v4 =	vadd.f32 $1.000000000e+00, v21;
	[tilespmem:s26+$0xC60] =	vst v53;
	v53 =	vcvt.s32.f32 v24;
	v29 =	vmul.f32 $3.840000000e+02, v25  }
0x25e: {  	v11 =	vadd.f32 $-1.000000000e+00, v11;
	v0 =	vadd.s32 v0, v41;
	v41 =	vadd.s32 v2, v36;
	v2 =	vld [tilespmem:$0x1F730]  }
0x25f: {  	[tilespmem:s26+$0xC50] =	vst v42;
	v42 =	vmul.f32 v46, v57;
	v6 =	vsub.f32 v44, v6;
	v25 =	vsub.f32 v51, v38  }
0x260: {  	v4 =	vtrunc.f32 v4;
	v15 =	vadd.f32 $-1.000000000e+00, v29;
	v38 =	vmul.f32 $5.000000000e-01, v11  }
0x261: {  	v51 =	vcvt.s32.f32 v26;
	v36 =	vadd.s32 v17, v36;
	v30 =	vcvt.f32.s32 v4;
	[tilespmem:s26+$0x1000] =	vst v0;
	v0 =	vld [tilespmem:$0x1F760]  }
0x262: {  	v11 =	vcvt.s32.f32 v12;
	v15 =	vmul.f32 $5.000000000e-01, v15;
	v43 =	vadd.f32 $1.000000000e+00, v38  }
0x263: {  	v17 =	vadd.s32 v2, v34;
	v2 =	vadd.s32 v9, v31;
	v31 =	vadd.s32 v9, v37;
	v9 =	vld [tilespmem:$0x1FE90]  }
0x264: {  	[tilespmem:$0x1F8F0] =	vst v3;
	v49 =	vld [tilespmem:$0x1FE70];
	v11 =	vsub.f32 v54, v11;
	v34 =	vadd.s32 v14, v34;
	v37 =	vadd.f32 $-1.000000000e+00, v7  }
0x265: {  	[tilespmem:s26+$0x1400] =	vst v18;
	v7 =	vcvt.s32.f32 v60;
	v44 =	vadd.f32 $1.000000000e+00, v15;
	v16 =	vtrunc.f32 v43  }
0x266: {  	[tilespmem:s26+$0x1030] =	vst v47;
	v43 =	vor.u32 v26, v24;
	v46 =	vsub.f32 $1.000000000e+00, v11;
	v14 =	vsub.f32 v0, v51  }
0x267: {  	[tilespmem:s26+$0x1430] =	vst v32;
	v7 =	vsub.f32 v45, v7;
	v33 =	vmul.f32 $5.000000000e-01, v37;
	v45 =	vcvt.s32.f32 v19  }
0x268: {  	[tilespmem:s26+$0x860] =	vst v2;
	v0 =	vld [tilespmem:$0x1F770];
	v20 =	vtrunc.f32 v44;
	v37 =	vsub.f32 $1.000000000e+00, v6;
	v4 =	vadd.s32 v9, v39  }
0x269: {  	v29 =	vcvt.f32.s32 v20;
	v5 =	vadd.f32 $1.000000000e+00, v33;
	[tilespmem:s26+$0x870] =	vst v4;
	v4 =	vadd.s32 v49, v39  }
0x26a: {  	v2 =	vcvt.s32.f32 v1;
	v22 =	vsub.f32 v56, v45;
	v45 =	vsub.f32 $1.000000000e+00, v25;
	[tilespmem:s26+$0xC70] =	vst v4;
	v4 =	vld [tilespmem:$0x1F750]  }
0x26b: {  	[tilespmem:s26+$0x1010] =	vst v41;
	v41 =	vadd.s32 $0xFFFFFFFF, v29;
	v56 =	vadd.s32 v9, v10;
	v5 =	vtrunc.f32 v5  }
0x26c: {  	[tilespmem:s26+$0x1040] =	vst v35;
	v10 =	vadd.s32 v49, v10;
	v8 =	vcvt.f32.s32 v5;
	v5 =	vcvt.f32.s32 v16  }
0x26d: {  	[tilespmem:s26+$0x1440] =	vst v28;
	v63 =	vcvt.s32.f32 v41;
	v49 =	vmul.f32 v46, v45;
	v16 =	vsub.f32 v0, v53  }
0x26e: {  	[tilespmem:s26+$0x1050] =	vst v55;
	v0 =	vadd.s32 $0xFFFFFFFF, v30;
	v39 =	vadd.s32 $0xFFFFFFFF, v8;
	v18 =	vadd.s32 $0xFFFFFFFF, v5  }
0x26f: {  	v3 =	vmovc v13;
	[tilespmem:s26+$0x1450] =	vst v62;
	v54 =	vcvt.s32.f32 v39;
	v13 =	vsub.f32 v4, v2;
	v4 =	vcvt.s32.f32 v0  }
0x270: {  	[tilespmem:s26+$0x1460] =	vst v48;
	v51 =	vsub.f32 $1.000000000e+00, v22;
	v15 =	vsub.f32 v15, v63;
	v9 =	vcvt.s32.f32 v18  }
0x271: {  	v20 =	vsub.f32 v21, v4;
	v21 =	vsub.f32 v33, v54;
	v33 =	vmovc v3;
	v3 =	vmul.f32 v40, v3  }
0x272: {  	[tilespmem:s26+$0x1410] =	vst v36;
	v9 =	vsub.f32 v38, v9;
	v2 =	vor.u32 v27, v60;
	v38 =	vsub.f32 $1.000000000e+00, v7  }
0x273: {  	[tilespmem:s26+$0x1020] =	vst v17;
	v4 =	vor.u32 v23, v12;
	v3 =	vnsel vm15, $0x0, v3;
	vm15 =	vgt.s32 v2, $0xFFFFFFFF  }
0x274: {  	[tilespmem:s26+$0x1420] =	vst v34;
	v2 =	vnsel vm13, $0x0, v42;
	vm13 =	vgt.s32 v4, $0xFFFFFFFF;
	v4 =	vsub.f32 $1.000000000e+00, v13  }
0x275: {  	v1 =	vor.u32 v19, v1;
	[tilespmem:s26+$0x1060] =	vst v31;
	v44 =	vmul.f32 v38, v37;
	v12 =	vmul.f32 v37, v7  }
0x276: {  	[tilespmem:s26+$0x1070] =	vst v56;
	v36 =	vsub.f32 $1.000000000e+00, v15;
	v54 =	vmul.f32 v4, v51;
	v4 =	vmul.f32 v4, v22  }
0x277: {  	[tilespmem:s26+$0x1470] =	vst v10;
	v34 =	vsub.f32 $1.000000000e+00, v9;
	v12 =	vnsel vm12, $0x0, v12;
	v60 =	vsub.f32 $1.000000000e+00, v21  }
0x278: {  	[tilespmem:s29+$0x2000] =	vst v2;
	v2 =	vsub.f32 $1.000000000e+00, v14;
	v55 =	vnsel vm7, $0x0, v4;
	v4 =	vsub.f32 $1.000000000e+00, v16  }
0x279: {  	vm12 =	vgt.s32 v0, $0xFFFFFFFF;
	v47 =	vnsel vm15, $0x0, v44;
	[tilespmem:s29+$0x1C00] =	vst v3;
	v3 =	vmul.f32 v51, v13  }
0x27a: {  	vm15 =	vgt.s32 v1, $0xFFFFFFFF;
	v63 =	vmul.f32 v4, v2;
	v4 =	vmul.f32 v4, v14  }
0x27b: {  	v3 =	vnsel vm6, $0x0, v3;
	vm6 =	vlt.s32 v0, $0x17F;
	v1 =	vnsel vm15, $0x0, v54  }
0x27c: {  	v2 =	vmul.f32 v2, v16;
	v35 =	vnsel vm8, $0x0, v4;
	vm8 =	vgt.s32 v0, $0x0  }
0x27d: {  	vm15 =	vgt.s32 v39, $0xFFFFFFFF;
	v4 =	vnsel vm8, $0x0, v0;
	v0 =	vor.u32 v0, v39  }
0x27e: {  	v53 =	vld [tilespmem:$0x1F780];
	[tilespmem:s29+$0x2030] =	vst v3;
	v2 =	vnsel vm9, $0x0, v2;
	vm9 =	vgt.s32 v0, $0xFFFFFFFF;
	v0 =	vmul.f32 v60, v20  }
0x27f: {  	v3 =	vor.u32 v18, v41;
	vm0 =	vmand vm6, vm15;
	[tilespmem:s29+$0x2040] =	vst v2;
	v2 =	vmul.f32 v36, v34  }
0x280: {  	v24 =	vnsel vm13, $0x0, v49;
	vm13 =	vgt.s32 v3, $0xFFFFFFFF;
	v0 =	vnsel vm0, $0x0, v0  }
0x281: {  	v26 =	vmul.f32 v45, v11;
	[tilespmem:s29+$0x1C50] =	vst v0;
	v0 =	vnsel vm13, $0x0, v2  }
0x282: {  	vm5 =	vmand vm1, vm5;
	vm1 =	vgt.s32 v41, $0xFFFFFFFF;
	v17 =	vmul.f32 v38, v6;
	[tilespmem:s29+$0x1860] =	vst v0;
	v0 =	vld [tilespmem:$0x1F790]  }
0x283: {  	v26 =	vnsel vm10, $0x0, v26;
	vm10 =	vgt.s32 v41, $0x0;
	v10 =	vsub.f32 $1.000000000e+00, v53  }
0x284: {  	v37 =	vnsel vm10, $0x0, v41;
	v17 =	vnsel vm14, $0x0, v17;
	v56 =	vsub.f32 $1.000000000e+00, v20  }
0x285: {  	vm10 =	vlt.s32 v50, $0x17F;
	vm14 =	vgt.s32 v39, $0x0;
	[tilespmem:s29+$0x1C10] =	vst v17;
	vm7 =	vgt.s32 v43, $0xFFFFFFFF  }
0x286: {  	v62 =	vnsel vm14, $0x0, v39;
	[tilespmem:s29+$0x1830] =	vst v1;
	v1 =	vmul.f32 v60, v56;
	v17 =	vnsel vm7, $0x0, v63  }
0x287: {  	v42 =	vld [tilespmem:$0x1F7A0];
	vm8 =	vlt.s32 v41, $0x17F;
	v41 =	vor.u32 v50, v61;
	v0 =	vmul.f32 v10, v0  }
0x288: {  	vm7 =	vlt.s32 v39, $0x17F;
	v39 =	vmul.f32 v36, v9;
	vm13 =	vgt.s32 v41, $0xFFFFFFFF  }
0x289: {  	v1 =	vnsel vm9, $0x0, v1;
	vm9 =	vlt.s32 v18, $0x17F;
	v0 =	vnsel vm13, $0x0, v0  }
0x28a: {  	v38 =	vmul.f32 v56, v21;
	vm15 =	vgt.s32 v18, $0xFFFFFFFF;
	vm1 =	vmand vm9, vm1;
	[tilespmem:s29+$0x1870] =	vst v0;
	v0 =	vld [tilespmem:$0x1F7B0]  }
0x28b: {  	vm14 =	vmand vm12, vm7;
	[tilespmem:s29+$0x1850] =	vst v1;
	v1 =	vmul.f32 v34, v15;
	v2 =	vnsel vm1, $0x0, v39  }
0x28c: {  	vm12 =	vgt.s32 v61, $0xFFFFFFFF;
	vm0 =	vmand vm15, vm8;
	[tilespmem:s29+$0x1C60] =	vst v2;
	v2 =	vmul.f32 v10, v42  }
0x28d: {  	v40 =	vnsel vm14, $0x0, v38;
	vm14 =	vmand vm10, vm12;
	v1 =	vnsel vm0, $0x0, v1  }
0x28e: {  	vm15 =	vmand vm6, vm7;
	[tilespmem:s29+$0x2060] =	vst v1;
	v1 =	vnsel vm14, $0x0, v2;
	v10 =	vmul.f32 v57, v33  }
0x28f: {  	v2 =	vmul.f32 v7, v6;
	v6 =	vmul.f32 v11, v25;
	vm6 =	vnez.u8 v0  }
0x290: {  	[tilespmem:s29+$0x1C70] =	vst v1;
	v1 =	vnsel vm6, $0x0, v10  }
0x291: {  	[tilespmem:s29+$0x2400] =	vst v1;
	v1 =	vnsel vm4, $0x0, v6;
	v6 =	vmul.f32 v16, v14;
	_ =	sdelay $0x1  }
0x292: {  	v27 =	vmul.f32 v46, v25;
	v10 =	vld [tilespmem:$0x1F7D0];
	v6 =	vnsel vm5, $0x0, v6  }
0x293: {  	[tilespmem:s29+$0x2440] =	vst v6;
	v6 =	vld [tilespmem:$0x1F7C0]  }
0x294: {  	v27 =	vnsel vm11, $0x0, v27;
	vm11 =	vgt.s32 v61, $0x0;
	v7 =	vmul.f32 v13, v22  }
0x295: {  	v43 =	vld [tilespmem:$0x1FFF0];
	v3 =	vnsel vm11, $0x0, v61;
	v9 =	vmul.f32 v15, v9;
	v2 =	vnsel vm3, $0x0, v2  }
0x296: {  	vm11 =	vmand vm9, vm8;
	v7 =	vnsel vm2, $0x0, v7;
	[tilespmem:s29+$0x2410] =	vst v2;
	v2 =	vmul.f32 v21, v20  }
0x297: {  	v46 =	vld [tilespmem:$0x1F850];
	v9 =	vnsel vm11, $0x0, v9;
	[tilespmem:s29+$0x2430] =	vst v7;
	v7 =	vmul.f32 v53, v42  }
0x298: {  	[tilespmem:s29+$0x2460] =	vst v9;
	v9 =	vld [tilespmem:$0x1F7F0];
	v2 =	vnsel vm15, $0x0, v2;
	vm13 =	vnez.u8 v10;
	v6 =	vmul.u32 $0x180, v6  }
0x299: {  	[tilespmem:s29+$0x2450] =	vst v2;
	v2 =	vld [tilespmem:$0x1F7E0];
	vm1 =	vmand vm10, vm13  }
0x29a: {  	v11 =	vld [tilespmem:$0x1F820];
	v7 =	vnsel vm1, $0x0, v7;
	v6 =	vadd.s32 v43, v6  }
0x29b: {  	v10 =	vld [tilespmem:$0x1F800];
	[tilespmem:s29+$0x2470] =	vst v7;
	v7 =	vadd.s32 v59, v6  }
0x29c: {  	[tilespmem:s29+$0x800] =	vst v7;
	v7 =	vld [tilespmem:$0x1F810]  }
0x29d: {  	[tilespmem:s29+$0x1800] =	vst v52;
	v44 =	vld [tilespmem:$0x1F830]  }
0x29e: {  	v45 =	vld [tilespmem:$0x1F840];
	v52 =	vmul.u32 $0x180, v37;
	[tilespmem:s29+$0x2010] =	vst v12;
	v2 =	vmul.u32 $0x180, v2  }
0x29f: {  	v12 =	vmul.u32 $0x180, v46;
	[tilespmem:s29+$0x1810] =	vst v47;
	vm12 =	vgt.s32 v50, $0x0;
	vm14 =	vlt.s32 v9, $0x17F  }
0x2a0: {  	v47 =	vld [tilespmem:$0x1F860];
	[tilespmem:s29+$0x1C30] =	vst v55;
	v9 =	vnsel vm14, $0x17F, v9;
	v11 =	vmul.u32 $0x180, v11;
	v2 =	vadd.s32 v43, v2  }
0x2a1: {  	v49 =	vld [tilespmem:$0x1F870];
	[tilespmem:s29+$0x2420] =	vst v1;
	v10 =	vmul.u32 $0x180, v10;
	v6 =	vadd.s32 v9, v6;
	vm15 =	vlt.s32 v7, $0x17F  }
0x2a2: {  	v1 =	vnsel vm12, $0x0, v50;
	v50 =	vld [tilespmem:$0x1F880];
	[tilespmem:s29+$0xC00] =	vst v6;
	v6 =	vadd.s32 v44, v2;
	v7 =	vnsel vm15, $0x17F, v7  }
0x2a3: {  	v53 =	vld [tilespmem:$0x1F890];
	vm4 =	vlt.s32 v45, $0x17F;
	[tilespmem:s29+$0x810] =	vst v6;
	v6 =	vadd.s32 v43, v10;
	v2 =	vadd.s32 v7, v2  }
0x2a4: {  	v48 =	vmul.u32 $0x180, v62;
	v10 =	vnsel vm4, $0x17F, v45;
	[tilespmem:s29+$0xC10] =	vst v2;
	v2 =	vadd.s32 v58, v6  }
0x2a5: {  	vm5 =	vlt.s32 v47, $0x17F;
	v6 =	vadd.s32 v10, v6;
	[tilespmem:s29+$0x820] =	vst v2;
	v2 =	vadd.s32 v43, v11  }
0x2a6: {  	vm7 =	vgt.s32 v18, $0x0;
	v11 =	vnsel vm5, $0x17F, v47;
	[tilespmem:s29+$0xC20] =	vst v6;
	v6 =	vadd.s32 v49, v2  }
0x2a7: {  	vm6 =	vlt.s32 v50, $0x17F;
	v2 =	vadd.s32 v11, v2;
	[tilespmem:s29+$0x830] =	vst v6;
	v6 =	vadd.s32 v43, v12  }
0x2a8: {  	v0 =	vnsel vm7, $0x0, v18;
	v51 =	vnsel vm6, $0x17F, v50;
	[tilespmem:s29+$0xC30] =	vst v2;
	v2 =	vadd.s32 v53, v6  }
0x2a9: {  	vm7 =	vlt.s32 v30, $0x17F;
	v6 =	vadd.s32 v51, v6;
	[tilespmem:s29+$0x840] =	vst v2;
	v2 =	vadd.s32 v43, v48  }
0x2aa: {  	v3 =	vmul.u32 $0x180, v3;
	v54 =	vnsel vm7, $0x17F, v30;
	[tilespmem:s29+$0xC40] =	vst v6;
	v6 =	vadd.s32 v4, v2  }
0x2ab: {  	vm8 =	vlt.s32 v5, $0x17F;
	v2 =	vadd.s32 v54, v2;
	[tilespmem:s29+$0x850] =	vst v6;
	v6 =	vadd.s32 v43, v52  }
0x2ac: {  	v5 =	vnsel vm8, $0x17F, v5;
	[tilespmem:s29+$0xC50] =	vst v2;
	v2 =	vadd.s32 v0, v6  }
0x2ad: {  	v55 =	vld [tilespmem:$0x1F8A0];
	[tilespmem:s29+$0x860] =	vst v2;
	v2 =	vadd.s32 v43, v3;
	v3 =	vadd.s32 v5, v6  }
0x2ae: {  	v56 =	vld [tilespmem:$0x1F8B0];
	[tilespmem:s29+$0xC60] =	vst v3;
	v3 =	vadd.s32 v1, v2  }
0x2af: {  	[tilespmem:s29+$0x870] =	vst v3;
	v3 =	vld [tilespmem:$0x1F8D0]  }
0x2b0: {  	v63 =	vld [tilespmem:$0x1F8F0]  }
0x2b1: {  	v57 =	vld [tilespmem:$0x1F8C0];
	_ =	sdelay $0x1  }
0x2b2: {  	[tilespmem:s29+$0x2020] =	vst v26  }
0x2b3: {  	[tilespmem:s29+$0x1C20] =	vst v27;
	v61 =	vld [tilespmem:$0x1F8E0];
	vm9 =	vlt.s32 v56, $0x17F;
	v3 =	vmul.u32 $0x180, v3  }
0x2b4: {  	[tilespmem:s29+$0x1820] =	vst v24;
	v14 =	vmul.u32 $0x180, v55;
	vm12 =	vlt.s32 v63, $0x17F;
	v6 =	vnsel vm9, $0x17F, v56  }
0x2b5: {  	[tilespmem:s29+$0x1840] =	vst v17;
	vm10 =	vlt.s32 v57, $0x17F;
	v2 =	vadd.s32 v6, v2;
	v3 =	vadd.s32 v43, v3  }
0x2b6: {  	[tilespmem:s29+$0xC70] =	vst v2;
	v2 =	vnsel vm10, $0x17F, v57;
	v62 =	vadd.s32 v44, v3;
	v3 =	vadd.s32 v7, v3  }
0x2b7: {  	v2 =	vmul.u32 $0x180, v2;
	[tilespmem:s29+$0x1410] =	vst v3;
	v3 =	vnsel vm12, $0x17F, v63  }
0x2b8: {  	[tilespmem:s29+$0x1C40] =	vst v35;
	vm11 =	vlt.s32 v61, $0x17F;
	v14 =	vadd.s32 v43, v14;
	v3 =	vmul.u32 $0x180, v3  }
0x2b9: {  	[tilespmem:s29+$0x2050] =	vst v40;
	vm13 =	vlt.s32 v8, $0x17F;
	v9 =	vadd.s32 v9, v14;
	v2 =	vadd.s32 v43, v2  }
0x2ba: {  	[tilespmem:s29+$0x1400] =	vst v9;
	v9 =	vadd.s32 v58, v2;
	v2 =	vadd.s32 v10, v2;
	v3 =	vadd.s32 v43, v3  }
0x2bb: {  	[tilespmem:s29+$0x1420] =	vst v2;
	v2 =	vnsel vm13, $0x17F, v8;
	v7 =	vnsel vm11, $0x17F, v61;
	v8 =	vadd.s32 v53, v3  }
0x2bc: {  	v60 =	vadd.s32 v59, v14;
	v7 =	vmul.u32 $0x180, v7;
	[tilespmem:s29+$0x1040] =	vst v8;
	v8 =	vld [tilespmem:$0x1F900]  }
0x2bd: {  	[tilespmem:s29+$0x1000] =	vst v60;
	v2 =	vmul.u32 $0x180, v2  }
0x2be: {  	vm14 =	vlt.s32 v29, $0x17F;
	[tilespmem:s29+$0x1020] =	vst v9;
	v7 =	vadd.s32 v43, v7  }
0x2bf: {  	v2 =	vadd.s32 v43, v2;
	[tilespmem:s29+$0x1010] =	vst v62;
	v9 =	vadd.s32 v49, v7;
	v7 =	vadd.s32 v11, v7  }
0x2c0: {  	v4 =	vadd.s32 v4, v2;
	[tilespmem:s29+$0x1430] =	vst v7;
	v7 =	vnsel vm14, $0x17F, v29  }
0x2c1: {  	v2 =	vadd.s32 v54, v2;
	[tilespmem:s29+$0x1050] =	vst v4;
	v7 =	vmul.u32 $0x180, v7;
	vm15 =	vlt.s32 v8, $0x17F  }
0x2c2: {  	[tilespmem:s29+$0x1450] =	vst v2;
	v3 =	vadd.s32 v51, v3;
	v8 =	vnsel vm15, $0x17F, v8  }
0x2c3: {  	[tilespmem:s29+$0x1440] =	vst v3;
	v7 =	vadd.s32 v43, v7;
	v3 =	vmul.u32 $0x180, v8  }
0x2c4: {  	[tilespmem:s29+$0x1030] =	vst v9;
	v0 =	vadd.s32 v0, v7  }
0x2c5: {  	[tilespmem:s29+$0x1060] =	vst v0;
	v2 =	vadd.s32 v43, v3;
	v3 =	vadd.s32 v5, v7  }
0x2c6: {  	v0 =	vadd.s32 v1, v2;
	[tilespmem:s29+$0x1460] =	vst v3  }
0x2c7: {  	v1 =	vadd.s32 v6, v2;
	[tilespmem:s29+$0x1070] =	vst v0  }
0x2c8: {  	s1 =	simm.s32 $0x800;
	[tilespmem:s29+$0x1470] =	vst v1  }
0x2c9: {  	[tilespmem:s17], [sflag:$0x1] =	stream.indirect.gather [hbm4b:s6+s15], $0x30, s1, s15, $0xb8;
	[tilespmem:$0x11800] =	vst v63  }
0x2ca: {  	s26 =	simm.s32 $0xC00  }
0x2cb: {  	[tilespmem:s19], [sflag:$0x1] =	stream.indirect.gather [hbm4b:s6+s15], $0x30, s26, s15, $0xb8;
	[tilespmem:$0x11800] =	vst v63  }
0x2cc: {  	s3 =	simm.s32 $0x1000  }
0x2cd: {  	[tilespmem:s21], [sflag:$0x1] =	stream.indirect.gather [hbm4b:s6+s15], $0x30, s3, s15, $0xb8;
	[tilespmem:$0x11800] =	vst v63  }
0x2ce: {  	s5 =	simm.s32 $0x1400  }
0x2cf: {  	[tilespmem:s23], [sflag:$0x1] =	stream.indirect.gather [hbm4b:s6+s15], $0x30, s5, s15, $0xb8;
	[tilespmem:$0x11800] =	vst v63  }
0x2d0: {  	s7 =	simm.s32 $0x880  }
0x2d1: {  	[tilespmem:s25], [sflag:$0x2] =	stream.indirect.gather [hbm4b:s6+s15], $0x30, s7, s15, $0xb8;
	[tilespmem:$0x11800] =	vst v63  }
0x2d2: {  	s8 =	simm.s32 $0xC80  }
0x2d3: {  	[tilespmem:s28], [sflag:$0x2] =	stream.indirect.gather [hbm4b:s6+s15], $0x30, s8, s15, $0xb8;
	[tilespmem:$0x11800] =	vst v63  }
0x2d4: {  	s10 =	simm.s32 $0x1080  }
0x2d5: {  	[tilespmem:s30], [sflag:$0x2] =	stream.indirect.gather [hbm4b:s6+s15], $0x30, s10, s15, $0xb8;
	[tilespmem:$0x11800] =	vst v63  }
0x2d6: {  	s11 =	simm.s32 $0x1480  }
0x2d7: {  	[tilespmem:s0], [sflag:$0x2] =	stream.indirect.gather [hbm4b:s6+s15], $0x30, s11, s15, $0xb8;
	[tilespmem:$0x11800] =	vst v63  }
0x2d8: {  	_ =	swait.ge [sflag:s2], $0x1800  }
0x2d9: {  	[sflag:s2] =	ssyncset.done $0x0  }
0x2da: {  	[sflag:s2] =	ssyncadd.s32 $0xFFFFE800  }
0x2db: {  	_ =	swait.ge [sflag:s2], $0x1800  }
0x2dc: {  	[sflag:s2] =	ssyncset.done $0x0  }
0x2dd: {  	[sflag:s2] =	ssyncadd.s32 $0xFFFFE800  }
0x2de: {  	s26 =	simm.s32 $0x0;
	_ =	swait.ge [sflag:s2], $0x1800  }
0x2df: {  	v0 =	vmov s26;
	[sflag:s2] =	ssyncset.done $0x0  }
0x2e0: {  	[sflag:s2] =	ssyncadd.s32 $0xFFFFE800  }
0x2e1: {  	_ =	swait.ge [sflag:s2], $0x1800  }
0x2e2: {  	[sflag:s2] =	ssyncset.done $0x0  }
0x2e3: {  	[sflag:s2] =	ssyncadd.s32 $0xFFFFE800  }
0x2e4: {  	s3 =	simm.s32 $0x2820;
	v1 =	vld.idx.msk [tilespmem:v0+s14+$0x0], $0xffff  }
0x2e5: {  	s1 =	simm.s32 $0x4020;
	v5 =	vld [tilespmem:s3+$0xFFFFFFE0]  }
0x2e6: {  	v6 =	vld [tilespmem:s1+$0xFFFFFFE0]  }
0x2e7: {  	s26 =	simm.s32 $0x5810;
	v4 =	vld.idx.msk [tilespmem:v0+s12+$0x0], $0xffff  }
0x2e8: {  	v7 =	vld [tilespmem:s26+$0xFFFFFFF0]  }
0x2e9: {  	s5 =	simm.s32 $0x7010;
	v3 =	vld.idx.msk [tilespmem:v0+s16+$0x0], $0xffff  }
0x2ea: {  	v8 =	vld [tilespmem:s5+$0xFFFFFFF0]  }
0x2eb: {  	v2 =	vld.idx.msk [tilespmem:v0+s18+$0x0], $0xffff;
	v9 =	vunpack.i.l.bf16.f32 v5;
	v0 =	vunpack.i.u.bf16.f32 v5;
	v5 =	vunpack.i.l.bf16.f32 v6  }
0x2ec: {  	v6 =	vunpack.i.u.bf16.f32 v6;
	v9 =	vmul.f32 v9, v4;
	v5 =	vmul.f32 v5, v1  }
0x2ed: {  	v10 =	vunpack.i.l.bf16.f32 v7;
	v6 =	vmul.f32 v6, v1;
	v0 =	vmul.f32 v0, v4  }
0x2ee: {  	v7 =	vunpack.i.u.bf16.f32 v7;
	v5 =	vadd.f32 v5, v9;
	v9 =	vmul.f32 v10, v3  }
0x2ef: {  	v10 =	vunpack.i.l.bf16.f32 v8;
	v0 =	vadd.f32 v6, v0;
	v6 =	vmul.f32 v7, v3  }
0x2f0: {  	v7 =	vunpack.i.u.bf16.f32 v8;
	v8 =	vmul.f32 v10, v2;
	v5 =	vadd.f32 v9, v5  }
0x2f1: {  	v7 =	vmul.f32 v7, v2;
	v0 =	vadd.f32 v6, v0  }
0x2f2: {  	v5 =	vadd.f32 v8, v5  }
0x2f3: {  	s29 =	simm.s32 $0xE830;
	v0 =	vadd.f32 v7, v0  }
0x2f4: {  	[tilespmem:s29+$0xFFFFFFD0] =	vst v5  }
0x2f5: {  	[tilespmem:s29+$0xFFFFFFE0] =	vst v0  }
0x2f6: {  	v0 =	vld [tilespmem:s3+$0xFFFFFFF0]  }
0x2f7: {  	v5 =	vld [tilespmem:s1+$0xFFFFFFF0];
	_ =	sdelay $0x1  }
0x2f8: {  	v6 =	vld [tilespmem:s26+$0x0];
	_ =	sdelay $0x1  }
0x2f9: {  	v7 =	vld [tilespmem:s5+$0x0]  }
0x2fa: {  	v8 =	vunpack.i.u.bf16.f32 v0;
	v0 =	vunpack.i.l.bf16.f32 v0;
	v9 =	vunpack.i.u.bf16.f32 v5  }
0x2fb: {  	v5 =	vunpack.i.l.bf16.f32 v5;
	v8 =	vmul.f32 v8, v4;
	v9 =	vmul.f32 v9, v1  }
0x2fc: {  	v10 =	vunpack.i.u.bf16.f32 v6;
	v0 =	vmul.f32 v0, v4;
	v5 =	vmul.f32 v5, v1  }
0x2fd: {  	v6 =	vunpack.i.l.bf16.f32 v6;
	v8 =	vadd.f32 v9, v8;
	v9 =	vmul.f32 v10, v3  }
0x2fe: {  	v6 =	vmul.f32 v6, v3;
	v0 =	vadd.f32 v5, v0;
	v5 =	vunpack.i.u.bf16.f32 v7  }
0x2ff: {  	v7 =	vunpack.i.l.bf16.f32 v7;
	v5 =	vmul.f32 v5, v2;
	v8 =	vadd.f32 v9, v8  }
0x300: {  	v0 =	vadd.f32 v6, v0;
	v6 =	vmul.f32 v7, v2  }
0x301: {  	v5 =	vadd.f32 v5, v8  }
0x302: {  	v0 =	vadd.f32 v6, v0  }
0x303: {  	[tilespmem:s29+$0x0] =	vst v5  }
0x304: {  	[tilespmem:s29+$0xFFFFFFF0] =	vst v0  }
0x305: {  	v7 =	vld [tilespmem:s3+$0x0]  }
0x306: {  	v6 =	vld [tilespmem:s1+$0x0]  }
0x307: {  	v5 =	vld [tilespmem:s26+$0x10];
	_ =	sdelay $0x1  }
0x308: {  	s7 =	simm.s32 $0x1;
	v0 =	vld [tilespmem:s5+$0x10]  }
0x309: {  	s8 =	simm.s32 $0x7040;
	s5 =	simm.s32 $0x2850;
	s3 =	simm.s32 $0xE830;
	v8 =	vunpack.i.u.bf16.f32 v7;
	v7 =	vunpack.i.l.bf16.f32 v7  }
.LBB2_5:
0x30a: {  	v9 =	vunpack.i.l.bf16.f32 v6;
	v8 =	vmul.f32 v8, v4;
	s29 =	sadd.s32 $0x60, s29;
	s26 =	sadd.s32 $0x30, s26;
	s1 =	sadd.s32 $0x30, s1  }
0x30b: {  	p0 =	sne.s32 s7, $0x7F;
	v4 =	vmul.f32 v7, v4;
	s10 =	smov.u32 s7;
	s7 =	sadd.s32 $0x1, s7;
	v10 =	vunpack.i.l.bf16.f32 v5;
	v7 =	vmul.f32 v9, v1  }
0x30c: {  	v6 =	vunpack.i.u.bf16.f32 v6;
	v5 =	vunpack.i.u.bf16.f32 v5;
	v9 =	vmul.f32 v10, v3  }
0x30d: {  	v1 =	vmul.f32 v6, v1;
	v10 =	vunpack.i.l.bf16.f32 v0;
	v4 =	vadd.f32 v7, v4  }
0x30e: {  	v0 =	vunpack.i.u.bf16.f32 v0;
	v3 =	vmul.f32 v5, v3;
	v6 =	vmul.f32 v10, v2  }
0x30f: {  	v5 =	vmov s10;
	v1 =	vadd.f32 v1, v8;
	v4 =	vadd.f32 v9, v4  }
0x310: {  	v0 =	vmul.f32 v0, v2  }
0x311: {  	v1 =	vadd.f32 v3, v1;
	v2 =	vadd.f32 v6, v4;
	_ =	sdelay $0x1  }
0x312: {  	v0 =	vadd.f32 v0, v1;
	[tilespmem:s3+$0x10] =	vst v2;
	_ =	sdelay $0x1  }
0x313: {  	[tilespmem:s3+$0x20] =	vst v0;
	s3 =	smov.u32 s29  }
0x314: {  	v1 =	vld.idx.msk [tilespmem:v5+s14+$0x0], $0xffff  }
0x315: {  	v0 =	vld [tilespmem:s5+$0xFFFFFFE0]  }
0x316: {  	v6 =	vld [tilespmem:s1+$0xFFFFFFE0]  }
0x317: {  	v4 =	vld.idx.msk [tilespmem:v5+s12+$0x0], $0xffff  }
0x318: {  	v7 =	vld [tilespmem:s26+$0xFFFFFFF0]  }
0x319: {  	v3 =	vld.idx.msk [tilespmem:v5+s16+$0x0], $0xffff  }
0x31a: {  	v8 =	vunpack.i.l.bf16.f32 v0;
	v9 =	vld [tilespmem:s8+$0xFFFFFFF0]  }
0x31b: {  	v0 =	vunpack.i.u.bf16.f32 v0;
	v2 =	vld.idx.msk [tilespmem:v5+s18+$0x0], $0xffff;
	v5 =	vunpack.i.u.bf16.f32 v6;
	v6 =	vunpack.i.l.bf16.f32 v6  }
0x31c: {  	v5 =	vmul.f32 v5, v1  }
0x31d: {  	v8 =	vmul.f32 v8, v4;
	v6 =	vmul.f32 v6, v1;
	v10 =	vunpack.i.u.bf16.f32 v7  }
0x31e: {  	v0 =	vmul.f32 v0, v4;
	v7 =	vunpack.i.l.bf16.f32 v7  }
0x31f: {  	v6 =	vadd.f32 v6, v8;
	v7 =	vmul.f32 v7, v3;
	v11 =	vunpack.i.u.bf16.f32 v9  }
0x320: {  	v0 =	vadd.f32 v5, v0;
	v5 =	vmul.f32 v10, v3;
	v8 =	vunpack.i.l.bf16.f32 v9  }
0x321: {  	v6 =	vadd.f32 v7, v6;
	v7 =	vmul.f32 v8, v2;
	v8 =	vmul.f32 v11, v2  }
0x322: {  	v0 =	vadd.f32 v5, v0  }
0x323: {  	v5 =	vadd.f32 v7, v6  }
0x324: {  	v0 =	vadd.f32 v8, v0  }
0x325: {  	[tilespmem:s29+$0xFFFFFFD0] =	vst v5  }
0x326: {  	[tilespmem:s29+$0xFFFFFFE0] =	vst v0  }
0x327: {  	v0 =	vld [tilespmem:s5+$0xFFFFFFF0]  }
0x328: {  	v5 =	vld [tilespmem:s1+$0xFFFFFFF0]  }
0x329: {  	v6 =	vld [tilespmem:s26+$0x0];
	_ =	sdelay $0x2  }
0x32a: {  	v7 =	vunpack.i.u.bf16.f32 v0;
	v0 =	vunpack.i.l.bf16.f32 v0;
	v8 =	vld [tilespmem:s8+$0x0]  }
0x32b: {  	v9 =	vunpack.i.u.bf16.f32 v5;
	v5 =	vunpack.i.l.bf16.f32 v5;
	v7 =	vmul.f32 v7, v4  }
0x32c: {  	v0 =	vmul.f32 v0, v4;
	v10 =	vunpack.i.u.bf16.f32 v6;
	v9 =	vmul.f32 v9, v1  }
0x32d: {  	v6 =	vunpack.i.l.bf16.f32 v6;
	v5 =	vmul.f32 v5, v1;
	v10 =	vmul.f32 v10, v3  }
0x32e: {  	v6 =	vmul.f32 v6, v3;
	v7 =	vadd.f32 v9, v7  }
0x32f: {  	v0 =	vadd.f32 v5, v0;
	v9 =	vunpack.i.u.bf16.f32 v8;
	v8 =	vunpack.i.l.bf16.f32 v8  }
0x330: {  	v5 =	vadd.f32 v10, v7;
	v7 =	vmul.f32 v9, v2  }
0x331: {  	v0 =	vadd.f32 v6, v0;
	v6 =	vmul.f32 v8, v2  }
0x332: {  	v5 =	vadd.f32 v7, v5  }
0x333: {  	v0 =	vadd.f32 v6, v0  }
0x334: {  	[tilespmem:s29+$0x0] =	vst v5  }
0x335: {  	[tilespmem:s29+$0xFFFFFFF0] =	vst v0  }
0x336: {  	v7 =	vld [tilespmem:s5+$0x0]  }
.Ltmp1:
0x337: {  	v6 =	vld [tilespmem:s1+$0x0];
	(pc) =	sbr.rel @p0 .LBB2_5-.Ltmp1, $3  }
0x338: {  	v5 =	vld [tilespmem:s26+$0x10]  }
0x339: {  	v0 =	vld [tilespmem:s8+$0x10];
	_ =	sdelay $0x1  }
0x33a: {  	s5 =	sadd.s32 $0x30, s5;
	s8 =	sadd.s32 $0x30, s8;
	v8 =	vunpack.i.u.bf16.f32 v7;
	v7 =	vunpack.i.l.bf16.f32 v7  }
0x33b: {  	v9 =	vunpack.i.l.bf16.f32 v6  }
0x33c: {  	v7 =	vmul.f32 v7, v4;
	v6 =	vunpack.i.u.bf16.f32 v6;
	v9 =	vmul.f32 v9, v1  }
0x33d: {  	v4 =	vmul.f32 v8, v4;
	v8 =	vunpack.i.l.bf16.f32 v5;
	v1 =	vmul.f32 v6, v1  }
0x33e: {  	v5 =	vunpack.i.u.bf16.f32 v5;
	v6 =	vmul.f32 v8, v3;
	v7 =	vadd.f32 v9, v7  }
0x33f: {  	v8 =	vunpack.i.l.bf16.f32 v0;
	v3 =	vmul.f32 v5, v3;
	v1 =	vadd.f32 v1, v4  }
0x340: {  	v0 =	vunpack.i.u.bf16.f32 v0;
	v4 =	vmul.f32 v8, v2;
	v5 =	vadd.f32 v6, v7  }
0x341: {  	v0 =	vmul.f32 v0, v2;
	v1 =	vadd.f32 v3, v1  }
0x342: {  	s24 =	sadd.s32 s9, s24;
	v2 =	vadd.f32 v4, v5  }
0x343: {  	s1 =	smul.u32 $0xC, s24;
	v0 =	vadd.f32 v0, v1  }
0x344: {  	s11 =	rddreg [dreg:$0x2];
	[tilespmem:s3+$0x10] =	vst v2  }
0x345: {  	[tilespmem:s3+$0x20] =	vst v0;
	s3 =	sadd.s32 s11, s1  }
0x346: {  	[hbm4b:s3+s4] =	stream.linear.scatter [tilespmem:s20], [sflag:$0x3], $0x3000, $0x38;
	[tilespmem:$0x11800] =	vst v63  }
0x347: {  	_ =	swait.ge [sflag:s13], $0x3000  }
0x348: {  	[sflag:s13] =	ssyncset.done $0x0  }
0x349: {  	s26 =	simm.s32 $0x80;
	s5 =	simm.s32 $0x900;
	[sflag:s13] =	ssyncadd.s32 $0xFFFFD000  }
0x34a: {  	[tilespmem:s17], [sflag:$0x1] =	stream.indirect.gather [hbm4b:s6+s26], $0x30, s5, s26, $0xb8;
	[tilespmem:$0x11800] =	vst v63  }
0x34b: {  	s7 =	simm.s32 $0xD00  }
0x34c: {  	[tilespmem:s19], [sflag:$0x1] =	stream.indirect.gather [hbm4b:s6+s26], $0x30, s7, s26, $0xb8;
	[tilespmem:$0x11800] =	vst v63  }
0x34d: {  	s8 =	simm.s32 $0x1100  }
0x34e: {  	[tilespmem:s21], [sflag:$0x1] =	stream.indirect.gather [hbm4b:s6+s26], $0x30, s8, s26, $0xb8;
	[tilespmem:$0x11800] =	vst v63  }
0x34f: {  	s10 =	simm.s32 $0x1500  }
0x350: {  	[tilespmem:s23], [sflag:$0x1] =	stream.indirect.gather [hbm4b:s6+s26], $0x30, s10, s26, $0xb8;
	[tilespmem:$0x11800] =	vst v63  }
0x351: {  	_ =	swait.ge [sflag:s31], $0x1800  }
0x352: {  	[sflag:s31] =	ssyncset.done $0x0  }
0x353: {  	[sflag:s31] =	ssyncadd.s32 $0xFFFFE800  }
0x354: {  	_ =	swait.ge [sflag:s31], $0x1800  }
0x355: {  	[sflag:s31] =	ssyncset.done $0x0  }
0x356: {  	[sflag:s31] =	ssyncadd.s32 $0xFFFFE800  }
0x357: {  	_ =	swait.ge [sflag:s31], $0x1800  }
0x358: {  	v0 =	vmov s26;
	[sflag:s31] =	ssyncset.done $0x0  }
0x359: {  	[sflag:s31] =	ssyncadd.s32 $0xFFFFE800  }
0x35a: {  	_ =	swait.ge [sflag:s31], $0x1800  }
0x35b: {  	[sflag:s31] =	ssyncset.done $0x0  }
0x35c: {  	[sflag:s31] =	ssyncadd.s32 $0xFFFFE800  }
0x35d: {  	s11 =	simm.s32 $0x8820;
	v1 =	vld.idx.msk [tilespmem:v0+s14+$0x0], $0xffff  }
0x35e: {  	s26 =	simm.s32 $0xA020;
	v5 =	vld [tilespmem:s11+$0xFFFFFFE0]  }
0x35f: {  	v6 =	vld [tilespmem:s26+$0xFFFFFFE0]  }
0x360: {  	s29 =	simm.s32 $0xB810;
	v4 =	vld.idx.msk [tilespmem:v0+s12+$0x0], $0xffff  }
0x361: {  	v7 =	vld [tilespmem:s29+$0xFFFFFFF0]  }
0x362: {  	s7 =	simm.s32 $0xD010;
	v3 =	vld.idx.msk [tilespmem:v0+s16+$0x0], $0xffff  }
0x363: {  	v8 =	vld [tilespmem:s7+$0xFFFFFFF0]  }
0x364: {  	v2 =	vld.idx.msk [tilespmem:v0+s18+$0x0], $0xffff;
	v9 =	vunpack.i.l.bf16.f32 v5;
	v0 =	vunpack.i.u.bf16.f32 v5;
	v5 =	vunpack.i.l.bf16.f32 v6  }
0x365: {  	v6 =	vunpack.i.u.bf16.f32 v6;
	v9 =	vmul.f32 v9, v4;
	v5 =	vmul.f32 v5, v1  }
0x366: {  	v10 =	vunpack.i.l.bf16.f32 v7;
	v6 =	vmul.f32 v6, v1;
	v0 =	vmul.f32 v0, v4  }
0x367: {  	v7 =	vunpack.i.u.bf16.f32 v7;
	v5 =	vadd.f32 v5, v9;
	v9 =	vmul.f32 v10, v3  }
0x368: {  	v10 =	vunpack.i.l.bf16.f32 v8;
	v0 =	vadd.f32 v6, v0;
	v6 =	vmul.f32 v7, v3  }
0x369: {  	v7 =	vunpack.i.u.bf16.f32 v8;
	v8 =	vmul.f32 v10, v2;
	v5 =	vadd.f32 v9, v5  }
0x36a: {  	v7 =	vmul.f32 v7, v2;
	v0 =	vadd.f32 v6, v0  }
0x36b: {  	v5 =	vadd.f32 v8, v5  }
0x36c: {  	s3 =	simm.s32 $0xE830;
	v0 =	vadd.f32 v7, v0  }
0x36d: {  	[tilespmem:s3+$0xFFFFFFD0] =	vst v5  }
0x36e: {  	[tilespmem:s3+$0xFFFFFFE0] =	vst v0  }
0x36f: {  	v0 =	vld [tilespmem:s11+$0xFFFFFFF0]  }
0x370: {  	v5 =	vld [tilespmem:s26+$0xFFFFFFF0];
	_ =	sdelay $0x1  }
0x371: {  	v6 =	vld [tilespmem:s29+$0x0];
	_ =	sdelay $0x1  }
0x372: {  	v7 =	vld [tilespmem:s7+$0x0]  }
0x373: {  	v8 =	vunpack.i.u.bf16.f32 v0;
	v0 =	vunpack.i.l.bf16.f32 v0;
	v9 =	vunpack.i.u.bf16.f32 v5  }
0x374: {  	v5 =	vunpack.i.l.bf16.f32 v5;
	v8 =	vmul.f32 v8, v4;
	v9 =	vmul.f32 v9, v1  }
0x375: {  	v10 =	vunpack.i.u.bf16.f32 v6;
	v0 =	vmul.f32 v0, v4;
	v5 =	vmul.f32 v5, v1  }
0x376: {  	v6 =	vunpack.i.l.bf16.f32 v6;
	v10 =	vmul.f32 v10, v3;
	v8 =	vadd.f32 v9, v8  }
0x377: {  	v6 =	vmul.f32 v6, v3;
	v9 =	vunpack.i.u.bf16.f32 v7;
	v0 =	vadd.f32 v5, v0  }
0x378: {  	v5 =	vunpack.i.l.bf16.f32 v7;
	v7 =	vadd.f32 v10, v8;
	v8 =	vmul.f32 v9, v2  }
0x379: {  	v5 =	vmul.f32 v5, v2;
	v0 =	vadd.f32 v6, v0  }
0x37a: {  	v6 =	vadd.f32 v8, v7  }
0x37b: {  	v0 =	vadd.f32 v5, v0  }
0x37c: {  	[tilespmem:s3+$0x0] =	vst v6  }
0x37d: {  	[tilespmem:s3+$0xFFFFFFF0] =	vst v0  }
0x37e: {  	v7 =	vld [tilespmem:s11+$0x0]  }
0x37f: {  	v6 =	vld [tilespmem:s26+$0x0]  }
0x380: {  	v5 =	vld [tilespmem:s29+$0x10];
	_ =	sdelay $0x1  }
0x381: {  	s5 =	simm.s32 $0x81;
	v0 =	vld [tilespmem:s7+$0x10]  }
0x382: {  	s8 =	simm.s32 $0x8850;
	s10 =	simm.s32 $0xD040;
	s7 =	simm.s32 $0xE830;
	v8 =	vunpack.i.u.bf16.f32 v7;
	v7 =	vunpack.i.l.bf16.f32 v7  }
.LBB2_7:
0x383: {  	v9 =	vunpack.i.l.bf16.f32 v6;
	v8 =	vmul.f32 v8, v4;
	s3 =	sadd.s32 $0x60, s3;
	s29 =	sadd.s32 $0x30, s29;
	s26 =	sadd.s32 $0x30, s26  }
0x384: {  	p0 =	sne.s32 s5, $0xFF;
	v4 =	vmul.f32 v7, v4;
	s11 =	smov.u32 s5;
	s5 =	sadd.s32 $0x1, s5;
	v10 =	vunpack.i.l.bf16.f32 v5;
	v7 =	vmul.f32 v9, v1  }
0x385: {  	v6 =	vunpack.i.u.bf16.f32 v6;
	v5 =	vunpack.i.u.bf16.f32 v5;
	v9 =	vmul.f32 v10, v3  }
0x386: {  	v1 =	vmul.f32 v6, v1;
	v10 =	vunpack.i.l.bf16.f32 v0;
	v4 =	vadd.f32 v7, v4  }
0x387: {  	v0 =	vunpack.i.u.bf16.f32 v0;
	v3 =	vmul.f32 v5, v3;
	v6 =	vmul.f32 v10, v2  }
0x388: {  	v5 =	vmov s11;
	v1 =	vadd.f32 v1, v8;
	v4 =	vadd.f32 v9, v4  }
0x389: {  	v0 =	vmul.f32 v0, v2  }
0x38a: {  	v1 =	vadd.f32 v3, v1;
	v2 =	vadd.f32 v6, v4;
	_ =	sdelay $0x1  }
0x38b: {  	v0 =	vadd.f32 v0, v1;
	[tilespmem:s7+$0x10] =	vst v2;
	_ =	sdelay $0x1  }
0x38c: {  	[tilespmem:s7+$0x20] =	vst v0;
	s7 =	smov.u32 s3  }
0x38d: {  	v1 =	vld.idx.msk [tilespmem:v5+s14+$0x0], $0xffff  }
0x38e: {  	v0 =	vld [tilespmem:s8+$0xFFFFFFE0]  }
0x38f: {  	v6 =	vld [tilespmem:s26+$0xFFFFFFE0]  }
0x390: {  	v4 =	vld.idx.msk [tilespmem:v5+s12+$0x0], $0xffff  }
0x391: {  	v7 =	vld [tilespmem:s29+$0xFFFFFFF0]  }
0x392: {  	v3 =	vld.idx.msk [tilespmem:v5+s16+$0x0], $0xffff  }
0x393: {  	v8 =	vunpack.i.l.bf16.f32 v0;
	v9 =	vld [tilespmem:s10+$0xFFFFFFF0]  }
0x394: {  	v0 =	vunpack.i.u.bf16.f32 v0;
	v2 =	vld.idx.msk [tilespmem:v5+s18+$0x0], $0xffff;
	v5 =	vunpack.i.u.bf16.f32 v6;
	v6 =	vunpack.i.l.bf16.f32 v6  }
0x395: {  	v5 =	vmul.f32 v5, v1  }
0x396: {  	v8 =	vmul.f32 v8, v4;
	v6 =	vmul.f32 v6, v1;
	v10 =	vunpack.i.u.bf16.f32 v7  }
0x397: {  	v0 =	vmul.f32 v0, v4;
	v7 =	vunpack.i.l.bf16.f32 v7  }
0x398: {  	v6 =	vadd.f32 v6, v8;
	v7 =	vmul.f32 v7, v3;
	v11 =	vunpack.i.u.bf16.f32 v9  }
0x399: {  	v0 =	vadd.f32 v5, v0;
	v5 =	vmul.f32 v10, v3;
	v8 =	vunpack.i.l.bf16.f32 v9  }
0x39a: {  	v6 =	vadd.f32 v7, v6;
	v7 =	vmul.f32 v8, v2;
	v8 =	vmul.f32 v11, v2  }
0x39b: {  	v0 =	vadd.f32 v5, v0  }
0x39c: {  	v5 =	vadd.f32 v7, v6  }
0x39d: {  	v0 =	vadd.f32 v8, v0  }
0x39e: {  	[tilespmem:s3+$0xFFFFFFD0] =	vst v5  }
0x39f: {  	[tilespmem:s3+$0xFFFFFFE0] =	vst v0  }
0x3a0: {  	v0 =	vld [tilespmem:s8+$0xFFFFFFF0]  }
0x3a1: {  	v5 =	vld [tilespmem:s26+$0xFFFFFFF0]  }
0x3a2: {  	v6 =	vld [tilespmem:s29+$0x0];
	_ =	sdelay $0x2  }
0x3a3: {  	v7 =	vunpack.i.u.bf16.f32 v0;
	v0 =	vunpack.i.l.bf16.f32 v0;
	v8 =	vld [tilespmem:s10+$0x0]  }
0x3a4: {  	v9 =	vunpack.i.u.bf16.f32 v5;
	v5 =	vunpack.i.l.bf16.f32 v5;
	v7 =	vmul.f32 v7, v4  }
0x3a5: {  	v0 =	vmul.f32 v0, v4;
	v10 =	vunpack.i.u.bf16.f32 v6;
	v9 =	vmul.f32 v9, v1  }
0x3a6: {  	v6 =	vunpack.i.l.bf16.f32 v6;
	v5 =	vmul.f32 v5, v1;
	v10 =	vmul.f32 v10, v3  }
0x3a7: {  	v6 =	vmul.f32 v6, v3;
	v7 =	vadd.f32 v9, v7  }
0x3a8: {  	v0 =	vadd.f32 v5, v0;
	v9 =	vunpack.i.u.bf16.f32 v8;
	v8 =	vunpack.i.l.bf16.f32 v8  }
0x3a9: {  	v5 =	vadd.f32 v10, v7;
	v7 =	vmul.f32 v9, v2  }
0x3aa: {  	v0 =	vadd.f32 v6, v0;
	v6 =	vmul.f32 v8, v2  }
0x3ab: {  	v5 =	vadd.f32 v7, v5  }
0x3ac: {  	v0 =	vadd.f32 v6, v0  }
0x3ad: {  	[tilespmem:s3+$0x0] =	vst v5  }
0x3ae: {  	[tilespmem:s3+$0xFFFFFFF0] =	vst v0  }
0x3af: {  	v7 =	vld [tilespmem:s8+$0x0]  }
.Ltmp2:
0x3b0: {  	v6 =	vld [tilespmem:s26+$0x0];
	(pc) =	sbr.rel @p0 .LBB2_7-.Ltmp2, $3  }
0x3b1: {  	v5 =	vld [tilespmem:s29+$0x10]  }
0x3b2: {  	v0 =	vld [tilespmem:s10+$0x10];
	_ =	sdelay $0x1  }
0x3b3: {  	s8 =	sadd.s32 $0x30, s8;
	s10 =	sadd.s32 $0x30, s10;
	v8 =	vunpack.i.u.bf16.f32 v7;
	v7 =	vunpack.i.l.bf16.f32 v7  }
0x3b4: {  	v9 =	vunpack.i.l.bf16.f32 v6  }
0x3b5: {  	v7 =	vmul.f32 v7, v4;
	v6 =	vunpack.i.u.bf16.f32 v6;
	v9 =	vmul.f32 v9, v1  }
0x3b6: {  	v4 =	vmul.f32 v8, v4;
	v8 =	vunpack.i.l.bf16.f32 v5;
	v1 =	vmul.f32 v6, v1  }
0x3b7: {  	v5 =	vunpack.i.u.bf16.f32 v5;
	v6 =	vmul.f32 v8, v3;
	v7 =	vadd.f32 v9, v7  }
0x3b8: {  	v8 =	vunpack.i.l.bf16.f32 v0;
	v3 =	vmul.f32 v5, v3;
	v1 =	vadd.f32 v1, v4  }
0x3b9: {  	v0 =	vunpack.i.u.bf16.f32 v0;
	v4 =	vmul.f32 v8, v2;
	v5 =	vadd.f32 v6, v7  }
0x3ba: {  	v0 =	vmul.f32 v0, v2;
	v1 =	vadd.f32 v3, v1  }
0x3bb: {  	v2 =	vadd.f32 v4, v5  }
0x3bc: {  	v0 =	vadd.f32 v0, v1  }
0x3bd: {  	s3 =	rddreg [dreg:$0x7];
	[tilespmem:s7+$0x10] =	vst v2  }
0x3be: {  	s3 =	sadd.s32 s1, s3;
	[tilespmem:s7+$0x20] =	vst v0  }
0x3bf: {  	[hbm4b:s3+s4] =	stream.linear.scatter [tilespmem:s20], [sflag:$0x3], $0x3000, $0x38;
	[tilespmem:$0x11800] =	vst v63  }
0x3c0: {  	_ =	swait.ge [sflag:s13], $0x3000  }
0x3c1: {  	[sflag:s13] =	ssyncset.done $0x0  }
0x3c2: {  	s26 =	simm.s32 $0x980;
	[sflag:s13] =	ssyncadd.s32 $0xFFFFD000  }
0x3c3: {  	[tilespmem:s25], [sflag:$0x2] =	stream.indirect.gather [hbm4b:s6+s15], $0x30, s26, s15, $0xb8;
	[tilespmem:$0x11800] =	vst v63  }
0x3c4: {  	s5 =	simm.s32 $0xD80  }
0x3c5: {  	[tilespmem:s28], [sflag:$0x2] =	stream.indirect.gather [hbm4b:s6+s15], $0x30, s5, s15, $0xb8;
	[tilespmem:$0x11800] =	vst v63  }
0x3c6: {  	s7 =	simm.s32 $0x1180  }
0x3c7: {  	[tilespmem:s30], [sflag:$0x2] =	stream.indirect.gather [hbm4b:s6+s15], $0x30, s7, s15, $0xb8;
	[tilespmem:$0x11800] =	vst v63  }
0x3c8: {  	s8 =	simm.s32 $0x1580  }
0x3c9: {  	[tilespmem:s0], [sflag:$0x2] =	stream.indirect.gather [hbm4b:s6+s15], $0x30, s8, s15, $0xb8;
	[tilespmem:$0x11800] =	vst v63  }
0x3ca: {  	_ =	swait.ge [sflag:s2], $0x1800  }
0x3cb: {  	[sflag:s2] =	ssyncset.done $0x0  }
0x3cc: {  	[sflag:s2] =	ssyncadd.s32 $0xFFFFE800  }
0x3cd: {  	_ =	swait.ge [sflag:s2], $0x1800  }
0x3ce: {  	[sflag:s2] =	ssyncset.done $0x0  }
0x3cf: {  	[sflag:s2] =	ssyncadd.s32 $0xFFFFE800  }
0x3d0: {  	s10 =	simm.s32 $0x100;
	_ =	swait.ge [sflag:s2], $0x1800  }
0x3d1: {  	v0 =	vmov s10;
	[sflag:s2] =	ssyncset.done $0x0  }
0x3d2: {  	[sflag:s2] =	ssyncadd.s32 $0xFFFFE800  }
0x3d3: {  	_ =	swait.ge [sflag:s2], $0x1800  }
0x3d4: {  	[sflag:s2] =	ssyncset.done $0x0  }
0x3d5: {  	[sflag:s2] =	ssyncadd.s32 $0xFFFFE800  }
0x3d6: {  	s5 =	simm.s32 $0x2820;
	v1 =	vld.idx.msk [tilespmem:v0+s14+$0x0], $0xffff  }
0x3d7: {  	s26 =	simm.s32 $0x4020;
	v5 =	vld [tilespmem:s5+$0xFFFFFFE0]  }
0x3d8: {  	v6 =	vld [tilespmem:s26+$0xFFFFFFE0]  }
0x3d9: {  	s29 =	simm.s32 $0x5810;
	v4 =	vld.idx.msk [tilespmem:v0+s12+$0x0], $0xffff  }
0x3da: {  	v7 =	vld [tilespmem:s29+$0xFFFFFFF0]  }
0x3db: {  	s11 =	simm.s32 $0x7010;
	v3 =	vld.idx.msk [tilespmem:v0+s16+$0x0], $0xffff  }
0x3dc: {  	v8 =	vld [tilespmem:s11+$0xFFFFFFF0]  }
0x3dd: {  	v2 =	vld.idx.msk [tilespmem:v0+s18+$0x0], $0xffff;
	v9 =	vunpack.i.l.bf16.f32 v5;
	v0 =	vunpack.i.u.bf16.f32 v5;
	v5 =	vunpack.i.l.bf16.f32 v6  }
0x3de: {  	v6 =	vunpack.i.u.bf16.f32 v6;
	v9 =	vmul.f32 v9, v4;
	v5 =	vmul.f32 v5, v1  }
0x3df: {  	v10 =	vunpack.i.l.bf16.f32 v7;
	v6 =	vmul.f32 v6, v1;
	v0 =	vmul.f32 v0, v4  }
0x3e0: {  	v7 =	vunpack.i.u.bf16.f32 v7;
	v5 =	vadd.f32 v5, v9;
	v9 =	vmul.f32 v10, v3  }
0x3e1: {  	v10 =	vunpack.i.l.bf16.f32 v8;
	v0 =	vadd.f32 v6, v0;
	v6 =	vmul.f32 v7, v3  }
0x3e2: {  	v7 =	vunpack.i.u.bf16.f32 v8;
	v8 =	vmul.f32 v10, v2;
	v5 =	vadd.f32 v9, v5  }
0x3e3: {  	v7 =	vmul.f32 v7, v2;
	v0 =	vadd.f32 v6, v0  }
0x3e4: {  	v5 =	vadd.f32 v8, v5  }
0x3e5: {  	s3 =	simm.s32 $0xE830;
	v0 =	vadd.f32 v7, v0  }
0x3e6: {  	[tilespmem:s3+$0xFFFFFFD0] =	vst v5  }
0x3e7: {  	[tilespmem:s3+$0xFFFFFFE0] =	vst v0  }
0x3e8: {  	v0 =	vld [tilespmem:s5+$0xFFFFFFF0]  }
0x3e9: {  	v5 =	vld [tilespmem:s26+$0xFFFFFFF0];
	_ =	sdelay $0x1  }
0x3ea: {  	v6 =	vld [tilespmem:s29+$0x0];
	_ =	sdelay $0x1  }
0x3eb: {  	v7 =	vld [tilespmem:s11+$0x0]  }
0x3ec: {  	v8 =	vunpack.i.u.bf16.f32 v0;
	v0 =	vunpack.i.l.bf16.f32 v0;
	v9 =	vunpack.i.u.bf16.f32 v5  }
0x3ed: {  	v5 =	vunpack.i.l.bf16.f32 v5;
	v8 =	vmul.f32 v8, v4;
	v9 =	vmul.f32 v9, v1  }
0x3ee: {  	v10 =	vunpack.i.u.bf16.f32 v6;
	v0 =	vmul.f32 v0, v4;
	v5 =	vmul.f32 v5, v1  }
0x3ef: {  	v6 =	vunpack.i.l.bf16.f32 v6;
	v10 =	vmul.f32 v10, v3;
	v8 =	vadd.f32 v9, v8  }
0x3f0: {  	v6 =	vmul.f32 v6, v3;
	v9 =	vunpack.i.u.bf16.f32 v7;
	v0 =	vadd.f32 v5, v0  }
0x3f1: {  	v5 =	vunpack.i.l.bf16.f32 v7;
	v7 =	vadd.f32 v10, v8;
	v8 =	vmul.f32 v9, v2  }
0x3f2: {  	v5 =	vmul.f32 v5, v2;
	v0 =	vadd.f32 v6, v0  }
0x3f3: {  	v6 =	vadd.f32 v8, v7  }
0x3f4: {  	v0 =	vadd.f32 v5, v0  }
0x3f5: {  	[tilespmem:s3+$0x0] =	vst v6  }
0x3f6: {  	[tilespmem:s3+$0xFFFFFFF0] =	vst v0  }
0x3f7: {  	v7 =	vld [tilespmem:s5+$0x0]  }
0x3f8: {  	v6 =	vld [tilespmem:s26+$0x0]  }
0x3f9: {  	v5 =	vld [tilespmem:s29+$0x10];
	_ =	sdelay $0x1  }
0x3fa: {  	s10 =	simm.s32 $0x7040;
	v0 =	vld [tilespmem:s11+$0x10]  }
0x3fb: {  	s7 =	simm.s32 $0xE830;
	s8 =	simm.s32 $0x2850;
	s5 =	simm.s32 $0x101;
	v8 =	vunpack.i.u.bf16.f32 v7;
	v7 =	vunpack.i.l.bf16.f32 v7  }
.LBB2_9:
0x3fc: {  	v9 =	vunpack.i.l.bf16.f32 v6;
	v8 =	vmul.f32 v8, v4;
	s3 =	sadd.s32 $0x60, s3;
	s29 =	sadd.s32 $0x30, s29;
	s26 =	sadd.s32 $0x30, s26  }
0x3fd: {  	p0 =	sne.s32 s5, $0x17F;
	v4 =	vmul.f32 v7, v4;
	s11 =	smov.u32 s5;
	s5 =	sadd.s32 $0x1, s5;
	v10 =	vunpack.i.l.bf16.f32 v5;
	v7 =	vmul.f32 v9, v1  }
0x3fe: {  	v6 =	vunpack.i.u.bf16.f32 v6;
	v5 =	vunpack.i.u.bf16.f32 v5;
	v9 =	vmul.f32 v10, v3  }
0x3ff: {  	v1 =	vmul.f32 v6, v1;
	v10 =	vunpack.i.l.bf16.f32 v0;
	v4 =	vadd.f32 v7, v4  }
0x400: {  	v0 =	vunpack.i.u.bf16.f32 v0;
	v3 =	vmul.f32 v5, v3;
	v6 =	vmul.f32 v10, v2  }
0x401: {  	v5 =	vmov s11;
	v1 =	vadd.f32 v1, v8;
	v4 =	vadd.f32 v9, v4  }
0x402: {  	v0 =	vmul.f32 v0, v2  }
0x403: {  	v1 =	vadd.f32 v3, v1;
	v2 =	vadd.f32 v6, v4;
	_ =	sdelay $0x1  }
0x404: {  	v0 =	vadd.f32 v0, v1;
	[tilespmem:s7+$0x10] =	vst v2;
	_ =	sdelay $0x1  }
0x405: {  	[tilespmem:s7+$0x20] =	vst v0;
	s7 =	smov.u32 s3  }
0x406: {  	v1 =	vld.idx.msk [tilespmem:v5+s14+$0x0], $0xffff  }
0x407: {  	v0 =	vld [tilespmem:s8+$0xFFFFFFE0]  }
0x408: {  	v6 =	vld [tilespmem:s26+$0xFFFFFFE0]  }
0x409: {  	v4 =	vld.idx.msk [tilespmem:v5+s12+$0x0], $0xffff  }
0x40a: {  	v7 =	vld [tilespmem:s29+$0xFFFFFFF0]  }
0x40b: {  	v3 =	vld.idx.msk [tilespmem:v5+s16+$0x0], $0xffff  }
0x40c: {  	v8 =	vunpack.i.l.bf16.f32 v0;
	v9 =	vld [tilespmem:s10+$0xFFFFFFF0]  }
0x40d: {  	v0 =	vunpack.i.u.bf16.f32 v0;
	v2 =	vld.idx.msk [tilespmem:v5+s18+$0x0], $0xffff;
	v5 =	vunpack.i.u.bf16.f32 v6;
	v6 =	vunpack.i.l.bf16.f32 v6  }
0x40e: {  	v5 =	vmul.f32 v5, v1  }
0x40f: {  	v8 =	vmul.f32 v8, v4;
	v6 =	vmul.f32 v6, v1;
	v10 =	vunpack.i.u.bf16.f32 v7  }
0x410: {  	v0 =	vmul.f32 v0, v4;
	v7 =	vunpack.i.l.bf16.f32 v7  }
0x411: {  	v6 =	vadd.f32 v6, v8;
	v7 =	vmul.f32 v7, v3;
	v11 =	vunpack.i.u.bf16.f32 v9  }
0x412: {  	v0 =	vadd.f32 v5, v0;
	v5 =	vmul.f32 v10, v3;
	v8 =	vunpack.i.l.bf16.f32 v9  }
0x413: {  	v6 =	vadd.f32 v7, v6;
	v7 =	vmul.f32 v8, v2;
	v8 =	vmul.f32 v11, v2  }
0x414: {  	v0 =	vadd.f32 v5, v0  }
0x415: {  	v5 =	vadd.f32 v7, v6  }
0x416: {  	v0 =	vadd.f32 v8, v0  }
0x417: {  	[tilespmem:s3+$0xFFFFFFD0] =	vst v5  }
0x418: {  	[tilespmem:s3+$0xFFFFFFE0] =	vst v0  }
0x419: {  	v0 =	vld [tilespmem:s8+$0xFFFFFFF0]  }
0x41a: {  	v5 =	vld [tilespmem:s26+$0xFFFFFFF0]  }
0x41b: {  	v6 =	vld [tilespmem:s29+$0x0];
	_ =	sdelay $0x2  }
0x41c: {  	v7 =	vunpack.i.u.bf16.f32 v0;
	v0 =	vunpack.i.l.bf16.f32 v0;
	v8 =	vld [tilespmem:s10+$0x0]  }
0x41d: {  	v9 =	vunpack.i.u.bf16.f32 v5;
	v5 =	vunpack.i.l.bf16.f32 v5;
	v7 =	vmul.f32 v7, v4  }
0x41e: {  	v0 =	vmul.f32 v0, v4;
	v10 =	vunpack.i.u.bf16.f32 v6;
	v9 =	vmul.f32 v9, v1  }
0x41f: {  	v6 =	vunpack.i.l.bf16.f32 v6;
	v5 =	vmul.f32 v5, v1;
	v10 =	vmul.f32 v10, v3  }
0x420: {  	v6 =	vmul.f32 v6, v3;
	v7 =	vadd.f32 v9, v7  }
0x421: {  	v0 =	vadd.f32 v5, v0;
	v9 =	vunpack.i.u.bf16.f32 v8;
	v8 =	vunpack.i.l.bf16.f32 v8  }
0x422: {  	v5 =	vadd.f32 v10, v7;
	v7 =	vmul.f32 v9, v2  }
0x423: {  	v0 =	vadd.f32 v6, v0;
	v6 =	vmul.f32 v8, v2  }
0x424: {  	v5 =	vadd.f32 v7, v5  }
0x425: {  	v0 =	vadd.f32 v6, v0  }
0x426: {  	[tilespmem:s3+$0x0] =	vst v5  }
0x427: {  	[tilespmem:s3+$0xFFFFFFF0] =	vst v0  }
0x428: {  	v7 =	vld [tilespmem:s8+$0x0]  }
.Ltmp3:
0x429: {  	v6 =	vld [tilespmem:s26+$0x0];
	(pc) =	sbr.rel @p0 .LBB2_9-.Ltmp3, $3  }
0x42a: {  	v5 =	vld [tilespmem:s29+$0x10]  }
0x42b: {  	v0 =	vld [tilespmem:s10+$0x10];
	_ =	sdelay $0x1  }
0x42c: {  	s8 =	sadd.s32 $0x30, s8;
	s10 =	sadd.s32 $0x30, s10;
	v8 =	vunpack.i.u.bf16.f32 v7;
	v7 =	vunpack.i.l.bf16.f32 v7  }
0x42d: {  	v9 =	vunpack.i.l.bf16.f32 v6  }
0x42e: {  	v7 =	vmul.f32 v7, v4;
	v6 =	vunpack.i.u.bf16.f32 v6;
	v9 =	vmul.f32 v9, v1  }
0x42f: {  	v4 =	vmul.f32 v8, v4;
	v8 =	vunpack.i.l.bf16.f32 v5;
	v1 =	vmul.f32 v6, v1  }
0x430: {  	v5 =	vunpack.i.u.bf16.f32 v5;
	v6 =	vmul.f32 v8, v3;
	v7 =	vadd.f32 v9, v7  }
0x431: {  	v8 =	vunpack.i.l.bf16.f32 v0;
	v3 =	vmul.f32 v5, v3;
	v1 =	vadd.f32 v1, v4  }
0x432: {  	v0 =	vunpack.i.u.bf16.f32 v0;
	v4 =	vmul.f32 v8, v2;
	v5 =	vadd.f32 v6, v7  }
0x433: {  	v0 =	vmul.f32 v0, v2;
	v1 =	vadd.f32 v3, v1  }
0x434: {  	v2 =	vadd.f32 v4, v5  }
0x435: {  	v0 =	vadd.f32 v0, v1  }
0x436: {  	s3 =	rddreg [dreg:$0x8];
	[tilespmem:s7+$0x10] =	vst v2  }
0x437: {  	s1 =	sadd.s32 s1, s3;
	[tilespmem:s7+$0x20] =	vst v0  }
0x438: {  	[hbm4b:s1+s4] =	stream.linear.scatter [tilespmem:s20], [sflag:$0x3], $0x3000, $0x38;
	[tilespmem:$0x11800] =	vst v63  }
0x439: {  	_ =	swait.ge [sflag:s13], $0x3000  }
0x43a: {  	[sflag:s13] =	ssyncset.done $0x0  }
0x43b: {  	s3 =	simm.s32 $0xA00;
	[sflag:s13] =	ssyncadd.s32 $0xFFFFD000  }
0x43c: {  	[tilespmem:s17], [sflag:$0x1] =	stream.indirect.gather [hbm4b:s6+s15], $0x30, s3, s15, $0xb8;
	[tilespmem:$0x11800] =	vst v63  }
0x43d: {  	s5 =	simm.s32 $0xE00  }
0x43e: {  	[tilespmem:s19], [sflag:$0x1] =	stream.indirect.gather [hbm4b:s6+s15], $0x30, s5, s15, $0xb8;
	[tilespmem:$0x11800] =	vst v63  }
0x43f: {  	s7 =	simm.s32 $0x1200  }
0x440: {  	[tilespmem:s21], [sflag:$0x1] =	stream.indirect.gather [hbm4b:s6+s15], $0x30, s7, s15, $0xb8;
	[tilespmem:$0x11800] =	vst v63  }
0x441: {  	s8 =	simm.s32 $0x1600  }
0x442: {  	[tilespmem:s23], [sflag:$0x1] =	stream.indirect.gather [hbm4b:s6+s15], $0x30, s8, s15, $0xb8;
	[tilespmem:$0x11800] =	vst v63  }
0x443: {  	_ =	swait.ge [sflag:s31], $0x1800  }
0x444: {  	[sflag:s31] =	ssyncset.done $0x0  }
0x445: {  	[sflag:s31] =	ssyncadd.s32 $0xFFFFE800  }
0x446: {  	_ =	swait.ge [sflag:s31], $0x1800  }
0x447: {  	[sflag:s31] =	ssyncset.done $0x0  }
0x448: {  	[sflag:s31] =	ssyncadd.s32 $0xFFFFE800  }
0x449: {  	s10 =	simm.s32 $0x180;
	_ =	swait.ge [sflag:s31], $0x1800  }
0x44a: {  	v0 =	vmov s10;
	[sflag:s31] =	ssyncset.done $0x0  }
0x44b: {  	[sflag:s31] =	ssyncadd.s32 $0xFFFFE800  }
0x44c: {  	_ =	swait.ge [sflag:s31], $0x1800  }
0x44d: {  	[sflag:s31] =	ssyncset.done $0x0  }
0x44e: {  	[sflag:s31] =	ssyncadd.s32 $0xFFFFE800  }
0x44f: {  	s5 =	simm.s32 $0x8820;
	v1 =	vld.idx.msk [tilespmem:v0+s14+$0x0], $0xffff  }
0x450: {  	s1 =	simm.s32 $0xA020;
	v5 =	vld [tilespmem:s5+$0xFFFFFFE0]  }
0x451: {  	v6 =	vld [tilespmem:s1+$0xFFFFFFE0]  }
0x452: {  	s26 =	simm.s32 $0xB810;
	v4 =	vld.idx.msk [tilespmem:v0+s12+$0x0], $0xffff  }
0x453: {  	v7 =	vld [tilespmem:s26+$0xFFFFFFF0]  }
0x454: {  	s11 =	simm.s32 $0xD010;
	v3 =	vld.idx.msk [tilespmem:v0+s16+$0x0], $0xffff  }
0x455: {  	v8 =	vld [tilespmem:s11+$0xFFFFFFF0]  }
0x456: {  	v2 =	vld.idx.msk [tilespmem:v0+s18+$0x0], $0xffff;
	v9 =	vunpack.i.l.bf16.f32 v5;
	v0 =	vunpack.i.u.bf16.f32 v5;
	v5 =	vunpack.i.l.bf16.f32 v6  }
0x457: {  	v6 =	vunpack.i.u.bf16.f32 v6;
	v9 =	vmul.f32 v9, v4;
	v5 =	vmul.f32 v5, v1  }
0x458: {  	v10 =	vunpack.i.l.bf16.f32 v7;
	v6 =	vmul.f32 v6, v1;
	v0 =	vmul.f32 v0, v4  }
0x459: {  	v7 =	vunpack.i.u.bf16.f32 v7;
	v5 =	vadd.f32 v5, v9;
	v9 =	vmul.f32 v10, v3  }
0x45a: {  	v10 =	vunpack.i.l.bf16.f32 v8;
	v0 =	vadd.f32 v6, v0;
	v6 =	vmul.f32 v7, v3  }
0x45b: {  	v7 =	vunpack.i.u.bf16.f32 v8;
	v8 =	vmul.f32 v10, v2;
	v5 =	vadd.f32 v9, v5  }
0x45c: {  	v7 =	vmul.f32 v7, v2;
	v0 =	vadd.f32 v6, v0  }
0x45d: {  	v5 =	vadd.f32 v8, v5  }
0x45e: {  	s3 =	simm.s32 $0xE830;
	v0 =	vadd.f32 v7, v0  }
0x45f: {  	[tilespmem:s3+$0xFFFFFFD0] =	vst v5  }
0x460: {  	[tilespmem:s3+$0xFFFFFFE0] =	vst v0  }
0x461: {  	v0 =	vld [tilespmem:s5+$0xFFFFFFF0]  }
0x462: {  	v5 =	vld [tilespmem:s1+$0xFFFFFFF0];
	_ =	sdelay $0x1  }
0x463: {  	v6 =	vld [tilespmem:s26+$0x0];
	_ =	sdelay $0x1  }
0x464: {  	v7 =	vld [tilespmem:s11+$0x0]  }
0x465: {  	v8 =	vunpack.i.u.bf16.f32 v0;
	v0 =	vunpack.i.l.bf16.f32 v0;
	v9 =	vunpack.i.u.bf16.f32 v5  }
0x466: {  	v5 =	vunpack.i.l.bf16.f32 v5;
	v8 =	vmul.f32 v8, v4;
	v9 =	vmul.f32 v9, v1  }
0x467: {  	v10 =	vunpack.i.u.bf16.f32 v6;
	v0 =	vmul.f32 v0, v4;
	v5 =	vmul.f32 v5, v1  }
0x468: {  	v6 =	vunpack.i.l.bf16.f32 v6;
	v10 =	vmul.f32 v10, v3;
	v8 =	vadd.f32 v9, v8  }
0x469: {  	v6 =	vmul.f32 v6, v3;
	v9 =	vunpack.i.u.bf16.f32 v7;
	v0 =	vadd.f32 v5, v0  }
0x46a: {  	v5 =	vunpack.i.l.bf16.f32 v7;
	v7 =	vadd.f32 v10, v8;
	v8 =	vmul.f32 v9, v2  }
0x46b: {  	v5 =	vmul.f32 v5, v2;
	v0 =	vadd.f32 v6, v0  }
0x46c: {  	v6 =	vadd.f32 v8, v7  }
0x46d: {  	v0 =	vadd.f32 v5, v0  }
0x46e: {  	[tilespmem:s3+$0x0] =	vst v6  }
0x46f: {  	[tilespmem:s3+$0xFFFFFFF0] =	vst v0  }
0x470: {  	v7 =	vld [tilespmem:s5+$0x0]  }
0x471: {  	v6 =	vld [tilespmem:s1+$0x0]  }
0x472: {  	v5 =	vld [tilespmem:s26+$0x10];
	_ =	sdelay $0x1  }
0x473: {  	s29 =	simm.s32 $0xE830;
	v0 =	vld [tilespmem:s11+$0x10]  }
0x474: {  	s7 =	simm.s32 $0x8850;
	s8 =	simm.s32 $0xD040;
	s5 =	simm.s32 $0x181;
	v8 =	vunpack.i.u.bf16.f32 v7;
	v7 =	vunpack.i.l.bf16.f32 v7  }
.LBB2_11:
0x475: {  	v9 =	vunpack.i.l.bf16.f32 v6;
	v8 =	vmul.f32 v8, v4;
	s3 =	sadd.s32 $0x60, s3;
	s26 =	sadd.s32 $0x30, s26;
	s1 =	sadd.s32 $0x30, s1  }
0x476: {  	p0 =	sne.s32 s5, $0x1FF;
	v4 =	vmul.f32 v7, v4;
	s10 =	smov.u32 s5;
	s5 =	sadd.s32 $0x1, s5;
	v10 =	vunpack.i.l.bf16.f32 v5;
	v7 =	vmul.f32 v9, v1  }
0x477: {  	v6 =	vunpack.i.u.bf16.f32 v6;
	v5 =	vunpack.i.u.bf16.f32 v5;
	v9 =	vmul.f32 v10, v3  }
0x478: {  	v1 =	vmul.f32 v6, v1;
	v10 =	vunpack.i.l.bf16.f32 v0;
	v4 =	vadd.f32 v7, v4  }
0x479: {  	v0 =	vunpack.i.u.bf16.f32 v0;
	v3 =	vmul.f32 v5, v3;
	v6 =	vmul.f32 v10, v2  }
0x47a: {  	v5 =	vmov s10;
	v1 =	vadd.f32 v1, v8;
	v4 =	vadd.f32 v9, v4  }
0x47b: {  	v0 =	vmul.f32 v0, v2  }
0x47c: {  	v1 =	vadd.f32 v3, v1;
	v2 =	vadd.f32 v6, v4;
	_ =	sdelay $0x1  }
0x47d: {  	v0 =	vadd.f32 v0, v1;
	[tilespmem:s29+$0x10] =	vst v2;
	_ =	sdelay $0x1  }
0x47e: {  	[tilespmem:s29+$0x20] =	vst v0;
	s29 =	smov.u32 s3  }
0x47f: {  	v1 =	vld.idx.msk [tilespmem:v5+s14+$0x0], $0xffff  }
0x480: {  	v0 =	vld [tilespmem:s7+$0xFFFFFFE0]  }
0x481: {  	v6 =	vld [tilespmem:s1+$0xFFFFFFE0]  }
0x482: {  	v4 =	vld.idx.msk [tilespmem:v5+s12+$0x0], $0xffff  }
0x483: {  	v7 =	vld [tilespmem:s26+$0xFFFFFFF0]  }
0x484: {  	v3 =	vld.idx.msk [tilespmem:v5+s16+$0x0], $0xffff  }
0x485: {  	v8 =	vunpack.i.l.bf16.f32 v0;
	v9 =	vld [tilespmem:s8+$0xFFFFFFF0]  }
0x486: {  	v0 =	vunpack.i.u.bf16.f32 v0;
	v2 =	vld.idx.msk [tilespmem:v5+s18+$0x0], $0xffff;
	v5 =	vunpack.i.u.bf16.f32 v6;
	v6 =	vunpack.i.l.bf16.f32 v6  }
0x487: {  	v5 =	vmul.f32 v5, v1  }
0x488: {  	v8 =	vmul.f32 v8, v4;
	v6 =	vmul.f32 v6, v1;
	v10 =	vunpack.i.u.bf16.f32 v7  }
0x489: {  	v0 =	vmul.f32 v0, v4;
	v7 =	vunpack.i.l.bf16.f32 v7  }
0x48a: {  	v6 =	vadd.f32 v6, v8;
	v7 =	vmul.f32 v7, v3;
	v11 =	vunpack.i.u.bf16.f32 v9  }
0x48b: {  	v0 =	vadd.f32 v5, v0;
	v5 =	vmul.f32 v10, v3;
	v8 =	vunpack.i.l.bf16.f32 v9  }
0x48c: {  	v6 =	vadd.f32 v7, v6;
	v7 =	vmul.f32 v8, v2;
	v8 =	vmul.f32 v11, v2  }
0x48d: {  	v0 =	vadd.f32 v5, v0  }
0x48e: {  	v5 =	vadd.f32 v7, v6  }
0x48f: {  	v0 =	vadd.f32 v8, v0  }
0x490: {  	[tilespmem:s3+$0xFFFFFFD0] =	vst v5  }
0x491: {  	[tilespmem:s3+$0xFFFFFFE0] =	vst v0  }
0x492: {  	v0 =	vld [tilespmem:s7+$0xFFFFFFF0]  }
0x493: {  	v5 =	vld [tilespmem:s1+$0xFFFFFFF0]  }
0x494: {  	v6 =	vld [tilespmem:s26+$0x0];
	_ =	sdelay $0x2  }
0x495: {  	v7 =	vunpack.i.u.bf16.f32 v0;
	v0 =	vunpack.i.l.bf16.f32 v0;
	v8 =	vld [tilespmem:s8+$0x0]  }
0x496: {  	v9 =	vunpack.i.u.bf16.f32 v5;
	v5 =	vunpack.i.l.bf16.f32 v5;
	v7 =	vmul.f32 v7, v4  }
0x497: {  	v0 =	vmul.f32 v0, v4;
	v10 =	vunpack.i.u.bf16.f32 v6;
	v9 =	vmul.f32 v9, v1  }
0x498: {  	v6 =	vunpack.i.l.bf16.f32 v6;
	v5 =	vmul.f32 v5, v1;
	v10 =	vmul.f32 v10, v3  }
0x499: {  	v6 =	vmul.f32 v6, v3;
	v7 =	vadd.f32 v9, v7  }
0x49a: {  	v0 =	vadd.f32 v5, v0;
	v9 =	vunpack.i.u.bf16.f32 v8;
	v8 =	vunpack.i.l.bf16.f32 v8  }
0x49b: {  	v5 =	vadd.f32 v10, v7;
	v7 =	vmul.f32 v9, v2  }
0x49c: {  	v0 =	vadd.f32 v6, v0;
	v6 =	vmul.f32 v8, v2  }
0x49d: {  	v5 =	vadd.f32 v7, v5  }
0x49e: {  	v0 =	vadd.f32 v6, v0  }
0x49f: {  	[tilespmem:s3+$0x0] =	vst v5  }
0x4a0: {  	[tilespmem:s3+$0xFFFFFFF0] =	vst v0  }
0x4a1: {  	v7 =	vld [tilespmem:s7+$0x0]  }
.Ltmp4:
0x4a2: {  	v6 =	vld [tilespmem:s1+$0x0];
	(pc) =	sbr.rel @p0 .LBB2_11-.Ltmp4, $3  }
0x4a3: {  	v5 =	vld [tilespmem:s26+$0x10]  }
0x4a4: {  	v0 =	vld [tilespmem:s8+$0x10];
	_ =	sdelay $0x1  }
0x4a5: {  	s7 =	sadd.s32 $0x30, s7;
	s8 =	sadd.s32 $0x30, s8;
	v8 =	vunpack.i.u.bf16.f32 v7;
	v7 =	vunpack.i.l.bf16.f32 v7  }
0x4a6: {  	v9 =	vunpack.i.l.bf16.f32 v6  }
0x4a7: {  	v7 =	vmul.f32 v7, v4;
	v6 =	vunpack.i.u.bf16.f32 v6;
	v9 =	vmul.f32 v9, v1  }
0x4a8: {  	v4 =	vmul.f32 v8, v4;
	v8 =	vunpack.i.l.bf16.f32 v5;
	v1 =	vmul.f32 v6, v1  }
0x4a9: {  	v5 =	vunpack.i.u.bf16.f32 v5;
	v6 =	vmul.f32 v8, v3;
	v7 =	vadd.f32 v9, v7  }
0x4aa: {  	v8 =	vunpack.i.l.bf16.f32 v0;
	v3 =	vmul.f32 v5, v3;
	v1 =	vadd.f32 v1, v4  }
0x4ab: {  	v0 =	vunpack.i.u.bf16.f32 v0;
	v4 =	vmul.f32 v8, v2;
	v5 =	vadd.f32 v6, v7  }
0x4ac: {  	s1 =	smul.u32 $0x60, s24;
	v0 =	vmul.f32 v0, v2;
	v1 =	vadd.f32 v3, v1  }
0x4ad: {  	v2 =	vadd.f32 v4, v5  }
0x4ae: {  	s3 =	rddreg [dreg:$0x2];
	s1 =	sshrl.u32 s1, $0x3;
	v0 =	vadd.f32 v0, v1  }
0x4af: {  	s24 =	sadd.s32 s3, s1;
	[tilespmem:s29+$0x10] =	vst v2  }
0x4b0: {  	s1 =	sadd.s32 $0x1200, s24;
	[tilespmem:s29+$0x20] =	vst v0  }
0x4b1: {  	[hbm4b:s1+s4] =	stream.linear.scatter [tilespmem:s20], [sflag:$0x3], $0x3000, $0x38;
	[tilespmem:$0x11800] =	vst v63  }
0x4b2: {  	_ =	swait.ge [sflag:s13], $0x3000  }
0x4b3: {  	[sflag:s13] =	ssyncset.done $0x0  }
0x4b4: {  	s8 =	simm.s32 $0xA80;
	[sflag:s13] =	ssyncadd.s32 $0xFFFFD000  }
0x4b5: {  	[tilespmem:s25], [sflag:$0x2] =	stream.indirect.gather [hbm4b:s6+s15], $0x30, s8, s15, $0xb8;
	[tilespmem:$0x11800] =	vst v63  }
0x4b6: {  	s10 =	simm.s32 $0xE80  }
0x4b7: {  	[tilespmem:s28], [sflag:$0x2] =	stream.indirect.gather [hbm4b:s6+s15], $0x30, s10, s15, $0xb8;
	[tilespmem:$0x11800] =	vst v63  }
0x4b8: {  	s11 =	simm.s32 $0x1280  }
0x4b9: {  	[tilespmem:s30], [sflag:$0x2] =	stream.indirect.gather [hbm4b:s6+s15], $0x30, s11, s15, $0xb8;
	[tilespmem:$0x11800] =	vst v63  }
0x4ba: {  	s26 =	simm.s32 $0x1680  }
0x4bb: {  	[tilespmem:s0], [sflag:$0x2] =	stream.indirect.gather [hbm4b:s6+s15], $0x30, s26, s15, $0xb8;
	[tilespmem:$0x11800] =	vst v63  }
0x4bc: {  	_ =	swait.ge [sflag:s2], $0x1800  }
0x4bd: {  	[sflag:s2] =	ssyncset.done $0x0  }
0x4be: {  	[sflag:s2] =	ssyncadd.s32 $0xFFFFE800  }
0x4bf: {  	_ =	swait.ge [sflag:s2], $0x1800  }
0x4c0: {  	[sflag:s2] =	ssyncset.done $0x0  }
0x4c1: {  	[sflag:s2] =	ssyncadd.s32 $0xFFFFE800  }
0x4c2: {  	s29 =	simm.s32 $0x200;
	_ =	swait.ge [sflag:s2], $0x1800  }
0x4c3: {  	v0 =	vmov s29;
	[sflag:s2] =	ssyncset.done $0x0  }
0x4c4: {  	[sflag:s2] =	ssyncadd.s32 $0xFFFFE800  }
0x4c5: {  	_ =	swait.ge [sflag:s2], $0x1800  }
0x4c6: {  	[sflag:s2] =	ssyncset.done $0x0  }
0x4c7: {  	[sflag:s2] =	ssyncadd.s32 $0xFFFFE800  }
0x4c8: {  	s5 =	simm.s32 $0x2820;
	v1 =	vld.idx.msk [tilespmem:v0+s14+$0x0], $0xffff  }
0x4c9: {  	s1 =	simm.s32 $0x4020;
	v5 =	vld [tilespmem:s5+$0xFFFFFFE0]  }
0x4ca: {  	v6 =	vld [tilespmem:s1+$0xFFFFFFE0]  }
0x4cb: {  	s26 =	simm.s32 $0x5810;
	v4 =	vld.idx.msk [tilespmem:v0+s12+$0x0], $0xffff  }
0x4cc: {  	v7 =	vld [tilespmem:s26+$0xFFFFFFF0]  }
0x4cd: {  	s7 =	simm.s32 $0x7010;
	v3 =	vld.idx.msk [tilespmem:v0+s16+$0x0], $0xffff  }
0x4ce: {  	v8 =	vld [tilespmem:s7+$0xFFFFFFF0]  }
0x4cf: {  	v2 =	vld.idx.msk [tilespmem:v0+s18+$0x0], $0xffff;
	v9 =	vunpack.i.l.bf16.f32 v5;
	v0 =	vunpack.i.u.bf16.f32 v5;
	v5 =	vunpack.i.l.bf16.f32 v6  }
0x4d0: {  	v6 =	vunpack.i.u.bf16.f32 v6;
	v9 =	vmul.f32 v9, v4;
	v5 =	vmul.f32 v5, v1  }
0x4d1: {  	v10 =	vunpack.i.l.bf16.f32 v7;
	v6 =	vmul.f32 v6, v1;
	v0 =	vmul.f32 v0, v4  }
0x4d2: {  	v7 =	vunpack.i.u.bf16.f32 v7;
	v5 =	vadd.f32 v5, v9;
	v9 =	vmul.f32 v10, v3  }
0x4d3: {  	v10 =	vunpack.i.l.bf16.f32 v8;
	v0 =	vadd.f32 v6, v0;
	v6 =	vmul.f32 v7, v3  }
0x4d4: {  	v7 =	vunpack.i.u.bf16.f32 v8;
	v8 =	vmul.f32 v10, v2;
	v5 =	vadd.f32 v9, v5  }
0x4d5: {  	v7 =	vmul.f32 v7, v2;
	v0 =	vadd.f32 v6, v0  }
0x4d6: {  	v5 =	vadd.f32 v8, v5  }
0x4d7: {  	s3 =	simm.s32 $0xE830;
	v0 =	vadd.f32 v7, v0  }
0x4d8: {  	[tilespmem:s3+$0xFFFFFFD0] =	vst v5  }
0x4d9: {  	[tilespmem:s3+$0xFFFFFFE0] =	vst v0  }
0x4da: {  	v0 =	vld [tilespmem:s5+$0xFFFFFFF0]  }
0x4db: {  	v5 =	vld [tilespmem:s1+$0xFFFFFFF0];
	_ =	sdelay $0x1  }
0x4dc: {  	v6 =	vld [tilespmem:s26+$0x0];
	_ =	sdelay $0x1  }
0x4dd: {  	v7 =	vld [tilespmem:s7+$0x0]  }
0x4de: {  	v8 =	vunpack.i.u.bf16.f32 v0;
	v0 =	vunpack.i.l.bf16.f32 v0;
	v9 =	vunpack.i.u.bf16.f32 v5  }
0x4df: {  	v5 =	vunpack.i.l.bf16.f32 v5;
	v8 =	vmul.f32 v8, v4;
	v9 =	vmul.f32 v9, v1  }
0x4e0: {  	v10 =	vunpack.i.u.bf16.f32 v6;
	v0 =	vmul.f32 v0, v4;
	v5 =	vmul.f32 v5, v1  }
0x4e1: {  	v6 =	vunpack.i.l.bf16.f32 v6;
	v10 =	vmul.f32 v10, v3;
	v8 =	vadd.f32 v9, v8  }
0x4e2: {  	v6 =	vmul.f32 v6, v3;
	v9 =	vunpack.i.u.bf16.f32 v7;
	v0 =	vadd.f32 v5, v0  }
0x4e3: {  	v5 =	vunpack.i.l.bf16.f32 v7;
	v7 =	vadd.f32 v10, v8;
	v8 =	vmul.f32 v9, v2  }
0x4e4: {  	v5 =	vmul.f32 v5, v2;
	v0 =	vadd.f32 v6, v0  }
0x4e5: {  	v6 =	vadd.f32 v8, v7  }
0x4e6: {  	v0 =	vadd.f32 v5, v0  }
0x4e7: {  	[tilespmem:s3+$0x0] =	vst v6  }
0x4e8: {  	[tilespmem:s3+$0xFFFFFFF0] =	vst v0  }
0x4e9: {  	v7 =	vld [tilespmem:s5+$0x0]  }
0x4ea: {  	v6 =	vld [tilespmem:s1+$0x0]  }
0x4eb: {  	v5 =	vld [tilespmem:s26+$0x10];
	_ =	sdelay $0x1  }
0x4ec: {  	s8 =	simm.s32 $0x2850;
	v0 =	vld [tilespmem:s7+$0x10]  }
0x4ed: {  	s10 =	simm.s32 $0x7040;
	s5 =	simm.s32 $0x201;
	s7 =	simm.s32 $0xE830;
	v8 =	vunpack.i.u.bf16.f32 v7;
	v7 =	vunpack.i.l.bf16.f32 v7  }
.LBB2_13:
0x4ee: {  	v9 =	vunpack.i.l.bf16.f32 v6;
	v8 =	vmul.f32 v8, v4;
	s3 =	sadd.s32 $0x60, s3;
	s26 =	sadd.s32 $0x30, s26;
	s1 =	sadd.s32 $0x30, s1  }
0x4ef: {  	p0 =	sne.s32 s5, $0x27F;
	v4 =	vmul.f32 v7, v4;
	s11 =	smov.u32 s5;
	s5 =	sadd.s32 $0x1, s5;
	v10 =	vunpack.i.l.bf16.f32 v5;
	v7 =	vmul.f32 v9, v1  }
0x4f0: {  	v6 =	vunpack.i.u.bf16.f32 v6;
	v5 =	vunpack.i.u.bf16.f32 v5;
	v9 =	vmul.f32 v10, v3  }
0x4f1: {  	v1 =	vmul.f32 v6, v1;
	v10 =	vunpack.i.l.bf16.f32 v0;
	v4 =	vadd.f32 v7, v4  }
0x4f2: {  	v0 =	vunpack.i.u.bf16.f32 v0;
	v3 =	vmul.f32 v5, v3;
	v6 =	vmul.f32 v10, v2  }
0x4f3: {  	v5 =	vmov s11;
	v1 =	vadd.f32 v1, v8;
	v4 =	vadd.f32 v9, v4  }
0x4f4: {  	v0 =	vmul.f32 v0, v2  }
0x4f5: {  	v1 =	vadd.f32 v3, v1;
	v2 =	vadd.f32 v6, v4;
	_ =	sdelay $0x1  }
0x4f6: {  	v0 =	vadd.f32 v0, v1;
	[tilespmem:s7+$0x10] =	vst v2;
	_ =	sdelay $0x1  }
0x4f7: {  	[tilespmem:s7+$0x20] =	vst v0;
	s7 =	smov.u32 s3  }
0x4f8: {  	v1 =	vld.idx.msk [tilespmem:v5+s14+$0x0], $0xffff  }
0x4f9: {  	v0 =	vld [tilespmem:s8+$0xFFFFFFE0]  }
0x4fa: {  	v6 =	vld [tilespmem:s1+$0xFFFFFFE0]  }
0x4fb: {  	v4 =	vld.idx.msk [tilespmem:v5+s12+$0x0], $0xffff  }
0x4fc: {  	v7 =	vld [tilespmem:s26+$0xFFFFFFF0]  }
0x4fd: {  	v3 =	vld.idx.msk [tilespmem:v5+s16+$0x0], $0xffff  }
0x4fe: {  	v8 =	vunpack.i.l.bf16.f32 v0;
	v9 =	vld [tilespmem:s10+$0xFFFFFFF0]  }
0x4ff: {  	v0 =	vunpack.i.u.bf16.f32 v0;
	v2 =	vld.idx.msk [tilespmem:v5+s18+$0x0], $0xffff;
	v5 =	vunpack.i.u.bf16.f32 v6;
	v6 =	vunpack.i.l.bf16.f32 v6  }
0x500: {  	v5 =	vmul.f32 v5, v1  }
0x501: {  	v8 =	vmul.f32 v8, v4;
	v6 =	vmul.f32 v6, v1;
	v10 =	vunpack.i.u.bf16.f32 v7  }
0x502: {  	v0 =	vmul.f32 v0, v4;
	v7 =	vunpack.i.l.bf16.f32 v7  }
0x503: {  	v6 =	vadd.f32 v6, v8;
	v7 =	vmul.f32 v7, v3;
	v11 =	vunpack.i.u.bf16.f32 v9  }
0x504: {  	v0 =	vadd.f32 v5, v0;
	v5 =	vmul.f32 v10, v3;
	v8 =	vunpack.i.l.bf16.f32 v9  }
0x505: {  	v6 =	vadd.f32 v7, v6;
	v7 =	vmul.f32 v8, v2;
	v8 =	vmul.f32 v11, v2  }
0x506: {  	v0 =	vadd.f32 v5, v0  }
0x507: {  	v5 =	vadd.f32 v7, v6  }
0x508: {  	v0 =	vadd.f32 v8, v0  }
0x509: {  	[tilespmem:s3+$0xFFFFFFD0] =	vst v5  }
0x50a: {  	[tilespmem:s3+$0xFFFFFFE0] =	vst v0  }
0x50b: {  	v0 =	vld [tilespmem:s8+$0xFFFFFFF0]  }
0x50c: {  	v5 =	vld [tilespmem:s1+$0xFFFFFFF0]  }
0x50d: {  	v6 =	vld [tilespmem:s26+$0x0];
	_ =	sdelay $0x2  }
0x50e: {  	v7 =	vunpack.i.u.bf16.f32 v0;
	v0 =	vunpack.i.l.bf16.f32 v0;
	v8 =	vld [tilespmem:s10+$0x0]  }
0x50f: {  	v9 =	vunpack.i.u.bf16.f32 v5;
	v5 =	vunpack.i.l.bf16.f32 v5;
	v7 =	vmul.f32 v7, v4  }
0x510: {  	v0 =	vmul.f32 v0, v4;
	v10 =	vunpack.i.u.bf16.f32 v6;
	v9 =	vmul.f32 v9, v1  }
0x511: {  	v6 =	vunpack.i.l.bf16.f32 v6;
	v5 =	vmul.f32 v5, v1;
	v10 =	vmul.f32 v10, v3  }
0x512: {  	v6 =	vmul.f32 v6, v3;
	v7 =	vadd.f32 v9, v7  }
0x513: {  	v0 =	vadd.f32 v5, v0;
	v9 =	vunpack.i.u.bf16.f32 v8;
	v8 =	vunpack.i.l.bf16.f32 v8  }
0x514: {  	v5 =	vadd.f32 v10, v7;
	v7 =	vmul.f32 v9, v2  }
0x515: {  	v0 =	vadd.f32 v6, v0;
	v6 =	vmul.f32 v8, v2  }
0x516: {  	v5 =	vadd.f32 v7, v5  }
0x517: {  	v0 =	vadd.f32 v6, v0  }
0x518: {  	[tilespmem:s3+$0x0] =	vst v5  }
0x519: {  	[tilespmem:s3+$0xFFFFFFF0] =	vst v0  }
0x51a: {  	v7 =	vld [tilespmem:s8+$0x0]  }
.Ltmp5:
0x51b: {  	v6 =	vld [tilespmem:s1+$0x0];
	(pc) =	sbr.rel @p0 .LBB2_13-.Ltmp5, $3  }
0x51c: {  	v5 =	vld [tilespmem:s26+$0x10]  }
0x51d: {  	v0 =	vld [tilespmem:s10+$0x10];
	_ =	sdelay $0x1  }
0x51e: {  	s8 =	sadd.s32 $0x30, s8;
	s10 =	sadd.s32 $0x30, s10;
	v8 =	vunpack.i.u.bf16.f32 v7;
	v7 =	vunpack.i.l.bf16.f32 v7  }
0x51f: {  	v9 =	vunpack.i.l.bf16.f32 v6  }
0x520: {  	v7 =	vmul.f32 v7, v4;
	v6 =	vunpack.i.u.bf16.f32 v6;
	v9 =	vmul.f32 v9, v1  }
0x521: {  	v4 =	vmul.f32 v8, v4;
	v8 =	vunpack.i.l.bf16.f32 v5;
	v1 =	vmul.f32 v6, v1  }
0x522: {  	v5 =	vunpack.i.u.bf16.f32 v5;
	v6 =	vmul.f32 v8, v3;
	v7 =	vadd.f32 v9, v7  }
0x523: {  	v8 =	vunpack.i.l.bf16.f32 v0;
	v3 =	vmul.f32 v5, v3;
	v1 =	vadd.f32 v1, v4  }
0x524: {  	v0 =	vunpack.i.u.bf16.f32 v0;
	v4 =	vmul.f32 v8, v2;
	v5 =	vadd.f32 v6, v7  }
0x525: {  	v0 =	vmul.f32 v0, v2;
	v1 =	vadd.f32 v3, v1  }
0x526: {  	v2 =	vadd.f32 v4, v5  }
0x527: {  	v0 =	vadd.f32 v0, v1  }
0x528: {  	[tilespmem:s7+$0x10] =	vst v2  }
0x529: {  	s1 =	sadd.s32 $0x1800, s24;
	[tilespmem:s7+$0x20] =	vst v0  }
0x52a: {  	[hbm4b:s1+s4] =	stream.linear.scatter [tilespmem:s20], [sflag:$0x3], $0x3000, $0x38;
	[tilespmem:$0x11800] =	vst v63  }
0x52b: {  	_ =	swait.ge [sflag:s13], $0x3000  }
0x52c: {  	[sflag:s13] =	ssyncset.done $0x0  }
0x52d: {  	s7 =	simm.s32 $0xB00;
	[sflag:s13] =	ssyncadd.s32 $0xFFFFD000  }
0x52e: {  	[tilespmem:s17], [sflag:$0x1] =	stream.indirect.gather [hbm4b:s6+s15], $0x30, s7, s15, $0xb8;
	[tilespmem:$0x11800] =	vst v63  }
0x52f: {  	s8 =	simm.s32 $0xF00  }
0x530: {  	[tilespmem:s19], [sflag:$0x1] =	stream.indirect.gather [hbm4b:s6+s15], $0x30, s8, s15, $0xb8;
	[tilespmem:$0x11800] =	vst v63  }
0x531: {  	s10 =	simm.s32 $0x1300  }
0x532: {  	[tilespmem:s21], [sflag:$0x1] =	stream.indirect.gather [hbm4b:s6+s15], $0x30, s10, s15, $0xb8;
	[tilespmem:$0x11800] =	vst v63  }
0x533: {  	s11 =	simm.s32 $0x1700  }
0x534: {  	[tilespmem:s23], [sflag:$0x1] =	stream.indirect.gather [hbm4b:s6+s15], $0x30, s11, s15, $0xb8;
	[tilespmem:$0x11800] =	vst v63  }
0x535: {  	_ =	swait.ge [sflag:s31], $0x1800  }
0x536: {  	[sflag:s31] =	ssyncset.done $0x0  }
0x537: {  	[sflag:s31] =	ssyncadd.s32 $0xFFFFE800  }
0x538: {  	_ =	swait.ge [sflag:s31], $0x1800  }
0x539: {  	[sflag:s31] =	ssyncset.done $0x0  }
0x53a: {  	[sflag:s31] =	ssyncadd.s32 $0xFFFFE800  }
0x53b: {  	s26 =	simm.s32 $0x280;
	_ =	swait.ge [sflag:s31], $0x1800  }
0x53c: {  	v0 =	vmov s26;
	[sflag:s31] =	ssyncset.done $0x0  }
0x53d: {  	[sflag:s31] =	ssyncadd.s32 $0xFFFFE800  }
0x53e: {  	_ =	swait.ge [sflag:s31], $0x1800  }
0x53f: {  	[sflag:s31] =	ssyncset.done $0x0  }
0x540: {  	[sflag:s31] =	ssyncadd.s32 $0xFFFFE800  }
0x541: {  	s5 =	simm.s32 $0x8820;
	v1 =	vld.idx.msk [tilespmem:v0+s14+$0x0], $0xffff  }
0x542: {  	s1 =	simm.s32 $0xA020;
	v5 =	vld [tilespmem:s5+$0xFFFFFFE0]  }
0x543: {  	v6 =	vld [tilespmem:s1+$0xFFFFFFE0]  }
0x544: {  	s26 =	simm.s32 $0xB810;
	v4 =	vld.idx.msk [tilespmem:v0+s12+$0x0], $0xffff  }
0x545: {  	v7 =	vld [tilespmem:s26+$0xFFFFFFF0]  }
0x546: {  	s29 =	simm.s32 $0xD010;
	v3 =	vld.idx.msk [tilespmem:v0+s16+$0x0], $0xffff  }
0x547: {  	v8 =	vld [tilespmem:s29+$0xFFFFFFF0]  }
0x548: {  	v2 =	vld.idx.msk [tilespmem:v0+s18+$0x0], $0xffff;
	v9 =	vunpack.i.l.bf16.f32 v5;
	v0 =	vunpack.i.u.bf16.f32 v5;
	v5 =	vunpack.i.l.bf16.f32 v6  }
0x549: {  	v6 =	vunpack.i.u.bf16.f32 v6;
	v9 =	vmul.f32 v9, v4;
	v5 =	vmul.f32 v5, v1  }
0x54a: {  	v10 =	vunpack.i.l.bf16.f32 v7;
	v6 =	vmul.f32 v6, v1;
	v0 =	vmul.f32 v0, v4  }
0x54b: {  	v7 =	vunpack.i.u.bf16.f32 v7;
	v5 =	vadd.f32 v5, v9;
	v9 =	vmul.f32 v10, v3  }
0x54c: {  	v10 =	vunpack.i.l.bf16.f32 v8;
	v0 =	vadd.f32 v6, v0;
	v6 =	vmul.f32 v7, v3  }
0x54d: {  	v7 =	vunpack.i.u.bf16.f32 v8;
	v8 =	vmul.f32 v10, v2;
	v5 =	vadd.f32 v9, v5  }
0x54e: {  	v7 =	vmul.f32 v7, v2;
	v0 =	vadd.f32 v6, v0  }
0x54f: {  	v5 =	vadd.f32 v8, v5  }
0x550: {  	s3 =	simm.s32 $0xE830;
	v0 =	vadd.f32 v7, v0  }
0x551: {  	[tilespmem:s3+$0xFFFFFFD0] =	vst v5  }
0x552: {  	[tilespmem:s3+$0xFFFFFFE0] =	vst v0  }
0x553: {  	v0 =	vld [tilespmem:s5+$0xFFFFFFF0]  }
0x554: {  	v5 =	vld [tilespmem:s1+$0xFFFFFFF0];
	_ =	sdelay $0x1  }
0x555: {  	v6 =	vld [tilespmem:s26+$0x0];
	_ =	sdelay $0x1  }
0x556: {  	v7 =	vld [tilespmem:s29+$0x0]  }
0x557: {  	v8 =	vunpack.i.u.bf16.f32 v0;
	v0 =	vunpack.i.l.bf16.f32 v0;
	v9 =	vunpack.i.u.bf16.f32 v5  }
0x558: {  	v5 =	vunpack.i.l.bf16.f32 v5;
	v8 =	vmul.f32 v8, v4;
	v9 =	vmul.f32 v9, v1  }
0x559: {  	v10 =	vunpack.i.u.bf16.f32 v6;
	v0 =	vmul.f32 v0, v4;
	v5 =	vmul.f32 v5, v1  }
0x55a: {  	v6 =	vunpack.i.l.bf16.f32 v6;
	v10 =	vmul.f32 v10, v3;
	v8 =	vadd.f32 v9, v8  }
0x55b: {  	v6 =	vmul.f32 v6, v3;
	v9 =	vunpack.i.u.bf16.f32 v7;
	v0 =	vadd.f32 v5, v0  }
0x55c: {  	v5 =	vunpack.i.l.bf16.f32 v7;
	v7 =	vadd.f32 v10, v8;
	v8 =	vmul.f32 v9, v2  }
0x55d: {  	v5 =	vmul.f32 v5, v2;
	v0 =	vadd.f32 v6, v0  }
0x55e: {  	v6 =	vadd.f32 v8, v7  }
0x55f: {  	v0 =	vadd.f32 v5, v0  }
0x560: {  	[tilespmem:s3+$0x0] =	vst v6  }
0x561: {  	[tilespmem:s3+$0xFFFFFFF0] =	vst v0  }
0x562: {  	v7 =	vld [tilespmem:s5+$0x0]  }
0x563: {  	v6 =	vld [tilespmem:s1+$0x0]  }
0x564: {  	v5 =	vld [tilespmem:s26+$0x10];
	_ =	sdelay $0x1  }
0x565: {  	s7 =	simm.s32 $0xE830;
	v0 =	vld [tilespmem:s29+$0x10]  }
0x566: {  	s8 =	simm.s32 $0x8850;
	s10 =	simm.s32 $0xD040;
	s5 =	simm.s32 $0x281;
	v8 =	vunpack.i.u.bf16.f32 v7;
	v7 =	vunpack.i.l.bf16.f32 v7  }
.LBB2_15:
0x567: {  	v9 =	vunpack.i.l.bf16.f32 v6;
	v8 =	vmul.f32 v8, v4;
	s3 =	sadd.s32 $0x60, s3;
	s26 =	sadd.s32 $0x30, s26;
	s1 =	sadd.s32 $0x30, s1  }
0x568: {  	p0 =	sne.s32 s5, $0x2FF;
	v4 =	vmul.f32 v7, v4;
	s11 =	smov.u32 s5;
	s5 =	sadd.s32 $0x1, s5;
	v10 =	vunpack.i.l.bf16.f32 v5;
	v7 =	vmul.f32 v9, v1  }
0x569: {  	v6 =	vunpack.i.u.bf16.f32 v6;
	v5 =	vunpack.i.u.bf16.f32 v5;
	v9 =	vmul.f32 v10, v3  }
0x56a: {  	v1 =	vmul.f32 v6, v1;
	v10 =	vunpack.i.l.bf16.f32 v0;
	v4 =	vadd.f32 v7, v4  }
0x56b: {  	v0 =	vunpack.i.u.bf16.f32 v0;
	v3 =	vmul.f32 v5, v3;
	v6 =	vmul.f32 v10, v2  }
0x56c: {  	v5 =	vmov s11;
	v1 =	vadd.f32 v1, v8;
	v4 =	vadd.f32 v9, v4  }
0x56d: {  	v0 =	vmul.f32 v0, v2  }
0x56e: {  	v1 =	vadd.f32 v3, v1;
	v2 =	vadd.f32 v6, v4;
	_ =	sdelay $0x1  }
0x56f: {  	v0 =	vadd.f32 v0, v1;
	[tilespmem:s7+$0x10] =	vst v2;
	_ =	sdelay $0x1  }
0x570: {  	[tilespmem:s7+$0x20] =	vst v0;
	s7 =	smov.u32 s3  }
0x571: {  	v1 =	vld.idx.msk [tilespmem:v5+s14+$0x0], $0xffff  }
0x572: {  	v0 =	vld [tilespmem:s8+$0xFFFFFFE0]  }
0x573: {  	v6 =	vld [tilespmem:s1+$0xFFFFFFE0]  }
0x574: {  	v4 =	vld.idx.msk [tilespmem:v5+s12+$0x0], $0xffff  }
0x575: {  	v7 =	vld [tilespmem:s26+$0xFFFFFFF0]  }
0x576: {  	v3 =	vld.idx.msk [tilespmem:v5+s16+$0x0], $0xffff  }
0x577: {  	v8 =	vunpack.i.l.bf16.f32 v0;
	v9 =	vld [tilespmem:s10+$0xFFFFFFF0]  }
0x578: {  	v0 =	vunpack.i.u.bf16.f32 v0;
	v2 =	vld.idx.msk [tilespmem:v5+s18+$0x0], $0xffff;
	v5 =	vunpack.i.u.bf16.f32 v6;
	v6 =	vunpack.i.l.bf16.f32 v6  }
0x579: {  	v5 =	vmul.f32 v5, v1  }
0x57a: {  	v8 =	vmul.f32 v8, v4;
	v6 =	vmul.f32 v6, v1;
	v10 =	vunpack.i.u.bf16.f32 v7  }
0x57b: {  	v0 =	vmul.f32 v0, v4;
	v7 =	vunpack.i.l.bf16.f32 v7  }
0x57c: {  	v6 =	vadd.f32 v6, v8;
	v7 =	vmul.f32 v7, v3;
	v11 =	vunpack.i.u.bf16.f32 v9  }
0x57d: {  	v0 =	vadd.f32 v5, v0;
	v5 =	vmul.f32 v10, v3;
	v8 =	vunpack.i.l.bf16.f32 v9  }
0x57e: {  	v6 =	vadd.f32 v7, v6;
	v7 =	vmul.f32 v8, v2;
	v8 =	vmul.f32 v11, v2  }
0x57f: {  	v0 =	vadd.f32 v5, v0  }
0x580: {  	v5 =	vadd.f32 v7, v6  }
0x581: {  	v0 =	vadd.f32 v8, v0  }
0x582: {  	[tilespmem:s3+$0xFFFFFFD0] =	vst v5  }
0x583: {  	[tilespmem:s3+$0xFFFFFFE0] =	vst v0  }
0x584: {  	v0 =	vld [tilespmem:s8+$0xFFFFFFF0]  }
0x585: {  	v5 =	vld [tilespmem:s1+$0xFFFFFFF0]  }
0x586: {  	v6 =	vld [tilespmem:s26+$0x0];
	_ =	sdelay $0x2  }
0x587: {  	v7 =	vunpack.i.u.bf16.f32 v0;
	v0 =	vunpack.i.l.bf16.f32 v0;
	v8 =	vld [tilespmem:s10+$0x0]  }
0x588: {  	v9 =	vunpack.i.u.bf16.f32 v5;
	v5 =	vunpack.i.l.bf16.f32 v5;
	v7 =	vmul.f32 v7, v4  }
0x589: {  	v0 =	vmul.f32 v0, v4;
	v10 =	vunpack.i.u.bf16.f32 v6;
	v9 =	vmul.f32 v9, v1  }
0x58a: {  	v6 =	vunpack.i.l.bf16.f32 v6;
	v5 =	vmul.f32 v5, v1;
	v10 =	vmul.f32 v10, v3  }
0x58b: {  	v6 =	vmul.f32 v6, v3;
	v7 =	vadd.f32 v9, v7  }
0x58c: {  	v0 =	vadd.f32 v5, v0;
	v9 =	vunpack.i.u.bf16.f32 v8;
	v8 =	vunpack.i.l.bf16.f32 v8  }
0x58d: {  	v5 =	vadd.f32 v10, v7;
	v7 =	vmul.f32 v9, v2  }
0x58e: {  	v0 =	vadd.f32 v6, v0;
	v6 =	vmul.f32 v8, v2  }
0x58f: {  	v5 =	vadd.f32 v7, v5  }
0x590: {  	v0 =	vadd.f32 v6, v0  }
0x591: {  	[tilespmem:s3+$0x0] =	vst v5  }
0x592: {  	[tilespmem:s3+$0xFFFFFFF0] =	vst v0  }
0x593: {  	v7 =	vld [tilespmem:s8+$0x0]  }
.Ltmp6:
0x594: {  	v6 =	vld [tilespmem:s1+$0x0];
	(pc) =	sbr.rel @p0 .LBB2_15-.Ltmp6, $3  }
0x595: {  	v5 =	vld [tilespmem:s26+$0x10]  }
0x596: {  	v0 =	vld [tilespmem:s10+$0x10];
	_ =	sdelay $0x1  }
0x597: {  	s8 =	sadd.s32 $0x30, s8;
	s10 =	sadd.s32 $0x30, s10;
	v8 =	vunpack.i.u.bf16.f32 v7;
	v7 =	vunpack.i.l.bf16.f32 v7  }
0x598: {  	v9 =	vunpack.i.l.bf16.f32 v6  }
0x599: {  	v7 =	vmul.f32 v7, v4;
	v6 =	vunpack.i.u.bf16.f32 v6;
	v9 =	vmul.f32 v9, v1  }
0x59a: {  	v4 =	vmul.f32 v8, v4;
	v8 =	vunpack.i.l.bf16.f32 v5;
	v1 =	vmul.f32 v6, v1  }
0x59b: {  	v5 =	vunpack.i.u.bf16.f32 v5;
	v6 =	vmul.f32 v8, v3;
	v7 =	vadd.f32 v9, v7  }
0x59c: {  	v8 =	vunpack.i.l.bf16.f32 v0;
	v3 =	vmul.f32 v5, v3;
	v1 =	vadd.f32 v1, v4  }
0x59d: {  	v0 =	vunpack.i.u.bf16.f32 v0;
	v4 =	vmul.f32 v8, v2;
	v5 =	vadd.f32 v6, v7  }
0x59e: {  	v0 =	vmul.f32 v0, v2;
	v1 =	vadd.f32 v3, v1  }
0x59f: {  	v2 =	vadd.f32 v4, v5  }
0x5a0: {  	v0 =	vadd.f32 v0, v1  }
0x5a1: {  	[tilespmem:s7+$0x10] =	vst v2  }
0x5a2: {  	s1 =	sadd.s32 $0x1E00, s24;
	[tilespmem:s7+$0x20] =	vst v0  }
0x5a3: {  	[hbm4b:s1+s4] =	stream.linear.scatter [tilespmem:s20], [sflag:$0x3], $0x3000, $0x38;
	[tilespmem:$0x11800] =	vst v63  }
0x5a4: {  	_ =	swait.ge [sflag:s13], $0x3000  }
0x5a5: {  	[sflag:s13] =	ssyncset.done $0x0  }
0x5a6: {  	s7 =	simm.s32 $0xB80;
	[sflag:s13] =	ssyncadd.s32 $0xFFFFD000  }
0x5a7: {  	[tilespmem:s25], [sflag:$0x2] =	stream.indirect.gather [hbm4b:s6+s15], $0x30, s7, s15, $0xb8;
	[tilespmem:$0x11800] =	vst v63  }
0x5a8: {  	s8 =	simm.s32 $0xF80  }
0x5a9: {  	[tilespmem:s28], [sflag:$0x2] =	stream.indirect.gather [hbm4b:s6+s15], $0x30, s8, s15, $0xb8;
	[tilespmem:$0x11800] =	vst v63  }
0x5aa: {  	s10 =	simm.s32 $0x1380  }
0x5ab: {  	[tilespmem:s30], [sflag:$0x2] =	stream.indirect.gather [hbm4b:s6+s15], $0x30, s10, s15, $0xb8;
	[tilespmem:$0x11800] =	vst v63  }
0x5ac: {  	s11 =	simm.s32 $0x1780  }
0x5ad: {  	[tilespmem:s0], [sflag:$0x2] =	stream.indirect.gather [hbm4b:s6+s15], $0x30, s11, s15, $0xb8;
	[tilespmem:$0x11800] =	vst v63  }
0x5ae: {  	_ =	swait.ge [sflag:s2], $0x1800  }
0x5af: {  	[sflag:s2] =	ssyncset.done $0x0  }
0x5b0: {  	[sflag:s2] =	ssyncadd.s32 $0xFFFFE800  }
0x5b1: {  	_ =	swait.ge [sflag:s2], $0x1800  }
0x5b2: {  	[sflag:s2] =	ssyncset.done $0x0  }
0x5b3: {  	[sflag:s2] =	ssyncadd.s32 $0xFFFFE800  }
0x5b4: {  	s26 =	simm.s32 $0x300;
	_ =	swait.ge [sflag:s2], $0x1800  }
0x5b5: {  	v0 =	vmov s26;
	[sflag:s2] =	ssyncset.done $0x0  }
0x5b6: {  	[sflag:s2] =	ssyncadd.s32 $0xFFFFE800  }
0x5b7: {  	_ =	swait.ge [sflag:s2], $0x1800  }
0x5b8: {  	[sflag:s2] =	ssyncset.done $0x0  }
0x5b9: {  	[sflag:s2] =	ssyncadd.s32 $0xFFFFE800  }
0x5ba: {  	s5 =	simm.s32 $0x2820;
	v1 =	vld.idx.msk [tilespmem:v0+s14+$0x0], $0xffff  }
0x5bb: {  	s1 =	simm.s32 $0x4020;
	v5 =	vld [tilespmem:s5+$0xFFFFFFE0]  }
0x5bc: {  	v6 =	vld [tilespmem:s1+$0xFFFFFFE0]  }
0x5bd: {  	s26 =	simm.s32 $0x5810;
	v4 =	vld.idx.msk [tilespmem:v0+s12+$0x0], $0xffff  }
0x5be: {  	v7 =	vld [tilespmem:s26+$0xFFFFFFF0]  }
0x5bf: {  	s29 =	simm.s32 $0x7010;
	v3 =	vld.idx.msk [tilespmem:v0+s16+$0x0], $0xffff  }
0x5c0: {  	v8 =	vld [tilespmem:s29+$0xFFFFFFF0]  }
0x5c1: {  	v2 =	vld.idx.msk [tilespmem:v0+s18+$0x0], $0xffff;
	v9 =	vunpack.i.l.bf16.f32 v5;
	v0 =	vunpack.i.u.bf16.f32 v5;
	v5 =	vunpack.i.l.bf16.f32 v6  }
0x5c2: {  	v6 =	vunpack.i.u.bf16.f32 v6;
	v9 =	vmul.f32 v9, v4;
	v5 =	vmul.f32 v5, v1  }
0x5c3: {  	v10 =	vunpack.i.l.bf16.f32 v7;
	v6 =	vmul.f32 v6, v1;
	v0 =	vmul.f32 v0, v4  }
0x5c4: {  	v7 =	vunpack.i.u.bf16.f32 v7;
	v5 =	vadd.f32 v5, v9;
	v9 =	vmul.f32 v10, v3  }
0x5c5: {  	v10 =	vunpack.i.l.bf16.f32 v8;
	v0 =	vadd.f32 v6, v0;
	v6 =	vmul.f32 v7, v3  }
0x5c6: {  	v7 =	vunpack.i.u.bf16.f32 v8;
	v8 =	vmul.f32 v10, v2;
	v5 =	vadd.f32 v9, v5  }
0x5c7: {  	v7 =	vmul.f32 v7, v2;
	v0 =	vadd.f32 v6, v0  }
0x5c8: {  	v5 =	vadd.f32 v8, v5  }
0x5c9: {  	s3 =	simm.s32 $0xE830;
	v0 =	vadd.f32 v7, v0  }
0x5ca: {  	[tilespmem:s3+$0xFFFFFFD0] =	vst v5  }
0x5cb: {  	[tilespmem:s3+$0xFFFFFFE0] =	vst v0  }
0x5cc: {  	v0 =	vld [tilespmem:s5+$0xFFFFFFF0]  }
0x5cd: {  	v5 =	vld [tilespmem:s1+$0xFFFFFFF0];
	_ =	sdelay $0x1  }
0x5ce: {  	v6 =	vld [tilespmem:s26+$0x0];
	_ =	sdelay $0x1  }
0x5cf: {  	v7 =	vld [tilespmem:s29+$0x0]  }
0x5d0: {  	v8 =	vunpack.i.u.bf16.f32 v0;
	v0 =	vunpack.i.l.bf16.f32 v0;
	v9 =	vunpack.i.u.bf16.f32 v5  }
0x5d1: {  	v5 =	vunpack.i.l.bf16.f32 v5;
	v8 =	vmul.f32 v8, v4;
	v9 =	vmul.f32 v9, v1  }
0x5d2: {  	v10 =	vunpack.i.u.bf16.f32 v6;
	v0 =	vmul.f32 v0, v4;
	v5 =	vmul.f32 v5, v1  }
0x5d3: {  	v6 =	vunpack.i.l.bf16.f32 v6;
	v10 =	vmul.f32 v10, v3;
	v8 =	vadd.f32 v9, v8  }
0x5d4: {  	v6 =	vmul.f32 v6, v3;
	v9 =	vunpack.i.u.bf16.f32 v7;
	v0 =	vadd.f32 v5, v0  }
0x5d5: {  	v5 =	vunpack.i.l.bf16.f32 v7;
	v7 =	vadd.f32 v10, v8;
	v8 =	vmul.f32 v9, v2  }
0x5d6: {  	v5 =	vmul.f32 v5, v2;
	v0 =	vadd.f32 v6, v0  }
0x5d7: {  	v6 =	vadd.f32 v8, v7  }
0x5d8: {  	v0 =	vadd.f32 v5, v0  }
0x5d9: {  	[tilespmem:s3+$0x0] =	vst v6  }
0x5da: {  	[tilespmem:s3+$0xFFFFFFF0] =	vst v0  }
0x5db: {  	v7 =	vld [tilespmem:s5+$0x0]  }
0x5dc: {  	v6 =	vld [tilespmem:s1+$0x0]  }
0x5dd: {  	v5 =	vld [tilespmem:s26+$0x10];
	_ =	sdelay $0x1  }
0x5de: {  	s7 =	simm.s32 $0xE830;
	v0 =	vld [tilespmem:s29+$0x10]  }
0x5df: {  	s8 =	simm.s32 $0x2850;
	s10 =	simm.s32 $0x7040;
	s5 =	simm.s32 $0x301;
	v8 =	vunpack.i.u.bf16.f32 v7;
	v7 =	vunpack.i.l.bf16.f32 v7  }
.LBB2_17:
0x5e0: {  	v9 =	vunpack.i.l.bf16.f32 v6;
	v8 =	vmul.f32 v8, v4;
	s3 =	sadd.s32 $0x60, s3;
	s26 =	sadd.s32 $0x30, s26;
	s1 =	sadd.s32 $0x30, s1  }
0x5e1: {  	p0 =	sne.s32 s5, $0x37F;
	v4 =	vmul.f32 v7, v4;
	s11 =	smov.u32 s5;
	s5 =	sadd.s32 $0x1, s5;
	v10 =	vunpack.i.l.bf16.f32 v5;
	v7 =	vmul.f32 v9, v1  }
0x5e2: {  	v6 =	vunpack.i.u.bf16.f32 v6;
	v5 =	vunpack.i.u.bf16.f32 v5;
	v9 =	vmul.f32 v10, v3  }
0x5e3: {  	v1 =	vmul.f32 v6, v1;
	v10 =	vunpack.i.l.bf16.f32 v0;
	v4 =	vadd.f32 v7, v4  }
0x5e4: {  	v0 =	vunpack.i.u.bf16.f32 v0;
	v3 =	vmul.f32 v5, v3;
	v6 =	vmul.f32 v10, v2  }
0x5e5: {  	v5 =	vmov s11;
	v1 =	vadd.f32 v1, v8;
	v4 =	vadd.f32 v9, v4  }
0x5e6: {  	v0 =	vmul.f32 v0, v2  }
0x5e7: {  	v1 =	vadd.f32 v3, v1;
	v2 =	vadd.f32 v6, v4;
	_ =	sdelay $0x1  }
0x5e8: {  	v0 =	vadd.f32 v0, v1;
	[tilespmem:s7+$0x10] =	vst v2;
	_ =	sdelay $0x1  }
0x5e9: {  	[tilespmem:s7+$0x20] =	vst v0;
	s7 =	smov.u32 s3  }
0x5ea: {  	v1 =	vld.idx.msk [tilespmem:v5+s14+$0x0], $0xffff  }
0x5eb: {  	v0 =	vld [tilespmem:s8+$0xFFFFFFE0]  }
0x5ec: {  	v6 =	vld [tilespmem:s1+$0xFFFFFFE0]  }
0x5ed: {  	v4 =	vld.idx.msk [tilespmem:v5+s12+$0x0], $0xffff  }
0x5ee: {  	v7 =	vld [tilespmem:s26+$0xFFFFFFF0]  }
0x5ef: {  	v3 =	vld.idx.msk [tilespmem:v5+s16+$0x0], $0xffff  }
0x5f0: {  	v8 =	vunpack.i.l.bf16.f32 v0;
	v9 =	vld [tilespmem:s10+$0xFFFFFFF0]  }
0x5f1: {  	v0 =	vunpack.i.u.bf16.f32 v0;
	v2 =	vld.idx.msk [tilespmem:v5+s18+$0x0], $0xffff;
	v5 =	vunpack.i.u.bf16.f32 v6;
	v6 =	vunpack.i.l.bf16.f32 v6  }
0x5f2: {  	v5 =	vmul.f32 v5, v1  }
0x5f3: {  	v8 =	vmul.f32 v8, v4;
	v6 =	vmul.f32 v6, v1;
	v10 =	vunpack.i.u.bf16.f32 v7  }
0x5f4: {  	v0 =	vmul.f32 v0, v4;
	v7 =	vunpack.i.l.bf16.f32 v7  }
0x5f5: {  	v6 =	vadd.f32 v6, v8;
	v7 =	vmul.f32 v7, v3;
	v11 =	vunpack.i.u.bf16.f32 v9  }
0x5f6: {  	v0 =	vadd.f32 v5, v0;
	v5 =	vmul.f32 v10, v3;
	v8 =	vunpack.i.l.bf16.f32 v9  }
0x5f7: {  	v6 =	vadd.f32 v7, v6;
	v7 =	vmul.f32 v8, v2;
	v8 =	vmul.f32 v11, v2  }
0x5f8: {  	v0 =	vadd.f32 v5, v0  }
0x5f9: {  	v5 =	vadd.f32 v7, v6  }
0x5fa: {  	v0 =	vadd.f32 v8, v0  }
0x5fb: {  	[tilespmem:s3+$0xFFFFFFD0] =	vst v5  }
0x5fc: {  	[tilespmem:s3+$0xFFFFFFE0] =	vst v0  }
0x5fd: {  	v0 =	vld [tilespmem:s8+$0xFFFFFFF0]  }
0x5fe: {  	v5 =	vld [tilespmem:s1+$0xFFFFFFF0]  }
0x5ff: {  	v6 =	vld [tilespmem:s26+$0x0];
	_ =	sdelay $0x2  }
0x600: {  	v7 =	vunpack.i.u.bf16.f32 v0;
	v0 =	vunpack.i.l.bf16.f32 v0;
	v8 =	vld [tilespmem:s10+$0x0]  }
0x601: {  	v9 =	vunpack.i.u.bf16.f32 v5;
	v5 =	vunpack.i.l.bf16.f32 v5;
	v7 =	vmul.f32 v7, v4  }
0x602: {  	v0 =	vmul.f32 v0, v4;
	v10 =	vunpack.i.u.bf16.f32 v6;
	v9 =	vmul.f32 v9, v1  }
0x603: {  	v6 =	vunpack.i.l.bf16.f32 v6;
	v5 =	vmul.f32 v5, v1;
	v10 =	vmul.f32 v10, v3  }
0x604: {  	v6 =	vmul.f32 v6, v3;
	v7 =	vadd.f32 v9, v7  }
0x605: {  	v0 =	vadd.f32 v5, v0;
	v9 =	vunpack.i.u.bf16.f32 v8;
	v8 =	vunpack.i.l.bf16.f32 v8  }
0x606: {  	v5 =	vadd.f32 v10, v7;
	v7 =	vmul.f32 v9, v2  }
0x607: {  	v0 =	vadd.f32 v6, v0;
	v6 =	vmul.f32 v8, v2  }
0x608: {  	v5 =	vadd.f32 v7, v5  }
0x609: {  	v0 =	vadd.f32 v6, v0  }
0x60a: {  	[tilespmem:s3+$0x0] =	vst v5  }
0x60b: {  	[tilespmem:s3+$0xFFFFFFF0] =	vst v0  }
0x60c: {  	v7 =	vld [tilespmem:s8+$0x0]  }
.Ltmp7:
0x60d: {  	v6 =	vld [tilespmem:s1+$0x0];
	(pc) =	sbr.rel @p0 .LBB2_17-.Ltmp7, $3  }
0x60e: {  	v5 =	vld [tilespmem:s26+$0x10]  }
0x60f: {  	v0 =	vld [tilespmem:s10+$0x10];
	_ =	sdelay $0x1  }
0x610: {  	s8 =	sadd.s32 $0x30, s8;
	s10 =	sadd.s32 $0x30, s10;
	v8 =	vunpack.i.u.bf16.f32 v7;
	v7 =	vunpack.i.l.bf16.f32 v7  }
0x611: {  	v9 =	vunpack.i.l.bf16.f32 v6  }
0x612: {  	v7 =	vmul.f32 v7, v4;
	v6 =	vunpack.i.u.bf16.f32 v6;
	v9 =	vmul.f32 v9, v1  }
0x613: {  	v4 =	vmul.f32 v8, v4;
	v8 =	vunpack.i.l.bf16.f32 v5;
	v1 =	vmul.f32 v6, v1  }
0x614: {  	v5 =	vunpack.i.u.bf16.f32 v5;
	v6 =	vmul.f32 v8, v3;
	v7 =	vadd.f32 v9, v7  }
0x615: {  	v8 =	vunpack.i.l.bf16.f32 v0;
	v3 =	vmul.f32 v5, v3;
	v1 =	vadd.f32 v1, v4  }
0x616: {  	v0 =	vunpack.i.u.bf16.f32 v0;
	v4 =	vmul.f32 v8, v2;
	v5 =	vadd.f32 v6, v7  }
0x617: {  	v0 =	vmul.f32 v0, v2;
	v1 =	vadd.f32 v3, v1  }
0x618: {  	v2 =	vadd.f32 v4, v5  }
0x619: {  	v0 =	vadd.f32 v0, v1  }
0x61a: {  	[tilespmem:s7+$0x10] =	vst v2  }
0x61b: {  	s1 =	sadd.s32 $0x2400, s24;
	[tilespmem:s7+$0x20] =	vst v0  }
0x61c: {  	[hbm4b:s1+s4] =	stream.linear.scatter [tilespmem:s20], [sflag:$0x3], $0x3000, $0x38;
	[tilespmem:$0x11800] =	vst v63  }
0x61d: {  	_ =	swait.ge [sflag:s13], $0x3000  }
0x61e: {  	[sflag:s13] =	ssyncset.done $0x0  }
0x61f: {  	[sflag:s13] =	ssyncadd.s32 $0xFFFFD000  }
0x620: {  	_ =	swait.ge [sflag:s31], $0x1800  }
0x621: {  	[sflag:s31] =	ssyncset.done $0x0  }
0x622: {  	[sflag:s31] =	ssyncadd.s32 $0xFFFFE800  }
0x623: {  	_ =	swait.ge [sflag:s31], $0x1800  }
0x624: {  	[sflag:s31] =	ssyncset.done $0x0  }
0x625: {  	[sflag:s31] =	ssyncadd.s32 $0xFFFFE800  }
0x626: {  	s26 =	simm.s32 $0x380;
	_ =	swait.ge [sflag:s31], $0x1800  }
0x627: {  	v0 =	vmov s26;
	[sflag:s31] =	ssyncset.done $0x0  }
0x628: {  	[sflag:s31] =	ssyncadd.s32 $0xFFFFE800  }
0x629: {  	_ =	swait.ge [sflag:s31], $0x1800  }
0x62a: {  	[sflag:s31] =	ssyncset.done $0x0  }
0x62b: {  	[sflag:s31] =	ssyncadd.s32 $0xFFFFE800  }
0x62c: {  	s5 =	simm.s32 $0x8820;
	v1 =	vld.idx.msk [tilespmem:v0+s14+$0x0], $0xffff  }
0x62d: {  	s1 =	simm.s32 $0xA020;
	v5 =	vld [tilespmem:s5+$0xFFFFFFE0]  }
0x62e: {  	v6 =	vld [tilespmem:s1+$0xFFFFFFE0]  }
0x62f: {  	s26 =	simm.s32 $0xB810;
	v4 =	vld.idx.msk [tilespmem:v0+s12+$0x0], $0xffff  }
0x630: {  	v7 =	vld [tilespmem:s26+$0xFFFFFFF0]  }
0x631: {  	s29 =	simm.s32 $0xD010;
	v3 =	vld.idx.msk [tilespmem:v0+s16+$0x0], $0xffff  }
0x632: {  	v8 =	vld [tilespmem:s29+$0xFFFFFFF0]  }
0x633: {  	v2 =	vld.idx.msk [tilespmem:v0+s18+$0x0], $0xffff;
	v9 =	vunpack.i.l.bf16.f32 v5;
	v0 =	vunpack.i.u.bf16.f32 v5;
	v5 =	vunpack.i.l.bf16.f32 v6  }
0x634: {  	v6 =	vunpack.i.u.bf16.f32 v6;
	v9 =	vmul.f32 v9, v4;
	v5 =	vmul.f32 v5, v1  }
0x635: {  	v10 =	vunpack.i.l.bf16.f32 v7;
	v6 =	vmul.f32 v6, v1;
	v0 =	vmul.f32 v0, v4  }
0x636: {  	v7 =	vunpack.i.u.bf16.f32 v7;
	v5 =	vadd.f32 v5, v9;
	v9 =	vmul.f32 v10, v3  }
0x637: {  	v10 =	vunpack.i.l.bf16.f32 v8;
	v0 =	vadd.f32 v6, v0;
	v6 =	vmul.f32 v7, v3  }
0x638: {  	v7 =	vunpack.i.u.bf16.f32 v8;
	v8 =	vmul.f32 v10, v2;
	v5 =	vadd.f32 v9, v5  }
0x639: {  	v7 =	vmul.f32 v7, v2;
	v0 =	vadd.f32 v6, v0  }
0x63a: {  	v5 =	vadd.f32 v8, v5  }
0x63b: {  	s3 =	simm.s32 $0xE830;
	v0 =	vadd.f32 v7, v0  }
0x63c: {  	[tilespmem:s3+$0xFFFFFFD0] =	vst v5  }
0x63d: {  	[tilespmem:s3+$0xFFFFFFE0] =	vst v0  }
0x63e: {  	v0 =	vld [tilespmem:s5+$0xFFFFFFF0]  }
0x63f: {  	v5 =	vld [tilespmem:s1+$0xFFFFFFF0];
	_ =	sdelay $0x1  }
0x640: {  	v6 =	vld [tilespmem:s26+$0x0];
	_ =	sdelay $0x1  }
0x641: {  	v7 =	vld [tilespmem:s29+$0x0]  }
0x642: {  	v8 =	vunpack.i.u.bf16.f32 v0;
	v0 =	vunpack.i.l.bf16.f32 v0;
	v9 =	vunpack.i.u.bf16.f32 v5  }
0x643: {  	v5 =	vunpack.i.l.bf16.f32 v5;
	v8 =	vmul.f32 v8, v4;
	v9 =	vmul.f32 v9, v1  }
0x644: {  	v10 =	vunpack.i.u.bf16.f32 v6;
	v0 =	vmul.f32 v0, v4;
	v5 =	vmul.f32 v5, v1  }
0x645: {  	v6 =	vunpack.i.l.bf16.f32 v6;
	v10 =	vmul.f32 v10, v3;
	v8 =	vadd.f32 v9, v8  }
0x646: {  	v6 =	vmul.f32 v6, v3;
	v9 =	vunpack.i.u.bf16.f32 v7;
	v0 =	vadd.f32 v5, v0  }
0x647: {  	v5 =	vunpack.i.l.bf16.f32 v7;
	v7 =	vadd.f32 v10, v8;
	v8 =	vmul.f32 v9, v2  }
0x648: {  	v5 =	vmul.f32 v5, v2;
	v0 =	vadd.f32 v6, v0  }
0x649: {  	v6 =	vadd.f32 v8, v7  }
0x64a: {  	v0 =	vadd.f32 v5, v0  }
0x64b: {  	[tilespmem:s3+$0x0] =	vst v6  }
0x64c: {  	[tilespmem:s3+$0xFFFFFFF0] =	vst v0  }
0x64d: {  	v7 =	vld [tilespmem:s5+$0x0]  }
0x64e: {  	v6 =	vld [tilespmem:s1+$0x0]  }
0x64f: {  	v5 =	vld [tilespmem:s26+$0x10];
	_ =	sdelay $0x1  }
0x650: {  	s8 =	simm.s32 $0x8850;
	v0 =	vld [tilespmem:s29+$0x10]  }
0x651: {  	s10 =	simm.s32 $0xD040;
	s7 =	simm.s32 $0xE830;
	s5 =	simm.s32 $0x381;
	v8 =	vunpack.i.u.bf16.f32 v7;
	v7 =	vunpack.i.l.bf16.f32 v7  }
.LBB2_19:
0x652: {  	v9 =	vunpack.i.l.bf16.f32 v6;
	v8 =	vmul.f32 v8, v4;
	s3 =	sadd.s32 $0x60, s3;
	s26 =	sadd.s32 $0x30, s26;
	s1 =	sadd.s32 $0x30, s1  }
0x653: {  	p0 =	sne.s32 s5, $0x3FF;
	v4 =	vmul.f32 v7, v4;
	s11 =	smov.u32 s5;
	s5 =	sadd.s32 $0x1, s5;
	v10 =	vunpack.i.l.bf16.f32 v5;
	v7 =	vmul.f32 v9, v1  }
0x654: {  	v6 =	vunpack.i.u.bf16.f32 v6;
	v5 =	vunpack.i.u.bf16.f32 v5;
	v9 =	vmul.f32 v10, v3  }
0x655: {  	v1 =	vmul.f32 v6, v1;
	v10 =	vunpack.i.l.bf16.f32 v0;
	v4 =	vadd.f32 v7, v4  }
0x656: {  	v0 =	vunpack.i.u.bf16.f32 v0;
	v3 =	vmul.f32 v5, v3;
	v6 =	vmul.f32 v10, v2  }
0x657: {  	v5 =	vmov s11;
	v1 =	vadd.f32 v1, v8;
	v4 =	vadd.f32 v9, v4  }
0x658: {  	v0 =	vmul.f32 v0, v2  }
0x659: {  	v1 =	vadd.f32 v3, v1;
	v2 =	vadd.f32 v6, v4;
	_ =	sdelay $0x1  }
0x65a: {  	v0 =	vadd.f32 v0, v1;
	[tilespmem:s7+$0x10] =	vst v2;
	_ =	sdelay $0x1  }
0x65b: {  	[tilespmem:s7+$0x20] =	vst v0;
	s7 =	smov.u32 s3  }
0x65c: {  	v1 =	vld.idx.msk [tilespmem:v5+s14+$0x0], $0xffff  }
0x65d: {  	v0 =	vld [tilespmem:s8+$0xFFFFFFE0]  }
0x65e: {  	v6 =	vld [tilespmem:s1+$0xFFFFFFE0]  }
0x65f: {  	v4 =	vld.idx.msk [tilespmem:v5+s12+$0x0], $0xffff  }
0x660: {  	v7 =	vld [tilespmem:s26+$0xFFFFFFF0]  }
0x661: {  	v3 =	vld.idx.msk [tilespmem:v5+s16+$0x0], $0xffff  }
0x662: {  	v8 =	vunpack.i.l.bf16.f32 v0;
	v9 =	vld [tilespmem:s10+$0xFFFFFFF0]  }
0x663: {  	v0 =	vunpack.i.u.bf16.f32 v0;
	v2 =	vld.idx.msk [tilespmem:v5+s18+$0x0], $0xffff;
	v5 =	vunpack.i.u.bf16.f32 v6;
	v6 =	vunpack.i.l.bf16.f32 v6  }
0x664: {  	v5 =	vmul.f32 v5, v1  }
0x665: {  	v8 =	vmul.f32 v8, v4;
	v6 =	vmul.f32 v6, v1;
	v10 =	vunpack.i.u.bf16.f32 v7  }
0x666: {  	v0 =	vmul.f32 v0, v4;
	v7 =	vunpack.i.l.bf16.f32 v7  }
0x667: {  	v6 =	vadd.f32 v6, v8;
	v7 =	vmul.f32 v7, v3;
	v11 =	vunpack.i.u.bf16.f32 v9  }
0x668: {  	v0 =	vadd.f32 v5, v0;
	v5 =	vmul.f32 v10, v3;
	v8 =	vunpack.i.l.bf16.f32 v9  }
0x669: {  	v6 =	vadd.f32 v7, v6;
	v7 =	vmul.f32 v8, v2;
	v8 =	vmul.f32 v11, v2  }
0x66a: {  	v0 =	vadd.f32 v5, v0  }
0x66b: {  	v5 =	vadd.f32 v7, v6  }
0x66c: {  	v0 =	vadd.f32 v8, v0  }
0x66d: {  	[tilespmem:s3+$0xFFFFFFD0] =	vst v5  }
0x66e: {  	[tilespmem:s3+$0xFFFFFFE0] =	vst v0  }
0x66f: {  	v0 =	vld [tilespmem:s8+$0xFFFFFFF0]  }
0x670: {  	v5 =	vld [tilespmem:s1+$0xFFFFFFF0]  }
0x671: {  	v6 =	vld [tilespmem:s26+$0x0];
	_ =	sdelay $0x2  }
0x672: {  	v7 =	vunpack.i.u.bf16.f32 v0;
	v0 =	vunpack.i.l.bf16.f32 v0;
	v8 =	vld [tilespmem:s10+$0x0]  }
0x673: {  	v9 =	vunpack.i.u.bf16.f32 v5;
	v5 =	vunpack.i.l.bf16.f32 v5;
	v7 =	vmul.f32 v7, v4  }
0x674: {  	v0 =	vmul.f32 v0, v4;
	v10 =	vunpack.i.u.bf16.f32 v6;
	v9 =	vmul.f32 v9, v1  }
0x675: {  	v6 =	vunpack.i.l.bf16.f32 v6;
	v5 =	vmul.f32 v5, v1;
	v10 =	vmul.f32 v10, v3  }
0x676: {  	v6 =	vmul.f32 v6, v3;
	v7 =	vadd.f32 v9, v7  }
0x677: {  	v0 =	vadd.f32 v5, v0;
	v9 =	vunpack.i.u.bf16.f32 v8;
	v8 =	vunpack.i.l.bf16.f32 v8  }
0x678: {  	v5 =	vadd.f32 v10, v7;
	v7 =	vmul.f32 v9, v2  }
0x679: {  	v0 =	vadd.f32 v6, v0;
	v6 =	vmul.f32 v8, v2  }
0x67a: {  	v5 =	vadd.f32 v7, v5  }
0x67b: {  	v0 =	vadd.f32 v6, v0  }
0x67c: {  	[tilespmem:s3+$0x0] =	vst v5  }
0x67d: {  	[tilespmem:s3+$0xFFFFFFF0] =	vst v0  }
0x67e: {  	v7 =	vld [tilespmem:s8+$0x0]  }
.Ltmp8:
0x67f: {  	v6 =	vld [tilespmem:s1+$0x0];
	(pc) =	sbr.rel @p0 .LBB2_19-.Ltmp8, $3  }
0x680: {  	v5 =	vld [tilespmem:s26+$0x10]  }
0x681: {  	v0 =	vld [tilespmem:s10+$0x10];
	_ =	sdelay $0x1  }
0x682: {  	s8 =	sadd.s32 $0x30, s8;
	s10 =	sadd.s32 $0x30, s10;
	v8 =	vunpack.i.u.bf16.f32 v7;
	v7 =	vunpack.i.l.bf16.f32 v7  }
0x683: {  	v9 =	vunpack.i.l.bf16.f32 v6  }
0x684: {  	v7 =	vmul.f32 v7, v4;
	v52 =	vunpack.i.u.bf16.f32 v6;
	v9 =	vmul.f32 v9, v1  }
0x685: {  	v53 =	vmul.f32 v8, v4;
	v54 =	vunpack.i.l.bf16.f32 v5;
	v55 =	vmul.f32 v52, v1  }
0x686: {  	v56 =	vunpack.i.u.bf16.f32 v5;
	v57 =	vmul.f32 v54, v3;
	v7 =	vadd.f32 v9, v7  }
0x687: {  	v58 =	vunpack.i.l.bf16.f32 v0;
	v59 =	vmul.f32 v56, v3;
	v1 =	vadd.f32 v55, v53  }
0x688: {  	v60 =	vunpack.i.u.bf16.f32 v0;
	v61 =	vmul.f32 v58, v2;
	v62 =	vadd.f32 v57, v7  }
0x689: {  	v0 =	vmul.f32 v60, v2;
	v1 =	vadd.f32 v59, v1  }
0x68a: {  	v63 =	vadd.f32 v61, v62  }
0x68b: {  	s22 =	sadd.s32 $0x1, s22;
	v0 =	vadd.f32 v0, v1  }
0x68c: {  	p0 =	sne.s32 s22, $0x12;
	[tilespmem:s7+$0x10] =	vst v63  }
.Ltmp9:
0x68d: {  	s1 =	sadd.s32 $0x2A00, s24;
	[tilespmem:s7+$0x20] =	vst v0;
	(pc) =	sbr.rel @p0 .LBB2_2-.Ltmp9, $4  }
0x68e: {  	[hbm4b:s1+s4] =	stream.linear.scatter [tilespmem:s20], [sflag:$0x3], $0x3000, $0x38;
	[tilespmem:$0x11800] =	vst v63  }
0x68f: {  	_ =	swait.ge [sflag:s13], $0x3000  }
0x690: {  	[sflag:s13] =	ssyncset.done $0x0  }
0x691: {  	[sflag:s13] =	ssyncadd.s32 $0xFFFFD000  }
0x692: {  	s3 =	rddreg [dreg:$0xa]  }
0x693: {  	s1 =	rddreg [dreg:$0x9];
	s3 =	sadd.s32 $0x1, s3  }
0x694: {  	p0 =	sne.s32 s3, s1  }
.Ltmp10:
0x695: {  	_ = 	snop;
	(pc) =	sbr.rel @p0 .LBB2_1-.Ltmp10, $1  }
0x696: {  	_ =	sdelay $0x3  }
0x697: {  	_ =	sfence.sel $0x180000  }
0x698: {  	[bflag:$0x0] =	sbarrier.arrive $0xFFFF  }
0x699: {  	_ =	strace $0x9000004A  }
0x69a: {  	s0 =	stileid.u32;
	[bflag:$0x2] =	sbarrier.arrive $0xFFFF  }
0x69b: {  	p0 =	sne.s32 s0, $0x0;
	s0 =	rddreg [dreg:$0x3]  }
0x69c: {  	s0 =	sadd.s32 @!p0 $0x100000, s0  }
0x69d: {  	[sflag:s0] =	ssyncadd.tile.s32 @!p0 $0x1;
	_ =	shalt  }
.Lfunc_end2:
_tile_overlayer_lowered:
.L_overlay_start_2:
0x69e: {  	(tag) =	ssettag $0x2  }
0x69f: {  	s0 =	rddreg [dreg:$0x0];
	s2 =	stileid.u32  }
0x6a0: {  	s1 =	rddreg [dreg:$0x1];
	p0 =	sne.s32 s2, $0x0  }
0x6a1: {  	s3 =	rddreg [dreg:$0x2];
	[bflag:$0x3] =	sbarrier.arrive $0xFFFF;
	s2 =	simm.s32 @!p0 $0x1C03  }
0x6a2: {  	[timem:s3], [sflag:s2] =	dma.local @!p0 [hbm:s0], s1  }
0x6a3: {  	s0 =	simm.s32 @!p0 $0x3  }
0x6a4: {  	_ =	swait.ge @!p0 [sflag:s0], s1  }
0x6a5: {  	s1 =	ssub.s32 @!p0 $0x0, s1;
	[sflag:s0] =	ssyncset.done @!p0 $0x0  }
0x6a6: {  	[sflag:s0] =	ssyncadd.s32 @!p0 s1  }
0x6a7: {  	[bflag:$0x3] =	sbarrier.arrive $0xFFFF  }
0x6a8: {  	_ =	shalt  }

// kernel: sparse-core-data-format-call.1.cloned.1.call-start
scs
called_computation.1_lowered:
.L_overlay_start_0:
0x0: {  	s2 =	sld [smem:$0x3FD9]  }
0x1: {  	s3 =	sld [smem:$0x3FFE];
	_ =	sdelay $0x1  }
0x2: {  	s1 =	srdreg.scid  }
0x3: {  	s0 =	sand.u32 $0x1, s1  }
0x4: {  	s18 =	sshll.u32 s0, $0xA;
	s2 =	sadd.s32 s3, s2  }
0x5: {  	s2 =	sadd.s32 s2, s18  }
0x6: {  	[smem:$0x3FC6] =	sst s2  }
0x7: {  	_ = 	snop  }
0x8: {  	s2 =	sld [smem:$0x3FD0];
	(tm) =	ssettm $0x1  }
0x9: {  	s19 =	sld [smem:$0x3FFB];
	_ =	sdelay $0x3  }
0xa: {  	_ =	strace s19  }
0xb: {  	s3 =	sld [smem:$0x3FFC];
	_ =	sdelay $0x3  }
0xc: {  	_ =	strace s3  }
0xd: {  	s3 =	sld [smem:$0x3FFD];
	_ =	sdelay $0x3  }
0xe: {  	_ =	strace s3  }
0xf: {  	_ =	strace $0x8FFFFFFF  }
0x10: {  	s20 =	sld [smem:$0x3FDB];
	_ =	sdelay $0x1  }
0x11: {  	s4 =	simm.s32 $_scs_section_size  }
0x12: {  	s5 =	simm.s32 $_size__tile_overlayer_lowered;
	s6 =	simm.s32 $_tile_overlayer_lowered  }
0x13: {  	s23 =	simm.s32 $0x1BFF;
	s22 =	sshll.u32 s6, $0x1;
	s3 =	sadd.s32 s4, s20  }
0x14: {  	s7 =	simm.s32 $0x0;
	s21 =	sshll.u32 s5, $0x1;
	s5 =	sadd.s32 s22, s3  }
0x15: {  	[timem:s7], [sflag:s23] =	dma.local [hbm:s5], s21  }
0x16: {  	_ =	swait.ge [sflag:s23], s21  }
0x17: {  	s4 =	ssub.s32 $0x0, s21;
	[sflag:s23] =	ssyncset.done $0x0  }
0x18: {  	[sflag:s23] =	ssyncadd.s32 s4;
	_ =	sdelay $0x1  }
0x19: {  	s24 =	simm.s32 $0x1B8B  }
0x1a: {  	_ =	swait.ge [sflag:s24], $0x1  }
0x1b: {  	[sflag:s24] =	ssyncset.done $0x0  }
0x1c: {  	s26 =	simm.s32 $0x1B8E;
	s25 =	sld [smem:$0x3FFE];
	[sflag:s24] =	ssyncadd.s32 $0xFFFFFFFF  }
0x1d: {  	s27 =	simm.s32 $execute0_lowered;
	[smem:$0x3FD2] =	sst s26  }
0x1e: {  	s5 =	sshll.u32 s27, $0x1;
	_ =	strace $0x80000046;
	[dreg:$0x1] =	wrdreg $0xFFFFFFFF  }
0x1f: {  	s28 =	simm.s32 $_size_execute0_lowered;
	s3 =	sadd.s32 s3, s5;
	[dreg:$0x0] =	wrdreg $0x0  }
0x20: {  	s5 =	sshll.u32 s28, $0x1;
	[dreg:$0x2] =	wrdreg s3  }
0x21: {  	[dreg:$0x3] =	wrdreg s5  }
0x22: {  	[dreg:$0x4] =	wrdreg $0xC0  }
0x23: {  	_ =	task [dreg:s7], $0x5FFFF  }
0x24: {  	[dreg:$0x1] =	wrdreg $0xFFFFFFFF  }
0x25: {  	[dreg:$0x0] =	wrdreg $0x60  }
0x26: {  	[dreg:$0x2] =	wrdreg s2  }
0x27: {  	[dreg:$0x3] =	wrdreg s25  }
0x28: {  	[dreg:$0x4] =	wrdreg $0x9  }
0x29: {  	_ =	task.clear_ibuf [dreg:s7], $0x5FFFF;
	_ =	strace $0x90000046  }
0x2a: {  	s29 =	simm.s32 $0x9;
	_ =	strace $0x80000048  }
0x2b: {  	_ =	swait.ge [sflag:s29], $0x1  }
0x2c: {  	[sflag:s29] =	ssyncadd.s32 $0xFFFFFFFF  }
0x2d: {  	_ =	strace $0x90000048  }
0x2e: {  	_ =	sfence  }
0x2f: {  	s30 =	sld [smem:$0x0];
	_ =	sdelay $0x2  }
0x30: {  	s31 =	sshll.u32 s1, $0xD;
	s1 =	sshrl.u32 s1, $0x2  }
0x31: {  	s3 =	sand.u32 $0x4000, s31;
	s1 =	sadd.s32 s1, s30  }
0x32: {  	s0 =	sor.u32 s3, s0;
	s1 =	sshll.u32 s1, $0x11  }
0x33: {  	s0 =	sor.u32 s1, s0  }
0x34: {  	s0 =	sadd.s32 $0x8F2B, s0  }
0x35: {  	[sflag:s0] =	ssyncadd.remote.s32 $0x1  }
0x36: {  	_ =	sfence.sel $0xFFFF  }
0x37: {  	[dreg:$0x0] =	wrdreg $0xFFFFFFFF;
	(pc) =	sbr.abs _section_cstart, $3  }
0x38: {  	[dreg:$0x1] =	wrdreg $0xFFFFFFFF  }
0x39: {  	_ =	task.clear_ibuf [dreg:s7], $0x2FFFF;
	_ =	strace $0x9FFFFFFF  }
0x3a: {  	(tm) =	ssettm $0x7FFFFFFF  }
0x3b: {  	_ =	shalt  }
tec
execute0_lowered:
.L_overlay_start_1:
0x0: {  	(tag) =	ssettag $0x1  }
0x1: {  	s0 =	srdreg.scid  }
0x2: {  	s1 =	sshll.u32 s0, $0x4  }
0x3: {  	s2 =	rddreg [dreg:$0x0];
	s0 =	stileid.u32;
	s1 =	sand.u32 $0x10, s1  }
0x4: {  	s4 =	rddreg [dreg:$0x1];
	s7 =	simm.s32 $0x1;
	s1 =	sor.u32 s0, s1  }
0x5: {  	s8 =	simm.s32 $0x2;
	s9 =	simm.s32 $0x0;
	s3 =	sshll.u32 s1, $0x4  }
0x6: {  	s12 =	simm.s32 $0x0;
	s11 =	simm.s32 $0x0;
	s6 =	ssub.s32 $0x6C00, s3  }
.Ltmp0:
0x7: {  	s4 =	sadd.s32 $0xC00, s4;
	s5 =	sand.u32 $0x1F0, s6;
	(pc) =	sbr.rel .LBB1_1-.Ltmp0, $4  }
0x8: {  	s1 =	rddreg [dreg:$0x2];
	_ =	strace $0x80000047;
	p0 =	sne.s32 s5, $0x0  }
0x9: {  	s6 =	sshrl.u32 s6, $0x9;
	s5 =	simm.s32 $0x1;
	s7 =	simm.s32 @!p0 $0x0  }
0xa: {  	s10 =	smov.u32 s3;
	[sflag:s5] =	ssyncpa.u1 $0x0;
	s6 =	sadd.s32 s7, s6  }
0xb: {  	[sflag:s8] =	ssyncpa.u1 $0x0;
	s8 =	simm.s32 $0x0;
	s7 =	sadd.s32 $0x1, s6  }
.LBB1_7:
0xc: {  	s14 =	sadd.s32 $0x200, s10  }
0xd: {  	p1 =	sgt.s32 s14, $0x6BFF  }
0xe: {  	s14 =	smov.u32 @p1 s3;
	p1 =	sne.s32 s11, s7  }
.Ltmp1:
0xf: {  	p0 =	slt.u32 s11, $0x2;
	(pc) =	sbr.rel @!p1 .LBB1_8-.Ltmp1, $4  }
0x10: {  	s13 =	simm.s32 @!p0 $0x2  }
0x11: {  	s15 =	sadd.s32 $0x1, s11;
	_ =	swait.ge @!p0 [sflag:s13], $0x4000  }
0x12: {  	s12 =	smov.u32 s10;
	s9 =	sadd.s32 $0x8000, s9;
	[sflag:s13] =	ssyncset.done @!p0 $0x0  }
0x13: {  	s11 =	smov.u32 s15;
	s10 =	smov.u32 s14;
	[sflag:s13] =	ssyncadd.s32 @!p0 $0xFFFFC000  }
.LBB1_1:
0x14: {  	p0 =	sge.u32 s11, s6  }
0x15: {  	s13 =	sxor.u32 @!p0 $0xFFFFFFFF, s11  }
0x16: {  	s31 =	sadd.s32 $0xFFFFFFFF, s11;
	s14 =	sshll.u32 @!p0 s10, $0x7;
	s13 =	sshll.u32 @!p0 s13, $0xE  }
0x17: {  	s15 =	simm.s32 @!p0 $0x0;
	s14 =	sadd.s32 @!p0 s2, s14;
	s13 =	sand.u32 @!p0 $0x4000, s13  }
0x18: {  	[tilespmem:s13], [sflag:$0x1] =	stream.linear.gather @!p0 [hbm4b:s14+s15], $0x4000, $0x38;
	[tilespmem:$0x10000] =	vst v63  }
0x19: {  	p0 =	sge.u32 s31, s6  }
.Ltmp2:
0x1a: {  	_ = 	snop;
	(pc) =	sbr.rel @p0 .LBB1_7-.Ltmp2, $1  }
0x1b: {  	_ =	sdelay $0x3  }
0x1c: {  	s13 =	sshrl.u32 s9, $0x1;
	_ =	swait.ge [sflag:s5], $0x4000  }
0x1d: {  	s15 =	sshll.u32 s11, $0xE;
	s16 =	simm.s32 $0x0;
	s14 =	sand.u32 $0x4000, s13  }
0x1e: {  	[sflag:s5] =	ssyncset.done $0x0;
	s15 =	sand.u32 $0x4000, s15;
	s13 =	sor.u32 $0x200, s14  }
0x1f: {  	s14 =	sor.u32 $0x8080, s14;
	[sflag:s5] =	ssyncadd.s32 $0xFFFFC000;
	s15 =	sor.u32 $0x8000, s15  }
.LBB1_3:
0x20: {  	v0 =	vld [tilespmem:s13+$0xFFFFFE70]  }
0x21: {  	v1 =	vld [tilespmem:s13+$0x70]  }
0x22: {  	v2 =	vld [tilespmem:s13+$0x0]  }
0x23: {  	v3 =	vld [tilespmem:s13+$0xFFFFFE10]  }
0x24: {  	v4 =	vld [tilespmem:s13+$0x10]  }
0x25: {  	v5 =	vld [tilespmem:s13+$0xFFFFFE20]  }
0x26: {  	v7 =	vld [tilespmem:s13+$0x20]  }
0x27: {  	v11 =	vld [tilespmem:s13+$0x30];
	v6 =	vunpack.i.l.s16.s32 v0;
	v8 =	vunpack.i.u.s16.s32 v0;
	v9 =	vunpack.i.u.s16.s32 v1  }
0x28: {  	v10 =	vunpack.i.l.s16.s32 v1;
	v0 =	vunpack.i.u.s16.s32 v2;
	v1 =	vunpack.i.l.s16.s32 v2;
	v2 =	vld [tilespmem:s13+$0xFFFFFE30]  }
0x29: {  	v8 =	vpack.i.b32.b16 v9, v8;
	v9 =	vunpack.i.u.s16.s32 v3;
	v3 =	vunpack.i.l.s16.s32 v3  }
0x2a: {  	v12 =	vld [tilespmem:s13+$0xFFFFFE40];
	v6 =	vpack.i.b32.b16 v10, v6;
	[tilespmem:s14+$0x70] =	vst v8;
	v8 =	vunpack.i.u.s16.s32 v4;
	v4 =	vunpack.i.l.s16.s32 v4  }
0x2b: {  	v13 =	vld [tilespmem:s13+$0x40];
	v10 =	vunpack.i.u.s16.s32 v5;
	v5 =	vunpack.i.l.s16.s32 v5;
	[tilespmem:s14+$0xFFFFFFF0] =	vst v6;
	v3 =	vpack.i.b32.b16 v4, v3  }
0x2c: {  	v6 =	vunpack.i.l.s16.s32 v7;
	v4 =	vld [tilespmem:s13+$0xFFFFFE50];
	[tilespmem:s14+$0xFFFFFF90] =	vst v3;
	v3 =	vpack.i.b32.b16 v8, v9;
	v8 =	vunpack.i.u.s16.s32 v7  }
0x2d: {  	v7 =	vunpack.i.l.s16.s32 v11;
	[tilespmem:s14+$0x10] =	vst v3;
	v3 =	vpack.i.b32.b16 v6, v5;
	v9 =	vunpack.i.u.s16.s32 v2;
	v6 =	vld [tilespmem:s13+$0x50]  }
0x2e: {  	v5 =	vunpack.i.l.s16.s32 v2;
	v2 =	vld [tilespmem:s13+$0xFFFFFE60];
	[tilespmem:s14+$0xFFFFFFA0] =	vst v3;
	v3 =	vpack.i.b32.b16 v8, v10;
	v10 =	vunpack.i.u.s16.s32 v11  }
0x2f: {  	s19 =	simm.s32 $0x0;
	v11 =	vpack.i.b32.b16 v7, v5;
	v7 =	vunpack.i.u.s16.s32 v12;
	v8 =	vunpack.i.l.s16.s32 v12;
	[tilespmem:s14+$0x20] =	vst v3;
	v3 =	vld [tilespmem:s13+$0x60]  }
0x30: {  	s20 =	sadd.s32 $0x80, s13;
	s18 =	smov.u32 s14;
	s17 =	smov.u32 s14;
	v5 =	vld [tilespmem:s13+$0xFFFFFE00];
	[tilespmem:s14+$0xFFFFFFB0] =	vst v11;
	v10 =	vpack.i.b32.b16 v10, v9;
	v9 =	vunpack.i.u.s16.s32 v13;
	v11 =	vunpack.i.l.s16.s32 v13  }
.LBB1_4:
0x31: {  	v12 =	vld [tilespmem:s20+$0xFFFFFE70];
	[tilespmem:s18+$0x30] =	vst v10;
	v8 =	vpack.i.b32.b16 v11, v8;
	v10 =	vunpack.i.u.s16.s32 v4;
	v4 =	vunpack.i.l.s16.s32 v4  }
0x32: {  	s19 =	sadd.s32 $0x2, s19;
	v7 =	vpack.i.b32.b16 v9, v7;
	v11 =	vld [tilespmem:s20+$0x70];
	[tilespmem:s18+$0xFFFFFFC0] =	vst v8;
	v8 =	vunpack.i.u.s16.s32 v6;
	v6 =	vunpack.i.l.s16.s32 v6  }
0x33: {  	p0 =	slt.u32 s19, $0x6;
	v9 =	vld [tilespmem:s20+$0x0];
	[tilespmem:s18+$0x40] =	vst v7;
	v4 =	vpack.i.b32.b16 v6, v4;
	v6 =	vunpack.i.u.s16.s32 v2;
	v2 =	vunpack.i.l.s16.s32 v2  }
0x34: {  	v7 =	vld [tilespmem:s20+$0xFFFFFE10];
	[tilespmem:s18+$0xFFFFFFD0] =	vst v4;
	v4 =	vpack.i.b32.b16 v8, v10;
	v8 =	vunpack.i.u.s16.s32 v3;
	v3 =	vunpack.i.l.s16.s32 v3  }
0x35: {  	v10 =	vld [tilespmem:s20+$0x10];
	v13 =	vunpack.i.u.s16.s32 v5;
	v5 =	vunpack.i.l.s16.s32 v5;
	[tilespmem:s18+$0x50] =	vst v4;
	v2 =	vpack.i.b32.b16 v3, v2  }
0x36: {  	v3 =	vld [tilespmem:s20+$0xFFFFFE20];
	v4 =	vunpack.i.l.s16.s32 v12;
	v1 =	vpack.i.b32.b16 v1, v5;
	v5 =	vpack.i.b32.b16 v0, v13;
	[tilespmem:s18+$0xFFFFFFE0] =	vst v2  }
0x37: {  	v12 =	vunpack.i.u.s16.s32 v12;
	v2 =	vld [tilespmem:s20+$0x20];
	v13 =	vunpack.i.u.s16.s32 v11;
	v11 =	vunpack.i.l.s16.s32 v11;
	[tilespmem:s18+$0xFFFFFF80] =	vst v1  }
0x38: {  	s18 =	sadd.s32 $0x100, s18;
	v0 =	vunpack.i.u.s16.s32 v9;
	v1 =	vunpack.i.l.s16.s32 v9;
	v9 =	vld [tilespmem:s20+$0xFFFFFE30];
	v12 =	vpack.i.b32.b16 v13, v12;
	[tilespmem:s17+$0x0] =	vst v5  }
0x39: {  	v6 =	vpack.i.b32.b16 v8, v6;
	v5 =	vunpack.i.u.s16.s32 v7;
	v7 =	vunpack.i.l.s16.s32 v7;
	v13 =	vld [tilespmem:s20+$0x30];
	[tilespmem:s18+$0x70] =	vst v12  }
0x3a: {  	v4 =	vpack.i.b32.b16 v11, v4;
	v8 =	vunpack.i.u.s16.s32 v10;
	v10 =	vunpack.i.l.s16.s32 v10;
	v12 =	vld [tilespmem:s20+$0xFFFFFE40];
	[tilespmem:s17+$0x60] =	vst v6;
	s17 =	smov.u32 s18  }
0x3b: {  	v6 =	vpack.i.b32.b16 v10, v7;
	v7 =	vunpack.i.u.s16.s32 v3;
	v3 =	vunpack.i.l.s16.s32 v3;
	v11 =	vld [tilespmem:s20+$0x40];
	[tilespmem:s18+$0xFFFFFFF0] =	vst v4  }
.Ltmp3:
0x3c: {  	v5 =	vpack.i.b32.b16 v8, v5;
	[tilespmem:s18+$0xFFFFFF90] =	vst v6;
	v8 =	vunpack.i.u.s16.s32 v2;
	v2 =	vunpack.i.l.s16.s32 v2;
	v4 =	vld [tilespmem:s20+$0xFFFFFE50];
	(pc) =	sbr.rel @p0 .LBB1_4-.Ltmp3, $4  }
0x3d: {  	[tilespmem:s18+$0x10] =	vst v5;
	v2 =	vpack.i.b32.b16 v2, v3;
	v10 =	vunpack.i.u.s16.s32 v9;
	v3 =	vunpack.i.l.s16.s32 v9;
	v6 =	vld [tilespmem:s20+$0x50]  }
0x3e: {  	v5 =	vpack.i.b32.b16 v8, v7;
	[tilespmem:s18+$0xFFFFFFA0] =	vst v2;
	v9 =	vunpack.i.u.s16.s32 v13;
	v7 =	vunpack.i.l.s16.s32 v13;
	v2 =	vld [tilespmem:s20+$0xFFFFFE60]  }
0x3f: {  	[tilespmem:s18+$0x20] =	vst v5;
	v13 =	vpack.i.b32.b16 v7, v3;
	v7 =	vunpack.i.u.s16.s32 v12;
	v8 =	vunpack.i.l.s16.s32 v12;
	v3 =	vld [tilespmem:s20+$0x60]  }
0x40: {  	v10 =	vpack.i.b32.b16 v9, v10;
	v5 =	vld [tilespmem:s20+$0xFFFFFE00];
	[tilespmem:s18+$0xFFFFFFB0] =	vst v13;
	v9 =	vunpack.i.u.s16.s32 v11;
	v11 =	vunpack.i.l.s16.s32 v11;
	s20 =	sadd.s32 $0x80, s20  }
0x41: {  	[tilespmem:s18+$0x30] =	vst v10;
	v8 =	vpack.i.b32.b16 v11, v8  }
0x42: {  	v51 =	vunpack.i.l.s16.s32 v4;
	v7 =	vpack.i.b32.b16 v9, v7;
	[tilespmem:s18+$0xFFFFFFC0] =	vst v8;
	v52 =	vunpack.i.l.s16.s32 v6  }
0x43: {  	v53 =	vunpack.i.u.s16.s32 v4;
	s16 =	sadd.s32 $0x1, s16;
	v54 =	vunpack.i.u.s16.s32 v6;
	[tilespmem:s18+$0x40] =	vst v7;
	v55 =	vpack.i.b32.b16 v52, v51  }
0x44: {  	p0 =	sne.s32 s16, $0x10;
	v56 =	vunpack.i.l.s16.s32 v2;
	v4 =	vpack.i.b32.b16 v54, v53;
	[tilespmem:s18+$0xFFFFFFD0] =	vst v55;
	v57 =	vunpack.i.l.s16.s32 v3  }
.Ltmp4:
0x45: {  	[tilespmem:s18+$0x50] =	vst v4;
	v58 =	vunpack.i.l.s16.s32 v5;
	v59 =	vpack.i.b32.b16 v57, v56;
	(pc) =	sbr.rel @p0 .LBB1_3-.Ltmp4, $4  }
0x46: {  	v61 =	vunpack.i.u.s16.s32 v2;
	v62 =	vunpack.i.u.s16.s32 v3;
	v1 =	vpack.i.b32.b16 v1, v58;
	[tilespmem:s18+$0xFFFFFFE0] =	vst v59  }
0x47: {  	v60 =	vunpack.i.u.s16.s32 v5;
	v63 =	vpack.i.b32.b16 v62, v61;
	[tilespmem:s18+$0xFFFFFF80] =	vst v1  }
0x48: {  	v0 =	vpack.i.b32.b16 v0, v60;
	[tilespmem:s17+$0x60] =	vst v63  }
0x49: {  	s13 =	sadd.s32 $0x400, s13;
	s14 =	sadd.s32 $0x400, s14;
	[tilespmem:s17+$0x0] =	vst v0  }
.Ltmp5:
0x4a: {  	(pc) =	sbr.rel .LBB1_7-.Ltmp5, $4  }
0x4b: {  	_ = 	snop  }
0x4c: {  	s12 =	sshll.u32 s12, $0x7  }
0x4d: {  	s12 =	sadd.s32 s4, s12  }
0x4e: {  	[hbm4b:s12+s8] =	stream.linear.scatter [tilespmem:s15], [sflag:$0x2], $0x4000, $0x38;
	[tilespmem:$0x10000] =	vst v63  }
.LBB1_8:
0x4f: {  	_ =	sfence.sel $0x180000  }
0x50: {  	s2 =	simm.s32 $0x1;
	[bflag:$0x0] =	sbarrier.arrive $0xFFFF  }
0x51: {  	s31 =	simm.s32 $0x2;
	[sflag:s2] =	ssyncpa.u1 $0x1  }
0x52: {  	[sflag:s31] =	ssyncpa.u1 $0x1  }
0x53: {  	p0 =	sne.s32 s0, $0x0;
	_ =	strace $0x90000047  }
0x54: {  	s0 =	sadd.s32 @!p0 $0x100000, s1;
	[bflag:$0x2] =	sbarrier.arrive $0xFFFF  }
0x55: {  	[sflag:s0] =	ssyncadd.tile.s32 @!p0 $0x1;
	_ =	shalt  }
.Lfunc_end1:
_tile_overlayer_lowered:
.L_overlay_start_2:
0x56: {  	(tag) =	ssettag $0x2  }
0x57: {  	s0 =	rddreg [dreg:$0x0];
	s2 =	stileid.u32  }
0x58: {  	s1 =	rddreg [dreg:$0x1];
	p0 =	sne.s32 s2, $0x0  }
0x59: {  	s3 =	rddreg [dreg:$0x2];
	[bflag:$0x3] =	sbarrier.arrive $0xFFFF;
	s2 =	simm.s32 @!p0 $0x1C01  }
0x5a: {  	[timem:s3], [sflag:s2] =	dma.local @!p0 [hbm:s0], s1  }
0x5b: {  	s0 =	simm.s32 @!p0 $0x1  }
0x5c: {  	_ =	swait.ge @!p0 [sflag:s0], s1  }
0x5d: {  	s1 =	ssub.s32 @!p0 $0x0, s1;
	[sflag:s0] =	ssyncset.done @!p0 $0x0  }
0x5e: {  	[sflag:s0] =	ssyncadd.s32 @!p0 s1  }
0x5f: {  	[bflag:$0x3] =	sbarrier.arrive $0xFFFF  }
0x60: {  	_ =	shalt  }

// kernel: sparse-core-data-format-call.cloned.1.call-start
scs
called_computation_lowered:
.L_overlay_start_0:
0x0: {  	s2 =	sld [smem:$0x3FD9]  }
0x1: {  	s3 =	sld [smem:$0x3FFE];
	_ =	sdelay $0x1  }
0x2: {  	s1 =	srdreg.scid  }
0x3: {  	s0 =	sand.u32 $0x1, s1  }
0x4: {  	s18 =	sshll.u32 s0, $0xA;
	s2 =	sadd.s32 s3, s2  }
0x5: {  	s2 =	sadd.s32 s2, s18  }
0x6: {  	[smem:$0x3FC6] =	sst s2  }
0x7: {  	_ = 	snop  }
0x8: {  	s2 =	sld [smem:$0x3FD0];
	(tm) =	ssettm $0x1  }
0x9: {  	s19 =	sld [smem:$0x3FFB];
	_ =	sdelay $0x3  }
0xa: {  	_ =	strace s19  }
0xb: {  	s3 =	sld [smem:$0x3FFC];
	_ =	sdelay $0x3  }
0xc: {  	_ =	strace s3  }
0xd: {  	s3 =	sld [smem:$0x3FFD];
	_ =	sdelay $0x3  }
0xe: {  	_ =	strace s3  }
0xf: {  	_ =	strace $0x8FFFFFFF  }
0x10: {  	s20 =	sld [smem:$0x3FDB];
	_ =	sdelay $0x1  }
0x11: {  	s4 =	simm.s32 $_scs_section_size  }
0x12: {  	s5 =	simm.s32 $_size__tile_overlayer_lowered;
	s6 =	simm.s32 $_tile_overlayer_lowered  }
0x13: {  	s23 =	simm.s32 $0x1BFF;
	s22 =	sshll.u32 s6, $0x1;
	s3 =	sadd.s32 s4, s20  }
0x14: {  	s7 =	simm.s32 $0x0;
	s21 =	sshll.u32 s5, $0x1;
	s5 =	sadd.s32 s22, s3  }
0x15: {  	[timem:s7], [sflag:s23] =	dma.local [hbm:s5], s21  }
0x16: {  	_ =	swait.ge [sflag:s23], s21  }
0x17: {  	s4 =	ssub.s32 $0x0, s21;
	[sflag:s23] =	ssyncset.done $0x0  }
0x18: {  	[sflag:s23] =	ssyncadd.s32 s4;
	_ =	sdelay $0x1  }
0x19: {  	s24 =	simm.s32 $0x1B8B  }
0x1a: {  	_ =	swait.ge [sflag:s24], $0x1  }
0x1b: {  	[sflag:s24] =	ssyncset.done $0x0  }
0x1c: {  	s26 =	simm.s32 $0x1B8E;
	s25 =	sld [smem:$0x3FFE];
	[sflag:s24] =	ssyncadd.s32 $0xFFFFFFFF  }
0x1d: {  	s27 =	simm.s32 $execute0_lowered;
	[smem:$0x3FD2] =	sst s26  }
0x1e: {  	s5 =	sshll.u32 s27, $0x1;
	_ =	strace $0x8000004C;
	[dreg:$0x1] =	wrdreg $0xFFFFFFFF  }
0x1f: {  	s28 =	simm.s32 $_size_execute0_lowered;
	s3 =	sadd.s32 s3, s5;
	[dreg:$0x0] =	wrdreg $0x0  }
0x20: {  	s5 =	sshll.u32 s28, $0x1;
	[dreg:$0x2] =	wrdreg s3  }
0x21: {  	[dreg:$0x3] =	wrdreg s5  }
0x22: {  	[dreg:$0x4] =	wrdreg $0xC0  }
0x23: {  	_ =	task [dreg:s7], $0x5FFFF  }
0x24: {  	[dreg:$0x1] =	wrdreg $0xFFFFFFFF  }
0x25: {  	[dreg:$0x0] =	wrdreg $0x60  }
0x26: {  	[dreg:$0x2] =	wrdreg s25  }
0x27: {  	[dreg:$0x3] =	wrdreg s2  }
0x28: {  	[dreg:$0x4] =	wrdreg $0x9  }
0x29: {  	_ =	task.clear_ibuf [dreg:s7], $0x5FFFF;
	_ =	strace $0x9000004C  }
0x2a: {  	s29 =	simm.s32 $0x9;
	_ =	strace $0x8000004E  }
0x2b: {  	_ =	swait.ge [sflag:s29], $0x1  }
0x2c: {  	[sflag:s29] =	ssyncadd.s32 $0xFFFFFFFF  }
0x2d: {  	_ =	strace $0x9000004E  }
0x2e: {  	_ =	sfence  }
0x2f: {  	s30 =	sld [smem:$0x0];
	_ =	sdelay $0x2  }
0x30: {  	s31 =	sshll.u32 s1, $0xD;
	s1 =	sshrl.u32 s1, $0x2  }
0x31: {  	s3 =	sand.u32 $0x4000, s31;
	s1 =	sadd.s32 s1, s30  }
0x32: {  	s0 =	sor.u32 s3, s0;
	s1 =	sshll.u32 s1, $0x11  }
0x33: {  	s0 =	sor.u32 s1, s0  }
0x34: {  	s0 =	sadd.s32 $0x8F2B, s0  }
0x35: {  	[sflag:s0] =	ssyncadd.remote.s32 $0x1  }
0x36: {  	_ =	sfence.sel $0xFFFF  }
0x37: {  	[dreg:$0x0] =	wrdreg $0xFFFFFFFF;
	(pc) =	sbr.abs _section_cstart, $3  }
0x38: {  	[dreg:$0x1] =	wrdreg $0xFFFFFFFF  }
0x39: {  	_ =	task.clear_ibuf [dreg:s7], $0x2FFFF;
	_ =	strace $0x9FFFFFFF  }
0x3a: {  	(tm) =	ssettm $0x7FFFFFFF  }
0x3b: {  	_ =	shalt  }
tec
execute0_lowered:
.L_overlay_start_1:
0x0: {  	(tag) =	ssettag $0x1  }
0x1: {  	s0 =	srdreg.scid  }
0x2: {  	s5 =	rddreg [dreg:$0x0];
	s1 =	sshll.u32 s0, $0x4  }
0x3: {  	s2 =	rddreg [dreg:$0x1];
	s0 =	stileid.u32;
	s1 =	sand.u32 $0x10, s1  }
0x4: {  	s4 =	simm.s32 $0x1;
	s8 =	simm.s32 $0x2;
	s1 =	sor.u32 s0, s1  }
0x5: {  	s12 =	simm.s32 $0x0;
	s9 =	simm.s32 $0x0;
	s3 =	sshll.u32 s1, $0x7  }
0x6: {  	s11 =	simm.s32 $0x0;
	s5 =	sadd.s32 $0xC00, s5;
	s6 =	ssub.s32 $0x90000, s3  }
.Ltmp0:
0x7: {  	s1 =	rddreg [dreg:$0x2];
	s7 =	sand.u32 $0xF80, s6;
	(pc) =	sbr.rel .LBB1_1-.Ltmp0, $4  }
0x8: {  	_ =	strace $0x8000004D;
	p0 =	sne.s32 s7, $0x0;
	s7 =	simm.s32 $0x1  }
0x9: {  	[sflag:s4] =	ssyncpa.u1 $0x0;
	s6 =	sshrl.u32 s6, $0xC;
	s7 =	simm.s32 @!p0 $0x0  }
0xa: {  	s10 =	smov.u32 s3;
	[sflag:s8] =	ssyncpa.u1 $0x0;
	s6 =	sadd.s32 s7, s6  }
0xb: {  	s8 =	simm.s32 $0x480000;
	p0 =	por $0x0, $0x0;
	s7 =	sadd.s32 $0x1, s6  }
.LBB1_4:
0xc: {  	s18 =	sshll.u32 s9, $0x3  }
0xd: {  	s19 =	sand.u32 $0x7F, s9;
	s20 =	sand.u32 $0xFFFFFC00, s18;
	s18 =	smulhi.u32 $0x38E38E39, s18  }
0xe: {  	v5 =	vld [tilespmem:s14+$0xFFFFFFD0];
	[tilespmem:s16+$0x2040 ss:$0x81] =	vst.msk $0xffff, v3;
	s19 =	sor.u32 s19, s20  }
0xf: {  	v58 =	vld [tilespmem:s14+$0xFFFFFFE0];
	[tilespmem:s16+$0x2850 ss:$0x81] =	vst.msk $0xffff, v4;
	s20 =	smulhi.u32 $0x38E38E39, s19;
	s18 =	sshrl.u32 s18, $0x11  }
0x10: {  	s17 =	sshra.s32 s17, $0x2;
	v59 =	vld [tilespmem:s14+$0xFFFFFFF0];
	[tilespmem:s16+$0x3060 ss:$0x81] =	vst.msk $0xffff, v2;
	p1 =	sgt.s32 s9, $0x8FF80;
	s21 =	smul.u32 $0xAAB, s18  }
0x11: {  	v60 =	vld [tilespmem:s14+$0x0];
	[tilespmem:s16+$0x0 ss:$0x81] =	vst.msk $0xffff, v0;
	s26 =	sshra.s32 s9, $0x1F;
	s15 =	sadd.s32 s17, s15;
	s20 =	sshrl.u32 s20, $0x11  }
0x12: {  	v61 =	vld [tilespmem:s14+$0x10];
	[tilespmem:s15+$0x3870 ss:$0x81] =	vst.msk $0xffff, v1;
	s24 =	smul.u32 $0x90000, s20;
	s25 =	sshrl.u32 s21, $0x12;
	s20 =	smov.u32 s9  }
0x13: {  	v62 =	vld [tilespmem:s14+$0x20];
	[tilespmem:s15+$0x810 ss:$0x81] =	vst.msk $0xffff, v5;
	s21 =	sand.u32 s26, s9;
	s17 =	smul.u32 $0x60, s25;
	s20 =	simm.s32 @!p1 $0x8FF80  }
0x14: {  	v63 =	vld [tilespmem:s14+$0xFFFFFFC0];
	[tilespmem:s15+$0x1020 ss:$0x81] =	vst.msk $0xffff, v58;
	s27 =	ssub.s32 s19, s24;
	s28 =	ssub.s32 s20, s21  }
0x15: {  	[tilespmem:s15+$0x1830 ss:$0x81] =	vst.msk $0xffff, v59;
	s17 =	ssub.s32 s18, s17;
	s29 =	sadd.s32 $0xFFF70080, s28;
	s16 =	ssub.s32 $0x90000, s28  }
0x16: {  	[tilespmem:s15+$0x2040 ss:$0x81] =	vst.msk $0xffff, v60;
	s30 =	sshrl.u32 s27, $0x3;
	s17 =	sand.u32 $0xFFFF, s17;
	s16 =	smul.u32 $0x180, s16  }
0x17: {  	[tilespmem:s15+$0x2850 ss:$0x81] =	vst.msk $0xffff, v61;
	s14 =	sand.u32 $0x7, s27;
	p1 =	sgt.s32 s29, $0x7F;
	s17 =	smul.u32 $0x12000, s17  }
0x18: {  	[tilespmem:s15+$0x3060 ss:$0x81] =	vst.msk $0xffff, v62;
	s18 =	sadd.s32 s2, s30;
	s14 =	sshll.u32 s14, $0x12;
	s16 =	sshrl.u32 s16, $0x2  }
0x19: {  	[tilespmem:s15+$0x0 ss:$0x81] =	vst.msk $0xffff, v63;
	s14 =	sor.u32 $0x400, s14;
	s16 =	simm.s32 @p1 $0x0;
	s31 =	sadd.s32 s17, s18  }
0x1a: {  	[hbm4b:s31+s14] =	stream.strided.scatter [tilespmem:s13], [sflag:$0x2], s16, s8, s14, $0x20;
	[tilespmem:$0x10100] =	vst v63  }
.LBB1_5:
0x1b: {  	p1 =	slt.u32 s11, $0x2  }
0x1c: {  	p2 =	sgt.s32 @!p1 s12, $0x8FF80  }
0x1d: {  	s13 =	smov.u32 s12;
	s14 =	sshra.s32 @!p1 s12, $0x1F;
	p2 =	por !p2, p1  }
0x1e: {  	s12 =	sand.u32 @!p1 s14, s12;
	s13 =	simm.s32 @p2 $0x8FF80  }
0x1f: {  	s12 =	ssub.s32 @!p1 s13, s12  }
0x20: {  	s13 =	ssub.s32 @!p1 $0x90000, s12  }
0x21: {  	s12 =	sadd.s32 @!p1 $0xFFF70080, s12;
	s13 =	smul.u32 @!p1 $0x180, s13  }
0x22: {  	p2 =	sgt.s32 @!p1 s12, $0x7F  }
0x23: {  	s14 =	sadd.s32 $0x1000, s10;
	p2 =	por !p2, p1;
	s12 =	sshrl.u32 @!p1 s13, $0x2  }
0x24: {  	s12 =	simm.s32 @!p2 $0x0;
	p2 =	sgt.s32 s14, $0x8FFFF  }
0x25: {  	s14 =	smov.u32 @p2 s3;
	p2 =	sne.s32 s11, s7  }
.Ltmp1:
0x26: {  	_ = 	snop;
	(pc) =	sbr.rel @!p2 .LBB1_6-.Ltmp1, $4  }
0x27: {  	s13 =	simm.s32 @!p1 $0x2  }
0x28: {  	p0 =	por !p0, !p0;
	_ =	swait.ge @!p1 [sflag:s13], s12;
	s15 =	ssub.s32 @!p1 $0x0, s12  }
0x29: {  	s12 =	smov.u32 s9;
	s11 =	sadd.s32 $0x1, s11;
	[sflag:s13] =	ssyncset.done @!p1 $0x0  }
0x2a: {  	s9 =	smov.u32 s10;
	s10 =	smov.u32 s14;
	[sflag:s13] =	ssyncadd.s32 @!p1 s15  }
.LBB1_1:
0x2b: {  	p1 =	sge.u32 s11, s6  }
0x2c: {  	s13 =	sand.u32 @!p1 $0x1FFFFFF, s10  }
0x2d: {  	s14 =	smulhi.u32 @!p1 $0xE38E39, s13;
	_ =	sdelay $0x1  }
0x2e: {  	s14 =	sshrl.u32 @!p1 s14, $0xB  }
0x2f: {  	s14 =	smul.u32 @!p1 $0x90000, s14;
	_ =	sdelay $0x1  }
0x30: {  	s15 =	sxor.u32 @!p1 $0xFFFFFFFF, s11;
	s13 =	ssub.s32 @!p1 s13, s14  }
0x31: {  	s31 =	sadd.s32 $0xFFFFFFFF, s11;
	s14 =	sshll.u32 @!p1 s15, $0xE;
	s13 =	sshll.u32 @!p1 s13, $0x4  }
0x32: {  	s15 =	simm.s32 @!p1 $0x0;
	s14 =	sand.u32 @!p1 $0x4000, s14;
	s13 =	sadd.s32 @!p1 s5, s13  }
0x33: {  	[tilespmem:s14], [sflag:$0x1] =	stream.linear.gather @!p1 [hbm4b:s13+s15], $0x4000, $0x38;
	[tilespmem:$0x10100] =	vst v63  }
0x34: {  	p1 =	sge.u32 s31, s6  }
.Ltmp2:
0x35: {  	_ = 	snop;
	(pc) =	sbr.rel @p1 .LBB1_5-.Ltmp2, $1  }
0x36: {  	_ =	sdelay $0x3  }
0x37: {  	s13 =	simm.s32 $0x1  }
0x38: {  	_ =	swait.ge [sflag:s4], $0x4000;
	s13 =	simm.s32 @!p0 $0x0  }
0x39: {  	[sflag:s4] =	ssyncset.done $0x0;
	s14 =	sshll.u32 s13, $0xE  }
0x3a: {  	[sflag:s4] =	ssyncadd.s32 $0xFFFFC000;
	s14 =	sor.u32 $0x40, s14  }
0x3b: {  	s13 =	smul.u32 $0x10200, s13;
	v0 =	vld [tilespmem:s14+$0x30]  }
0x3c: {  	v1 =	vld [tilespmem:s14+$0xFFFFFFD0]  }
0x3d: {  	s13 =	sshrl.u32 s13, $0x2;
	v5 =	vld [tilespmem:s14+$0xFFFFFFE0]  }
0x3e: {  	v6 =	vld [tilespmem:s14+$0xFFFFFFF0];
	s15 =	sor.u32 $0x8000, s13  }
0x3f: {  	s31 =	sand.u32 $0x1, s11;
	v3 =	vld [tilespmem:s14+$0x0];
	s16 =	sadd.s32 $0x0, s15  }
0x40: {  	v4 =	vld [tilespmem:s14+$0x10];
	s13 =	smul.u32 $0x10200, s31;
	[tilespmem:s16+$0x3870 ss:$0x81] =	vst.msk $0xffff, v0  }
0x41: {  	v2 =	vld [tilespmem:s14+$0x20];
	[tilespmem:s16+$0x810 ss:$0x81] =	vst.msk $0xffff, v1  }
0x42: {  	s13 =	sshrl.u32 s13, $0x2;
	v0 =	vld [tilespmem:s14+$0xFFFFFFC0];
	[tilespmem:s16+$0x1020 ss:$0x81] =	vst.msk $0xffff, v5;
	s14 =	sadd.s32 $0x80, s14  }
0x43: {  	s17 =	simm.s32 $0x4;
	s18 =	simm.s32 $0x8;
	s13 =	sor.u32 $0x8000, s13;
	[tilespmem:s16+$0x1830 ss:$0x81] =	vst.msk $0xffff, v6;
	v1 =	vld [tilespmem:s14+$0x30]  }
.LBB1_3:
0x44: {  	p1 =	sne.s32 s18, $0x1FC;
	v5 =	vld [tilespmem:s14+$0xFFFFFFD0];
	[tilespmem:s16+$0x2040 ss:$0x81] =	vst.msk $0xffff, v3  }
0x45: {  	v6 =	vld [tilespmem:s14+$0xFFFFFFE0];
	[tilespmem:s16+$0x2850 ss:$0x81] =	vst.msk $0xffff, v4  }
0x46: {  	s19 =	sshra.s32 s17, $0x2;
	s17 =	smov.u32 s18;
	v7 =	vld [tilespmem:s14+$0xFFFFFFF0];
	[tilespmem:s16+$0x3060 ss:$0x81] =	vst.msk $0xffff, v2  }
.Ltmp3:
0x47: {  	v3 =	vld [tilespmem:s14+$0x0];
	[tilespmem:s16+$0x0 ss:$0x81] =	vst.msk $0xffff, v0;
	s16 =	sadd.s32 s19, s15;
	(pc) =	sbr.rel @p1 .LBB1_3-.Ltmp3, $4  }
0x48: {  	v4 =	vld [tilespmem:s14+$0x10];
	[tilespmem:s16+$0x3870 ss:$0x81] =	vst.msk $0xffff, v1  }
0x49: {  	[tilespmem:s16+$0x810 ss:$0x81] =	vst.msk $0xffff, v5;
	v2 =	vld [tilespmem:s14+$0x20]  }
0x4a: {  	v0 =	vld [tilespmem:s14+$0xFFFFFFC0];
	[tilespmem:s16+$0x1020 ss:$0x81] =	vst.msk $0xffff, v6;
	s14 =	sadd.s32 $0x80, s14  }
0x4b: {  	s18 =	sadd.s32 $0x4, s18;
	v1 =	vld [tilespmem:s14+$0x30];
	[tilespmem:s16+$0x1830 ss:$0x81] =	vst.msk $0xffff, v7  }
.Ltmp4:
0x4c: {  	_ = 	snop;
	(pc) =	sbr.rel .LBB1_4-.Ltmp4, $1  }
0x4d: {  	_ =	sdelay $0x3  }
.LBB1_6:
0x4e: {  	_ =	sfence.sel $0x180000  }
0x4f: {  	s2 =	simm.s32 $0x1;
	[bflag:$0x0] =	sbarrier.arrive $0xFFFF  }
0x50: {  	s31 =	simm.s32 $0x2;
	[sflag:s2] =	ssyncpa.u1 $0x1  }
0x51: {  	[sflag:s31] =	ssyncpa.u1 $0x1  }
0x52: {  	p0 =	sne.s32 s0, $0x0;
	_ =	strace $0x9000004D  }
0x53: {  	s0 =	sadd.s32 @!p0 $0x100000, s1;
	[bflag:$0x2] =	sbarrier.arrive $0xFFFF  }
0x54: {  	[sflag:s0] =	ssyncadd.tile.s32 @!p0 $0x1;
	_ =	shalt  }
.Lfunc_end1:
_tile_overlayer_lowered:
.L_overlay_start_2:
0x55: {  	(tag) =	ssettag $0x2  }
0x56: {  	s0 =	rddreg [dreg:$0x0];
	s2 =	stileid.u32  }
0x57: {  	s1 =	rddreg [dreg:$0x1];
	p0 =	sne.s32 s2, $0x0  }
0x58: {  	s3 =	rddreg [dreg:$0x2];
	[bflag:$0x3] =	sbarrier.arrive $0xFFFF;
	s2 =	simm.s32 @!p0 $0x1C01  }
0x59: {  	[timem:s3], [sflag:s2] =	dma.local @!p0 [hbm:s0], s1  }
0x5a: {  	s0 =	simm.s32 @!p0 $0x1  }
0x5b: {  	_ =	swait.ge @!p0 [sflag:s0], s1  }
0x5c: {  	s1 =	ssub.s32 @!p0 $0x0, s1;
	[sflag:s0] =	ssyncset.done @!p0 $0x0  }
0x5d: {  	[sflag:s0] =	ssyncadd.s32 @!p0 s1  }
0x5e: {  	[bflag:$0x3] =	sbarrier.arrive $0xFFFF  }
0x5f: {  	_ =	shalt  }

</sc_bundles>
